<compile_context>
chip_gen: v7x
topology: tpu7x:2x2x1
jax: 0.10.2.dev20260603
libtpu: 0.0.44.dev20260713+nightly
codegen_flags: <defaults>
</compile_context>

<pallas_src>
import functools

import jax
import jax.numpy as jnp
from jax import lax
from jax.experimental import pallas as pl
from jax.experimental.pallas import tpu as pltpu
from jax.experimental.pallas import tpu_sc as plsc

N_NODES = 10000
E_EDGES = 320000
DIM = 128
EPS = 1e-5

NUM_CORES = 2
NUM_SUBCORES = 16
NW = NUM_CORES * NUM_SUBCORES
CHUNK = 80
EDGES_PER_W = E_EDGES // NW
CHUNKS_PER_W = EDGES_PER_W // CHUNK
N_REFILL = 5
CHUNKS_PER_REFILL = CHUNKS_PER_W // N_REFILL
TILE_ROWS = 640
N_PAD = TILE_ROWS * NUM_SUBCORES
SEGS = TILE_ROWS // CHUNK
ROW_BLK = 1000
N_BLKS = N_NODES // ROW_BLK

_MESH = plsc.VectorSubcoreMesh(core_axis_name="c", subcore_axis_name="s")


@functools.partial(
    pl.kernel,
    mesh=_MESH,
    out_type=[
        jax.ShapeDtypeStruct((NUM_CORES, N_PAD, DIM), jnp.float32),
        jax.ShapeDtypeStruct((NUM_CORES, N_PAD, DIM), jnp.float32),
    ],
    scratch_types=[
        pltpu.VMEM((CHUNKS_PER_REFILL, CHUNK), jnp.int32),
        pltpu.VMEM((CHUNKS_PER_REFILL, CHUNK), jnp.int32),
        pltpu.VMEM((SEGS, CHUNK), jnp.int32),
        pltpu.VMEM((CHUNK, DIM), jnp.float32),
        pltpu.VMEM((CHUNK, DIM), jnp.float32),
        pltpu.VMEM((CHUNK, DIM), jnp.float32),
        pltpu.VMEM_SHARED((N_PAD, DIM), jnp.float32),
        pltpu.SemaphoreType.DMA,
        pltpu.SemaphoreType.DMA,
        pltpu.SemaphoreType.DMA,
        pltpu.SemaphoreType.DMA,
        pltpu.SemaphoreType.DMA,
        pltpu.SemaphoreType.DMA,
    ],
)
def _sc_aggregate(x_hbm, src_hbm, dst_hbm, zrows_hbm, orows_hbm, iota_hbm,
                  psum_hbm, pcnt_hbm,
                  src_v, dst_v, iota_v, rows_a, rows_b, rows_c,
                  accum_sh, gsem_a, gsem_b, gsem_c, ssem_a, ssem_b, ssem_c):
    c = lax.axis_index("c")
    s = lax.axis_index("s")
    wid = s * NUM_CORES + c
    bufs = (rows_a, rows_b, rows_c)
    gsems = (gsem_a, gsem_b, gsem_c)
    ssems = (ssem_a, ssem_b, ssem_c)

    pltpu.sync_copy(iota_hbm.at[s], iota_v)
    pltpu.sync_copy(zrows_hbm, rows_a)
    for k in range(SEGS):
        pltpu.sync_copy(rows_a, accum_sh.at[iota_v.at[k]])
    plsc.subcore_barrier()

    def outer(g, carry):
        pltpu.sync_copy(src_hbm.at[wid, g], src_v)
        pltpu.sync_copy(dst_hbm.at[wid, g], dst_v)

        n = CHUNKS_PER_REFILL
        gdesc = [None] * n
        sdesc = [None] * n
        gdesc[0] = pltpu.async_copy(x_hbm.at[src_v.at[0]], bufs[0], gsems[0])
        gdesc[1] = pltpu.async_copy(x_hbm.at[src_v.at[1]], bufs[1], gsems[1])
        for i in range(n):
            if i >= 1:
                sdesc[i - 1].wait()
            if i + 2 < n:
                b = (i + 2) % 3
                gdesc[i + 2] = pltpu.async_copy(
                    x_hbm.at[src_v.at[i + 2]], bufs[b], gsems[b])
            gdesc[i].wait()
            sdesc[i] = pltpu.async_copy(
                bufs[i % 3], accum_sh.at[dst_v.at[i]], ssems[i % 3], add=True)
        sdesc[n - 1].wait()
        return carry

    lax.fori_loop(0, N_REFILL, outer, 0)
    plsc.subcore_barrier()

    for k in range(SEGS):
        pltpu.async_copy(accum_sh.at[iota_v.at[k]], rows_a, gsem_a).wait()
        obase = pl.multiple_of(s * TILE_ROWS + k * CHUNK, 8)
        pltpu.sync_copy(rows_a, psum_hbm.at[c, pl.ds(obase, CHUNK)])

    pltpu.sync_copy(zrows_hbm, rows_a)
    pltpu.sync_copy(orows_hbm, rows_b)
    for k in range(SEGS):
        pltpu.sync_copy(rows_a, accum_sh.at[iota_v.at[k]])
    plsc.subcore_barrier()

    def outer_cnt(g, carry):
        pltpu.sync_copy(dst_hbm.at[wid, g], dst_v)
        descs = [
            pltpu.async_copy(rows_b, accum_sh.at[dst_v.at[j]], ssem_a,
                             add=True)
            for j in range(CHUNKS_PER_REFILL)
        ]
        for d in descs:
            d.wait()
        return carry

    lax.fori_loop(0, N_REFILL, outer_cnt, 0)
    plsc.subcore_barrier()

    for k in range(SEGS):
        pltpu.async_copy(accum_sh.at[iota_v.at[k]], rows_c, gsem_c).wait()
        obase = pl.multiple_of(s * TILE_ROWS + k * CHUNK, 8)
        pltpu.sync_copy(rows_c, pcnt_hbm.at[c, pl.ds(obase, CHUNK)])


def _linear_body(p0_ref, p1_ref, c0_ref, c1_ref, x_ref, wl_ref, wr_ref,
                 bl_ref, h_ref, stats_ref):
    i = pl.program_id(0)
    cnt = c0_ref[0][:, 0:1] + c1_ref[0][:, 0:1]
    cnt = jnp.maximum(cnt, 1.0)
    aggr = (p0_ref[0] + p1_ref[0]) / cnt
    h = lax.dot_general(aggr, wl_ref[...], (((1,), (1,)), ((), ())),
                        preferred_element_type=jnp.float32)
    h = h + lax.dot_general(x_ref[...], wr_ref[...], (((1,), (1,)), ((), ())),
                            preferred_element_type=jnp.float32)
    h = h + bl_ref[...]
    h_ref[...] = h

    @pl.when(i == 0)
    def _init():
        stats_ref[0] = 0.0
        stats_ref[1] = 0.0

    stats_ref[0] = stats_ref[0] + jnp.sum(h)
    stats_ref[1] = stats_ref[1] + jnp.sum(h * h)


_tc_linear = pl.pallas_call(
    _linear_body,
    grid=(N_BLKS,),
    in_specs=[
        pl.BlockSpec((1, ROW_BLK, DIM), lambda i: (0, i, 0)),
        pl.BlockSpec((1, ROW_BLK, DIM), lambda i: (1, i, 0)),
        pl.BlockSpec((1, ROW_BLK, DIM), lambda i: (0, i, 0)),
        pl.BlockSpec((1, ROW_BLK, DIM), lambda i: (1, i, 0)),
        pl.BlockSpec((ROW_BLK, DIM), lambda i: (i, 0)),
        pl.BlockSpec((DIM, DIM), lambda i: (0, 0)),
        pl.BlockSpec((DIM, DIM), lambda i: (0, 0)),
        pl.BlockSpec((1, DIM), lambda i: (0, 0)),
    ],
    out_specs=[
        pl.BlockSpec((ROW_BLK, DIM), lambda i: (i, 0)),
        pl.BlockSpec(memory_space=pltpu.SMEM),
    ],
    out_shape=[
        jax.ShapeDtypeStruct((N_NODES, DIM), jnp.float32),
        jax.ShapeDtypeStruct((2,), jnp.float32),
    ],
)


def _norm_body(h_ref, stats_ref, lnw_ref, lnb_ref, o_ref):
    total = float(N_NODES * DIM)
    mean = stats_ref[0] / total
    var = stats_ref[1] / total - mean * mean
    var = jnp.maximum(var, 0.0)
    inv = 1.0 / (jnp.sqrt(var) + EPS)
    o_ref[...] = (h_ref[...] - mean) * (inv * lnw_ref[...]) + lnb_ref[...]


_tc_norm = pl.pallas_call(
    _norm_body,
    grid=(N_BLKS,),
    in_specs=[
        pl.BlockSpec((ROW_BLK, DIM), lambda i: (i, 0)),
        pl.BlockSpec(memory_space=pltpu.SMEM),
        pl.BlockSpec((1, DIM), lambda i: (0, 0)),
        pl.BlockSpec((1, DIM), lambda i: (0, 0)),
    ],
    out_specs=pl.BlockSpec((ROW_BLK, DIM), lambda i: (i, 0)),
    out_shape=jax.ShapeDtypeStruct((N_NODES, DIM), jnp.float32),
)


def kernel(x, edge_index, W_l, b_l, W_r, ln_w, ln_b):
    src4d = edge_index[0].reshape(NW, N_REFILL, CHUNKS_PER_REFILL, CHUNK)
    dst4d = edge_index[1].reshape(NW, N_REFILL, CHUNKS_PER_REFILL, CHUNK)
    zrows = jnp.zeros((CHUNK, DIM), jnp.float32)
    orows = jnp.ones((CHUNK, DIM), jnp.float32)
    iota3d = jnp.arange(N_PAD, dtype=jnp.int32).reshape(
        NUM_SUBCORES, SEGS, CHUNK)
    psum, pcnt = _sc_aggregate(x, src4d, dst4d, zrows, orows, iota3d)
    h, stats = _tc_linear(psum, psum, pcnt, pcnt, x, W_l, W_r,
                          b_l.reshape(1, DIM))
    return _tc_norm(h, stats, ln_w.reshape(1, DIM), ln_b.reshape(1, DIM))

# --- scband reference (transcript-rebuilt; emitter-appended) ---
"""Pipeline reference for scband-feed-forward-10144712753520 (READ-ONLY COPY).

The authoritative reference and input builder live on the scoring server;
editing this copy changes nothing except your own understanding.
"""

import jax, jax.numpy as jnp
import numpy as np

N = 10000
E = 320000
DIM = 128
EPS = 1e-5

def setup_inputs(seed: int = 0) -> dict:
    key = jax.random.key(seed)
    k1, k2, k3, k4, k5, k6, k7 = jax.random.split(key, 7)
    x = jax.random.normal(k1, (N, DIM), dtype=jnp.float32)
    edge_index = jax.random.randint(k2, (2, E), 0, N, dtype=jnp.int32)
    # SAGEConv params: lin_l (aggregated neighbors, with bias), lin_r (root, no bias)
    scale = 1.0 / np.sqrt(DIM)
    W_l = jax.random.uniform(k3, (DIM, DIM), dtype=jnp.float32, minval=-scale, maxval=scale)
    b_l = jax.random.uniform(k4, (DIM,), dtype=jnp.float32, minval=-scale, maxval=scale)
    W_r = jax.random.uniform(k5, (DIM, DIM), dtype=jnp.float32, minval=-scale, maxval=scale)
    # pyg.LayerNorm affine params
    ln_w = jnp.ones((DIM,), dtype=jnp.float32)
    ln_b = jnp.zeros((DIM,), dtype=jnp.float32)
    return {"x": x, "edge_index": edge_index, "W_l": W_l, "b_l": b_l, "W_r": W_r, "ln_w": ln_w, "ln_b": ln_b}

def reference(x, edge_index, W_l, b_l, W_r, ln_w, ln_b):
    src = edge_index[0]
    dst = edge_index[1]
    # SAGEConv with mean aggregation: gather messages from src, scatter-mean into dst
    msgs = jnp.take(x, src, axis=0)
    summed = jnp.zeros((N, DIM), dtype=x.dtype).at[dst].add(msgs)
    cnt = jnp.zeros((N,), dtype=x.dtype).at[dst].add(1.0)
    aggr = summed / jnp.clip(cnt, 1.0, None)[:, None]
    out = aggr @ W_l.T + b_l + x @ W_r.T
    # pyg.LayerNorm mode='graph' with batch=None: normalize over ALL nodes and features
    out = out - out.mean()
    out = out / (out.std() + EPS)
    out = out * ln_w + ln_b
    return out

if __name__ == "__main__":
    import jax
    _d = setup_inputs()
    print(jax.jit(kernel)(*tuple(_d.values())))

</pallas_src>

<mosaic_0001>
#map = affine_map<(d0, d1) -> (0, 0)>
#map1 = affine_map<(d0, d1) -> (0, 0, 0, 0)>
#map2 = affine_map<(d0, d1) -> (0, 0, 0)>
module attributes {stable_mosaic.version = 14 : i64} {
  func.func @_sc_aggregate(%arg0: i32, %arg1: i32, %arg2: memref<10000x128xf32, #tpu.memory_space<hbm>>, %arg3: memref<32x5x25x80xi32, #tpu.memory_space<hbm>>, %arg4: memref<32x5x25x80xi32, #tpu.memory_space<hbm>>, %arg5: memref<80x128xf32, #tpu.memory_space<hbm>>, %arg6: memref<80x128xf32, #tpu.memory_space<hbm>>, %arg7: memref<16x8x80xi32, #tpu.memory_space<hbm>>, %arg8: memref<2x10240x128xf32, #tpu.memory_space<hbm>>, %arg9: memref<2x10240x128xf32, #tpu.memory_space<hbm>>, %arg10: memref<25x80xi32, #tpu.memory_space<vmem>>, %arg11: memref<25x80xi32, #tpu.memory_space<vmem>>, %arg12: memref<8x80xi32, #tpu.memory_space<vmem>>, %arg13: memref<80x128xf32, #tpu.memory_space<vmem>>, %arg14: memref<80x128xf32, #tpu.memory_space<vmem>>, %arg15: memref<80x128xf32, #tpu.memory_space<vmem>>, %arg16: memref<10240x128xf32, #tpu.memory_space<vmem_shared>>, %arg17: memref<!tpu.dma_semaphore, #tpu.memory_space<semaphore_mem>>, %arg18: memref<!tpu.dma_semaphore, #tpu.memory_space<semaphore_mem>>, %arg19: memref<!tpu.dma_semaphore, #tpu.memory_space<semaphore_mem>>, %arg20: memref<!tpu.dma_semaphore, #tpu.memory_space<semaphore_mem>>, %arg21: memref<!tpu.dma_semaphore, #tpu.memory_space<semaphore_mem>>, %arg22: memref<!tpu.dma_semaphore, #tpu.memory_space<semaphore_mem>>) attributes {dimension_semantics = [#tpu.dimension_semantics<core_parallel>, #tpu.dimension_semantics<subcore_parallel>], iteration_bounds = array<i64: 2, 16>, scalar_prefetch = 0 : i64, scratch_operands = 13 : i64, tpu.core_type = #tpu.core_type<sc_vector_subcore>, window_params = [{transform_indices = #map}, {transform_indices = #map1}, {transform_indices = #map1}, {transform_indices = #map}, {transform_indices = #map}, {transform_indices = #map2}, {transform_indices = #map2}, {transform_indices = #map2}]} {
    %mul3A = arith.constant 2 : i32
    %mul3A_0 = arith.muli %arg1, %mul3A : i32
    %add3A = arith.addi %mul3A_0, %arg0 : i32
    "tpu.region"() ({
      %run_scoped3A_331 = tpu.sem_alloc : memref<!tpu.dma_semaphore, #tpu.memory_space<semaphore_mem>>
      %dma_start3A_332 = arith.constant 0 : i32
      %dma_start3A_333 = arith.constant 0 : i32
      %dma_start3A_334 = tpu.memref_slice %arg7[%arg1, %dma_start3A_332, %dma_start3A_333] : memref<16x8x80xi32, #tpu.memory_space<hbm>> -> memref<1x8x80xi32, #tpu.memory_space<hbm>>
      %dma_start3A_335 = tpu.memref_squeeze %dma_start3A_334 : memref<1x8x80xi32, #tpu.memory_space<hbm>> -> memref<8x80xi32, #tpu.memory_space<hbm>>
      %dma_start3A_336 = arith.constant 0 : i32
      %dma_start3A_337 = arith.constant 0 : i32
      %dma_start3A_338 = tpu.memref_slice %arg7[%arg1, %dma_start3A_336, %dma_start3A_337] : memref<16x8x80xi32, #tpu.memory_space<hbm>> -> memref<1x8x80xi32, #tpu.memory_space<hbm>>
      %dma_start3A_339 = tpu.memref_squeeze %dma_start3A_338 : memref<1x8x80xi32, #tpu.memory_space<hbm>> -> memref<8x80xi32, #tpu.memory_space<hbm>>
      tpu.enqueue_dma source(%dma_start3A_339 : memref<8x80xi32, #tpu.memory_space<hbm>>) target(%arg12 : memref<8x80xi32, #tpu.memory_space<vmem>>) target_semaphore(%run_scoped3A_331 : memref<!tpu.dma_semaphore, #tpu.memory_space<semaphore_mem>>)
      %dma_wait3A_340 = arith.constant 0 : i32
      %dma_wait3A_341 = arith.constant 0 : i32
      %dma_wait3A_342 = tpu.memref_slice %arg7[%arg1, %dma_wait3A_340, %dma_wait3A_341] : memref<16x8x80xi32, #tpu.memory_space<hbm>> -> memref<1x8x80xi32, #tpu.memory_space<hbm>>
      %dma_wait3A_343 = tpu.memref_squeeze %dma_wait3A_342 : memref<1x8x80xi32, #tpu.memory_space<hbm>> -> memref<8x80xi32, #tpu.memory_space<hbm>>
      %dma_wait3A_344 = arith.constant 0 : i32
      %dma_wait3A_345 = arith.constant 0 : i32
      %dma_wait3A_346 = tpu.memref_slice %arg7[%arg1, %dma_wait3A_344, %dma_wait3A_345] : memref<16x8x80xi32, #tpu.memory_space<hbm>> -> memref<1x8x80xi32, #tpu.memory_space<hbm>>
      %dma_wait3A_347 = tpu.memref_squeeze %dma_wait3A_346 : memref<1x8x80xi32, #tpu.memory_space<hbm>> -> memref<8x80xi32, #tpu.memory_space<hbm>>
      tpu.wait_dma2 semaphore(%run_scoped3A_331 : memref<!tpu.dma_semaphore, #tpu.memory_space<semaphore_mem>>) src(%dma_wait3A_347 : memref<8x80xi32, #tpu.memory_space<hbm>>) dst(%arg12 : memref<8x80xi32, #tpu.memory_space<vmem>>)
      tpu.yield
    }) : () -> ()
    "tpu.region"() ({
      %run_scoped3A_331 = tpu.sem_alloc : memref<!tpu.dma_semaphore, #tpu.memory_space<semaphore_mem>>
      tpu.enqueue_dma source(%arg5 : memref<80x128xf32, #tpu.memory_space<hbm>>) target(%arg13 : memref<80x128xf32, #tpu.memory_space<vmem>>) target_semaphore(%run_scoped3A_331 : memref<!tpu.dma_semaphore, #tpu.memory_space<semaphore_mem>>)
      tpu.wait_dma2 semaphore(%run_scoped3A_331 : memref<!tpu.dma_semaphore, #tpu.memory_space<semaphore_mem>>) src(%arg5 : memref<80x128xf32, #tpu.memory_space<hbm>>) dst(%arg13 : memref<80x128xf32, #tpu.memory_space<vmem>>)
      tpu.yield
    }) : () -> ()
    %run_scoped3A = arith.constant 0 : i32
    "tpu.region"() ({
      %run_scoped3A_331 = tpu.sem_alloc : memref<!tpu.dma_semaphore, #tpu.memory_space<semaphore_mem>>
      %dma_start3A_332 = arith.constant 0 : i32
      %dma_start3A_333 = tpu.memref_slice %arg12[%run_scoped3A, %dma_start3A_332] : memref<8x80xi32, #tpu.memory_space<vmem>> -> memref<1x80xi32, #tpu.memory_space<vmem>>
      %dma_start3A_334 = tpu.memref_squeeze %dma_start3A_333 : memref<1x80xi32, #tpu.memory_space<vmem>> -> memref<80xi32, #tpu.memory_space<vmem>>
      %dma_start3A_335 = arith.constant 0 : i32
      %dma_start3A_336 = arith.constant 0 : i32
      %dma_start3A_337 = tpu.memref_slice %arg16[%dma_start3A_335, %dma_start3A_336] : memref<10240x128xf32, #tpu.memory_space<vmem_shared>> -> memref<10240x128xf32, #tpu.memory_space<vmem_shared>>
      tpu.enqueue_indirect_dma source(%arg13 : memref<80x128xf32, #tpu.memory_space<vmem>>) target(%dma_start3A_337 : memref<10240x128xf32, #tpu.memory_space<vmem_shared>>) offsets(%dma_start3A_334 : memref<80xi32, #tpu.memory_space<vmem>>) semaphore(%run_scoped3A_331 : memref<!tpu.dma_semaphore, #tpu.memory_space<semaphore_mem>>)
      %dma_wait3A_338 = arith.constant 0 : i32
      %dma_wait3A_339 = tpu.memref_slice %arg12[%run_scoped3A, %dma_wait3A_338] : memref<8x80xi32, #tpu.memory_space<vmem>> -> memref<1x80xi32, #tpu.memory_space<vmem>>
      %dma_wait3A_340 = tpu.memref_squeeze %dma_wait3A_339 : memref<1x80xi32, #tpu.memory_space<vmem>> -> memref<80xi32, #tpu.memory_space<vmem>>
      %dma_wait3A_341 = arith.constant 0 : i32
      %dma_wait3A_342 = arith.constant 0 : i32
      %dma_wait3A_343 = tpu.memref_slice %arg16[%dma_wait3A_341, %dma_wait3A_342] : memref<10240x128xf32, #tpu.memory_space<vmem_shared>> -> memref<10240x128xf32, #tpu.memory_space<vmem_shared>>
      tpu.wait_indirect_dma semaphore(%run_scoped3A_331 : memref<!tpu.dma_semaphore, #tpu.memory_space<semaphore_mem>>) src(%arg13 : memref<80x128xf32, #tpu.memory_space<vmem>>) dst(%dma_wait3A_343 : memref<10240x128xf32, #tpu.memory_space<vmem_shared>>)
      tpu.yield
    }) : () -> ()
    %run_scoped3A_1 = arith.constant 1 : i32
    "tpu.region"() ({
      %run_scoped3A_331 = tpu.sem_alloc : memref<!tpu.dma_semaphore, #tpu.memory_space<semaphore_mem>>
      %dma_start3A_332 = arith.constant 0 : i32
      %dma_start3A_333 = tpu.memref_slice %arg12[%run_scoped3A_1, %dma_start3A_332] : memref<8x80xi32, #tpu.memory_space<vmem>> -> memref<1x80xi32, #tpu.memory_space<vmem>>
      %dma_start3A_334 = tpu.memref_squeeze %dma_start3A_333 : memref<1x80xi32, #tpu.memory_space<vmem>> -> memref<80xi32, #tpu.memory_space<vmem>>
      %dma_start3A_335 = arith.constant 0 : i32
      %dma_start3A_336 = arith.constant 0 : i32
      %dma_start3A_337 = tpu.memref_slice %arg16[%dma_start3A_335, %dma_start3A_336] : memref<10240x128xf32, #tpu.memory_space<vmem_shared>> -> memref<10240x128xf32, #tpu.memory_space<vmem_shared>>
      tpu.enqueue_indirect_dma source(%arg13 : memref<80x128xf32, #tpu.memory_space<vmem>>) target(%dma_start3A_337 : memref<10240x128xf32, #tpu.memory_space<vmem_shared>>) offsets(%dma_start3A_334 : memref<80xi32, #tpu.memory_space<vmem>>) semaphore(%run_scoped3A_331 : memref<!tpu.dma_semaphore, #tpu.memory_space<semaphore_mem>>)
      %dma_wait3A_338 = arith.constant 0 : i32
      %dma_wait3A_339 = tpu.memref_slice %arg12[%run_scoped3A_1, %dma_wait3A_338] : memref<8x80xi32, #tpu.memory_space<vmem>> -> memref<1x80xi32, #tpu.memory_space<vmem>>
      %dma_wait3A_340 = tpu.memref_squeeze %dma_wait3A_339 : memref<1x80xi32, #tpu.memory_space<vmem>> -> memref<80xi32, #tpu.memory_space<vmem>>
      %dma_wait3A_341 = arith.constant 0 : i32
      %dma_wait3A_342 = arith.constant 0 : i32
      %dma_wait3A_343 = tpu.memref_slice %arg16[%dma_wait3A_341, %dma_wait3A_342] : memref<10240x128xf32, #tpu.memory_space<vmem_shared>> -> memref<10240x128xf32, #tpu.memory_space<vmem_shared>>
      tpu.wait_indirect_dma semaphore(%run_scoped3A_331 : memref<!tpu.dma_semaphore, #tpu.memory_space<semaphore_mem>>) src(%arg13 : memref<80x128xf32, #tpu.memory_space<vmem>>) dst(%dma_wait3A_343 : memref<10240x128xf32, #tpu.memory_space<vmem_shared>>)
      tpu.yield
    }) : () -> ()
    %run_scoped3A_2 = arith.constant 2 : i32
    "tpu.region"() ({
      %run_scoped3A_331 = tpu.sem_alloc : memref<!tpu.dma_semaphore, #tpu.memory_space<semaphore_mem>>
      %dma_start3A_332 = arith.constant 0 : i32
      %dma_start3A_333 = tpu.memref_slice %arg12[%run_scoped3A_2, %dma_start3A_332] : memref<8x80xi32, #tpu.memory_space<vmem>> -> memref<1x80xi32, #tpu.memory_space<vmem>>
      %dma_start3A_334 = tpu.memref_squeeze %dma_start3A_333 : memref<1x80xi32, #tpu.memory_space<vmem>> -> memref<80xi32, #tpu.memory_space<vmem>>
      %dma_start3A_335 = arith.constant 0 : i32
      %dma_start3A_336 = arith.constant 0 : i32
      %dma_start3A_337 = tpu.memref_slice %arg16[%dma_start3A_335, %dma_start3A_336] : memref<10240x128xf32, #tpu.memory_space<vmem_shared>> -> memref<10240x128xf32, #tpu.memory_space<vmem_shared>>
      tpu.enqueue_indirect_dma source(%arg13 : memref<80x128xf32, #tpu.memory_space<vmem>>) target(%dma_start3A_337 : memref<10240x128xf32, #tpu.memory_space<vmem_shared>>) offsets(%dma_start3A_334 : memref<80xi32, #tpu.memory_space<vmem>>) semaphore(%run_scoped3A_331 : memref<!tpu.dma_semaphore, #tpu.memory_space<semaphore_mem>>)
      %dma_wait3A_338 = arith.constant 0 : i32
      %dma_wait3A_339 = tpu.memref_slice %arg12[%run_scoped3A_2, %dma_wait3A_338] : memref<8x80xi32, #tpu.memory_space<vmem>> -> memref<1x80xi32, #tpu.memory_space<vmem>>
      %dma_wait3A_340 = tpu.memref_squeeze %dma_wait3A_339 : memref<1x80xi32, #tpu.memory_space<vmem>> -> memref<80xi32, #tpu.memory_space<vmem>>
      %dma_wait3A_341 = arith.constant 0 : i32
      %dma_wait3A_342 = arith.constant 0 : i32
      %dma_wait3A_343 = tpu.memref_slice %arg16[%dma_wait3A_341, %dma_wait3A_342] : memref<10240x128xf32, #tpu.memory_space<vmem_shared>> -> memref<10240x128xf32, #tpu.memory_space<vmem_shared>>
      tpu.wait_indirect_dma semaphore(%run_scoped3A_331 : memref<!tpu.dma_semaphore, #tpu.memory_space<semaphore_mem>>) src(%arg13 : memref<80x128xf32, #tpu.memory_space<vmem>>) dst(%dma_wait3A_343 : memref<10240x128xf32, #tpu.memory_space<vmem_shared>>)
      tpu.yield
    }) : () -> ()
    %run_scoped3A_3 = arith.constant 3 : i32
    "tpu.region"() ({
      %run_scoped3A_331 = tpu.sem_alloc : memref<!tpu.dma_semaphore, #tpu.memory_space<semaphore_mem>>
      %dma_start3A_332 = arith.constant 0 : i32
      %dma_start3A_333 = tpu.memref_slice %arg12[%run_scoped3A_3, %dma_start3A_332] : memref<8x80xi32, #tpu.memory_space<vmem>> -> memref<1x80xi32, #tpu.memory_space<vmem>>
      %dma_start3A_334 = tpu.memref_squeeze %dma_start3A_333 : memref<1x80xi32, #tpu.memory_space<vmem>> -> memref<80xi32, #tpu.memory_space<vmem>>
      %dma_start3A_335 = arith.constant 0 : i32
      %dma_start3A_336 = arith.constant 0 : i32
      %dma_start3A_337 = tpu.memref_slice %arg16[%dma_start3A_335, %dma_start3A_336] : memref<10240x128xf32, #tpu.memory_space<vmem_shared>> -> memref<10240x128xf32, #tpu.memory_space<vmem_shared>>
      tpu.enqueue_indirect_dma source(%arg13 : memref<80x128xf32, #tpu.memory_space<vmem>>) target(%dma_start3A_337 : memref<10240x128xf32, #tpu.memory_space<vmem_shared>>) offsets(%dma_start3A_334 : memref<80xi32, #tpu.memory_space<vmem>>) semaphore(%run_scoped3A_331 : memref<!tpu.dma_semaphore, #tpu.memory_space<semaphore_mem>>)
      %dma_wait3A_338 = arith.constant 0 : i32
      %dma_wait3A_339 = tpu.memref_slice %arg12[%run_scoped3A_3, %dma_wait3A_338] : memref<8x80xi32, #tpu.memory_space<vmem>> -> memref<1x80xi32, #tpu.memory_space<vmem>>
      %dma_wait3A_340 = tpu.memref_squeeze %dma_wait3A_339 : memref<1x80xi32, #tpu.memory_space<vmem>> -> memref<80xi32, #tpu.memory_space<vmem>>
      %dma_wait3A_341 = arith.constant 0 : i32
      %dma_wait3A_342 = arith.constant 0 : i32
      %dma_wait3A_343 = tpu.memref_slice %arg16[%dma_wait3A_341, %dma_wait3A_342] : memref<10240x128xf32, #tpu.memory_space<vmem_shared>> -> memref<10240x128xf32, #tpu.memory_space<vmem_shared>>
      tpu.wait_indirect_dma semaphore(%run_scoped3A_331 : memref<!tpu.dma_semaphore, #tpu.memory_space<semaphore_mem>>) src(%arg13 : memref<80x128xf32, #tpu.memory_space<vmem>>) dst(%dma_wait3A_343 : memref<10240x128xf32, #tpu.memory_space<vmem_shared>>)
      tpu.yield
    }) : () -> ()
    %run_scoped3A_4 = arith.constant 4 : i32
    "tpu.region"() ({
      %run_scoped3A_331 = tpu.sem_alloc : memref<!tpu.dma_semaphore, #tpu.memory_space<semaphore_mem>>
      %dma_start3A_332 = arith.constant 0 : i32
      %dma_start3A_333 = tpu.memref_slice %arg12[%run_scoped3A_4, %dma_start3A_332] : memref<8x80xi32, #tpu.memory_space<vmem>> -> memref<1x80xi32, #tpu.memory_space<vmem>>
      %dma_start3A_334 = tpu.memref_squeeze %dma_start3A_333 : memref<1x80xi32, #tpu.memory_space<vmem>> -> memref<80xi32, #tpu.memory_space<vmem>>
      %dma_start3A_335 = arith.constant 0 : i32
      %dma_start3A_336 = arith.constant 0 : i32
      %dma_start3A_337 = tpu.memref_slice %arg16[%dma_start3A_335, %dma_start3A_336] : memref<10240x128xf32, #tpu.memory_space<vmem_shared>> -> memref<10240x128xf32, #tpu.memory_space<vmem_shared>>
      tpu.enqueue_indirect_dma source(%arg13 : memref<80x128xf32, #tpu.memory_space<vmem>>) target(%dma_start3A_337 : memref<10240x128xf32, #tpu.memory_space<vmem_shared>>) offsets(%dma_start3A_334 : memref<80xi32, #tpu.memory_space<vmem>>) semaphore(%run_scoped3A_331 : memref<!tpu.dma_semaphore, #tpu.memory_space<semaphore_mem>>)
      %dma_wait3A_338 = arith.constant 0 : i32
      %dma_wait3A_339 = tpu.memref_slice %arg12[%run_scoped3A_4, %dma_wait3A_338] : memref<8x80xi32, #tpu.memory_space<vmem>> -> memref<1x80xi32, #tpu.memory_space<vmem>>
      %dma_wait3A_340 = tpu.memref_squeeze %dma_wait3A_339 : memref<1x80xi32, #tpu.memory_space<vmem>> -> memref<80xi32, #tpu.memory_space<vmem>>
      %dma_wait3A_341 = arith.constant 0 : i32
      %dma_wait3A_342 = arith.constant 0 : i32
      %dma_wait3A_343 = tpu.memref_slice %arg16[%dma_wait3A_341, %dma_wait3A_342] : memref<10240x128xf32, #tpu.memory_space<vmem_shared>> -> memref<10240x128xf32, #tpu.memory_space<vmem_shared>>
      tpu.wait_indirect_dma semaphore(%run_scoped3A_331 : memref<!tpu.dma_semaphore, #tpu.memory_space<semaphore_mem>>) src(%arg13 : memref<80x128xf32, #tpu.memory_space<vmem>>) dst(%dma_wait3A_343 : memref<10240x128xf32, #tpu.memory_space<vmem_shared>>)
      tpu.yield
    }) : () -> ()
    %run_scoped3A_5 = arith.constant 5 : i32
    "tpu.region"() ({
      %run_scoped3A_331 = tpu.sem_alloc : memref<!tpu.dma_semaphore, #tpu.memory_space<semaphore_mem>>
      %dma_start3A_332 = arith.constant 0 : i32
      %dma_start3A_333 = tpu.memref_slice %arg12[%run_scoped3A_5, %dma_start3A_332] : memref<8x80xi32, #tpu.memory_space<vmem>> -> memref<1x80xi32, #tpu.memory_space<vmem>>
      %dma_start3A_334 = tpu.memref_squeeze %dma_start3A_333 : memref<1x80xi32, #tpu.memory_space<vmem>> -> memref<80xi32, #tpu.memory_space<vmem>>
      %dma_start3A_335 = arith.constant 0 : i32
      %dma_start3A_336 = arith.constant 0 : i32
      %dma_start3A_337 = tpu.memref_slice %arg16[%dma_start3A_335, %dma_start3A_336] : memref<10240x128xf32, #tpu.memory_space<vmem_shared>> -> memref<10240x128xf32, #tpu.memory_space<vmem_shared>>
      tpu.enqueue_indirect_dma source(%arg13 : memref<80x128xf32, #tpu.memory_space<vmem>>) target(%dma_start3A_337 : memref<10240x128xf32, #tpu.memory_space<vmem_shared>>) offsets(%dma_start3A_334 : memref<80xi32, #tpu.memory_space<vmem>>) semaphore(%run_scoped3A_331 : memref<!tpu.dma_semaphore, #tpu.memory_space<semaphore_mem>>)
      %dma_wait3A_338 = arith.constant 0 : i32
      %dma_wait3A_339 = tpu.memref_slice %arg12[%run_scoped3A_5, %dma_wait3A_338] : memref<8x80xi32, #tpu.memory_space<vmem>> -> memref<1x80xi32, #tpu.memory_space<vmem>>
      %dma_wait3A_340 = tpu.memref_squeeze %dma_wait3A_339 : memref<1x80xi32, #tpu.memory_space<vmem>> -> memref<80xi32, #tpu.memory_space<vmem>>
      %dma_wait3A_341 = arith.constant 0 : i32
      %dma_wait3A_342 = arith.constant 0 : i32
      %dma_wait3A_343 = tpu.memref_slice %arg16[%dma_wait3A_341, %dma_wait3A_342] : memref<10240x128xf32, #tpu.memory_space<vmem_shared>> -> memref<10240x128xf32, #tpu.memory_space<vmem_shared>>
      tpu.wait_indirect_dma semaphore(%run_scoped3A_331 : memref<!tpu.dma_semaphore, #tpu.memory_space<semaphore_mem>>) src(%arg13 : memref<80x128xf32, #tpu.memory_space<vmem>>) dst(%dma_wait3A_343 : memref<10240x128xf32, #tpu.memory_space<vmem_shared>>)
      tpu.yield
    }) : () -> ()
    %run_scoped3A_6 = arith.constant 6 : i32
    "tpu.region"() ({
      %run_scoped3A_331 = tpu.sem_alloc : memref<!tpu.dma_semaphore, #tpu.memory_space<semaphore_mem>>
      %dma_start3A_332 = arith.constant 0 : i32
      %dma_start3A_333 = tpu.memref_slice %arg12[%run_scoped3A_6, %dma_start3A_332] : memref<8x80xi32, #tpu.memory_space<vmem>> -> memref<1x80xi32, #tpu.memory_space<vmem>>
      %dma_start3A_334 = tpu.memref_squeeze %dma_start3A_333 : memref<1x80xi32, #tpu.memory_space<vmem>> -> memref<80xi32, #tpu.memory_space<vmem>>
      %dma_start3A_335 = arith.constant 0 : i32
      %dma_start3A_336 = arith.constant 0 : i32
      %dma_start3A_337 = tpu.memref_slice %arg16[%dma_start3A_335, %dma_start3A_336] : memref<10240x128xf32, #tpu.memory_space<vmem_shared>> -> memref<10240x128xf32, #tpu.memory_space<vmem_shared>>
      tpu.enqueue_indirect_dma source(%arg13 : memref<80x128xf32, #tpu.memory_space<vmem>>) target(%dma_start3A_337 : memref<10240x128xf32, #tpu.memory_space<vmem_shared>>) offsets(%dma_start3A_334 : memref<80xi32, #tpu.memory_space<vmem>>) semaphore(%run_scoped3A_331 : memref<!tpu.dma_semaphore, #tpu.memory_space<semaphore_mem>>)
      %dma_wait3A_338 = arith.constant 0 : i32
      %dma_wait3A_339 = tpu.memref_slice %arg12[%run_scoped3A_6, %dma_wait3A_338] : memref<8x80xi32, #tpu.memory_space<vmem>> -> memref<1x80xi32, #tpu.memory_space<vmem>>
      %dma_wait3A_340 = tpu.memref_squeeze %dma_wait3A_339 : memref<1x80xi32, #tpu.memory_space<vmem>> -> memref<80xi32, #tpu.memory_space<vmem>>
      %dma_wait3A_341 = arith.constant 0 : i32
      %dma_wait3A_342 = arith.constant 0 : i32
      %dma_wait3A_343 = tpu.memref_slice %arg16[%dma_wait3A_341, %dma_wait3A_342] : memref<10240x128xf32, #tpu.memory_space<vmem_shared>> -> memref<10240x128xf32, #tpu.memory_space<vmem_shared>>
      tpu.wait_indirect_dma semaphore(%run_scoped3A_331 : memref<!tpu.dma_semaphore, #tpu.memory_space<semaphore_mem>>) src(%arg13 : memref<80x128xf32, #tpu.memory_space<vmem>>) dst(%dma_wait3A_343 : memref<10240x128xf32, #tpu.memory_space<vmem_shared>>)
      tpu.yield
    }) : () -> ()
    %run_scoped3A_7 = arith.constant 7 : i32
    "tpu.region"() ({
      %run_scoped3A_331 = tpu.sem_alloc : memref<!tpu.dma_semaphore, #tpu.memory_space<semaphore_mem>>
      %dma_start3A_332 = arith.constant 0 : i32
      %dma_start3A_333 = tpu.memref_slice %arg12[%run_scoped3A_7, %dma_start3A_332] : memref<8x80xi32, #tpu.memory_space<vmem>> -> memref<1x80xi32, #tpu.memory_space<vmem>>
      %dma_start3A_334 = tpu.memref_squeeze %dma_start3A_333 : memref<1x80xi32, #tpu.memory_space<vmem>> -> memref<80xi32, #tpu.memory_space<vmem>>
      %dma_start3A_335 = arith.constant 0 : i32
      %dma_start3A_336 = arith.constant 0 : i32
      %dma_start3A_337 = tpu.memref_slice %arg16[%dma_start3A_335, %dma_start3A_336] : memref<10240x128xf32, #tpu.memory_space<vmem_shared>> -> memref<10240x128xf32, #tpu.memory_space<vmem_shared>>
      tpu.enqueue_indirect_dma source(%arg13 : memref<80x128xf32, #tpu.memory_space<vmem>>) target(%dma_start3A_337 : memref<10240x128xf32, #tpu.memory_space<vmem_shared>>) offsets(%dma_start3A_334 : memref<80xi32, #tpu.memory_space<vmem>>) semaphore(%run_scoped3A_331 : memref<!tpu.dma_semaphore, #tpu.memory_space<semaphore_mem>>)
      %dma_wait3A_338 = arith.constant 0 : i32
      %dma_wait3A_339 = tpu.memref_slice %arg12[%run_scoped3A_7, %dma_wait3A_338] : memref<8x80xi32, #tpu.memory_space<vmem>> -> memref<1x80xi32, #tpu.memory_space<vmem>>
      %dma_wait3A_340 = tpu.memref_squeeze %dma_wait3A_339 : memref<1x80xi32, #tpu.memory_space<vmem>> -> memref<80xi32, #tpu.memory_space<vmem>>
      %dma_wait3A_341 = arith.constant 0 : i32
      %dma_wait3A_342 = arith.constant 0 : i32
      %dma_wait3A_343 = tpu.memref_slice %arg16[%dma_wait3A_341, %dma_wait3A_342] : memref<10240x128xf32, #tpu.memory_space<vmem_shared>> -> memref<10240x128xf32, #tpu.memory_space<vmem_shared>>
      tpu.wait_indirect_dma semaphore(%run_scoped3A_331 : memref<!tpu.dma_semaphore, #tpu.memory_space<semaphore_mem>>) src(%arg13 : memref<80x128xf32, #tpu.memory_space<vmem>>) dst(%dma_wait3A_343 : memref<10240x128xf32, #tpu.memory_space<vmem_shared>>)
      tpu.yield
    }) : () -> ()
    %barrier3A = arith.constant 0 : index
    tpu.barrier barrier_id(%barrier3A)
    %scan3A = arith.constant 0 : i32
    %scan3A_8 = arith.constant 0 : i32
    %scan3A_9 = arith.constant 5 : i32
    %scan3A_10 = arith.addi %scan3A_8, %scan3A_9 : i32
    %scan3A_11 = arith.constant 1 : i32
    scf.for %scan3A_331 = %scan3A_8 to %scan3A_10 step %scan3A_11  : i32 {
      "tpu.region"() ({
        %run_scoped3A_1032 = tpu.sem_alloc : memref<!tpu.dma_semaphore, #tpu.memory_space<semaphore_mem>>
        %dma_start3A_1033 = arith.constant 0 : i32
        %dma_start3A_1034 = arith.constant 0 : i32
        %dma_start3A_1035 = tpu.memref_slice %arg3[%add3A, %scan3A_331, %dma_start3A_1033, %dma_start3A_1034] : memref<32x5x25x80xi32, #tpu.memory_space<hbm>> -> memref<1x1x25x80xi32, #tpu.memory_space<hbm>>
        %dma_start3A_1036 = tpu.memref_squeeze %dma_start3A_1035 : memref<1x1x25x80xi32, #tpu.memory_space<hbm>> -> memref<25x80xi32, #tpu.memory_space<hbm>>
        %dma_start3A_1037 = arith.constant 0 : i32
        %dma_start3A_1038 = arith.constant 0 : i32
        %dma_start3A_1039 = tpu.memref_slice %arg3[%add3A, %scan3A_331, %dma_start3A_1037, %dma_start3A_1038] : memref<32x5x25x80xi32, #tpu.memory_space<hbm>> -> memref<1x1x25x80xi32, #tpu.memory_space<hbm>>
        %dma_start3A_1040 = tpu.memref_squeeze %dma_start3A_1039 : memref<1x1x25x80xi32, #tpu.memory_space<hbm>> -> memref<25x80xi32, #tpu.memory_space<hbm>>
        tpu.enqueue_dma source(%dma_start3A_1040 : memref<25x80xi32, #tpu.memory_space<hbm>>) target(%arg10 : memref<25x80xi32, #tpu.memory_space<vmem>>) target_semaphore(%run_scoped3A_1032 : memref<!tpu.dma_semaphore, #tpu.memory_space<semaphore_mem>>)
        %dma_wait3A_1041 = arith.constant 0 : i32
        %dma_wait3A_1042 = arith.constant 0 : i32
        %dma_wait3A_1043 = tpu.memref_slice %arg3[%add3A, %scan3A_331, %dma_wait3A_1041, %dma_wait3A_1042] : memref<32x5x25x80xi32, #tpu.memory_space<hbm>> -> memref<1x1x25x80xi32, #tpu.memory_space<hbm>>
        %dma_wait3A_1044 = tpu.memref_squeeze %dma_wait3A_1043 : memref<1x1x25x80xi32, #tpu.memory_space<hbm>> -> memref<25x80xi32, #tpu.memory_space<hbm>>
        %dma_wait3A_1045 = arith.constant 0 : i32
        %dma_wait3A_1046 = arith.constant 0 : i32
        %dma_wait3A_1047 = tpu.memref_slice %arg3[%add3A, %scan3A_331, %dma_wait3A_1045, %dma_wait3A_1046] : memref<32x5x25x80xi32, #tpu.memory_space<hbm>> -> memref<1x1x25x80xi32, #tpu.memory_space<hbm>>
        %dma_wait3A_1048 = tpu.memref_squeeze %dma_wait3A_1047 : memref<1x1x25x80xi32, #tpu.memory_space<hbm>> -> memref<25x80xi32, #tpu.memory_space<hbm>>
        tpu.wait_dma2 semaphore(%run_scoped3A_1032 : memref<!tpu.dma_semaphore, #tpu.memory_space<semaphore_mem>>) src(%dma_wait3A_1048 : memref<25x80xi32, #tpu.memory_space<hbm>>) dst(%arg10 : memref<25x80xi32, #tpu.memory_space<vmem>>)
        tpu.yield
      }) : () -> ()
      "tpu.region"() ({
        %run_scoped3A_1032 = tpu.sem_alloc : memref<!tpu.dma_semaphore, #tpu.memory_space<semaphore_mem>>
        %dma_start3A_1033 = arith.constant 0 : i32
        %dma_start3A_1034 = arith.constant 0 : i32
        %dma_start3A_1035 = tpu.memref_slice %arg4[%add3A, %scan3A_331, %dma_start3A_1033, %dma_start3A_1034] : memref<32x5x25x80xi32, #tpu.memory_space<hbm>> -> memref<1x1x25x80xi32, #tpu.memory_space<hbm>>
        %dma_start3A_1036 = tpu.memref_squeeze %dma_start3A_1035 : memref<1x1x25x80xi32, #tpu.memory_space<hbm>> -> memref<25x80xi32, #tpu.memory_space<hbm>>
        %dma_start3A_1037 = arith.constant 0 : i32
        %dma_start3A_1038 = arith.constant 0 : i32
        %dma_start3A_1039 = tpu.memref_slice %arg4[%add3A, %scan3A_331, %dma_start3A_1037, %dma_start3A_1038] : memref<32x5x25x80xi32, #tpu.memory_space<hbm>> -> memref<1x1x25x80xi32, #tpu.memory_space<hbm>>
        %dma_start3A_1040 = tpu.memref_squeeze %dma_start3A_1039 : memref<1x1x25x80xi32, #tpu.memory_space<hbm>> -> memref<25x80xi32, #tpu.memory_space<hbm>>
        tpu.enqueue_dma source(%dma_start3A_1040 : memref<25x80xi32, #tpu.memory_space<hbm>>) target(%arg11 : memref<25x80xi32, #tpu.memory_space<vmem>>) target_semaphore(%run_scoped3A_1032 : memref<!tpu.dma_semaphore, #tpu.memory_space<semaphore_mem>>)
        %dma_wait3A_1041 = arith.constant 0 : i32
        %dma_wait3A_1042 = arith.constant 0 : i32
        %dma_wait3A_1043 = tpu.memref_slice %arg4[%add3A, %scan3A_331, %dma_wait3A_1041, %dma_wait3A_1042] : memref<32x5x25x80xi32, #tpu.memory_space<hbm>> -> memref<1x1x25x80xi32, #tpu.memory_space<hbm>>
        %dma_wait3A_1044 = tpu.memref_squeeze %dma_wait3A_1043 : memref<1x1x25x80xi32, #tpu.memory_space<hbm>> -> memref<25x80xi32, #tpu.memory_space<hbm>>
        %dma_wait3A_1045 = arith.constant 0 : i32
        %dma_wait3A_1046 = arith.constant 0 : i32
        %dma_wait3A_1047 = tpu.memref_slice %arg4[%add3A, %scan3A_331, %dma_wait3A_1045, %dma_wait3A_1046] : memref<32x5x25x80xi32, #tpu.memory_space<hbm>> -> memref<1x1x25x80xi32, #tpu.memory_space<hbm>>
        %dma_wait3A_1048 = tpu.memref_squeeze %dma_wait3A_1047 : memref<1x1x25x80xi32, #tpu.memory_space<hbm>> -> memref<25x80xi32, #tpu.memory_space<hbm>>
        tpu.wait_dma2 semaphore(%run_scoped3A_1032 : memref<!tpu.dma_semaphore, #tpu.memory_space<semaphore_mem>>) src(%dma_wait3A_1048 : memref<25x80xi32, #tpu.memory_space<hbm>>) dst(%arg11 : memref<25x80xi32, #tpu.memory_space<vmem>>)
        tpu.yield
      }) : () -> ()
      %dma_start3A_332 = arith.constant 0 : i32
      %dma_start3A_333 = arith.constant 0 : i32
      %dma_start3A_334 = tpu.memref_slice %arg10[%dma_start3A_332, %dma_start3A_333] : memref<25x80xi32, #tpu.memory_space<vmem>> -> memref<1x80xi32, #tpu.memory_space<vmem>>
      %dma_start3A_335 = tpu.memref_squeeze %dma_start3A_334 : memref<1x80xi32, #tpu.memory_space<vmem>> -> memref<80xi32, #tpu.memory_space<vmem>>
      %dma_start3A_336 = arith.constant 0 : i32
      %dma_start3A_337 = arith.constant 0 : i32
      %dma_start3A_338 = tpu.memref_slice %arg2[%dma_start3A_336, %dma_start3A_337] : memref<10000x128xf32, #tpu.memory_space<hbm>> -> memref<10000x128xf32, #tpu.memory_space<hbm>>
      tpu.enqueue_indirect_dma source(%dma_start3A_338 : memref<10000x128xf32, #tpu.memory_space<hbm>>) target(%arg13 : memref<80x128xf32, #tpu.memory_space<vmem>>) offsets(%dma_start3A_335 : memref<80xi32, #tpu.memory_space<vmem>>) semaphore(%arg17 : memref<!tpu.dma_semaphore, #tpu.memory_space<semaphore_mem>>)
      %dma_start3A_339 = arith.constant 1 : i32
      %dma_start3A_340 = arith.constant 0 : i32
      %dma_start3A_341 = tpu.memref_slice %arg10[%dma_start3A_339, %dma_start3A_340] : memref<25x80xi32, #tpu.memory_space<vmem>> -> memref<1x80xi32, #tpu.memory_space<vmem>>
      %dma_start3A_342 = tpu.memref_squeeze %dma_start3A_341 : memref<1x80xi32, #tpu.memory_space<vmem>> -> memref<80xi32, #tpu.memory_space<vmem>>
      %dma_start3A_343 = arith.constant 0 : i32
      %dma_start3A_344 = arith.constant 0 : i32
      %dma_start3A_345 = tpu.memref_slice %arg2[%dma_start3A_343, %dma_start3A_344] : memref<10000x128xf32, #tpu.memory_space<hbm>> -> memref<10000x128xf32, #tpu.memory_space<hbm>>
      tpu.enqueue_indirect_dma source(%dma_start3A_345 : memref<10000x128xf32, #tpu.memory_space<hbm>>) target(%arg14 : memref<80x128xf32, #tpu.memory_space<vmem>>) offsets(%dma_start3A_342 : memref<80xi32, #tpu.memory_space<vmem>>) semaphore(%arg18 : memref<!tpu.dma_semaphore, #tpu.memory_space<semaphore_mem>>)
      %dma_start3A_346 = arith.constant 2 : i32
      %dma_start3A_347 = arith.constant 0 : i32
      %dma_start3A_348 = tpu.memref_slice %arg10[%dma_start3A_346, %dma_start3A_347] : memref<25x80xi32, #tpu.memory_space<vmem>> -> memref<1x80xi32, #tpu.memory_space<vmem>>
      %dma_start3A_349 = tpu.memref_squeeze %dma_start3A_348 : memref<1x80xi32, #tpu.memory_space<vmem>> -> memref<80xi32, #tpu.memory_space<vmem>>
      %dma_start3A_350 = arith.constant 0 : i32
      %dma_start3A_351 = arith.constant 0 : i32
      %dma_start3A_352 = tpu.memref_slice %arg2[%dma_start3A_350, %dma_start3A_351] : memref<10000x128xf32, #tpu.memory_space<hbm>> -> memref<10000x128xf32, #tpu.memory_space<hbm>>
      tpu.enqueue_indirect_dma source(%dma_start3A_352 : memref<10000x128xf32, #tpu.memory_space<hbm>>) target(%arg15 : memref<80x128xf32, #tpu.memory_space<vmem>>) offsets(%dma_start3A_349 : memref<80xi32, #tpu.memory_space<vmem>>) semaphore(%arg19 : memref<!tpu.dma_semaphore, #tpu.memory_space<semaphore_mem>>)
      %dma_wait3A_353 = arith.constant 0 : i32
      %dma_wait3A_354 = arith.constant 0 : i32
      %dma_wait3A_355 = tpu.memref_slice %arg10[%dma_wait3A_353, %dma_wait3A_354] : memref<25x80xi32, #tpu.memory_space<vmem>> -> memref<1x80xi32, #tpu.memory_space<vmem>>
      %dma_wait3A_356 = tpu.memref_squeeze %dma_wait3A_355 : memref<1x80xi32, #tpu.memory_space<vmem>> -> memref<80xi32, #tpu.memory_space<vmem>>
      %dma_wait3A_357 = arith.constant 0 : i32
      %dma_wait3A_358 = arith.constant 0 : i32
      %dma_wait3A_359 = tpu.memref_slice %arg2[%dma_wait3A_357, %dma_wait3A_358] : memref<10000x128xf32, #tpu.memory_space<hbm>> -> memref<10000x128xf32, #tpu.memory_space<hbm>>
      tpu.wait_indirect_dma semaphore(%arg17 : memref<!tpu.dma_semaphore, #tpu.memory_space<semaphore_mem>>) src(%dma_wait3A_359 : memref<10000x128xf32, #tpu.memory_space<hbm>>) dst(%arg13 : memref<80x128xf32, #tpu.memory_space<vmem>>)
      %dma_start3A_360 = arith.constant 0 : i32
      %dma_start3A_361 = arith.constant 0 : i32
      %dma_start3A_362 = tpu.memref_slice %arg11[%dma_start3A_360, %dma_start3A_361] : memref<25x80xi32, #tpu.memory_space<vmem>> -> memref<1x80xi32, #tpu.memory_space<vmem>>
      %dma_start3A_363 = tpu.memref_squeeze %dma_start3A_362 : memref<1x80xi32, #tpu.memory_space<vmem>> -> memref<80xi32, #tpu.memory_space<vmem>>
      %dma_start3A_364 = arith.constant 0 : i32
      %dma_start3A_365 = arith.constant 0 : i32
      %dma_start3A_366 = tpu.memref_slice %arg16[%dma_start3A_364, %dma_start3A_365] : memref<10240x128xf32, #tpu.memory_space<vmem_shared>> -> memref<10240x128xf32, #tpu.memory_space<vmem_shared>>
      tpu.enqueue_indirect_dma source(%arg13 : memref<80x128xf32, #tpu.memory_space<vmem>>) target(%dma_start3A_366 : memref<10240x128xf32, #tpu.memory_space<vmem_shared>>) offsets(%dma_start3A_363 : memref<80xi32, #tpu.memory_space<vmem>>) semaphore(%arg20 : memref<!tpu.dma_semaphore, #tpu.memory_space<semaphore_mem>>) {add = true}
      %dma_wait3A_367 = arith.constant 0 : i32
      %dma_wait3A_368 = arith.constant 0 : i32
      %dma_wait3A_369 = tpu.memref_slice %arg11[%dma_wait3A_367, %dma_wait3A_368] : memref<25x80xi32, #tpu.memory_space<vmem>> -> memref<1x80xi32, #tpu.memory_space<vmem>>
      %dma_wait3A_370 = tpu.memref_squeeze %dma_wait3A_369 : memref<1x80xi32, #tpu.memory_space<vmem>> -> memref<80xi32, #tpu.memory_space<vmem>>
      %dma_wait3A_371 = arith.constant 0 : i32
      %dma_wait3A_372 = arith.constant 0 : i32
      %dma_wait3A_373 = tpu.memref_slice %arg16[%dma_wait3A_371, %dma_wait3A_372] : memref<10240x128xf32, #tpu.memory_space<vmem_shared>> -> memref<10240x128xf32, #tpu.memory_space<vmem_shared>>
      tpu.wait_indirect_dma semaphore(%arg20 : memref<!tpu.dma_semaphore, #tpu.memory_space<semaphore_mem>>) src(%arg13 : memref<80x128xf32, #tpu.memory_space<vmem>>) dst(%dma_wait3A_373 : memref<10240x128xf32, #tpu.memory_space<vmem_shared>>)
      %dma_start3A_374 = arith.constant 3 : i32
      %dma_start3A_375 = arith.constant 0 : i32
      %dma_start3A_376 = tpu.memref_slice %arg10[%dma_start3A_374, %dma_start3A_375] : memref<25x80xi32, #tpu.memory_space<vmem>> -> memref<1x80xi32, #tpu.memory_space<vmem>>
      %dma_start3A_377 = tpu.memref_squeeze %dma_start3A_376 : memref<1x80xi32, #tpu.memory_space<vmem>> -> memref<80xi32, #tpu.memory_space<vmem>>
      %dma_start3A_378 = arith.constant 0 : i32
      %dma_start3A_379 = arith.constant 0 : i32
      %dma_start3A_380 = tpu.memref_slice %arg2[%dma_start3A_378, %dma_start3A_379] : memref<10000x128xf32, #tpu.memory_space<hbm>> -> memref<10000x128xf32, #tpu.memory_space<hbm>>
      tpu.enqueue_indirect_dma source(%dma_start3A_380 : memref<10000x128xf32, #tpu.memory_space<hbm>>) target(%arg13 : memref<80x128xf32, #tpu.memory_space<vmem>>) offsets(%dma_start3A_377 : memref<80xi32, #tpu.memory_space<vmem>>) semaphore(%arg17 : memref<!tpu.dma_semaphore, #tpu.memory_space<semaphore_mem>>)
      %dma_wait3A_381 = arith.constant 1 : i32
      %dma_wait3A_382 = arith.constant 0 : i32
      %dma_wait3A_383 = tpu.memref_slice %arg10[%dma_wait3A_381, %dma_wait3A_382] : memref<25x80xi32, #tpu.memory_space<vmem>> -> memref<1x80xi32, #tpu.memory_space<vmem>>
      %dma_wait3A_384 = tpu.memref_squeeze %dma_wait3A_383 : memref<1x80xi32, #tpu.memory_space<vmem>> -> memref<80xi32, #tpu.memory_space<vmem>>
      %dma_wait3A_385 = arith.constant 0 : i32
      %dma_wait3A_386 = arith.constant 0 : i32
      %dma_wait3A_387 = tpu.memref_slice %arg2[%dma_wait3A_385, %dma_wait3A_386] : memref<10000x128xf32, #tpu.memory_space<hbm>> -> memref<10000x128xf32, #tpu.memory_space<hbm>>
      tpu.wait_indirect_dma semaphore(%arg18 : memref<!tpu.dma_semaphore, #tpu.memory_space<semaphore_mem>>) src(%dma_wait3A_387 : memref<10000x128xf32, #tpu.memory_space<hbm>>) dst(%arg14 : memref<80x128xf32, #tpu.memory_space<vmem>>)
      %dma_start3A_388 = arith.constant 1 : i32
      %dma_start3A_389 = arith.constant 0 : i32
      %dma_start3A_390 = tpu.memref_slice %arg11[%dma_start3A_388, %dma_start3A_389] : memref<25x80xi32, #tpu.memory_space<vmem>> -> memref<1x80xi32, #tpu.memory_space<vmem>>
      %dma_start3A_391 = tpu.memref_squeeze %dma_start3A_390 : memref<1x80xi32, #tpu.memory_space<vmem>> -> memref<80xi32, #tpu.memory_space<vmem>>
      %dma_start3A_392 = arith.constant 0 : i32
      %dma_start3A_393 = arith.constant 0 : i32
      %dma_start3A_394 = tpu.memref_slice %arg16[%dma_start3A_392, %dma_start3A_393] : memref<10240x128xf32, #tpu.memory_space<vmem_shared>> -> memref<10240x128xf32, #tpu.memory_space<vmem_shared>>
      tpu.enqueue_indirect_dma source(%arg14 : memref<80x128xf32, #tpu.memory_space<vmem>>) target(%dma_start3A_394 : memref<10240x128xf32, #tpu.memory_space<vmem_shared>>) offsets(%dma_start3A_391 : memref<80xi32, #tpu.memory_space<vmem>>) semaphore(%arg21 : memref<!tpu.dma_semaphore, #tpu.memory_space<semaphore_mem>>) {add = true}
      %dma_wait3A_395 = arith.constant 1 : i32
      %dma_wait3A_396 = arith.constant 0 : i32
      %dma_wait3A_397 = tpu.memref_slice %arg11[%dma_wait3A_395, %dma_wait3A_396] : memref<25x80xi32, #tpu.memory_space<vmem>> -> memref<1x80xi32, #tpu.memory_space<vmem>>
      %dma_wait3A_398 = tpu.memref_squeeze %dma_wait3A_397 : memref<1x80xi32, #tpu.memory_space<vmem>> -> memref<80xi32, #tpu.memory_space<vmem>>
      %dma_wait3A_399 = arith.constant 0 : i32
      %dma_wait3A_400 = arith.constant 0 : i32
      %dma_wait3A_401 = tpu.memref_slice %arg16[%dma_wait3A_399, %dma_wait3A_400] : memref<10240x128xf32, #tpu.memory_space<vmem_shared>> -> memref<10240x128xf32, #tpu.memory_space<vmem_shared>>
      tpu.wait_indirect_dma semaphore(%arg21 : memref<!tpu.dma_semaphore, #tpu.memory_space<semaphore_mem>>) src(%arg14 : memref<80x128xf32, #tpu.memory_space<vmem>>) dst(%dma_wait3A_401 : memref<10240x128xf32, #tpu.memory_space<vmem_shared>>)
      %dma_start3A_402 = arith.constant 4 : i32
      %dma_start3A_403 = arith.constant 0 : i32
      %dma_start3A_404 = tpu.memref_slice %arg10[%dma_start3A_402, %dma_start3A_403] : memref<25x80xi32, #tpu.memory_space<vmem>> -> memref<1x80xi32, #tpu.memory_space<vmem>>
      %dma_start3A_405 = tpu.memref_squeeze %dma_start3A_404 : memref<1x80xi32, #tpu.memory_space<vmem>> -> memref<80xi32, #tpu.memory_space<vmem>>
      %dma_start3A_406 = arith.constant 0 : i32
      %dma_start3A_407 = arith.constant 0 : i32
      %dma_start3A_408 = tpu.memref_slice %arg2[%dma_start3A_406, %dma_start3A_407] : memref<10000x128xf32, #tpu.memory_space<hbm>> -> memref<10000x128xf32, #tpu.memory_space<hbm>>
      tpu.enqueue_indirect_dma source(%dma_start3A_408 : memref<10000x128xf32, #tpu.memory_space<hbm>>) target(%arg14 : memref<80x128xf32, #tpu.memory_space<vmem>>) offsets(%dma_start3A_405 : memref<80xi32, #tpu.memory_space<vmem>>) semaphore(%arg18 : memref<!tpu.dma_semaphore, #tpu.memory_space<semaphore_mem>>)
      %dma_wait3A_409 = arith.constant 2 : i32
      %dma_wait3A_410 = arith.constant 0 : i32
      %dma_wait3A_411 = tpu.memref_slice %arg10[%dma_wait3A_409, %dma_wait3A_410] : memref<25x80xi32, #tpu.memory_space<vmem>> -> memref<1x80xi32, #tpu.memory_space<vmem>>
      %dma_wait3A_412 = tpu.memref_squeeze %dma_wait3A_411 : memref<1x80xi32, #tpu.memory_space<vmem>> -> memref<80xi32, #tpu.memory_space<vmem>>
      %dma_wait3A_413 = arith.constant 0 : i32
      %dma_wait3A_414 = arith.constant 0 : i32
      %dma_wait3A_415 = tpu.memref_slice %arg2[%dma_wait3A_413, %dma_wait3A_414] : memref<10000x128xf32, #tpu.memory_space<hbm>> -> memref<10000x128xf32, #tpu.memory_space<hbm>>
      tpu.wait_indirect_dma semaphore(%arg19 : memref<!tpu.dma_semaphore, #tpu.memory_space<semaphore_mem>>) src(%dma_wait3A_415 : memref<10000x128xf32, #tpu.memory_space<hbm>>) dst(%arg15 : memref<80x128xf32, #tpu.memory_space<vmem>>)
      %dma_start3A_416 = arith.constant 2 : i32
      %dma_start3A_417 = arith.constant 0 : i32
      %dma_start3A_418 = tpu.memref_slice %arg11[%dma_start3A_416, %dma_start3A_417] : memref<25x80xi32, #tpu.memory_space<vmem>> -> memref<1x80xi32, #tpu.memory_space<vmem>>
      %dma_start3A_419 = tpu.memref_squeeze %dma_start3A_418 : memref<1x80xi32, #tpu.memory_space<vmem>> -> memref<80xi32, #tpu.memory_space<vmem>>
      %dma_start3A_420 = arith.constant 0 : i32
      %dma_start3A_421 = arith.constant 0 : i32
      %dma_start3A_422 = tpu.memref_slice %arg16[%dma_start3A_420, %dma_start3A_421] : memref<10240x128xf32, #tpu.memory_space<vmem_shared>> -> memref<10240x128xf32, #tpu.memory_space<vmem_shared>>
      tpu.enqueue_indirect_dma source(%arg15 : memref<80x128xf32, #tpu.memory_space<vmem>>) target(%dma_start3A_422 : memref<10240x128xf32, #tpu.memory_space<vmem_shared>>) offsets(%dma_start3A_419 : memref<80xi32, #tpu.memory_space<vmem>>) semaphore(%arg22 : memref<!tpu.dma_semaphore, #tpu.memory_space<semaphore_mem>>) {add = true}
      %dma_wait3A_423 = arith.constant 2 : i32
      %dma_wait3A_424 = arith.constant 0 : i32
      %dma_wait3A_425 = tpu.memref_slice %arg11[%dma_wait3A_423, %dma_wait3A_424] : memref<25x80xi32, #tpu.memory_space<vmem>> -> memref<1x80xi32, #tpu.memory_space<vmem>>
      %dma_wait3A_426 = tpu.memref_squeeze %dma_wait3A_425 : memref<1x80xi32, #tpu.memory_space<vmem>> -> memref<80xi32, #tpu.memory_space<vmem>>
      %dma_wait3A_427 = arith.constant 0 : i32
      %dma_wait3A_428 = arith.constant 0 : i32
      %dma_wait3A_429 = tpu.memref_slice %arg16[%dma_wait3A_427, %dma_wait3A_428] : memref<10240x128xf32, #tpu.memory_space<vmem_shared>> -> memref<10240x128xf32, #tpu.memory_space<vmem_shared>>
      tpu.wait_indirect_dma semaphore(%arg22 : memref<!tpu.dma_semaphore, #tpu.memory_space<semaphore_mem>>) src(%arg15 : memref<80x128xf32, #tpu.memory_space<vmem>>) dst(%dma_wait3A_429 : memref<10240x128xf32, #tpu.memory_space<vmem_shared>>)
      %dma_start3A_430 = arith.constant 5 : i32
      %dma_start3A_431 = arith.constant 0 : i32
      %dma_start3A_432 = tpu.memref_slice %arg10[%dma_start3A_430, %dma_start3A_431] : memref<25x80xi32, #tpu.memory_space<vmem>> -> memref<1x80xi32, #tpu.memory_space<vmem>>
      %dma_start3A_433 = tpu.memref_squeeze %dma_start3A_432 : memref<1x80xi32, #tpu.memory_space<vmem>> -> memref<80xi32, #tpu.memory_space<vmem>>
      %dma_start3A_434 = arith.constant 0 : i32
      %dma_start3A_435 = arith.constant 0 : i32
      %dma_start3A_436 = tpu.memref_slice %arg2[%dma_start3A_434, %dma_start3A_435] : memref<10000x128xf32, #tpu.memory_space<hbm>> -> memref<10000x128xf32, #tpu.memory_space<hbm>>
      tpu.enqueue_indirect_dma source(%dma_start3A_436 : memref<10000x128xf32, #tpu.memory_space<hbm>>) target(%arg15 : memref<80x128xf32, #tpu.memory_space<vmem>>) offsets(%dma_start3A_433 : memref<80xi32, #tpu.memory_space<vmem>>) semaphore(%arg19 : memref<!tpu.dma_semaphore, #tpu.memory_space<semaphore_mem>>)
      %dma_wait3A_437 = arith.constant 3 : i32
      %dma_wait3A_438 = arith.constant 0 : i32
      %dma_wait3A_439 = tpu.memref_slice %arg10[%dma_wait3A_437, %dma_wait3A_438] : memref<25x80xi32, #tpu.memory_space<vmem>> -> memref<1x80xi32, #tpu.memory_space<vmem>>
      %dma_wait3A_440 = tpu.memref_squeeze %dma_wait3A_439 : memref<1x80xi32, #tpu.memory_space<vmem>> -> memref<80xi32, #tpu.memory_space<vmem>>
      %dma_wait3A_441 = arith.constant 0 : i32
      %dma_wait3A_442 = arith.constant 0 : i32
      %dma_wait3A_443 = tpu.memref_slice %arg2[%dma_wait3A_441, %dma_wait3A_442] : memref<10000x128xf32, #tpu.memory_space<hbm>> -> memref<10000x128xf32, #tpu.memory_space<hbm>>
      tpu.wait_indirect_dma semaphore(%arg17 : memref<!tpu.dma_semaphore, #tpu.memory_space<semaphore_mem>>) src(%dma_wait3A_443 : memref<10000x128xf32, #tpu.memory_space<hbm>>) dst(%arg13 : memref<80x128xf32, #tpu.memory_space<vmem>>)
      %dma_start3A_444 = arith.constant 3 : i32
      %dma_start3A_445 = arith.constant 0 : i32
      %dma_start3A_446 = tpu.memref_slice %arg11[%dma_start3A_444, %dma_start3A_445] : memref<25x80xi32, #tpu.memory_space<vmem>> -> memref<1x80xi32, #tpu.memory_space<vmem>>
      %dma_start3A_447 = tpu.memref_squeeze %dma_start3A_446 : memref<1x80xi32, #tpu.memory_space<vmem>> -> memref<80xi32, #tpu.memory_space<vmem>>
      %dma_start3A_448 = arith.constant 0 : i32
      %dma_start3A_449 = arith.constant 0 : i32
      %dma_start3A_450 = tpu.memref_slice %arg16[%dma_start3A_448, %dma_start3A_449] : memref<10240x128xf32, #tpu.memory_space<vmem_shared>> -> memref<10240x128xf32, #tpu.memory_space<vmem_shared>>
      tpu.enqueue_indirect_dma source(%arg13 : memref<80x128xf32, #tpu.memory_space<vmem>>) target(%dma_start3A_450 : memref<10240x128xf32, #tpu.memory_space<vmem_shared>>) offsets(%dma_start3A_447 : memref<80xi32, #tpu.memory_space<vmem>>) semaphore(%arg20 : memref<!tpu.dma_semaphore, #tpu.memory_space<semaphore_mem>>) {add = true}
      %dma_wait3A_451 = arith.constant 3 : i32
      %dma_wait3A_452 = arith.constant 0 : i32
      %dma_wait3A_453 = tpu.memref_slice %arg11[%dma_wait3A_451, %dma_wait3A_452] : memref<25x80xi32, #tpu.memory_space<vmem>> -> memref<1x80xi32, #tpu.memory_space<vmem>>
      %dma_wait3A_454 = tpu.memref_squeeze %dma_wait3A_453 : memref<1x80xi32, #tpu.memory_space<vmem>> -> memref<80xi32, #tpu.memory_space<vmem>>
      %dma_wait3A_455 = arith.constant 0 : i32
      %dma_wait3A_456 = arith.constant 0 : i32
      %dma_wait3A_457 = tpu.memref_slice %arg16[%dma_wait3A_455, %dma_wait3A_456] : memref<10240x128xf32, #tpu.memory_space<vmem_shared>> -> memref<10240x128xf32, #tpu.memory_space<vmem_shared>>
      tpu.wait_indirect_dma semaphore(%arg20 : memref<!tpu.dma_semaphore, #tpu.memory_space<semaphore_mem>>) src(%arg13 : memref<80x128xf32, #tpu.memory_space<vmem>>) dst(%dma_wait3A_457 : memref<10240x128xf32, #tpu.memory_space<vmem_shared>>)
      %dma_start3A_458 = arith.constant 6 : i32
      %dma_start3A_459 = arith.constant 0 : i32
      %dma_start3A_460 = tpu.memref_slice %arg10[%dma_start3A_458, %dma_start3A_459] : memref<25x80xi32, #tpu.memory_space<vmem>> -> memref<1x80xi32, #tpu.memory_space<vmem>>
      %dma_start3A_461 = tpu.memref_squeeze %dma_start3A_460 : memref<1x80xi32, #tpu.memory_space<vmem>> -> memref<80xi32, #tpu.memory_space<vmem>>
      %dma_start3A_462 = arith.constant 0 : i32
      %dma_start3A_463 = arith.constant 0 : i32
      %dma_start3A_464 = tpu.memref_slice %arg2[%dma_start3A_462, %dma_start3A_463] : memref<10000x128xf32, #tpu.memory_space<hbm>> -> memref<10000x128xf32, #tpu.memory_space<hbm>>
      tpu.enqueue_indirect_dma source(%dma_start3A_464 : memref<10000x128xf32, #tpu.memory_space<hbm>>) target(%arg13 : memref<80x128xf32, #tpu.memory_space<vmem>>) offsets(%dma_start3A_461 : memref<80xi32, #tpu.memory_space<vmem>>) semaphore(%arg17 : memref<!tpu.dma_semaphore, #tpu.memory_space<semaphore_mem>>)
      %dma_wait3A_465 = arith.constant 4 : i32
      %dma_wait3A_466 = arith.constant 0 : i32
      %dma_wait3A_467 = tpu.memref_slice %arg10[%dma_wait3A_465, %dma_wait3A_466] : memref<25x80xi32, #tpu.memory_space<vmem>> -> memref<1x80xi32, #tpu.memory_space<vmem>>
      %dma_wait3A_468 = tpu.memref_squeeze %dma_wait3A_467 : memref<1x80xi32, #tpu.memory_space<vmem>> -> memref<80xi32, #tpu.memory_space<vmem>>
      %dma_wait3A_469 = arith.constant 0 : i32
      %dma_wait3A_470 = arith.constant 0 : i32
      %dma_wait3A_471 = tpu.memref_slice %arg2[%dma_wait3A_469, %dma_wait3A_470] : memref<10000x128xf32, #tpu.memory_space<hbm>> -> memref<10000x128xf32, #tpu.memory_space<hbm>>
      tpu.wait_indirect_dma semaphore(%arg18 : memref<!tpu.dma_semaphore, #tpu.memory_space<semaphore_mem>>) src(%dma_wait3A_471 : memref<10000x128xf32, #tpu.memory_space<hbm>>) dst(%arg14 : memref<80x128xf32, #tpu.memory_space<vmem>>)
      %dma_start3A_472 = arith.constant 4 : i32
      %dma_start3A_473 = arith.constant 0 : i32
      %dma_start3A_474 = tpu.memref_slice %arg11[%dma_start3A_472, %dma_start3A_473] : memref<25x80xi32, #tpu.memory_space<vmem>> -> memref<1x80xi32, #tpu.memory_space<vmem>>
      %dma_start3A_475 = tpu.memref_squeeze %dma_start3A_474 : memref<1x80xi32, #tpu.memory_space<vmem>> -> memref<80xi32, #tpu.memory_space<vmem>>
      %dma_start3A_476 = arith.constant 0 : i32
      %dma_start3A_477 = arith.constant 0 : i32
      %dma_start3A_478 = tpu.memref_slice %arg16[%dma_start3A_476, %dma_start3A_477] : memref<10240x128xf32, #tpu.memory_space<vmem_shared>> -> memref<10240x128xf32, #tpu.memory_space<vmem_shared>>
      tpu.enqueue_indirect_dma source(%arg14 : memref<80x128xf32, #tpu.memory_space<vmem>>) target(%dma_start3A_478 : memref<10240x128xf32, #tpu.memory_space<vmem_shared>>) offsets(%dma_start3A_475 : memref<80xi32, #tpu.memory_space<vmem>>) semaphore(%arg21 : memref<!tpu.dma_semaphore, #tpu.memory_space<semaphore_mem>>) {add = true}
      %dma_wait3A_479 = arith.constant 4 : i32
      %dma_wait3A_480 = arith.constant 0 : i32
      %dma_wait3A_481 = tpu.memref_slice %arg11[%dma_wait3A_479, %dma_wait3A_480] : memref<25x80xi32, #tpu.memory_space<vmem>> -> memref<1x80xi32, #tpu.memory_space<vmem>>
      %dma_wait3A_482 = tpu.memref_squeeze %dma_wait3A_481 : memref<1x80xi32, #tpu.memory_space<vmem>> -> memref<80xi32, #tpu.memory_space<vmem>>
      %dma_wait3A_483 = arith.constant 0 : i32
      %dma_wait3A_484 = arith.constant 0 : i32
      %dma_wait3A_485 = tpu.memref_slice %arg16[%dma_wait3A_483, %dma_wait3A_484] : memref<10240x128xf32, #tpu.memory_space<vmem_shared>> -> memref<10240x128xf32, #tpu.memory_space<vmem_shared>>
      tpu.wait_indirect_dma semaphore(%arg21 : memref<!tpu.dma_semaphore, #tpu.memory_space<semaphore_mem>>) src(%arg14 : memref<80x128xf32, #tpu.memory_space<vmem>>) dst(%dma_wait3A_485 : memref<10240x128xf32, #tpu.memory_space<vmem_shared>>)
      %dma_start3A_486 = arith.constant 7 : i32
      %dma_start3A_487 = arith.constant 0 : i32
      %dma_start3A_488 = tpu.memref_slice %arg10[%dma_start3A_486, %dma_start3A_487] : memref<25x80xi32, #tpu.memory_space<vmem>> -> memref<1x80xi32, #tpu.memory_space<vmem>>
      %dma_start3A_489 = tpu.memref_squeeze %dma_start3A_488 : memref<1x80xi32, #tpu.memory_space<vmem>> -> memref<80xi32, #tpu.memory_space<vmem>>
      %dma_start3A_490 = arith.constant 0 : i32
      %dma_start3A_491 = arith.constant 0 : i32
      %dma_start3A_492 = tpu.memref_slice %arg2[%dma_start3A_490, %dma_start3A_491] : memref<10000x128xf32, #tpu.memory_space<hbm>> -> memref<10000x128xf32, #tpu.memory_space<hbm>>
      tpu.enqueue_indirect_dma source(%dma_start3A_492 : memref<10000x128xf32, #tpu.memory_space<hbm>>) target(%arg14 : memref<80x128xf32, #tpu.memory_space<vmem>>) offsets(%dma_start3A_489 : memref<80xi32, #tpu.memory_space<vmem>>) semaphore(%arg18 : memref<!tpu.dma_semaphore, #tpu.memory_space<semaphore_mem>>)
      %dma_wait3A_493 = arith.constant 5 : i32
      %dma_wait3A_494 = arith.constant 0 : i32
      %dma_wait3A_495 = tpu.memref_slice %arg10[%dma_wait3A_493, %dma_wait3A_494] : memref<25x80xi32, #tpu.memory_space<vmem>> -> memref<1x80xi32, #tpu.memory_space<vmem>>
      %dma_wait3A_496 = tpu.memref_squeeze %dma_wait3A_495 : memref<1x80xi32, #tpu.memory_space<vmem>> -> memref<80xi32, #tpu.memory_space<vmem>>
      %dma_wait3A_497 = arith.constant 0 : i32
      %dma_wait3A_498 = arith.constant 0 : i32
      %dma_wait3A_499 = tpu.memref_slice %arg2[%dma_wait3A_497, %dma_wait3A_498] : memref<10000x128xf32, #tpu.memory_space<hbm>> -> memref<10000x128xf32, #tpu.memory_space<hbm>>
      tpu.wait_indirect_dma semaphore(%arg19 : memref<!tpu.dma_semaphore, #tpu.memory_space<semaphore_mem>>) src(%dma_wait3A_499 : memref<10000x128xf32, #tpu.memory_space<hbm>>) dst(%arg15 : memref<80x128xf32, #tpu.memory_space<vmem>>)
      %dma_start3A_500 = arith.constant 5 : i32
      %dma_start3A_501 = arith.constant 0 : i32
      %dma_start3A_502 = tpu.memref_slice %arg11[%dma_start3A_500, %dma_start3A_501] : memref<25x80xi32, #tpu.memory_space<vmem>> -> memref<1x80xi32, #tpu.memory_space<vmem>>
      %dma_start3A_503 = tpu.memref_squeeze %dma_start3A_502 : memref<1x80xi32, #tpu.memory_space<vmem>> -> memref<80xi32, #tpu.memory_space<vmem>>
      %dma_start3A_504 = arith.constant 0 : i32
      %dma_start3A_505 = arith.constant 0 : i32
      %dma_start3A_506 = tpu.memref_slice %arg16[%dma_start3A_504, %dma_start3A_505] : memref<10240x128xf32, #tpu.memory_space<vmem_shared>> -> memref<10240x128xf32, #tpu.memory_space<vmem_shared>>
      tpu.enqueue_indirect_dma source(%arg15 : memref<80x128xf32, #tpu.memory_space<vmem>>) target(%dma_start3A_506 : memref<10240x128xf32, #tpu.memory_space<vmem_shared>>) offsets(%dma_start3A_503 : memref<80xi32, #tpu.memory_space<vmem>>) semaphore(%arg22 : memref<!tpu.dma_semaphore, #tpu.memory_space<semaphore_mem>>) {add = true}
      %dma_wait3A_507 = arith.constant 5 : i32
      %dma_wait3A_508 = arith.constant 0 : i32
      %dma_wait3A_509 = tpu.memref_slice %arg11[%dma_wait3A_507, %dma_wait3A_508] : memref<25x80xi32, #tpu.memory_space<vmem>> -> memref<1x80xi32, #tpu.memory_space<vmem>>
      %dma_wait3A_510 = tpu.memref_squeeze %dma_wait3A_509 : memref<1x80xi32, #tpu.memory_space<vmem>> -> memref<80xi32, #tpu.memory_space<vmem>>
      %dma_wait3A_511 = arith.constant 0 : i32
      %dma_wait3A_512 = arith.constant 0 : i32
      %dma_wait3A_513 = tpu.memref_slice %arg16[%dma_wait3A_511, %dma_wait3A_512] : memref<10240x128xf32, #tpu.memory_space<vmem_shared>> -> memref<10240x128xf32, #tpu.memory_space<vmem_shared>>
      tpu.wait_indirect_dma semaphore(%arg22 : memref<!tpu.dma_semaphore, #tpu.memory_space<semaphore_mem>>) src(%arg15 : memref<80x128xf32, #tpu.memory_space<vmem>>) dst(%dma_wait3A_513 : memref<10240x128xf32, #tpu.memory_space<vmem_shared>>)
      %dma_start3A_514 = arith.constant 8 : i32
      %dma_start3A_515 = arith.constant 0 : i32
      %dma_start3A_516 = tpu.memref_slice %arg10[%dma_start3A_514, %dma_start3A_515] : memref<25x80xi32, #tpu.memory_space<vmem>> -> memref<1x80xi32, #tpu.memory_space<vmem>>
      %dma_start3A_517 = tpu.memref_squeeze %dma_start3A_516 : memref<1x80xi32, #tpu.memory_space<vmem>> -> memref<80xi32, #tpu.memory_space<vmem>>
      %dma_start3A_518 = arith.constant 0 : i32
      %dma_start3A_519 = arith.constant 0 : i32
      %dma_start3A_520 = tpu.memref_slice %arg2[%dma_start3A_518, %dma_start3A_519] : memref<10000x128xf32, #tpu.memory_space<hbm>> -> memref<10000x128xf32, #tpu.memory_space<hbm>>
      tpu.enqueue_indirect_dma source(%dma_start3A_520 : memref<10000x128xf32, #tpu.memory_space<hbm>>) target(%arg15 : memref<80x128xf32, #tpu.memory_space<vmem>>) offsets(%dma_start3A_517 : memref<80xi32, #tpu.memory_space<vmem>>) semaphore(%arg19 : memref<!tpu.dma_semaphore, #tpu.memory_space<semaphore_mem>>)
      %dma_wait3A_521 = arith.constant 6 : i32
      %dma_wait3A_522 = arith.constant 0 : i32
      %dma_wait3A_523 = tpu.memref_slice %arg10[%dma_wait3A_521, %dma_wait3A_522] : memref<25x80xi32, #tpu.memory_space<vmem>> -> memref<1x80xi32, #tpu.memory_space<vmem>>
      %dma_wait3A_524 = tpu.memref_squeeze %dma_wait3A_523 : memref<1x80xi32, #tpu.memory_space<vmem>> -> memref<80xi32, #tpu.memory_space<vmem>>
      %dma_wait3A_525 = arith.constant 0 : i32
      %dma_wait3A_526 = arith.constant 0 : i32
      %dma_wait3A_527 = tpu.memref_slice %arg2[%dma_wait3A_525, %dma_wait3A_526] : memref<10000x128xf32, #tpu.memory_space<hbm>> -> memref<10000x128xf32, #tpu.memory_space<hbm>>
      tpu.wait_indirect_dma semaphore(%arg17 : memref<!tpu.dma_semaphore, #tpu.memory_space<semaphore_mem>>) src(%dma_wait3A_527 : memref<10000x128xf32, #tpu.memory_space<hbm>>) dst(%arg13 : memref<80x128xf32, #tpu.memory_space<vmem>>)
      %dma_start3A_528 = arith.constant 6 : i32
      %dma_start3A_529 = arith.constant 0 : i32
      %dma_start3A_530 = tpu.memref_slice %arg11[%dma_start3A_528, %dma_start3A_529] : memref<25x80xi32, #tpu.memory_space<vmem>> -> memref<1x80xi32, #tpu.memory_space<vmem>>
      %dma_start3A_531 = tpu.memref_squeeze %dma_start3A_530 : memref<1x80xi32, #tpu.memory_space<vmem>> -> memref<80xi32, #tpu.memory_space<vmem>>
      %dma_start3A_532 = arith.constant 0 : i32
      %dma_start3A_533 = arith.constant 0 : i32
      %dma_start3A_534 = tpu.memref_slice %arg16[%dma_start3A_532, %dma_start3A_533] : memref<10240x128xf32, #tpu.memory_space<vmem_shared>> -> memref<10240x128xf32, #tpu.memory_space<vmem_shared>>
      tpu.enqueue_indirect_dma source(%arg13 : memref<80x128xf32, #tpu.memory_space<vmem>>) target(%dma_start3A_534 : memref<10240x128xf32, #tpu.memory_space<vmem_shared>>) offsets(%dma_start3A_531 : memref<80xi32, #tpu.memory_space<vmem>>) semaphore(%arg20 : memref<!tpu.dma_semaphore, #tpu.memory_space<semaphore_mem>>) {add = true}
      %dma_wait3A_535 = arith.constant 6 : i32
      %dma_wait3A_536 = arith.constant 0 : i32
      %dma_wait3A_537 = tpu.memref_slice %arg11[%dma_wait3A_535, %dma_wait3A_536] : memref<25x80xi32, #tpu.memory_space<vmem>> -> memref<1x80xi32, #tpu.memory_space<vmem>>
      %dma_wait3A_538 = tpu.memref_squeeze %dma_wait3A_537 : memref<1x80xi32, #tpu.memory_space<vmem>> -> memref<80xi32, #tpu.memory_space<vmem>>
      %dma_wait3A_539 = arith.constant 0 : i32
      %dma_wait3A_540 = arith.constant 0 : i32
      %dma_wait3A_541 = tpu.memref_slice %arg16[%dma_wait3A_539, %dma_wait3A_540] : memref<10240x128xf32, #tpu.memory_space<vmem_shared>> -> memref<10240x128xf32, #tpu.memory_space<vmem_shared>>
      tpu.wait_indirect_dma semaphore(%arg20 : memref<!tpu.dma_semaphore, #tpu.memory_space<semaphore_mem>>) src(%arg13 : memref<80x128xf32, #tpu.memory_space<vmem>>) dst(%dma_wait3A_541 : memref<10240x128xf32, #tpu.memory_space<vmem_shared>>)
      %dma_start3A_542 = arith.constant 9 : i32
      %dma_start3A_543 = arith.constant 0 : i32
      %dma_start3A_544 = tpu.memref_slice %arg10[%dma_start3A_542, %dma_start3A_543] : memref<25x80xi32, #tpu.memory_space<vmem>> -> memref<1x80xi32, #tpu.memory_space<vmem>>
      %dma_start3A_545 = tpu.memref_squeeze %dma_start3A_544 : memref<1x80xi32, #tpu.memory_space<vmem>> -> memref<80xi32, #tpu.memory_space<vmem>>
      %dma_start3A_546 = arith.constant 0 : i32
      %dma_start3A_547 = arith.constant 0 : i32
      %dma_start3A_548 = tpu.memref_slice %arg2[%dma_start3A_546, %dma_start3A_547] : memref<10000x128xf32, #tpu.memory_space<hbm>> -> memref<10000x128xf32, #tpu.memory_space<hbm>>
      tpu.enqueue_indirect_dma source(%dma_start3A_548 : memref<10000x128xf32, #tpu.memory_space<hbm>>) target(%arg13 : memref<80x128xf32, #tpu.memory_space<vmem>>) offsets(%dma_start3A_545 : memref<80xi32, #tpu.memory_space<vmem>>) semaphore(%arg17 : memref<!tpu.dma_semaphore, #tpu.memory_space<semaphore_mem>>)
      %dma_wait3A_549 = arith.constant 7 : i32
      %dma_wait3A_550 = arith.constant 0 : i32
      %dma_wait3A_551 = tpu.memref_slice %arg10[%dma_wait3A_549, %dma_wait3A_550] : memref<25x80xi32, #tpu.memory_space<vmem>> -> memref<1x80xi32, #tpu.memory_space<vmem>>
      %dma_wait3A_552 = tpu.memref_squeeze %dma_wait3A_551 : memref<1x80xi32, #tpu.memory_space<vmem>> -> memref<80xi32, #tpu.memory_space<vmem>>
      %dma_wait3A_553 = arith.constant 0 : i32
      %dma_wait3A_554 = arith.constant 0 : i32
      %dma_wait3A_555 = tpu.memref_slice %arg2[%dma_wait3A_553, %dma_wait3A_554] : memref<10000x128xf32, #tpu.memory_space<hbm>> -> memref<10000x128xf32, #tpu.memory_space<hbm>>
      tpu.wait_indirect_dma semaphore(%arg18 : memref<!tpu.dma_semaphore, #tpu.memory_space<semaphore_mem>>) src(%dma_wait3A_555 : memref<10000x128xf32, #tpu.memory_space<hbm>>) dst(%arg14 : memref<80x128xf32, #tpu.memory_space<vmem>>)
      %dma_start3A_556 = arith.constant 7 : i32
      %dma_start3A_557 = arith.constant 0 : i32
      %dma_start3A_558 = tpu.memref_slice %arg11[%dma_start3A_556, %dma_start3A_557] : memref<25x80xi32, #tpu.memory_space<vmem>> -> memref<1x80xi32, #tpu.memory_space<vmem>>
      %dma_start3A_559 = tpu.memref_squeeze %dma_start3A_558 : memref<1x80xi32, #tpu.memory_space<vmem>> -> memref<80xi32, #tpu.memory_space<vmem>>
      %dma_start3A_560 = arith.constant 0 : i32
      %dma_start3A_561 = arith.constant 0 : i32
      %dma_start3A_562 = tpu.memref_slice %arg16[%dma_start3A_560, %dma_start3A_561] : memref<10240x128xf32, #tpu.memory_space<vmem_shared>> -> memref<10240x128xf32, #tpu.memory_space<vmem_shared>>
      tpu.enqueue_indirect_dma source(%arg14 : memref<80x128xf32, #tpu.memory_space<vmem>>) target(%dma_start3A_562 : memref<10240x128xf32, #tpu.memory_space<vmem_shared>>) offsets(%dma_start3A_559 : memref<80xi32, #tpu.memory_space<vmem>>) semaphore(%arg21 : memref<!tpu.dma_semaphore, #tpu.memory_space<semaphore_mem>>) {add = true}
      %dma_wait3A_563 = arith.constant 7 : i32
      %dma_wait3A_564 = arith.constant 0 : i32
      %dma_wait3A_565 = tpu.memref_slice %arg11[%dma_wait3A_563, %dma_wait3A_564] : memref<25x80xi32, #tpu.memory_space<vmem>> -> memref<1x80xi32, #tpu.memory_space<vmem>>
      %dma_wait3A_566 = tpu.memref_squeeze %dma_wait3A_565 : memref<1x80xi32, #tpu.memory_space<vmem>> -> memref<80xi32, #tpu.memory_space<vmem>>
      %dma_wait3A_567 = arith.constant 0 : i32
      %dma_wait3A_568 = arith.constant 0 : i32
      %dma_wait3A_569 = tpu.memref_slice %arg16[%dma_wait3A_567, %dma_wait3A_568] : memref<10240x128xf32, #tpu.memory_space<vmem_shared>> -> memref<10240x128xf32, #tpu.memory_space<vmem_shared>>
      tpu.wait_indirect_dma semaphore(%arg21 : memref<!tpu.dma_semaphore, #tpu.memory_space<semaphore_mem>>) src(%arg14 : memref<80x128xf32, #tpu.memory_space<vmem>>) dst(%dma_wait3A_569 : memref<10240x128xf32, #tpu.memory_space<vmem_shared>>)
      %dma_start3A_570 = arith.constant 10 : i32
      %dma_start3A_571 = arith.constant 0 : i32
      %dma_start3A_572 = tpu.memref_slice %arg10[%dma_start3A_570, %dma_start3A_571] : memref<25x80xi32, #tpu.memory_space<vmem>> -> memref<1x80xi32, #tpu.memory_space<vmem>>
      %dma_start3A_573 = tpu.memref_squeeze %dma_start3A_572 : memref<1x80xi32, #tpu.memory_space<vmem>> -> memref<80xi32, #tpu.memory_space<vmem>>
      %dma_start3A_574 = arith.constant 0 : i32
      %dma_start3A_575 = arith.constant 0 : i32
      %dma_start3A_576 = tpu.memref_slice %arg2[%dma_start3A_574, %dma_start3A_575] : memref<10000x128xf32, #tpu.memory_space<hbm>> -> memref<10000x128xf32, #tpu.memory_space<hbm>>
      tpu.enqueue_indirect_dma source(%dma_start3A_576 : memref<10000x128xf32, #tpu.memory_space<hbm>>) target(%arg14 : memref<80x128xf32, #tpu.memory_space<vmem>>) offsets(%dma_start3A_573 : memref<80xi32, #tpu.memory_space<vmem>>) semaphore(%arg18 : memref<!tpu.dma_semaphore, #tpu.memory_space<semaphore_mem>>)
      %dma_wait3A_577 = arith.constant 8 : i32
      %dma_wait3A_578 = arith.constant 0 : i32
      %dma_wait3A_579 = tpu.memref_slice %arg10[%dma_wait3A_577, %dma_wait3A_578] : memref<25x80xi32, #tpu.memory_space<vmem>> -> memref<1x80xi32, #tpu.memory_space<vmem>>
      %dma_wait3A_580 = tpu.memref_squeeze %dma_wait3A_579 : memref<1x80xi32, #tpu.memory_space<vmem>> -> memref<80xi32, #tpu.memory_space<vmem>>
      %dma_wait3A_581 = arith.constant 0 : i32
      %dma_wait3A_582 = arith.constant 0 : i32
      %dma_wait3A_583 = tpu.memref_slice %arg2[%dma_wait3A_581, %dma_wait3A_582] : memref<10000x128xf32, #tpu.memory_space<hbm>> -> memref<10000x128xf32, #tpu.memory_space<hbm>>
      tpu.wait_indirect_dma semaphore(%arg19 : memref<!tpu.dma_semaphore, #tpu.memory_space<semaphore_mem>>) src(%dma_wait3A_583 : memref<10000x128xf32, #tpu.memory_space<hbm>>) dst(%arg15 : memref<80x128xf32, #tpu.memory_space<vmem>>)
      %dma_start3A_584 = arith.constant 8 : i32
      %dma_start3A_585 = arith.constant 0 : i32
      %dma_start3A_586 = tpu.memref_slice %arg11[%dma_start3A_584, %dma_start3A_585] : memref<25x80xi32, #tpu.memory_space<vmem>> -> memref<1x80xi32, #tpu.memory_space<vmem>>
      %dma_start3A_587 = tpu.memref_squeeze %dma_start3A_586 : memref<1x80xi32, #tpu.memory_space<vmem>> -> memref<80xi32, #tpu.memory_space<vmem>>
      %dma_start3A_588 = arith.constant 0 : i32
      %dma_start3A_589 = arith.constant 0 : i32
      %dma_start3A_590 = tpu.memref_slice %arg16[%dma_start3A_588, %dma_start3A_589] : memref<10240x128xf32, #tpu.memory_space<vmem_shared>> -> memref<10240x128xf32, #tpu.memory_space<vmem_shared>>
      tpu.enqueue_indirect_dma source(%arg15 : memref<80x128xf32, #tpu.memory_space<vmem>>) target(%dma_start3A_590 : memref<10240x128xf32, #tpu.memory_space<vmem_shared>>) offsets(%dma_start3A_587 : memref<80xi32, #tpu.memory_space<vmem>>) semaphore(%arg22 : memref<!tpu.dma_semaphore, #tpu.memory_space<semaphore_mem>>) {add = true}
      %dma_wait3A_591 = arith.constant 8 : i32
      %dma_wait3A_592 = arith.constant 0 : i32
      %dma_wait3A_593 = tpu.memref_slice %arg11[%dma_wait3A_591, %dma_wait3A_592] : memref<25x80xi32, #tpu.memory_space<vmem>> -> memref<1x80xi32, #tpu.memory_space<vmem>>
      %dma_wait3A_594 = tpu.memref_squeeze %dma_wait3A_593 : memref<1x80xi32, #tpu.memory_space<vmem>> -> memref<80xi32, #tpu.memory_space<vmem>>
      %dma_wait3A_595 = arith.constant 0 : i32
      %dma_wait3A_596 = arith.constant 0 : i32
      %dma_wait3A_597 = tpu.memref_slice %arg16[%dma_wait3A_595, %dma_wait3A_596] : memref<10240x128xf32, #tpu.memory_space<vmem_shared>> -> memref<10240x128xf32, #tpu.memory_space<vmem_shared>>
      tpu.wait_indirect_dma semaphore(%arg22 : memref<!tpu.dma_semaphore, #tpu.memory_space<semaphore_mem>>) src(%arg15 : memref<80x128xf32, #tpu.memory_space<vmem>>) dst(%dma_wait3A_597 : memref<10240x128xf32, #tpu.memory_space<vmem_shared>>)
      %dma_start3A_598 = arith.constant 11 : i32
      %dma_start3A_599 = arith.constant 0 : i32
      %dma_start3A_600 = tpu.memref_slice %arg10[%dma_start3A_598, %dma_start3A_599] : memref<25x80xi32, #tpu.memory_space<vmem>> -> memref<1x80xi32, #tpu.memory_space<vmem>>
      %dma_start3A_601 = tpu.memref_squeeze %dma_start3A_600 : memref<1x80xi32, #tpu.memory_space<vmem>> -> memref<80xi32, #tpu.memory_space<vmem>>
      %dma_start3A_602 = arith.constant 0 : i32
      %dma_start3A_603 = arith.constant 0 : i32
      %dma_start3A_604 = tpu.memref_slice %arg2[%dma_start3A_602, %dma_start3A_603] : memref<10000x128xf32, #tpu.memory_space<hbm>> -> memref<10000x128xf32, #tpu.memory_space<hbm>>
      tpu.enqueue_indirect_dma source(%dma_start3A_604 : memref<10000x128xf32, #tpu.memory_space<hbm>>) target(%arg15 : memref<80x128xf32, #tpu.memory_space<vmem>>) offsets(%dma_start3A_601 : memref<80xi32, #tpu.memory_space<vmem>>) semaphore(%arg19 : memref<!tpu.dma_semaphore, #tpu.memory_space<semaphore_mem>>)
      %dma_wait3A_605 = arith.constant 9 : i32
      %dma_wait3A_606 = arith.constant 0 : i32
      %dma_wait3A_607 = tpu.memref_slice %arg10[%dma_wait3A_605, %dma_wait3A_606] : memref<25x80xi32, #tpu.memory_space<vmem>> -> memref<1x80xi32, #tpu.memory_space<vmem>>
      %dma_wait3A_608 = tpu.memref_squeeze %dma_wait3A_607 : memref<1x80xi32, #tpu.memory_space<vmem>> -> memref<80xi32, #tpu.memory_space<vmem>>
      %dma_wait3A_609 = arith.constant 0 : i32
      %dma_wait3A_610 = arith.constant 0 : i32
      %dma_wait3A_611 = tpu.memref_slice %arg2[%dma_wait3A_609, %dma_wait3A_610] : memref<10000x128xf32, #tpu.memory_space<hbm>> -> memref<10000x128xf32, #tpu.memory_space<hbm>>
      tpu.wait_indirect_dma semaphore(%arg17 : memref<!tpu.dma_semaphore, #tpu.memory_space<semaphore_mem>>) src(%dma_wait3A_611 : memref<10000x128xf32, #tpu.memory_space<hbm>>) dst(%arg13 : memref<80x128xf32, #tpu.memory_space<vmem>>)
      %dma_start3A_612 = arith.constant 9 : i32
      %dma_start3A_613 = arith.constant 0 : i32
      %dma_start3A_614 = tpu.memref_slice %arg11[%dma_start3A_612, %dma_start3A_613] : memref<25x80xi32, #tpu.memory_space<vmem>> -> memref<1x80xi32, #tpu.memory_space<vmem>>
      %dma_start3A_615 = tpu.memref_squeeze %dma_start3A_614 : memref<1x80xi32, #tpu.memory_space<vmem>> -> memref<80xi32, #tpu.memory_space<vmem>>
      %dma_start3A_616 = arith.constant 0 : i32
      %dma_start3A_617 = arith.constant 0 : i32
      %dma_start3A_618 = tpu.memref_slice %arg16[%dma_start3A_616, %dma_start3A_617] : memref<10240x128xf32, #tpu.memory_space<vmem_shared>> -> memref<10240x128xf32, #tpu.memory_space<vmem_shared>>
      tpu.enqueue_indirect_dma source(%arg13 : memref<80x128xf32, #tpu.memory_space<vmem>>) target(%dma_start3A_618 : memref<10240x128xf32, #tpu.memory_space<vmem_shared>>) offsets(%dma_start3A_615 : memref<80xi32, #tpu.memory_space<vmem>>) semaphore(%arg20 : memref<!tpu.dma_semaphore, #tpu.memory_space<semaphore_mem>>) {add = true}
      %dma_wait3A_619 = arith.constant 9 : i32
      %dma_wait3A_620 = arith.constant 0 : i32
      %dma_wait3A_621 = tpu.memref_slice %arg11[%dma_wait3A_619, %dma_wait3A_620] : memref<25x80xi32, #tpu.memory_space<vmem>> -> memref<1x80xi32, #tpu.memory_space<vmem>>
      %dma_wait3A_622 = tpu.memref_squeeze %dma_wait3A_621 : memref<1x80xi32, #tpu.memory_space<vmem>> -> memref<80xi32, #tpu.memory_space<vmem>>
      %dma_wait3A_623 = arith.constant 0 : i32
      %dma_wait3A_624 = arith.constant 0 : i32
      %dma_wait3A_625 = tpu.memref_slice %arg16[%dma_wait3A_623, %dma_wait3A_624] : memref<10240x128xf32, #tpu.memory_space<vmem_shared>> -> memref<10240x128xf32, #tpu.memory_space<vmem_shared>>
      tpu.wait_indirect_dma semaphore(%arg20 : memref<!tpu.dma_semaphore, #tpu.memory_space<semaphore_mem>>) src(%arg13 : memref<80x128xf32, #tpu.memory_space<vmem>>) dst(%dma_wait3A_625 : memref<10240x128xf32, #tpu.memory_space<vmem_shared>>)
      %dma_start3A_626 = arith.constant 12 : i32
      %dma_start3A_627 = arith.constant 0 : i32
      %dma_start3A_628 = tpu.memref_slice %arg10[%dma_start3A_626, %dma_start3A_627] : memref<25x80xi32, #tpu.memory_space<vmem>> -> memref<1x80xi32, #tpu.memory_space<vmem>>
      %dma_start3A_629 = tpu.memref_squeeze %dma_start3A_628 : memref<1x80xi32, #tpu.memory_space<vmem>> -> memref<80xi32, #tpu.memory_space<vmem>>
      %dma_start3A_630 = arith.constant 0 : i32
      %dma_start3A_631 = arith.constant 0 : i32
      %dma_start3A_632 = tpu.memref_slice %arg2[%dma_start3A_630, %dma_start3A_631] : memref<10000x128xf32, #tpu.memory_space<hbm>> -> memref<10000x128xf32, #tpu.memory_space<hbm>>
      tpu.enqueue_indirect_dma source(%dma_start3A_632 : memref<10000x128xf32, #tpu.memory_space<hbm>>) target(%arg13 : memref<80x128xf32, #tpu.memory_space<vmem>>) offsets(%dma_start3A_629 : memref<80xi32, #tpu.memory_space<vmem>>) semaphore(%arg17 : memref<!tpu.dma_semaphore, #tpu.memory_space<semaphore_mem>>)
      %dma_wait3A_633 = arith.constant 10 : i32
      %dma_wait3A_634 = arith.constant 0 : i32
      %dma_wait3A_635 = tpu.memref_slice %arg10[%dma_wait3A_633, %dma_wait3A_634] : memref<25x80xi32, #tpu.memory_space<vmem>> -> memref<1x80xi32, #tpu.memory_space<vmem>>
      %dma_wait3A_636 = tpu.memref_squeeze %dma_wait3A_635 : memref<1x80xi32, #tpu.memory_space<vmem>> -> memref<80xi32, #tpu.memory_space<vmem>>
      %dma_wait3A_637 = arith.constant 0 : i32
      %dma_wait3A_638 = arith.constant 0 : i32
      %dma_wait3A_639 = tpu.memref_slice %arg2[%dma_wait3A_637, %dma_wait3A_638] : memref<10000x128xf32, #tpu.memory_space<hbm>> -> memref<10000x128xf32, #tpu.memory_space<hbm>>
      tpu.wait_indirect_dma semaphore(%arg18 : memref<!tpu.dma_semaphore, #tpu.memory_space<semaphore_mem>>) src(%dma_wait3A_639 : memref<10000x128xf32, #tpu.memory_space<hbm>>) dst(%arg14 : memref<80x128xf32, #tpu.memory_space<vmem>>)
      %dma_start3A_640 = arith.constant 10 : i32
      %dma_start3A_641 = arith.constant 0 : i32
      %dma_start3A_642 = tpu.memref_slice %arg11[%dma_start3A_640, %dma_start3A_641] : memref<25x80xi32, #tpu.memory_space<vmem>> -> memref<1x80xi32, #tpu.memory_space<vmem>>
      %dma_start3A_643 = tpu.memref_squeeze %dma_start3A_642 : memref<1x80xi32, #tpu.memory_space<vmem>> -> memref<80xi32, #tpu.memory_space<vmem>>
      %dma_start3A_644 = arith.constant 0 : i32
      %dma_start3A_645 = arith.constant 0 : i32
      %dma_start3A_646 = tpu.memref_slice %arg16[%dma_start3A_644, %dma_start3A_645] : memref<10240x128xf32, #tpu.memory_space<vmem_shared>> -> memref<10240x128xf32, #tpu.memory_space<vmem_shared>>
      tpu.enqueue_indirect_dma source(%arg14 : memref<80x128xf32, #tpu.memory_space<vmem>>) target(%dma_start3A_646 : memref<10240x128xf32, #tpu.memory_space<vmem_shared>>) offsets(%dma_start3A_643 : memref<80xi32, #tpu.memory_space<vmem>>) semaphore(%arg21 : memref<!tpu.dma_semaphore, #tpu.memory_space<semaphore_mem>>) {add = true}
      %dma_wait3A_647 = arith.constant 10 : i32
      %dma_wait3A_648 = arith.constant 0 : i32
      %dma_wait3A_649 = tpu.memref_slice %arg11[%dma_wait3A_647, %dma_wait3A_648] : memref<25x80xi32, #tpu.memory_space<vmem>> -> memref<1x80xi32, #tpu.memory_space<vmem>>
      %dma_wait3A_650 = tpu.memref_squeeze %dma_wait3A_649 : memref<1x80xi32, #tpu.memory_space<vmem>> -> memref<80xi32, #tpu.memory_space<vmem>>
      %dma_wait3A_651 = arith.constant 0 : i32
      %dma_wait3A_652 = arith.constant 0 : i32
      %dma_wait3A_653 = tpu.memref_slice %arg16[%dma_wait3A_651, %dma_wait3A_652] : memref<10240x128xf32, #tpu.memory_space<vmem_shared>> -> memref<10240x128xf32, #tpu.memory_space<vmem_shared>>
      tpu.wait_indirect_dma semaphore(%arg21 : memref<!tpu.dma_semaphore, #tpu.memory_space<semaphore_mem>>) src(%arg14 : memref<80x128xf32, #tpu.memory_space<vmem>>) dst(%dma_wait3A_653 : memref<10240x128xf32, #tpu.memory_space<vmem_shared>>)
      %dma_start3A_654 = arith.constant 13 : i32
      %dma_start3A_655 = arith.constant 0 : i32
      %dma_start3A_656 = tpu.memref_slice %arg10[%dma_start3A_654, %dma_start3A_655] : memref<25x80xi32, #tpu.memory_space<vmem>> -> memref<1x80xi32, #tpu.memory_space<vmem>>
      %dma_start3A_657 = tpu.memref_squeeze %dma_start3A_656 : memref<1x80xi32, #tpu.memory_space<vmem>> -> memref<80xi32, #tpu.memory_space<vmem>>
      %dma_start3A_658 = arith.constant 0 : i32
      %dma_start3A_659 = arith.constant 0 : i32
      %dma_start3A_660 = tpu.memref_slice %arg2[%dma_start3A_658, %dma_start3A_659] : memref<10000x128xf32, #tpu.memory_space<hbm>> -> memref<10000x128xf32, #tpu.memory_space<hbm>>
      tpu.enqueue_indirect_dma source(%dma_start3A_660 : memref<10000x128xf32, #tpu.memory_space<hbm>>) target(%arg14 : memref<80x128xf32, #tpu.memory_space<vmem>>) offsets(%dma_start3A_657 : memref<80xi32, #tpu.memory_space<vmem>>) semaphore(%arg18 : memref<!tpu.dma_semaphore, #tpu.memory_space<semaphore_mem>>)
      %dma_wait3A_661 = arith.constant 11 : i32
      %dma_wait3A_662 = arith.constant 0 : i32
      %dma_wait3A_663 = tpu.memref_slice %arg10[%dma_wait3A_661, %dma_wait3A_662] : memref<25x80xi32, #tpu.memory_space<vmem>> -> memref<1x80xi32, #tpu.memory_space<vmem>>
      %dma_wait3A_664 = tpu.memref_squeeze %dma_wait3A_663 : memref<1x80xi32, #tpu.memory_space<vmem>> -> memref<80xi32, #tpu.memory_space<vmem>>
      %dma_wait3A_665 = arith.constant 0 : i32
      %dma_wait3A_666 = arith.constant 0 : i32
      %dma_wait3A_667 = tpu.memref_slice %arg2[%dma_wait3A_665, %dma_wait3A_666] : memref<10000x128xf32, #tpu.memory_space<hbm>> -> memref<10000x128xf32, #tpu.memory_space<hbm>>
      tpu.wait_indirect_dma semaphore(%arg19 : memref<!tpu.dma_semaphore, #tpu.memory_space<semaphore_mem>>) src(%dma_wait3A_667 : memref<10000x128xf32, #tpu.memory_space<hbm>>) dst(%arg15 : memref<80x128xf32, #tpu.memory_space<vmem>>)
      %dma_start3A_668 = arith.constant 11 : i32
      %dma_start3A_669 = arith.constant 0 : i32
      %dma_start3A_670 = tpu.memref_slice %arg11[%dma_start3A_668, %dma_start3A_669] : memref<25x80xi32, #tpu.memory_space<vmem>> -> memref<1x80xi32, #tpu.memory_space<vmem>>
      %dma_start3A_671 = tpu.memref_squeeze %dma_start3A_670 : memref<1x80xi32, #tpu.memory_space<vmem>> -> memref<80xi32, #tpu.memory_space<vmem>>
      %dma_start3A_672 = arith.constant 0 : i32
      %dma_start3A_673 = arith.constant 0 : i32
      %dma_start3A_674 = tpu.memref_slice %arg16[%dma_start3A_672, %dma_start3A_673] : memref<10240x128xf32, #tpu.memory_space<vmem_shared>> -> memref<10240x128xf32, #tpu.memory_space<vmem_shared>>
      tpu.enqueue_indirect_dma source(%arg15 : memref<80x128xf32, #tpu.memory_space<vmem>>) target(%dma_start3A_674 : memref<10240x128xf32, #tpu.memory_space<vmem_shared>>) offsets(%dma_start3A_671 : memref<80xi32, #tpu.memory_space<vmem>>) semaphore(%arg22 : memref<!tpu.dma_semaphore, #tpu.memory_space<semaphore_mem>>) {add = true}
      %dma_wait3A_675 = arith.constant 11 : i32
      %dma_wait3A_676 = arith.constant 0 : i32
      %dma_wait3A_677 = tpu.memref_slice %arg11[%dma_wait3A_675, %dma_wait3A_676] : memref<25x80xi32, #tpu.memory_space<vmem>> -> memref<1x80xi32, #tpu.memory_space<vmem>>
      %dma_wait3A_678 = tpu.memref_squeeze %dma_wait3A_677 : memref<1x80xi32, #tpu.memory_space<vmem>> -> memref<80xi32, #tpu.memory_space<vmem>>
      %dma_wait3A_679 = arith.constant 0 : i32
      %dma_wait3A_680 = arith.constant 0 : i32
      %dma_wait3A_681 = tpu.memref_slice %arg16[%dma_wait3A_679, %dma_wait3A_680] : memref<10240x128xf32, #tpu.memory_space<vmem_shared>> -> memref<10240x128xf32, #tpu.memory_space<vmem_shared>>
      tpu.wait_indirect_dma semaphore(%arg22 : memref<!tpu.dma_semaphore, #tpu.memory_space<semaphore_mem>>) src(%arg15 : memref<80x128xf32, #tpu.memory_space<vmem>>) dst(%dma_wait3A_681 : memref<10240x128xf32, #tpu.memory_space<vmem_shared>>)
      %dma_start3A_682 = arith.constant 14 : i32
      %dma_start3A_683 = arith.constant 0 : i32
      %dma_start3A_684 = tpu.memref_slice %arg10[%dma_start3A_682, %dma_start3A_683] : memref<25x80xi32, #tpu.memory_space<vmem>> -> memref<1x80xi32, #tpu.memory_space<vmem>>
      %dma_start3A_685 = tpu.memref_squeeze %dma_start3A_684 : memref<1x80xi32, #tpu.memory_space<vmem>> -> memref<80xi32, #tpu.memory_space<vmem>>
      %dma_start3A_686 = arith.constant 0 : i32
      %dma_start3A_687 = arith.constant 0 : i32
      %dma_start3A_688 = tpu.memref_slice %arg2[%dma_start3A_686, %dma_start3A_687] : memref<10000x128xf32, #tpu.memory_space<hbm>> -> memref<10000x128xf32, #tpu.memory_space<hbm>>
      tpu.enqueue_indirect_dma source(%dma_start3A_688 : memref<10000x128xf32, #tpu.memory_space<hbm>>) target(%arg15 : memref<80x128xf32, #tpu.memory_space<vmem>>) offsets(%dma_start3A_685 : memref<80xi32, #tpu.memory_space<vmem>>) semaphore(%arg19 : memref<!tpu.dma_semaphore, #tpu.memory_space<semaphore_mem>>)
      %dma_wait3A_689 = arith.constant 12 : i32
      %dma_wait3A_690 = arith.constant 0 : i32
      %dma_wait3A_691 = tpu.memref_slice %arg10[%dma_wait3A_689, %dma_wait3A_690] : memref<25x80xi32, #tpu.memory_space<vmem>> -> memref<1x80xi32, #tpu.memory_space<vmem>>
      %dma_wait3A_692 = tpu.memref_squeeze %dma_wait3A_691 : memref<1x80xi32, #tpu.memory_space<vmem>> -> memref<80xi32, #tpu.memory_space<vmem>>
      %dma_wait3A_693 = arith.constant 0 : i32
      %dma_wait3A_694 = arith.constant 0 : i32
      %dma_wait3A_695 = tpu.memref_slice %arg2[%dma_wait3A_693, %dma_wait3A_694] : memref<10000x128xf32, #tpu.memory_space<hbm>> -> memref<10000x128xf32, #tpu.memory_space<hbm>>
      tpu.wait_indirect_dma semaphore(%arg17 : memref<!tpu.dma_semaphore, #tpu.memory_space<semaphore_mem>>) src(%dma_wait3A_695 : memref<10000x128xf32, #tpu.memory_space<hbm>>) dst(%arg13 : memref<80x128xf32, #tpu.memory_space<vmem>>)
      %dma_start3A_696 = arith.constant 12 : i32
      %dma_start3A_697 = arith.constant 0 : i32
      %dma_start3A_698 = tpu.memref_slice %arg11[%dma_start3A_696, %dma_start3A_697] : memref<25x80xi32, #tpu.memory_space<vmem>> -> memref<1x80xi32, #tpu.memory_space<vmem>>
      %dma_start3A_699 = tpu.memref_squeeze %dma_start3A_698 : memref<1x80xi32, #tpu.memory_space<vmem>> -> memref<80xi32, #tpu.memory_space<vmem>>
      %dma_start3A_700 = arith.constant 0 : i32
      %dma_start3A_701 = arith.constant 0 : i32
      %dma_start3A_702 = tpu.memref_slice %arg16[%dma_start3A_700, %dma_start3A_701] : memref<10240x128xf32, #tpu.memory_space<vmem_shared>> -> memref<10240x128xf32, #tpu.memory_space<vmem_shared>>
      tpu.enqueue_indirect_dma source(%arg13 : memref<80x128xf32, #tpu.memory_space<vmem>>) target(%dma_start3A_702 : memref<10240x128xf32, #tpu.memory_space<vmem_shared>>) offsets(%dma_start3A_699 : memref<80xi32, #tpu.memory_space<vmem>>) semaphore(%arg20 : memref<!tpu.dma_semaphore, #tpu.memory_space<semaphore_mem>>) {add = true}
      %dma_wait3A_703 = arith.constant 12 : i32
      %dma_wait3A_704 = arith.constant 0 : i32
      %dma_wait3A_705 = tpu.memref_slice %arg11[%dma_wait3A_703, %dma_wait3A_704] : memref<25x80xi32, #tpu.memory_space<vmem>> -> memref<1x80xi32, #tpu.memory_space<vmem>>
      %dma_wait3A_706 = tpu.memref_squeeze %dma_wait3A_705 : memref<1x80xi32, #tpu.memory_space<vmem>> -> memref<80xi32, #tpu.memory_space<vmem>>
      %dma_wait3A_707 = arith.constant 0 : i32
      %dma_wait3A_708 = arith.constant 0 : i32
      %dma_wait3A_709 = tpu.memref_slice %arg16[%dma_wait3A_707, %dma_wait3A_708] : memref<10240x128xf32, #tpu.memory_space<vmem_shared>> -> memref<10240x128xf32, #tpu.memory_space<vmem_shared>>
      tpu.wait_indirect_dma semaphore(%arg20 : memref<!tpu.dma_semaphore, #tpu.memory_space<semaphore_mem>>) src(%arg13 : memref<80x128xf32, #tpu.memory_space<vmem>>) dst(%dma_wait3A_709 : memref<10240x128xf32, #tpu.memory_space<vmem_shared>>)
      %dma_start3A_710 = arith.constant 15 : i32
      %dma_start3A_711 = arith.constant 0 : i32
      %dma_start3A_712 = tpu.memref_slice %arg10[%dma_start3A_710, %dma_start3A_711] : memref<25x80xi32, #tpu.memory_space<vmem>> -> memref<1x80xi32, #tpu.memory_space<vmem>>
      %dma_start3A_713 = tpu.memref_squeeze %dma_start3A_712 : memref<1x80xi32, #tpu.memory_space<vmem>> -> memref<80xi32, #tpu.memory_space<vmem>>
      %dma_start3A_714 = arith.constant 0 : i32
      %dma_start3A_715 = arith.constant 0 : i32
      %dma_start3A_716 = tpu.memref_slice %arg2[%dma_start3A_714, %dma_start3A_715] : memref<10000x128xf32, #tpu.memory_space<hbm>> -> memref<10000x128xf32, #tpu.memory_space<hbm>>
      tpu.enqueue_indirect_dma source(%dma_start3A_716 : memref<10000x128xf32, #tpu.memory_space<hbm>>) target(%arg13 : memref<80x128xf32, #tpu.memory_space<vmem>>) offsets(%dma_start3A_713 : memref<80xi32, #tpu.memory_space<vmem>>) semaphore(%arg17 : memref<!tpu.dma_semaphore, #tpu.memory_space<semaphore_mem>>)
      %dma_wait3A_717 = arith.constant 13 : i32
      %dma_wait3A_718 = arith.constant 0 : i32
      %dma_wait3A_719 = tpu.memref_slice %arg10[%dma_wait3A_717, %dma_wait3A_718] : memref<25x80xi32, #tpu.memory_space<vmem>> -> memref<1x80xi32, #tpu.memory_space<vmem>>
      %dma_wait3A_720 = tpu.memref_squeeze %dma_wait3A_719 : memref<1x80xi32, #tpu.memory_space<vmem>> -> memref<80xi32, #tpu.memory_space<vmem>>
      %dma_wait3A_721 = arith.constant 0 : i32
      %dma_wait3A_722 = arith.constant 0 : i32
      %dma_wait3A_723 = tpu.memref_slice %arg2[%dma_wait3A_721, %dma_wait3A_722] : memref<10000x128xf32, #tpu.memory_space<hbm>> -> memref<10000x128xf32, #tpu.memory_space<hbm>>
      tpu.wait_indirect_dma semaphore(%arg18 : memref<!tpu.dma_semaphore, #tpu.memory_space<semaphore_mem>>) src(%dma_wait3A_723 : memref<10000x128xf32, #tpu.memory_space<hbm>>) dst(%arg14 : memref<80x128xf32, #tpu.memory_space<vmem>>)
      %dma_start3A_724 = arith.constant 13 : i32
      %dma_start3A_725 = arith.constant 0 : i32
      %dma_start3A_726 = tpu.memref_slice %arg11[%dma_start3A_724, %dma_start3A_725] : memref<25x80xi32, #tpu.memory_space<vmem>> -> memref<1x80xi32, #tpu.memory_space<vmem>>
      %dma_start3A_727 = tpu.memref_squeeze %dma_start3A_726 : memref<1x80xi32, #tpu.memory_space<vmem>> -> memref<80xi32, #tpu.memory_space<vmem>>
      %dma_start3A_728 = arith.constant 0 : i32
      %dma_start3A_729 = arith.constant 0 : i32
      %dma_start3A_730 = tpu.memref_slice %arg16[%dma_start3A_728, %dma_start3A_729] : memref<10240x128xf32, #tpu.memory_space<vmem_shared>> -> memref<10240x128xf32, #tpu.memory_space<vmem_shared>>
      tpu.enqueue_indirect_dma source(%arg14 : memref<80x128xf32, #tpu.memory_space<vmem>>) target(%dma_start3A_730 : memref<10240x128xf32, #tpu.memory_space<vmem_shared>>) offsets(%dma_start3A_727 : memref<80xi32, #tpu.memory_space<vmem>>) semaphore(%arg21 : memref<!tpu.dma_semaphore, #tpu.memory_space<semaphore_mem>>) {add = true}
      %dma_wait3A_731 = arith.constant 13 : i32
      %dma_wait3A_732 = arith.constant 0 : i32
      %dma_wait3A_733 = tpu.memref_slice %arg11[%dma_wait3A_731, %dma_wait3A_732] : memref<25x80xi32, #tpu.memory_space<vmem>> -> memref<1x80xi32, #tpu.memory_space<vmem>>
      %dma_wait3A_734 = tpu.memref_squeeze %dma_wait3A_733 : memref<1x80xi32, #tpu.memory_space<vmem>> -> memref<80xi32, #tpu.memory_space<vmem>>
      %dma_wait3A_735 = arith.constant 0 : i32
      %dma_wait3A_736 = arith.constant 0 : i32
      %dma_wait3A_737 = tpu.memref_slice %arg16[%dma_wait3A_735, %dma_wait3A_736] : memref<10240x128xf32, #tpu.memory_space<vmem_shared>> -> memref<10240x128xf32, #tpu.memory_space<vmem_shared>>
      tpu.wait_indirect_dma semaphore(%arg21 : memref<!tpu.dma_semaphore, #tpu.memory_space<semaphore_mem>>) src(%arg14 : memref<80x128xf32, #tpu.memory_space<vmem>>) dst(%dma_wait3A_737 : memref<10240x128xf32, #tpu.memory_space<vmem_shared>>)
      %dma_start3A_738 = arith.constant 16 : i32
      %dma_start3A_739 = arith.constant 0 : i32
      %dma_start3A_740 = tpu.memref_slice %arg10[%dma_start3A_738, %dma_start3A_739] : memref<25x80xi32, #tpu.memory_space<vmem>> -> memref<1x80xi32, #tpu.memory_space<vmem>>
      %dma_start3A_741 = tpu.memref_squeeze %dma_start3A_740 : memref<1x80xi32, #tpu.memory_space<vmem>> -> memref<80xi32, #tpu.memory_space<vmem>>
      %dma_start3A_742 = arith.constant 0 : i32
      %dma_start3A_743 = arith.constant 0 : i32
      %dma_start3A_744 = tpu.memref_slice %arg2[%dma_start3A_742, %dma_start3A_743] : memref<10000x128xf32, #tpu.memory_space<hbm>> -> memref<10000x128xf32, #tpu.memory_space<hbm>>
      tpu.enqueue_indirect_dma source(%dma_start3A_744 : memref<10000x128xf32, #tpu.memory_space<hbm>>) target(%arg14 : memref<80x128xf32, #tpu.memory_space<vmem>>) offsets(%dma_start3A_741 : memref<80xi32, #tpu.memory_space<vmem>>) semaphore(%arg18 : memref<!tpu.dma_semaphore, #tpu.memory_space<semaphore_mem>>)
      %dma_wait3A_745 = arith.constant 14 : i32
      %dma_wait3A_746 = arith.constant 0 : i32
      %dma_wait3A_747 = tpu.memref_slice %arg10[%dma_wait3A_745, %dma_wait3A_746] : memref<25x80xi32, #tpu.memory_space<vmem>> -> memref<1x80xi32, #tpu.memory_space<vmem>>
      %dma_wait3A_748 = tpu.memref_squeeze %dma_wait3A_747 : memref<1x80xi32, #tpu.memory_space<vmem>> -> memref<80xi32, #tpu.memory_space<vmem>>
      %dma_wait3A_749 = arith.constant 0 : i32
      %dma_wait3A_750 = arith.constant 0 : i32
      %dma_wait3A_751 = tpu.memref_slice %arg2[%dma_wait3A_749, %dma_wait3A_750] : memref<10000x128xf32, #tpu.memory_space<hbm>> -> memref<10000x128xf32, #tpu.memory_space<hbm>>
      tpu.wait_indirect_dma semaphore(%arg19 : memref<!tpu.dma_semaphore, #tpu.memory_space<semaphore_mem>>) src(%dma_wait3A_751 : memref<10000x128xf32, #tpu.memory_space<hbm>>) dst(%arg15 : memref<80x128xf32, #tpu.memory_space<vmem>>)
      %dma_start3A_752 = arith.constant 14 : i32
      %dma_start3A_753 = arith.constant 0 : i32
      %dma_start3A_754 = tpu.memref_slice %arg11[%dma_start3A_752, %dma_start3A_753] : memref<25x80xi32, #tpu.memory_space<vmem>> -> memref<1x80xi32, #tpu.memory_space<vmem>>
      %dma_start3A_755 = tpu.memref_squeeze %dma_start3A_754 : memref<1x80xi32, #tpu.memory_space<vmem>> -> memref<80xi32, #tpu.memory_space<vmem>>
      %dma_start3A_756 = arith.constant 0 : i32
      %dma_start3A_757 = arith.constant 0 : i32
      %dma_start3A_758 = tpu.memref_slice %arg16[%dma_start3A_756, %dma_start3A_757] : memref<10240x128xf32, #tpu.memory_space<vmem_shared>> -> memref<10240x128xf32, #tpu.memory_space<vmem_shared>>
      tpu.enqueue_indirect_dma source(%arg15 : memref<80x128xf32, #tpu.memory_space<vmem>>) target(%dma_start3A_758 : memref<10240x128xf32, #tpu.memory_space<vmem_shared>>) offsets(%dma_start3A_755 : memref<80xi32, #tpu.memory_space<vmem>>) semaphore(%arg22 : memref<!tpu.dma_semaphore, #tpu.memory_space<semaphore_mem>>) {add = true}
      %dma_wait3A_759 = arith.constant 14 : i32
      %dma_wait3A_760 = arith.constant 0 : i32
      %dma_wait3A_761 = tpu.memref_slice %arg11[%dma_wait3A_759, %dma_wait3A_760] : memref<25x80xi32, #tpu.memory_space<vmem>> -> memref<1x80xi32, #tpu.memory_space<vmem>>
      %dma_wait3A_762 = tpu.memref_squeeze %dma_wait3A_761 : memref<1x80xi32, #tpu.memory_space<vmem>> -> memref<80xi32, #tpu.memory_space<vmem>>
      %dma_wait3A_763 = arith.constant 0 : i32
      %dma_wait3A_764 = arith.constant 0 : i32
      %dma_wait3A_765 = tpu.memref_slice %arg16[%dma_wait3A_763, %dma_wait3A_764] : memref<10240x128xf32, #tpu.memory_space<vmem_shared>> -> memref<10240x128xf32, #tpu.memory_space<vmem_shared>>
      tpu.wait_indirect_dma semaphore(%arg22 : memref<!tpu.dma_semaphore, #tpu.memory_space<semaphore_mem>>) src(%arg15 : memref<80x128xf32, #tpu.memory_space<vmem>>) dst(%dma_wait3A_765 : memref<10240x128xf32, #tpu.memory_space<vmem_shared>>)
      %dma_start3A_766 = arith.constant 17 : i32
      %dma_start3A_767 = arith.constant 0 : i32
      %dma_start3A_768 = tpu.memref_slice %arg10[%dma_start3A_766, %dma_start3A_767] : memref<25x80xi32, #tpu.memory_space<vmem>> -> memref<1x80xi32, #tpu.memory_space<vmem>>
      %dma_start3A_769 = tpu.memref_squeeze %dma_start3A_768 : memref<1x80xi32, #tpu.memory_space<vmem>> -> memref<80xi32, #tpu.memory_space<vmem>>
      %dma_start3A_770 = arith.constant 0 : i32
      %dma_start3A_771 = arith.constant 0 : i32
      %dma_start3A_772 = tpu.memref_slice %arg2[%dma_start3A_770, %dma_start3A_771] : memref<10000x128xf32, #tpu.memory_space<hbm>> -> memref<10000x128xf32, #tpu.memory_space<hbm>>
      tpu.enqueue_indirect_dma source(%dma_start3A_772 : memref<10000x128xf32, #tpu.memory_space<hbm>>) target(%arg15 : memref<80x128xf32, #tpu.memory_space<vmem>>) offsets(%dma_start3A_769 : memref<80xi32, #tpu.memory_space<vmem>>) semaphore(%arg19 : memref<!tpu.dma_semaphore, #tpu.memory_space<semaphore_mem>>)
      %dma_wait3A_773 = arith.constant 15 : i32
      %dma_wait3A_774 = arith.constant 0 : i32
      %dma_wait3A_775 = tpu.memref_slice %arg10[%dma_wait3A_773, %dma_wait3A_774] : memref<25x80xi32, #tpu.memory_space<vmem>> -> memref<1x80xi32, #tpu.memory_space<vmem>>
      %dma_wait3A_776 = tpu.memref_squeeze %dma_wait3A_775 : memref<1x80xi32, #tpu.memory_space<vmem>> -> memref<80xi32, #tpu.memory_space<vmem>>
      %dma_wait3A_777 = arith.constant 0 : i32
      %dma_wait3A_778 = arith.constant 0 : i32
      %dma_wait3A_779 = tpu.memref_slice %arg2[%dma_wait3A_777, %dma_wait3A_778] : memref<10000x128xf32, #tpu.memory_space<hbm>> -> memref<10000x128xf32, #tpu.memory_space<hbm>>
      tpu.wait_indirect_dma semaphore(%arg17 : memref<!tpu.dma_semaphore, #tpu.memory_space<semaphore_mem>>) src(%dma_wait3A_779 : memref<10000x128xf32, #tpu.memory_space<hbm>>) dst(%arg13 : memref<80x128xf32, #tpu.memory_space<vmem>>)
      %dma_start3A_780 = arith.constant 15 : i32
      %dma_start3A_781 = arith.constant 0 : i32
      %dma_start3A_782 = tpu.memref_slice %arg11[%dma_start3A_780, %dma_start3A_781] : memref<25x80xi32, #tpu.memory_space<vmem>> -> memref<1x80xi32, #tpu.memory_space<vmem>>
      %dma_start3A_783 = tpu.memref_squeeze %dma_start3A_782 : memref<1x80xi32, #tpu.memory_space<vmem>> -> memref<80xi32, #tpu.memory_space<vmem>>
      %dma_start3A_784 = arith.constant 0 : i32
      %dma_start3A_785 = arith.constant 0 : i32
      %dma_start3A_786 = tpu.memref_slice %arg16[%dma_start3A_784, %dma_start3A_785] : memref<10240x128xf32, #tpu.memory_space<vmem_shared>> -> memref<10240x128xf32, #tpu.memory_space<vmem_shared>>
      tpu.enqueue_indirect_dma source(%arg13 : memref<80x128xf32, #tpu.memory_space<vmem>>) target(%dma_start3A_786 : memref<10240x128xf32, #tpu.memory_space<vmem_shared>>) offsets(%dma_start3A_783 : memref<80xi32, #tpu.memory_space<vmem>>) semaphore(%arg20 : memref<!tpu.dma_semaphore, #tpu.memory_space<semaphore_mem>>) {add = true}
      %dma_wait3A_787 = arith.constant 15 : i32
      %dma_wait3A_788 = arith.constant 0 : i32
      %dma_wait3A_789 = tpu.memref_slice %arg11[%dma_wait3A_787, %dma_wait3A_788] : memref<25x80xi32, #tpu.memory_space<vmem>> -> memref<1x80xi32, #tpu.memory_space<vmem>>
      %dma_wait3A_790 = tpu.memref_squeeze %dma_wait3A_789 : memref<1x80xi32, #tpu.memory_space<vmem>> -> memref<80xi32, #tpu.memory_space<vmem>>
      %dma_wait3A_791 = arith.constant 0 : i32
      %dma_wait3A_792 = arith.constant 0 : i32
      %dma_wait3A_793 = tpu.memref_slice %arg16[%dma_wait3A_791, %dma_wait3A_792] : memref<10240x128xf32, #tpu.memory_space<vmem_shared>> -> memref<10240x128xf32, #tpu.memory_space<vmem_shared>>
      tpu.wait_indirect_dma semaphore(%arg20 : memref<!tpu.dma_semaphore, #tpu.memory_space<semaphore_mem>>) src(%arg13 : memref<80x128xf32, #tpu.memory_space<vmem>>) dst(%dma_wait3A_793 : memref<10240x128xf32, #tpu.memory_space<vmem_shared>>)
      %dma_start3A_794 = arith.constant 18 : i32
      %dma_start3A_795 = arith.constant 0 : i32
      %dma_start3A_796 = tpu.memref_slice %arg10[%dma_start3A_794, %dma_start3A_795] : memref<25x80xi32, #tpu.memory_space<vmem>> -> memref<1x80xi32, #tpu.memory_space<vmem>>
      %dma_start3A_797 = tpu.memref_squeeze %dma_start3A_796 : memref<1x80xi32, #tpu.memory_space<vmem>> -> memref<80xi32, #tpu.memory_space<vmem>>
      %dma_start3A_798 = arith.constant 0 : i32
      %dma_start3A_799 = arith.constant 0 : i32
      %dma_start3A_800 = tpu.memref_slice %arg2[%dma_start3A_798, %dma_start3A_799] : memref<10000x128xf32, #tpu.memory_space<hbm>> -> memref<10000x128xf32, #tpu.memory_space<hbm>>
      tpu.enqueue_indirect_dma source(%dma_start3A_800 : memref<10000x128xf32, #tpu.memory_space<hbm>>) target(%arg13 : memref<80x128xf32, #tpu.memory_space<vmem>>) offsets(%dma_start3A_797 : memref<80xi32, #tpu.memory_space<vmem>>) semaphore(%arg17 : memref<!tpu.dma_semaphore, #tpu.memory_space<semaphore_mem>>)
      %dma_wait3A_801 = arith.constant 16 : i32
      %dma_wait3A_802 = arith.constant 0 : i32
      %dma_wait3A_803 = tpu.memref_slice %arg10[%dma_wait3A_801, %dma_wait3A_802] : memref<25x80xi32, #tpu.memory_space<vmem>> -> memref<1x80xi32, #tpu.memory_space<vmem>>
      %dma_wait3A_804 = tpu.memref_squeeze %dma_wait3A_803 : memref<1x80xi32, #tpu.memory_space<vmem>> -> memref<80xi32, #tpu.memory_space<vmem>>
      %dma_wait3A_805 = arith.constant 0 : i32
      %dma_wait3A_806 = arith.constant 0 : i32
      %dma_wait3A_807 = tpu.memref_slice %arg2[%dma_wait3A_805, %dma_wait3A_806] : memref<10000x128xf32, #tpu.memory_space<hbm>> -> memref<10000x128xf32, #tpu.memory_space<hbm>>
      tpu.wait_indirect_dma semaphore(%arg18 : memref<!tpu.dma_semaphore, #tpu.memory_space<semaphore_mem>>) src(%dma_wait3A_807 : memref<10000x128xf32, #tpu.memory_space<hbm>>) dst(%arg14 : memref<80x128xf32, #tpu.memory_space<vmem>>)
      %dma_start3A_808 = arith.constant 16 : i32
      %dma_start3A_809 = arith.constant 0 : i32
      %dma_start3A_810 = tpu.memref_slice %arg11[%dma_start3A_808, %dma_start3A_809] : memref<25x80xi32, #tpu.memory_space<vmem>> -> memref<1x80xi32, #tpu.memory_space<vmem>>
      %dma_start3A_811 = tpu.memref_squeeze %dma_start3A_810 : memref<1x80xi32, #tpu.memory_space<vmem>> -> memref<80xi32, #tpu.memory_space<vmem>>
      %dma_start3A_812 = arith.constant 0 : i32
      %dma_start3A_813 = arith.constant 0 : i32
      %dma_start3A_814 = tpu.memref_slice %arg16[%dma_start3A_812, %dma_start3A_813] : memref<10240x128xf32, #tpu.memory_space<vmem_shared>> -> memref<10240x128xf32, #tpu.memory_space<vmem_shared>>
      tpu.enqueue_indirect_dma source(%arg14 : memref<80x128xf32, #tpu.memory_space<vmem>>) target(%dma_start3A_814 : memref<10240x128xf32, #tpu.memory_space<vmem_shared>>) offsets(%dma_start3A_811 : memref<80xi32, #tpu.memory_space<vmem>>) semaphore(%arg21 : memref<!tpu.dma_semaphore, #tpu.memory_space<semaphore_mem>>) {add = true}
      %dma_wait3A_815 = arith.constant 16 : i32
      %dma_wait3A_816 = arith.constant 0 : i32
      %dma_wait3A_817 = tpu.memref_slice %arg11[%dma_wait3A_815, %dma_wait3A_816] : memref<25x80xi32, #tpu.memory_space<vmem>> -> memref<1x80xi32, #tpu.memory_space<vmem>>
      %dma_wait3A_818 = tpu.memref_squeeze %dma_wait3A_817 : memref<1x80xi32, #tpu.memory_space<vmem>> -> memref<80xi32, #tpu.memory_space<vmem>>
      %dma_wait3A_819 = arith.constant 0 : i32
      %dma_wait3A_820 = arith.constant 0 : i32
      %dma_wait3A_821 = tpu.memref_slice %arg16[%dma_wait3A_819, %dma_wait3A_820] : memref<10240x128xf32, #tpu.memory_space<vmem_shared>> -> memref<10240x128xf32, #tpu.memory_space<vmem_shared>>
      tpu.wait_indirect_dma semaphore(%arg21 : memref<!tpu.dma_semaphore, #tpu.memory_space<semaphore_mem>>) src(%arg14 : memref<80x128xf32, #tpu.memory_space<vmem>>) dst(%dma_wait3A_821 : memref<10240x128xf32, #tpu.memory_space<vmem_shared>>)
      %dma_start3A_822 = arith.constant 19 : i32
      %dma_start3A_823 = arith.constant 0 : i32
      %dma_start3A_824 = tpu.memref_slice %arg10[%dma_start3A_822, %dma_start3A_823] : memref<25x80xi32, #tpu.memory_space<vmem>> -> memref<1x80xi32, #tpu.memory_space<vmem>>
      %dma_start3A_825 = tpu.memref_squeeze %dma_start3A_824 : memref<1x80xi32, #tpu.memory_space<vmem>> -> memref<80xi32, #tpu.memory_space<vmem>>
      %dma_start3A_826 = arith.constant 0 : i32
      %dma_start3A_827 = arith.constant 0 : i32
      %dma_start3A_828 = tpu.memref_slice %arg2[%dma_start3A_826, %dma_start3A_827] : memref<10000x128xf32, #tpu.memory_space<hbm>> -> memref<10000x128xf32, #tpu.memory_space<hbm>>
      tpu.enqueue_indirect_dma source(%dma_start3A_828 : memref<10000x128xf32, #tpu.memory_space<hbm>>) target(%arg14 : memref<80x128xf32, #tpu.memory_space<vmem>>) offsets(%dma_start3A_825 : memref<80xi32, #tpu.memory_space<vmem>>) semaphore(%arg18 : memref<!tpu.dma_semaphore, #tpu.memory_space<semaphore_mem>>)
      %dma_wait3A_829 = arith.constant 17 : i32
      %dma_wait3A_830 = arith.constant 0 : i32
      %dma_wait3A_831 = tpu.memref_slice %arg10[%dma_wait3A_829, %dma_wait3A_830] : memref<25x80xi32, #tpu.memory_space<vmem>> -> memref<1x80xi32, #tpu.memory_space<vmem>>
      %dma_wait3A_832 = tpu.memref_squeeze %dma_wait3A_831 : memref<1x80xi32, #tpu.memory_space<vmem>> -> memref<80xi32, #tpu.memory_space<vmem>>
      %dma_wait3A_833 = arith.constant 0 : i32
      %dma_wait3A_834 = arith.constant 0 : i32
      %dma_wait3A_835 = tpu.memref_slice %arg2[%dma_wait3A_833, %dma_wait3A_834] : memref<10000x128xf32, #tpu.memory_space<hbm>> -> memref<10000x128xf32, #tpu.memory_space<hbm>>
      tpu.wait_indirect_dma semaphore(%arg19 : memref<!tpu.dma_semaphore, #tpu.memory_space<semaphore_mem>>) src(%dma_wait3A_835 : memref<10000x128xf32, #tpu.memory_space<hbm>>) dst(%arg15 : memref<80x128xf32, #tpu.memory_space<vmem>>)
      %dma_start3A_836 = arith.constant 17 : i32
      %dma_start3A_837 = arith.constant 0 : i32
      %dma_start3A_838 = tpu.memref_slice %arg11[%dma_start3A_836, %dma_start3A_837] : memref<25x80xi32, #tpu.memory_space<vmem>> -> memref<1x80xi32, #tpu.memory_space<vmem>>
      %dma_start3A_839 = tpu.memref_squeeze %dma_start3A_838 : memref<1x80xi32, #tpu.memory_space<vmem>> -> memref<80xi32, #tpu.memory_space<vmem>>
      %dma_start3A_840 = arith.constant 0 : i32
      %dma_start3A_841 = arith.constant 0 : i32
      %dma_start3A_842 = tpu.memref_slice %arg16[%dma_start3A_840, %dma_start3A_841] : memref<10240x128xf32, #tpu.memory_space<vmem_shared>> -> memref<10240x128xf32, #tpu.memory_space<vmem_shared>>
      tpu.enqueue_indirect_dma source(%arg15 : memref<80x128xf32, #tpu.memory_space<vmem>>) target(%dma_start3A_842 : memref<10240x128xf32, #tpu.memory_space<vmem_shared>>) offsets(%dma_start3A_839 : memref<80xi32, #tpu.memory_space<vmem>>) semaphore(%arg22 : memref<!tpu.dma_semaphore, #tpu.memory_space<semaphore_mem>>) {add = true}
      %dma_wait3A_843 = arith.constant 17 : i32
      %dma_wait3A_844 = arith.constant 0 : i32
      %dma_wait3A_845 = tpu.memref_slice %arg11[%dma_wait3A_843, %dma_wait3A_844] : memref<25x80xi32, #tpu.memory_space<vmem>> -> memref<1x80xi32, #tpu.memory_space<vmem>>
      %dma_wait3A_846 = tpu.memref_squeeze %dma_wait3A_845 : memref<1x80xi32, #tpu.memory_space<vmem>> -> memref<80xi32, #tpu.memory_space<vmem>>
      %dma_wait3A_847 = arith.constant 0 : i32
      %dma_wait3A_848 = arith.constant 0 : i32
      %dma_wait3A_849 = tpu.memref_slice %arg16[%dma_wait3A_847, %dma_wait3A_848] : memref<10240x128xf32, #tpu.memory_space<vmem_shared>> -> memref<10240x128xf32, #tpu.memory_space<vmem_shared>>
      tpu.wait_indirect_dma semaphore(%arg22 : memref<!tpu.dma_semaphore, #tpu.memory_space<semaphore_mem>>) src(%arg15 : memref<80x128xf32, #tpu.memory_space<vmem>>) dst(%dma_wait3A_849 : memref<10240x128xf32, #tpu.memory_space<vmem_shared>>)
      %dma_start3A_850 = arith.constant 20 : i32
      %dma_start3A_851 = arith.constant 0 : i32
      %dma_start3A_852 = tpu.memref_slice %arg10[%dma_start3A_850, %dma_start3A_851] : memref<25x80xi32, #tpu.memory_space<vmem>> -> memref<1x80xi32, #tpu.memory_space<vmem>>
      %dma_start3A_853 = tpu.memref_squeeze %dma_start3A_852 : memref<1x80xi32, #tpu.memory_space<vmem>> -> memref<80xi32, #tpu.memory_space<vmem>>
      %dma_start3A_854 = arith.constant 0 : i32
      %dma_start3A_855 = arith.constant 0 : i32
      %dma_start3A_856 = tpu.memref_slice %arg2[%dma_start3A_854, %dma_start3A_855] : memref<10000x128xf32, #tpu.memory_space<hbm>> -> memref<10000x128xf32, #tpu.memory_space<hbm>>
      tpu.enqueue_indirect_dma source(%dma_start3A_856 : memref<10000x128xf32, #tpu.memory_space<hbm>>) target(%arg15 : memref<80x128xf32, #tpu.memory_space<vmem>>) offsets(%dma_start3A_853 : memref<80xi32, #tpu.memory_space<vmem>>) semaphore(%arg19 : memref<!tpu.dma_semaphore, #tpu.memory_space<semaphore_mem>>)
      %dma_wait3A_857 = arith.constant 18 : i32
      %dma_wait3A_858 = arith.constant 0 : i32
      %dma_wait3A_859 = tpu.memref_slice %arg10[%dma_wait3A_857, %dma_wait3A_858] : memref<25x80xi32, #tpu.memory_space<vmem>> -> memref<1x80xi32, #tpu.memory_space<vmem>>
      %dma_wait3A_860 = tpu.memref_squeeze %dma_wait3A_859 : memref<1x80xi32, #tpu.memory_space<vmem>> -> memref<80xi32, #tpu.memory_space<vmem>>
      %dma_wait3A_861 = arith.constant 0 : i32
      %dma_wait3A_862 = arith.constant 0 : i32
      %dma_wait3A_863 = tpu.memref_slice %arg2[%dma_wait3A_861, %dma_wait3A_862] : memref<10000x128xf32, #tpu.memory_space<hbm>> -> memref<10000x128xf32, #tpu.memory_space<hbm>>
      tpu.wait_indirect_dma semaphore(%arg17 : memref<!tpu.dma_semaphore, #tpu.memory_space<semaphore_mem>>) src(%dma_wait3A_863 : memref<10000x128xf32, #tpu.memory_space<hbm>>) dst(%arg13 : memref<80x128xf32, #tpu.memory_space<vmem>>)
      %dma_start3A_864 = arith.constant 18 : i32
      %dma_start3A_865 = arith.constant 0 : i32
      %dma_start3A_866 = tpu.memref_slice %arg11[%dma_start3A_864, %dma_start3A_865] : memref<25x80xi32, #tpu.memory_space<vmem>> -> memref<1x80xi32, #tpu.memory_space<vmem>>
      %dma_start3A_867 = tpu.memref_squeeze %dma_start3A_866 : memref<1x80xi32, #tpu.memory_space<vmem>> -> memref<80xi32, #tpu.memory_space<vmem>>
      %dma_start3A_868 = arith.constant 0 : i32
      %dma_start3A_869 = arith.constant 0 : i32
      %dma_start3A_870 = tpu.memref_slice %arg16[%dma_start3A_868, %dma_start3A_869] : memref<10240x128xf32, #tpu.memory_space<vmem_shared>> -> memref<10240x128xf32, #tpu.memory_space<vmem_shared>>
      tpu.enqueue_indirect_dma source(%arg13 : memref<80x128xf32, #tpu.memory_space<vmem>>) target(%dma_start3A_870 : memref<10240x128xf32, #tpu.memory_space<vmem_shared>>) offsets(%dma_start3A_867 : memref<80xi32, #tpu.memory_space<vmem>>) semaphore(%arg20 : memref<!tpu.dma_semaphore, #tpu.memory_space<semaphore_mem>>) {add = true}
      %dma_wait3A_871 = arith.constant 18 : i32
      %dma_wait3A_872 = arith.constant 0 : i32
      %dma_wait3A_873 = tpu.memref_slice %arg11[%dma_wait3A_871, %dma_wait3A_872] : memref<25x80xi32, #tpu.memory_space<vmem>> -> memref<1x80xi32, #tpu.memory_space<vmem>>
      %dma_wait3A_874 = tpu.memref_squeeze %dma_wait3A_873 : memref<1x80xi32, #tpu.memory_space<vmem>> -> memref<80xi32, #tpu.memory_space<vmem>>
      %dma_wait3A_875 = arith.constant 0 : i32
      %dma_wait3A_876 = arith.constant 0 : i32
      %dma_wait3A_877 = tpu.memref_slice %arg16[%dma_wait3A_875, %dma_wait3A_876] : memref<10240x128xf32, #tpu.memory_space<vmem_shared>> -> memref<10240x128xf32, #tpu.memory_space<vmem_shared>>
      tpu.wait_indirect_dma semaphore(%arg20 : memref<!tpu.dma_semaphore, #tpu.memory_space<semaphore_mem>>) src(%arg13 : memref<80x128xf32, #tpu.memory_space<vmem>>) dst(%dma_wait3A_877 : memref<10240x128xf32, #tpu.memory_space<vmem_shared>>)
      %dma_start3A_878 = arith.constant 21 : i32
      %dma_start3A_879 = arith.constant 0 : i32
      %dma_start3A_880 = tpu.memref_slice %arg10[%dma_start3A_878, %dma_start3A_879] : memref<25x80xi32, #tpu.memory_space<vmem>> -> memref<1x80xi32, #tpu.memory_space<vmem>>
      %dma_start3A_881 = tpu.memref_squeeze %dma_start3A_880 : memref<1x80xi32, #tpu.memory_space<vmem>> -> memref<80xi32, #tpu.memory_space<vmem>>
      %dma_start3A_882 = arith.constant 0 : i32
      %dma_start3A_883 = arith.constant 0 : i32
      %dma_start3A_884 = tpu.memref_slice %arg2[%dma_start3A_882, %dma_start3A_883] : memref<10000x128xf32, #tpu.memory_space<hbm>> -> memref<10000x128xf32, #tpu.memory_space<hbm>>
      tpu.enqueue_indirect_dma source(%dma_start3A_884 : memref<10000x128xf32, #tpu.memory_space<hbm>>) target(%arg13 : memref<80x128xf32, #tpu.memory_space<vmem>>) offsets(%dma_start3A_881 : memref<80xi32, #tpu.memory_space<vmem>>) semaphore(%arg17 : memref<!tpu.dma_semaphore, #tpu.memory_space<semaphore_mem>>)
      %dma_wait3A_885 = arith.constant 19 : i32
      %dma_wait3A_886 = arith.constant 0 : i32
      %dma_wait3A_887 = tpu.memref_slice %arg10[%dma_wait3A_885, %dma_wait3A_886] : memref<25x80xi32, #tpu.memory_space<vmem>> -> memref<1x80xi32, #tpu.memory_space<vmem>>
      %dma_wait3A_888 = tpu.memref_squeeze %dma_wait3A_887 : memref<1x80xi32, #tpu.memory_space<vmem>> -> memref<80xi32, #tpu.memory_space<vmem>>
      %dma_wait3A_889 = arith.constant 0 : i32
      %dma_wait3A_890 = arith.constant 0 : i32
      %dma_wait3A_891 = tpu.memref_slice %arg2[%dma_wait3A_889, %dma_wait3A_890] : memref<10000x128xf32, #tpu.memory_space<hbm>> -> memref<10000x128xf32, #tpu.memory_space<hbm>>
      tpu.wait_indirect_dma semaphore(%arg18 : memref<!tpu.dma_semaphore, #tpu.memory_space<semaphore_mem>>) src(%dma_wait3A_891 : memref<10000x128xf32, #tpu.memory_space<hbm>>) dst(%arg14 : memref<80x128xf32, #tpu.memory_space<vmem>>)
      %dma_start3A_892 = arith.constant 19 : i32
      %dma_start3A_893 = arith.constant 0 : i32
      %dma_start3A_894 = tpu.memref_slice %arg11[%dma_start3A_892, %dma_start3A_893] : memref<25x80xi32, #tpu.memory_space<vmem>> -> memref<1x80xi32, #tpu.memory_space<vmem>>
      %dma_start3A_895 = tpu.memref_squeeze %dma_start3A_894 : memref<1x80xi32, #tpu.memory_space<vmem>> -> memref<80xi32, #tpu.memory_space<vmem>>
      %dma_start3A_896 = arith.constant 0 : i32
      %dma_start3A_897 = arith.constant 0 : i32
      %dma_start3A_898 = tpu.memref_slice %arg16[%dma_start3A_896, %dma_start3A_897] : memref<10240x128xf32, #tpu.memory_space<vmem_shared>> -> memref<10240x128xf32, #tpu.memory_space<vmem_shared>>
      tpu.enqueue_indirect_dma source(%arg14 : memref<80x128xf32, #tpu.memory_space<vmem>>) target(%dma_start3A_898 : memref<10240x128xf32, #tpu.memory_space<vmem_shared>>) offsets(%dma_start3A_895 : memref<80xi32, #tpu.memory_space<vmem>>) semaphore(%arg21 : memref<!tpu.dma_semaphore, #tpu.memory_space<semaphore_mem>>) {add = true}
      %dma_wait3A_899 = arith.constant 19 : i32
      %dma_wait3A_900 = arith.constant 0 : i32
      %dma_wait3A_901 = tpu.memref_slice %arg11[%dma_wait3A_899, %dma_wait3A_900] : memref<25x80xi32, #tpu.memory_space<vmem>> -> memref<1x80xi32, #tpu.memory_space<vmem>>
      %dma_wait3A_902 = tpu.memref_squeeze %dma_wait3A_901 : memref<1x80xi32, #tpu.memory_space<vmem>> -> memref<80xi32, #tpu.memory_space<vmem>>
      %dma_wait3A_903 = arith.constant 0 : i32
      %dma_wait3A_904 = arith.constant 0 : i32
      %dma_wait3A_905 = tpu.memref_slice %arg16[%dma_wait3A_903, %dma_wait3A_904] : memref<10240x128xf32, #tpu.memory_space<vmem_shared>> -> memref<10240x128xf32, #tpu.memory_space<vmem_shared>>
      tpu.wait_indirect_dma semaphore(%arg21 : memref<!tpu.dma_semaphore, #tpu.memory_space<semaphore_mem>>) src(%arg14 : memref<80x128xf32, #tpu.memory_space<vmem>>) dst(%dma_wait3A_905 : memref<10240x128xf32, #tpu.memory_space<vmem_shared>>)
      %dma_start3A_906 = arith.constant 22 : i32
      %dma_start3A_907 = arith.constant 0 : i32
      %dma_start3A_908 = tpu.memref_slice %arg10[%dma_start3A_906, %dma_start3A_907] : memref<25x80xi32, #tpu.memory_space<vmem>> -> memref<1x80xi32, #tpu.memory_space<vmem>>
      %dma_start3A_909 = tpu.memref_squeeze %dma_start3A_908 : memref<1x80xi32, #tpu.memory_space<vmem>> -> memref<80xi32, #tpu.memory_space<vmem>>
      %dma_start3A_910 = arith.constant 0 : i32
      %dma_start3A_911 = arith.constant 0 : i32
      %dma_start3A_912 = tpu.memref_slice %arg2[%dma_start3A_910, %dma_start3A_911] : memref<10000x128xf32, #tpu.memory_space<hbm>> -> memref<10000x128xf32, #tpu.memory_space<hbm>>
      tpu.enqueue_indirect_dma source(%dma_start3A_912 : memref<10000x128xf32, #tpu.memory_space<hbm>>) target(%arg14 : memref<80x128xf32, #tpu.memory_space<vmem>>) offsets(%dma_start3A_909 : memref<80xi32, #tpu.memory_space<vmem>>) semaphore(%arg18 : memref<!tpu.dma_semaphore, #tpu.memory_space<semaphore_mem>>)
      %dma_wait3A_913 = arith.constant 20 : i32
      %dma_wait3A_914 = arith.constant 0 : i32
      %dma_wait3A_915 = tpu.memref_slice %arg10[%dma_wait3A_913, %dma_wait3A_914] : memref<25x80xi32, #tpu.memory_space<vmem>> -> memref<1x80xi32, #tpu.memory_space<vmem>>
      %dma_wait3A_916 = tpu.memref_squeeze %dma_wait3A_915 : memref<1x80xi32, #tpu.memory_space<vmem>> -> memref<80xi32, #tpu.memory_space<vmem>>
      %dma_wait3A_917 = arith.constant 0 : i32
      %dma_wait3A_918 = arith.constant 0 : i32
      %dma_wait3A_919 = tpu.memref_slice %arg2[%dma_wait3A_917, %dma_wait3A_918] : memref<10000x128xf32, #tpu.memory_space<hbm>> -> memref<10000x128xf32, #tpu.memory_space<hbm>>
      tpu.wait_indirect_dma semaphore(%arg19 : memref<!tpu.dma_semaphore, #tpu.memory_space<semaphore_mem>>) src(%dma_wait3A_919 : memref<10000x128xf32, #tpu.memory_space<hbm>>) dst(%arg15 : memref<80x128xf32, #tpu.memory_space<vmem>>)
      %dma_start3A_920 = arith.constant 20 : i32
      %dma_start3A_921 = arith.constant 0 : i32
      %dma_start3A_922 = tpu.memref_slice %arg11[%dma_start3A_920, %dma_start3A_921] : memref<25x80xi32, #tpu.memory_space<vmem>> -> memref<1x80xi32, #tpu.memory_space<vmem>>
      %dma_start3A_923 = tpu.memref_squeeze %dma_start3A_922 : memref<1x80xi32, #tpu.memory_space<vmem>> -> memref<80xi32, #tpu.memory_space<vmem>>
      %dma_start3A_924 = arith.constant 0 : i32
      %dma_start3A_925 = arith.constant 0 : i32
      %dma_start3A_926 = tpu.memref_slice %arg16[%dma_start3A_924, %dma_start3A_925] : memref<10240x128xf32, #tpu.memory_space<vmem_shared>> -> memref<10240x128xf32, #tpu.memory_space<vmem_shared>>
      tpu.enqueue_indirect_dma source(%arg15 : memref<80x128xf32, #tpu.memory_space<vmem>>) target(%dma_start3A_926 : memref<10240x128xf32, #tpu.memory_space<vmem_shared>>) offsets(%dma_start3A_923 : memref<80xi32, #tpu.memory_space<vmem>>) semaphore(%arg22 : memref<!tpu.dma_semaphore, #tpu.memory_space<semaphore_mem>>) {add = true}
      %dma_wait3A_927 = arith.constant 20 : i32
      %dma_wait3A_928 = arith.constant 0 : i32
      %dma_wait3A_929 = tpu.memref_slice %arg11[%dma_wait3A_927, %dma_wait3A_928] : memref<25x80xi32, #tpu.memory_space<vmem>> -> memref<1x80xi32, #tpu.memory_space<vmem>>
      %dma_wait3A_930 = tpu.memref_squeeze %dma_wait3A_929 : memref<1x80xi32, #tpu.memory_space<vmem>> -> memref<80xi32, #tpu.memory_space<vmem>>
      %dma_wait3A_931 = arith.constant 0 : i32
      %dma_wait3A_932 = arith.constant 0 : i32
      %dma_wait3A_933 = tpu.memref_slice %arg16[%dma_wait3A_931, %dma_wait3A_932] : memref<10240x128xf32, #tpu.memory_space<vmem_shared>> -> memref<10240x128xf32, #tpu.memory_space<vmem_shared>>
      tpu.wait_indirect_dma semaphore(%arg22 : memref<!tpu.dma_semaphore, #tpu.memory_space<semaphore_mem>>) src(%arg15 : memref<80x128xf32, #tpu.memory_space<vmem>>) dst(%dma_wait3A_933 : memref<10240x128xf32, #tpu.memory_space<vmem_shared>>)
      %dma_start3A_934 = arith.constant 23 : i32
      %dma_start3A_935 = arith.constant 0 : i32
      %dma_start3A_936 = tpu.memref_slice %arg10[%dma_start3A_934, %dma_start3A_935] : memref<25x80xi32, #tpu.memory_space<vmem>> -> memref<1x80xi32, #tpu.memory_space<vmem>>
      %dma_start3A_937 = tpu.memref_squeeze %dma_start3A_936 : memref<1x80xi32, #tpu.memory_space<vmem>> -> memref<80xi32, #tpu.memory_space<vmem>>
      %dma_start3A_938 = arith.constant 0 : i32
      %dma_start3A_939 = arith.constant 0 : i32
      %dma_start3A_940 = tpu.memref_slice %arg2[%dma_start3A_938, %dma_start3A_939] : memref<10000x128xf32, #tpu.memory_space<hbm>> -> memref<10000x128xf32, #tpu.memory_space<hbm>>
      tpu.enqueue_indirect_dma source(%dma_start3A_940 : memref<10000x128xf32, #tpu.memory_space<hbm>>) target(%arg15 : memref<80x128xf32, #tpu.memory_space<vmem>>) offsets(%dma_start3A_937 : memref<80xi32, #tpu.memory_space<vmem>>) semaphore(%arg19 : memref<!tpu.dma_semaphore, #tpu.memory_space<semaphore_mem>>)
      %dma_wait3A_941 = arith.constant 21 : i32
      %dma_wait3A_942 = arith.constant 0 : i32
      %dma_wait3A_943 = tpu.memref_slice %arg10[%dma_wait3A_941, %dma_wait3A_942] : memref<25x80xi32, #tpu.memory_space<vmem>> -> memref<1x80xi32, #tpu.memory_space<vmem>>
      %dma_wait3A_944 = tpu.memref_squeeze %dma_wait3A_943 : memref<1x80xi32, #tpu.memory_space<vmem>> -> memref<80xi32, #tpu.memory_space<vmem>>
      %dma_wait3A_945 = arith.constant 0 : i32
      %dma_wait3A_946 = arith.constant 0 : i32
      %dma_wait3A_947 = tpu.memref_slice %arg2[%dma_wait3A_945, %dma_wait3A_946] : memref<10000x128xf32, #tpu.memory_space<hbm>> -> memref<10000x128xf32, #tpu.memory_space<hbm>>
      tpu.wait_indirect_dma semaphore(%arg17 : memref<!tpu.dma_semaphore, #tpu.memory_space<semaphore_mem>>) src(%dma_wait3A_947 : memref<10000x128xf32, #tpu.memory_space<hbm>>) dst(%arg13 : memref<80x128xf32, #tpu.memory_space<vmem>>)
      %dma_start3A_948 = arith.constant 21 : i32
      %dma_start3A_949 = arith.constant 0 : i32
      %dma_start3A_950 = tpu.memref_slice %arg11[%dma_start3A_948, %dma_start3A_949] : memref<25x80xi32, #tpu.memory_space<vmem>> -> memref<1x80xi32, #tpu.memory_space<vmem>>
      %dma_start3A_951 = tpu.memref_squeeze %dma_start3A_950 : memref<1x80xi32, #tpu.memory_space<vmem>> -> memref<80xi32, #tpu.memory_space<vmem>>
      %dma_start3A_952 = arith.constant 0 : i32
      %dma_start3A_953 = arith.constant 0 : i32
      %dma_start3A_954 = tpu.memref_slice %arg16[%dma_start3A_952, %dma_start3A_953] : memref<10240x128xf32, #tpu.memory_space<vmem_shared>> -> memref<10240x128xf32, #tpu.memory_space<vmem_shared>>
      tpu.enqueue_indirect_dma source(%arg13 : memref<80x128xf32, #tpu.memory_space<vmem>>) target(%dma_start3A_954 : memref<10240x128xf32, #tpu.memory_space<vmem_shared>>) offsets(%dma_start3A_951 : memref<80xi32, #tpu.memory_space<vmem>>) semaphore(%arg20 : memref<!tpu.dma_semaphore, #tpu.memory_space<semaphore_mem>>) {add = true}
      %dma_wait3A_955 = arith.constant 21 : i32
      %dma_wait3A_956 = arith.constant 0 : i32
      %dma_wait3A_957 = tpu.memref_slice %arg11[%dma_wait3A_955, %dma_wait3A_956] : memref<25x80xi32, #tpu.memory_space<vmem>> -> memref<1x80xi32, #tpu.memory_space<vmem>>
      %dma_wait3A_958 = tpu.memref_squeeze %dma_wait3A_957 : memref<1x80xi32, #tpu.memory_space<vmem>> -> memref<80xi32, #tpu.memory_space<vmem>>
      %dma_wait3A_959 = arith.constant 0 : i32
      %dma_wait3A_960 = arith.constant 0 : i32
      %dma_wait3A_961 = tpu.memref_slice %arg16[%dma_wait3A_959, %dma_wait3A_960] : memref<10240x128xf32, #tpu.memory_space<vmem_shared>> -> memref<10240x128xf32, #tpu.memory_space<vmem_shared>>
      tpu.wait_indirect_dma semaphore(%arg20 : memref<!tpu.dma_semaphore, #tpu.memory_space<semaphore_mem>>) src(%arg13 : memref<80x128xf32, #tpu.memory_space<vmem>>) dst(%dma_wait3A_961 : memref<10240x128xf32, #tpu.memory_space<vmem_shared>>)
      %dma_start3A_962 = arith.constant 24 : i32
      %dma_start3A_963 = arith.constant 0 : i32
      %dma_start3A_964 = tpu.memref_slice %arg10[%dma_start3A_962, %dma_start3A_963] : memref<25x80xi32, #tpu.memory_space<vmem>> -> memref<1x80xi32, #tpu.memory_space<vmem>>
      %dma_start3A_965 = tpu.memref_squeeze %dma_start3A_964 : memref<1x80xi32, #tpu.memory_space<vmem>> -> memref<80xi32, #tpu.memory_space<vmem>>
      %dma_start3A_966 = arith.constant 0 : i32
      %dma_start3A_967 = arith.constant 0 : i32
      %dma_start3A_968 = tpu.memref_slice %arg2[%dma_start3A_966, %dma_start3A_967] : memref<10000x128xf32, #tpu.memory_space<hbm>> -> memref<10000x128xf32, #tpu.memory_space<hbm>>
      tpu.enqueue_indirect_dma source(%dma_start3A_968 : memref<10000x128xf32, #tpu.memory_space<hbm>>) target(%arg13 : memref<80x128xf32, #tpu.memory_space<vmem>>) offsets(%dma_start3A_965 : memref<80xi32, #tpu.memory_space<vmem>>) semaphore(%arg17 : memref<!tpu.dma_semaphore, #tpu.memory_space<semaphore_mem>>)
      %dma_wait3A_969 = arith.constant 22 : i32
      %dma_wait3A_970 = arith.constant 0 : i32
      %dma_wait3A_971 = tpu.memref_slice %arg10[%dma_wait3A_969, %dma_wait3A_970] : memref<25x80xi32, #tpu.memory_space<vmem>> -> memref<1x80xi32, #tpu.memory_space<vmem>>
      %dma_wait3A_972 = tpu.memref_squeeze %dma_wait3A_971 : memref<1x80xi32, #tpu.memory_space<vmem>> -> memref<80xi32, #tpu.memory_space<vmem>>
      %dma_wait3A_973 = arith.constant 0 : i32
      %dma_wait3A_974 = arith.constant 0 : i32
      %dma_wait3A_975 = tpu.memref_slice %arg2[%dma_wait3A_973, %dma_wait3A_974] : memref<10000x128xf32, #tpu.memory_space<hbm>> -> memref<10000x128xf32, #tpu.memory_space<hbm>>
      tpu.wait_indirect_dma semaphore(%arg18 : memref<!tpu.dma_semaphore, #tpu.memory_space<semaphore_mem>>) src(%dma_wait3A_975 : memref<10000x128xf32, #tpu.memory_space<hbm>>) dst(%arg14 : memref<80x128xf32, #tpu.memory_space<vmem>>)
      %dma_start3A_976 = arith.constant 22 : i32
      %dma_start3A_977 = arith.constant 0 : i32
      %dma_start3A_978 = tpu.memref_slice %arg11[%dma_start3A_976, %dma_start3A_977] : memref<25x80xi32, #tpu.memory_space<vmem>> -> memref<1x80xi32, #tpu.memory_space<vmem>>
      %dma_start3A_979 = tpu.memref_squeeze %dma_start3A_978 : memref<1x80xi32, #tpu.memory_space<vmem>> -> memref<80xi32, #tpu.memory_space<vmem>>
      %dma_start3A_980 = arith.constant 0 : i32
      %dma_start3A_981 = arith.constant 0 : i32
      %dma_start3A_982 = tpu.memref_slice %arg16[%dma_start3A_980, %dma_start3A_981] : memref<10240x128xf32, #tpu.memory_space<vmem_shared>> -> memref<10240x128xf32, #tpu.memory_space<vmem_shared>>
      tpu.enqueue_indirect_dma source(%arg14 : memref<80x128xf32, #tpu.memory_space<vmem>>) target(%dma_start3A_982 : memref<10240x128xf32, #tpu.memory_space<vmem_shared>>) offsets(%dma_start3A_979 : memref<80xi32, #tpu.memory_space<vmem>>) semaphore(%arg21 : memref<!tpu.dma_semaphore, #tpu.memory_space<semaphore_mem>>) {add = true}
      %dma_wait3A_983 = arith.constant 22 : i32
      %dma_wait3A_984 = arith.constant 0 : i32
      %dma_wait3A_985 = tpu.memref_slice %arg11[%dma_wait3A_983, %dma_wait3A_984] : memref<25x80xi32, #tpu.memory_space<vmem>> -> memref<1x80xi32, #tpu.memory_space<vmem>>
      %dma_wait3A_986 = tpu.memref_squeeze %dma_wait3A_985 : memref<1x80xi32, #tpu.memory_space<vmem>> -> memref<80xi32, #tpu.memory_space<vmem>>
      %dma_wait3A_987 = arith.constant 0 : i32
      %dma_wait3A_988 = arith.constant 0 : i32
      %dma_wait3A_989 = tpu.memref_slice %arg16[%dma_wait3A_987, %dma_wait3A_988] : memref<10240x128xf32, #tpu.memory_space<vmem_shared>> -> memref<10240x128xf32, #tpu.memory_space<vmem_shared>>
      tpu.wait_indirect_dma semaphore(%arg21 : memref<!tpu.dma_semaphore, #tpu.memory_space<semaphore_mem>>) src(%arg14 : memref<80x128xf32, #tpu.memory_space<vmem>>) dst(%dma_wait3A_989 : memref<10240x128xf32, #tpu.memory_space<vmem_shared>>)
      %dma_wait3A_990 = arith.constant 23 : i32
      %dma_wait3A_991 = arith.constant 0 : i32
      %dma_wait3A_992 = tpu.memref_slice %arg10[%dma_wait3A_990, %dma_wait3A_991] : memref<25x80xi32, #tpu.memory_space<vmem>> -> memref<1x80xi32, #tpu.memory_space<vmem>>
      %dma_wait3A_993 = tpu.memref_squeeze %dma_wait3A_992 : memref<1x80xi32, #tpu.memory_space<vmem>> -> memref<80xi32, #tpu.memory_space<vmem>>
      %dma_wait3A_994 = arith.constant 0 : i32
      %dma_wait3A_995 = arith.constant 0 : i32
      %dma_wait3A_996 = tpu.memref_slice %arg2[%dma_wait3A_994, %dma_wait3A_995] : memref<10000x128xf32, #tpu.memory_space<hbm>> -> memref<10000x128xf32, #tpu.memory_space<hbm>>
      tpu.wait_indirect_dma semaphore(%arg19 : memref<!tpu.dma_semaphore, #tpu.memory_space<semaphore_mem>>) src(%dma_wait3A_996 : memref<10000x128xf32, #tpu.memory_space<hbm>>) dst(%arg15 : memref<80x128xf32, #tpu.memory_space<vmem>>)
      %dma_start3A_997 = arith.constant 23 : i32
      %dma_start3A_998 = arith.constant 0 : i32
      %dma_start3A_999 = tpu.memref_slice %arg11[%dma_start3A_997, %dma_start3A_998] : memref<25x80xi32, #tpu.memory_space<vmem>> -> memref<1x80xi32, #tpu.memory_space<vmem>>
      %dma_start3A_1000 = tpu.memref_squeeze %dma_start3A_999 : memref<1x80xi32, #tpu.memory_space<vmem>> -> memref<80xi32, #tpu.memory_space<vmem>>
      %dma_start3A_1001 = arith.constant 0 : i32
      %dma_start3A_1002 = arith.constant 0 : i32
      %dma_start3A_1003 = tpu.memref_slice %arg16[%dma_start3A_1001, %dma_start3A_1002] : memref<10240x128xf32, #tpu.memory_space<vmem_shared>> -> memref<10240x128xf32, #tpu.memory_space<vmem_shared>>
      tpu.enqueue_indirect_dma source(%arg15 : memref<80x128xf32, #tpu.memory_space<vmem>>) target(%dma_start3A_1003 : memref<10240x128xf32, #tpu.memory_space<vmem_shared>>) offsets(%dma_start3A_1000 : memref<80xi32, #tpu.memory_space<vmem>>) semaphore(%arg22 : memref<!tpu.dma_semaphore, #tpu.memory_space<semaphore_mem>>) {add = true}
      %dma_wait3A_1004 = arith.constant 23 : i32
      %dma_wait3A_1005 = arith.constant 0 : i32
      %dma_wait3A_1006 = tpu.memref_slice %arg11[%dma_wait3A_1004, %dma_wait3A_1005] : memref<25x80xi32, #tpu.memory_space<vmem>> -> memref<1x80xi32, #tpu.memory_space<vmem>>
      %dma_wait3A_1007 = tpu.memref_squeeze %dma_wait3A_1006 : memref<1x80xi32, #tpu.memory_space<vmem>> -> memref<80xi32, #tpu.memory_space<vmem>>
      %dma_wait3A_1008 = arith.constant 0 : i32
      %dma_wait3A_1009 = arith.constant 0 : i32
      %dma_wait3A_1010 = tpu.memref_slice %arg16[%dma_wait3A_1008, %dma_wait3A_1009] : memref<10240x128xf32, #tpu.memory_space<vmem_shared>> -> memref<10240x128xf32, #tpu.memory_space<vmem_shared>>
      tpu.wait_indirect_dma semaphore(%arg22 : memref<!tpu.dma_semaphore, #tpu.memory_space<semaphore_mem>>) src(%arg15 : memref<80x128xf32, #tpu.memory_space<vmem>>) dst(%dma_wait3A_1010 : memref<10240x128xf32, #tpu.memory_space<vmem_shared>>)
      %dma_wait3A_1011 = arith.constant 24 : i32
      %dma_wait3A_1012 = arith.constant 0 : i32
      %dma_wait3A_1013 = tpu.memref_slice %arg10[%dma_wait3A_1011, %dma_wait3A_1012] : memref<25x80xi32, #tpu.memory_space<vmem>> -> memref<1x80xi32, #tpu.memory_space<vmem>>
      %dma_wait3A_1014 = tpu.memref_squeeze %dma_wait3A_1013 : memref<1x80xi32, #tpu.memory_space<vmem>> -> memref<80xi32, #tpu.memory_space<vmem>>
      %dma_wait3A_1015 = arith.constant 0 : i32
      %dma_wait3A_1016 = arith.constant 0 : i32
      %dma_wait3A_1017 = tpu.memref_slice %arg2[%dma_wait3A_1015, %dma_wait3A_1016] : memref<10000x128xf32, #tpu.memory_space<hbm>> -> memref<10000x128xf32, #tpu.memory_space<hbm>>
      tpu.wait_indirect_dma semaphore(%arg17 : memref<!tpu.dma_semaphore, #tpu.memory_space<semaphore_mem>>) src(%dma_wait3A_1017 : memref<10000x128xf32, #tpu.memory_space<hbm>>) dst(%arg13 : memref<80x128xf32, #tpu.memory_space<vmem>>)
      %dma_start3A_1018 = arith.constant 24 : i32
      %dma_start3A_1019 = arith.constant 0 : i32
      %dma_start3A_1020 = tpu.memref_slice %arg11[%dma_start3A_1018, %dma_start3A_1019] : memref<25x80xi32, #tpu.memory_space<vmem>> -> memref<1x80xi32, #tpu.memory_space<vmem>>
      %dma_start3A_1021 = tpu.memref_squeeze %dma_start3A_1020 : memref<1x80xi32, #tpu.memory_space<vmem>> -> memref<80xi32, #tpu.memory_space<vmem>>
      %dma_start3A_1022 = arith.constant 0 : i32
      %dma_start3A_1023 = arith.constant 0 : i32
      %dma_start3A_1024 = tpu.memref_slice %arg16[%dma_start3A_1022, %dma_start3A_1023] : memref<10240x128xf32, #tpu.memory_space<vmem_shared>> -> memref<10240x128xf32, #tpu.memory_space<vmem_shared>>
      tpu.enqueue_indirect_dma source(%arg13 : memref<80x128xf32, #tpu.memory_space<vmem>>) target(%dma_start3A_1024 : memref<10240x128xf32, #tpu.memory_space<vmem_shared>>) offsets(%dma_start3A_1021 : memref<80xi32, #tpu.memory_space<vmem>>) semaphore(%arg20 : memref<!tpu.dma_semaphore, #tpu.memory_space<semaphore_mem>>) {add = true}
      %dma_wait3A_1025 = arith.constant 24 : i32
      %dma_wait3A_1026 = arith.constant 0 : i32
      %dma_wait3A_1027 = tpu.memref_slice %arg11[%dma_wait3A_1025, %dma_wait3A_1026] : memref<25x80xi32, #tpu.memory_space<vmem>> -> memref<1x80xi32, #tpu.memory_space<vmem>>
      %dma_wait3A_1028 = tpu.memref_squeeze %dma_wait3A_1027 : memref<1x80xi32, #tpu.memory_space<vmem>> -> memref<80xi32, #tpu.memory_space<vmem>>
      %dma_wait3A_1029 = arith.constant 0 : i32
      %dma_wait3A_1030 = arith.constant 0 : i32
      %dma_wait3A_1031 = tpu.memref_slice %arg16[%dma_wait3A_1029, %dma_wait3A_1030] : memref<10240x128xf32, #tpu.memory_space<vmem_shared>> -> memref<10240x128xf32, #tpu.memory_space<vmem_shared>>
      tpu.wait_indirect_dma semaphore(%arg20 : memref<!tpu.dma_semaphore, #tpu.memory_space<semaphore_mem>>) src(%arg13 : memref<80x128xf32, #tpu.memory_space<vmem>>) dst(%dma_wait3A_1031 : memref<10240x128xf32, #tpu.memory_space<vmem_shared>>)
    }
    %scan3A_12 = arith.constant 5 : i32
    %barrier3A_13 = arith.constant 0 : index
    tpu.barrier barrier_id(%barrier3A_13)
    %dma_start3A = arith.constant 0 : i32
    %dma_start3A_14 = arith.constant 0 : i32
    %dma_start3A_15 = tpu.memref_slice %arg12[%dma_start3A, %dma_start3A_14] : memref<8x80xi32, #tpu.memory_space<vmem>> -> memref<1x80xi32, #tpu.memory_space<vmem>>
    %dma_start3A_16 = tpu.memref_squeeze %dma_start3A_15 : memref<1x80xi32, #tpu.memory_space<vmem>> -> memref<80xi32, #tpu.memory_space<vmem>>
    %dma_start3A_17 = arith.constant 0 : i32
    %dma_start3A_18 = arith.constant 0 : i32
    %dma_start3A_19 = tpu.memref_slice %arg16[%dma_start3A_17, %dma_start3A_18] : memref<10240x128xf32, #tpu.memory_space<vmem_shared>> -> memref<10240x128xf32, #tpu.memory_space<vmem_shared>>
    tpu.enqueue_indirect_dma source(%dma_start3A_19 : memref<10240x128xf32, #tpu.memory_space<vmem_shared>>) target(%arg13 : memref<80x128xf32, #tpu.memory_space<vmem>>) offsets(%dma_start3A_16 : memref<80xi32, #tpu.memory_space<vmem>>) semaphore(%arg17 : memref<!tpu.dma_semaphore, #tpu.memory_space<semaphore_mem>>)
    %dma_wait3A = arith.constant 0 : i32
    %dma_wait3A_20 = arith.constant 0 : i32
    %dma_wait3A_21 = tpu.memref_slice %arg12[%dma_wait3A, %dma_wait3A_20] : memref<8x80xi32, #tpu.memory_space<vmem>> -> memref<1x80xi32, #tpu.memory_space<vmem>>
    %dma_wait3A_22 = tpu.memref_squeeze %dma_wait3A_21 : memref<1x80xi32, #tpu.memory_space<vmem>> -> memref<80xi32, #tpu.memory_space<vmem>>
    %dma_wait3A_23 = arith.constant 0 : i32
    %dma_wait3A_24 = arith.constant 0 : i32
    %dma_wait3A_25 = tpu.memref_slice %arg16[%dma_wait3A_23, %dma_wait3A_24] : memref<10240x128xf32, #tpu.memory_space<vmem_shared>> -> memref<10240x128xf32, #tpu.memory_space<vmem_shared>>
    tpu.wait_indirect_dma semaphore(%arg17 : memref<!tpu.dma_semaphore, #tpu.memory_space<semaphore_mem>>) src(%dma_wait3A_25 : memref<10240x128xf32, #tpu.memory_space<vmem_shared>>) dst(%arg13 : memref<80x128xf32, #tpu.memory_space<vmem>>)
    %mul3A_26 = arith.constant 640 : i32
    %mul3A_27 = arith.muli %arg1, %mul3A_26 : i32
    %add3A_28 = arith.constant 0 : i32
    %add3A_29 = arith.addi %mul3A_27, %add3A_28 : i32
    %multiple_of3A = tpu.assume_multiple %add3A_29, 8 : i32
    "tpu.region"() ({
      %run_scoped3A_331 = tpu.sem_alloc : memref<!tpu.dma_semaphore, #tpu.memory_space<semaphore_mem>>
      %dma_start3A_332 = arith.constant 0 : i32
      %dma_start3A_333 = tpu.memref_slice %arg8[%arg0, %multiple_of3A, %dma_start3A_332] : memref<2x10240x128xf32, #tpu.memory_space<hbm>> -> memref<1x80x128xf32, #tpu.memory_space<hbm>>
      %dma_start3A_334 = tpu.memref_squeeze %dma_start3A_333 : memref<1x80x128xf32, #tpu.memory_space<hbm>> -> memref<80x128xf32, #tpu.memory_space<hbm>>
      %dma_start3A_335 = arith.constant 0 : i32
      %dma_start3A_336 = tpu.memref_slice %arg8[%arg0, %multiple_of3A, %dma_start3A_335] : memref<2x10240x128xf32, #tpu.memory_space<hbm>> -> memref<1x80x128xf32, #tpu.memory_space<hbm>>
      %dma_start3A_337 = tpu.memref_squeeze %dma_start3A_336 : memref<1x80x128xf32, #tpu.memory_space<hbm>> -> memref<80x128xf32, #tpu.memory_space<hbm>>
      tpu.enqueue_dma source(%arg13 : memref<80x128xf32, #tpu.memory_space<vmem>>) target(%dma_start3A_337 : memref<80x128xf32, #tpu.memory_space<hbm>>) target_semaphore(%run_scoped3A_331 : memref<!tpu.dma_semaphore, #tpu.memory_space<semaphore_mem>>)
      %dma_wait3A_338 = arith.constant 0 : i32
      %dma_wait3A_339 = tpu.memref_slice %arg8[%arg0, %multiple_of3A, %dma_wait3A_338] : memref<2x10240x128xf32, #tpu.memory_space<hbm>> -> memref<1x80x128xf32, #tpu.memory_space<hbm>>
      %dma_wait3A_340 = tpu.memref_squeeze %dma_wait3A_339 : memref<1x80x128xf32, #tpu.memory_space<hbm>> -> memref<80x128xf32, #tpu.memory_space<hbm>>
      %dma_wait3A_341 = arith.constant 0 : i32
      %dma_wait3A_342 = tpu.memref_slice %arg8[%arg0, %multiple_of3A, %dma_wait3A_341] : memref<2x10240x128xf32, #tpu.memory_space<hbm>> -> memref<1x80x128xf32, #tpu.memory_space<hbm>>
      %dma_wait3A_343 = tpu.memref_squeeze %dma_wait3A_342 : memref<1x80x128xf32, #tpu.memory_space<hbm>> -> memref<80x128xf32, #tpu.memory_space<hbm>>
      tpu.wait_dma2 semaphore(%run_scoped3A_331 : memref<!tpu.dma_semaphore, #tpu.memory_space<semaphore_mem>>) src(%arg13 : memref<80x128xf32, #tpu.memory_space<vmem>>) dst(%dma_wait3A_343 : memref<80x128xf32, #tpu.memory_space<hbm>>)
      tpu.yield
    }) : () -> ()
    %dma_start3A_30 = arith.constant 1 : i32
    %dma_start3A_31 = arith.constant 0 : i32
    %dma_start3A_32 = tpu.memref_slice %arg12[%dma_start3A_30, %dma_start3A_31] : memref<8x80xi32, #tpu.memory_space<vmem>> -> memref<1x80xi32, #tpu.memory_space<vmem>>
    %dma_start3A_33 = tpu.memref_squeeze %dma_start3A_32 : memref<1x80xi32, #tpu.memory_space<vmem>> -> memref<80xi32, #tpu.memory_space<vmem>>
    %dma_start3A_34 = arith.constant 0 : i32
    %dma_start3A_35 = arith.constant 0 : i32
    %dma_start3A_36 = tpu.memref_slice %arg16[%dma_start3A_34, %dma_start3A_35] : memref<10240x128xf32, #tpu.memory_space<vmem_shared>> -> memref<10240x128xf32, #tpu.memory_space<vmem_shared>>
    tpu.enqueue_indirect_dma source(%dma_start3A_36 : memref<10240x128xf32, #tpu.memory_space<vmem_shared>>) target(%arg13 : memref<80x128xf32, #tpu.memory_space<vmem>>) offsets(%dma_start3A_33 : memref<80xi32, #tpu.memory_space<vmem>>) semaphore(%arg17 : memref<!tpu.dma_semaphore, #tpu.memory_space<semaphore_mem>>)
    %dma_wait3A_37 = arith.constant 1 : i32
    %dma_wait3A_38 = arith.constant 0 : i32
    %dma_wait3A_39 = tpu.memref_slice %arg12[%dma_wait3A_37, %dma_wait3A_38] : memref<8x80xi32, #tpu.memory_space<vmem>> -> memref<1x80xi32, #tpu.memory_space<vmem>>
    %dma_wait3A_40 = tpu.memref_squeeze %dma_wait3A_39 : memref<1x80xi32, #tpu.memory_space<vmem>> -> memref<80xi32, #tpu.memory_space<vmem>>
    %dma_wait3A_41 = arith.constant 0 : i32
    %dma_wait3A_42 = arith.constant 0 : i32
    %dma_wait3A_43 = tpu.memref_slice %arg16[%dma_wait3A_41, %dma_wait3A_42] : memref<10240x128xf32, #tpu.memory_space<vmem_shared>> -> memref<10240x128xf32, #tpu.memory_space<vmem_shared>>
    tpu.wait_indirect_dma semaphore(%arg17 : memref<!tpu.dma_semaphore, #tpu.memory_space<semaphore_mem>>) src(%dma_wait3A_43 : memref<10240x128xf32, #tpu.memory_space<vmem_shared>>) dst(%arg13 : memref<80x128xf32, #tpu.memory_space<vmem>>)
    %mul3A_44 = arith.constant 640 : i32
    %mul3A_45 = arith.muli %arg1, %mul3A_44 : i32
    %add3A_46 = arith.constant 80 : i32
    %add3A_47 = arith.addi %mul3A_45, %add3A_46 : i32
    %multiple_of3A_48 = tpu.assume_multiple %add3A_47, 8 : i32
    "tpu.region"() ({
      %run_scoped3A_331 = tpu.sem_alloc : memref<!tpu.dma_semaphore, #tpu.memory_space<semaphore_mem>>
      %dma_start3A_332 = arith.constant 0 : i32
      %dma_start3A_333 = tpu.memref_slice %arg8[%arg0, %multiple_of3A_48, %dma_start3A_332] : memref<2x10240x128xf32, #tpu.memory_space<hbm>> -> memref<1x80x128xf32, #tpu.memory_space<hbm>>
      %dma_start3A_334 = tpu.memref_squeeze %dma_start3A_333 : memref<1x80x128xf32, #tpu.memory_space<hbm>> -> memref<80x128xf32, #tpu.memory_space<hbm>>
      %dma_start3A_335 = arith.constant 0 : i32
      %dma_start3A_336 = tpu.memref_slice %arg8[%arg0, %multiple_of3A_48, %dma_start3A_335] : memref<2x10240x128xf32, #tpu.memory_space<hbm>> -> memref<1x80x128xf32, #tpu.memory_space<hbm>>
      %dma_start3A_337 = tpu.memref_squeeze %dma_start3A_336 : memref<1x80x128xf32, #tpu.memory_space<hbm>> -> memref<80x128xf32, #tpu.memory_space<hbm>>
      tpu.enqueue_dma source(%arg13 : memref<80x128xf32, #tpu.memory_space<vmem>>) target(%dma_start3A_337 : memref<80x128xf32, #tpu.memory_space<hbm>>) target_semaphore(%run_scoped3A_331 : memref<!tpu.dma_semaphore, #tpu.memory_space<semaphore_mem>>)
      %dma_wait3A_338 = arith.constant 0 : i32
      %dma_wait3A_339 = tpu.memref_slice %arg8[%arg0, %multiple_of3A_48, %dma_wait3A_338] : memref<2x10240x128xf32, #tpu.memory_space<hbm>> -> memref<1x80x128xf32, #tpu.memory_space<hbm>>
      %dma_wait3A_340 = tpu.memref_squeeze %dma_wait3A_339 : memref<1x80x128xf32, #tpu.memory_space<hbm>> -> memref<80x128xf32, #tpu.memory_space<hbm>>
      %dma_wait3A_341 = arith.constant 0 : i32
      %dma_wait3A_342 = tpu.memref_slice %arg8[%arg0, %multiple_of3A_48, %dma_wait3A_341] : memref<2x10240x128xf32, #tpu.memory_space<hbm>> -> memref<1x80x128xf32, #tpu.memory_space<hbm>>
      %dma_wait3A_343 = tpu.memref_squeeze %dma_wait3A_342 : memref<1x80x128xf32, #tpu.memory_space<hbm>> -> memref<80x128xf32, #tpu.memory_space<hbm>>
      tpu.wait_dma2 semaphore(%run_scoped3A_331 : memref<!tpu.dma_semaphore, #tpu.memory_space<semaphore_mem>>) src(%arg13 : memref<80x128xf32, #tpu.memory_space<vmem>>) dst(%dma_wait3A_343 : memref<80x128xf32, #tpu.memory_space<hbm>>)
      tpu.yield
    }) : () -> ()
    %dma_start3A_49 = arith.constant 2 : i32
    %dma_start3A_50 = arith.constant 0 : i32
    %dma_start3A_51 = tpu.memref_slice %arg12[%dma_start3A_49, %dma_start3A_50] : memref<8x80xi32, #tpu.memory_space<vmem>> -> memref<1x80xi32, #tpu.memory_space<vmem>>
    %dma_start3A_52 = tpu.memref_squeeze %dma_start3A_51 : memref<1x80xi32, #tpu.memory_space<vmem>> -> memref<80xi32, #tpu.memory_space<vmem>>
    %dma_start3A_53 = arith.constant 0 : i32
    %dma_start3A_54 = arith.constant 0 : i32
    %dma_start3A_55 = tpu.memref_slice %arg16[%dma_start3A_53, %dma_start3A_54] : memref<10240x128xf32, #tpu.memory_space<vmem_shared>> -> memref<10240x128xf32, #tpu.memory_space<vmem_shared>>
    tpu.enqueue_indirect_dma source(%dma_start3A_55 : memref<10240x128xf32, #tpu.memory_space<vmem_shared>>) target(%arg13 : memref<80x128xf32, #tpu.memory_space<vmem>>) offsets(%dma_start3A_52 : memref<80xi32, #tpu.memory_space<vmem>>) semaphore(%arg17 : memref<!tpu.dma_semaphore, #tpu.memory_space<semaphore_mem>>)
    %dma_wait3A_56 = arith.constant 2 : i32
    %dma_wait3A_57 = arith.constant 0 : i32
    %dma_wait3A_58 = tpu.memref_slice %arg12[%dma_wait3A_56, %dma_wait3A_57] : memref<8x80xi32, #tpu.memory_space<vmem>> -> memref<1x80xi32, #tpu.memory_space<vmem>>
    %dma_wait3A_59 = tpu.memref_squeeze %dma_wait3A_58 : memref<1x80xi32, #tpu.memory_space<vmem>> -> memref<80xi32, #tpu.memory_space<vmem>>
    %dma_wait3A_60 = arith.constant 0 : i32
    %dma_wait3A_61 = arith.constant 0 : i32
    %dma_wait3A_62 = tpu.memref_slice %arg16[%dma_wait3A_60, %dma_wait3A_61] : memref<10240x128xf32, #tpu.memory_space<vmem_shared>> -> memref<10240x128xf32, #tpu.memory_space<vmem_shared>>
    tpu.wait_indirect_dma semaphore(%arg17 : memref<!tpu.dma_semaphore, #tpu.memory_space<semaphore_mem>>) src(%dma_wait3A_62 : memref<10240x128xf32, #tpu.memory_space<vmem_shared>>) dst(%arg13 : memref<80x128xf32, #tpu.memory_space<vmem>>)
    %mul3A_63 = arith.constant 640 : i32
    %mul3A_64 = arith.muli %arg1, %mul3A_63 : i32
    %add3A_65 = arith.constant 160 : i32
    %add3A_66 = arith.addi %mul3A_64, %add3A_65 : i32
    %multiple_of3A_67 = tpu.assume_multiple %add3A_66, 8 : i32
    "tpu.region"() ({
      %run_scoped3A_331 = tpu.sem_alloc : memref<!tpu.dma_semaphore, #tpu.memory_space<semaphore_mem>>
      %dma_start3A_332 = arith.constant 0 : i32
      %dma_start3A_333 = tpu.memref_slice %arg8[%arg0, %multiple_of3A_67, %dma_start3A_332] : memref<2x10240x128xf32, #tpu.memory_space<hbm>> -> memref<1x80x128xf32, #tpu.memory_space<hbm>>
      %dma_start3A_334 = tpu.memref_squeeze %dma_start3A_333 : memref<1x80x128xf32, #tpu.memory_space<hbm>> -> memref<80x128xf32, #tpu.memory_space<hbm>>
      %dma_start3A_335 = arith.constant 0 : i32
      %dma_start3A_336 = tpu.memref_slice %arg8[%arg0, %multiple_of3A_67, %dma_start3A_335] : memref<2x10240x128xf32, #tpu.memory_space<hbm>> -> memref<1x80x128xf32, #tpu.memory_space<hbm>>
      %dma_start3A_337 = tpu.memref_squeeze %dma_start3A_336 : memref<1x80x128xf32, #tpu.memory_space<hbm>> -> memref<80x128xf32, #tpu.memory_space<hbm>>
      tpu.enqueue_dma source(%arg13 : memref<80x128xf32, #tpu.memory_space<vmem>>) target(%dma_start3A_337 : memref<80x128xf32, #tpu.memory_space<hbm>>) target_semaphore(%run_scoped3A_331 : memref<!tpu.dma_semaphore, #tpu.memory_space<semaphore_mem>>)
      %dma_wait3A_338 = arith.constant 0 : i32
      %dma_wait3A_339 = tpu.memref_slice %arg8[%arg0, %multiple_of3A_67, %dma_wait3A_338] : memref<2x10240x128xf32, #tpu.memory_space<hbm>> -> memref<1x80x128xf32, #tpu.memory_space<hbm>>
      %dma_wait3A_340 = tpu.memref_squeeze %dma_wait3A_339 : memref<1x80x128xf32, #tpu.memory_space<hbm>> -> memref<80x128xf32, #tpu.memory_space<hbm>>
      %dma_wait3A_341 = arith.constant 0 : i32
      %dma_wait3A_342 = tpu.memref_slice %arg8[%arg0, %multiple_of3A_67, %dma_wait3A_341] : memref<2x10240x128xf32, #tpu.memory_space<hbm>> -> memref<1x80x128xf32, #tpu.memory_space<hbm>>
      %dma_wait3A_343 = tpu.memref_squeeze %dma_wait3A_342 : memref<1x80x128xf32, #tpu.memory_space<hbm>> -> memref<80x128xf32, #tpu.memory_space<hbm>>
      tpu.wait_dma2 semaphore(%run_scoped3A_331 : memref<!tpu.dma_semaphore, #tpu.memory_space<semaphore_mem>>) src(%arg13 : memref<80x128xf32, #tpu.memory_space<vmem>>) dst(%dma_wait3A_343 : memref<80x128xf32, #tpu.memory_space<hbm>>)
      tpu.yield
    }) : () -> ()
    %dma_start3A_68 = arith.constant 3 : i32
    %dma_start3A_69 = arith.constant 0 : i32
    %dma_start3A_70 = tpu.memref_slice %arg12[%dma_start3A_68, %dma_start3A_69] : memref<8x80xi32, #tpu.memory_space<vmem>> -> memref<1x80xi32, #tpu.memory_space<vmem>>
    %dma_start3A_71 = tpu.memref_squeeze %dma_start3A_70 : memref<1x80xi32, #tpu.memory_space<vmem>> -> memref<80xi32, #tpu.memory_space<vmem>>
    %dma_start3A_72 = arith.constant 0 : i32
    %dma_start3A_73 = arith.constant 0 : i32
    %dma_start3A_74 = tpu.memref_slice %arg16[%dma_start3A_72, %dma_start3A_73] : memref<10240x128xf32, #tpu.memory_space<vmem_shared>> -> memref<10240x128xf32, #tpu.memory_space<vmem_shared>>
    tpu.enqueue_indirect_dma source(%dma_start3A_74 : memref<10240x128xf32, #tpu.memory_space<vmem_shared>>) target(%arg13 : memref<80x128xf32, #tpu.memory_space<vmem>>) offsets(%dma_start3A_71 : memref<80xi32, #tpu.memory_space<vmem>>) semaphore(%arg17 : memref<!tpu.dma_semaphore, #tpu.memory_space<semaphore_mem>>)
    %dma_wait3A_75 = arith.constant 3 : i32
    %dma_wait3A_76 = arith.constant 0 : i32
    %dma_wait3A_77 = tpu.memref_slice %arg12[%dma_wait3A_75, %dma_wait3A_76] : memref<8x80xi32, #tpu.memory_space<vmem>> -> memref<1x80xi32, #tpu.memory_space<vmem>>
    %dma_wait3A_78 = tpu.memref_squeeze %dma_wait3A_77 : memref<1x80xi32, #tpu.memory_space<vmem>> -> memref<80xi32, #tpu.memory_space<vmem>>
    %dma_wait3A_79 = arith.constant 0 : i32
    %dma_wait3A_80 = arith.constant 0 : i32
    %dma_wait3A_81 = tpu.memref_slice %arg16[%dma_wait3A_79, %dma_wait3A_80] : memref<10240x128xf32, #tpu.memory_space<vmem_shared>> -> memref<10240x128xf32, #tpu.memory_space<vmem_shared>>
    tpu.wait_indirect_dma semaphore(%arg17 : memref<!tpu.dma_semaphore, #tpu.memory_space<semaphore_mem>>) src(%dma_wait3A_81 : memref<10240x128xf32, #tpu.memory_space<vmem_shared>>) dst(%arg13 : memref<80x128xf32, #tpu.memory_space<vmem>>)
    %mul3A_82 = arith.constant 640 : i32
    %mul3A_83 = arith.muli %arg1, %mul3A_82 : i32
    %add3A_84 = arith.constant 240 : i32
    %add3A_85 = arith.addi %mul3A_83, %add3A_84 : i32
    %multiple_of3A_86 = tpu.assume_multiple %add3A_85, 8 : i32
    "tpu.region"() ({
      %run_scoped3A_331 = tpu.sem_alloc : memref<!tpu.dma_semaphore, #tpu.memory_space<semaphore_mem>>
      %dma_start3A_332 = arith.constant 0 : i32
      %dma_start3A_333 = tpu.memref_slice %arg8[%arg0, %multiple_of3A_86, %dma_start3A_332] : memref<2x10240x128xf32, #tpu.memory_space<hbm>> -> memref<1x80x128xf32, #tpu.memory_space<hbm>>
      %dma_start3A_334 = tpu.memref_squeeze %dma_start3A_333 : memref<1x80x128xf32, #tpu.memory_space<hbm>> -> memref<80x128xf32, #tpu.memory_space<hbm>>
      %dma_start3A_335 = arith.constant 0 : i32
      %dma_start3A_336 = tpu.memref_slice %arg8[%arg0, %multiple_of3A_86, %dma_start3A_335] : memref<2x10240x128xf32, #tpu.memory_space<hbm>> -> memref<1x80x128xf32, #tpu.memory_space<hbm>>
      %dma_start3A_337 = tpu.memref_squeeze %dma_start3A_336 : memref<1x80x128xf32, #tpu.memory_space<hbm>> -> memref<80x128xf32, #tpu.memory_space<hbm>>
      tpu.enqueue_dma source(%arg13 : memref<80x128xf32, #tpu.memory_space<vmem>>) target(%dma_start3A_337 : memref<80x128xf32, #tpu.memory_space<hbm>>) target_semaphore(%run_scoped3A_331 : memref<!tpu.dma_semaphore, #tpu.memory_space<semaphore_mem>>)
      %dma_wait3A_338 = arith.constant 0 : i32
      %dma_wait3A_339 = tpu.memref_slice %arg8[%arg0, %multiple_of3A_86, %dma_wait3A_338] : memref<2x10240x128xf32, #tpu.memory_space<hbm>> -> memref<1x80x128xf32, #tpu.memory_space<hbm>>
      %dma_wait3A_340 = tpu.memref_squeeze %dma_wait3A_339 : memref<1x80x128xf32, #tpu.memory_space<hbm>> -> memref<80x128xf32, #tpu.memory_space<hbm>>
      %dma_wait3A_341 = arith.constant 0 : i32
      %dma_wait3A_342 = tpu.memref_slice %arg8[%arg0, %multiple_of3A_86, %dma_wait3A_341] : memref<2x10240x128xf32, #tpu.memory_space<hbm>> -> memref<1x80x128xf32, #tpu.memory_space<hbm>>
      %dma_wait3A_343 = tpu.memref_squeeze %dma_wait3A_342 : memref<1x80x128xf32, #tpu.memory_space<hbm>> -> memref<80x128xf32, #tpu.memory_space<hbm>>
      tpu.wait_dma2 semaphore(%run_scoped3A_331 : memref<!tpu.dma_semaphore, #tpu.memory_space<semaphore_mem>>) src(%arg13 : memref<80x128xf32, #tpu.memory_space<vmem>>) dst(%dma_wait3A_343 : memref<80x128xf32, #tpu.memory_space<hbm>>)
      tpu.yield
    }) : () -> ()
    %dma_start3A_87 = arith.constant 4 : i32
    %dma_start3A_88 = arith.constant 0 : i32
    %dma_start3A_89 = tpu.memref_slice %arg12[%dma_start3A_87, %dma_start3A_88] : memref<8x80xi32, #tpu.memory_space<vmem>> -> memref<1x80xi32, #tpu.memory_space<vmem>>
    %dma_start3A_90 = tpu.memref_squeeze %dma_start3A_89 : memref<1x80xi32, #tpu.memory_space<vmem>> -> memref<80xi32, #tpu.memory_space<vmem>>
    %dma_start3A_91 = arith.constant 0 : i32
    %dma_start3A_92 = arith.constant 0 : i32
    %dma_start3A_93 = tpu.memref_slice %arg16[%dma_start3A_91, %dma_start3A_92] : memref<10240x128xf32, #tpu.memory_space<vmem_shared>> -> memref<10240x128xf32, #tpu.memory_space<vmem_shared>>
    tpu.enqueue_indirect_dma source(%dma_start3A_93 : memref<10240x128xf32, #tpu.memory_space<vmem_shared>>) target(%arg13 : memref<80x128xf32, #tpu.memory_space<vmem>>) offsets(%dma_start3A_90 : memref<80xi32, #tpu.memory_space<vmem>>) semaphore(%arg17 : memref<!tpu.dma_semaphore, #tpu.memory_space<semaphore_mem>>)
    %dma_wait3A_94 = arith.constant 4 : i32
    %dma_wait3A_95 = arith.constant 0 : i32
    %dma_wait3A_96 = tpu.memref_slice %arg12[%dma_wait3A_94, %dma_wait3A_95] : memref<8x80xi32, #tpu.memory_space<vmem>> -> memref<1x80xi32, #tpu.memory_space<vmem>>
    %dma_wait3A_97 = tpu.memref_squeeze %dma_wait3A_96 : memref<1x80xi32, #tpu.memory_space<vmem>> -> memref<80xi32, #tpu.memory_space<vmem>>
    %dma_wait3A_98 = arith.constant 0 : i32
    %dma_wait3A_99 = arith.constant 0 : i32
    %dma_wait3A_100 = tpu.memref_slice %arg16[%dma_wait3A_98, %dma_wait3A_99] : memref<10240x128xf32, #tpu.memory_space<vmem_shared>> -> memref<10240x128xf32, #tpu.memory_space<vmem_shared>>
    tpu.wait_indirect_dma semaphore(%arg17 : memref<!tpu.dma_semaphore, #tpu.memory_space<semaphore_mem>>) src(%dma_wait3A_100 : memref<10240x128xf32, #tpu.memory_space<vmem_shared>>) dst(%arg13 : memref<80x128xf32, #tpu.memory_space<vmem>>)
    %mul3A_101 = arith.constant 640 : i32
    %mul3A_102 = arith.muli %arg1, %mul3A_101 : i32
    %add3A_103 = arith.constant 320 : i32
    %add3A_104 = arith.addi %mul3A_102, %add3A_103 : i32
    %multiple_of3A_105 = tpu.assume_multiple %add3A_104, 8 : i32
    "tpu.region"() ({
      %run_scoped3A_331 = tpu.sem_alloc : memref<!tpu.dma_semaphore, #tpu.memory_space<semaphore_mem>>
      %dma_start3A_332 = arith.constant 0 : i32
      %dma_start3A_333 = tpu.memref_slice %arg8[%arg0, %multiple_of3A_105, %dma_start3A_332] : memref<2x10240x128xf32, #tpu.memory_space<hbm>> -> memref<1x80x128xf32, #tpu.memory_space<hbm>>
      %dma_start3A_334 = tpu.memref_squeeze %dma_start3A_333 : memref<1x80x128xf32, #tpu.memory_space<hbm>> -> memref<80x128xf32, #tpu.memory_space<hbm>>
      %dma_start3A_335 = arith.constant 0 : i32
      %dma_start3A_336 = tpu.memref_slice %arg8[%arg0, %multiple_of3A_105, %dma_start3A_335] : memref<2x10240x128xf32, #tpu.memory_space<hbm>> -> memref<1x80x128xf32, #tpu.memory_space<hbm>>
      %dma_start3A_337 = tpu.memref_squeeze %dma_start3A_336 : memref<1x80x128xf32, #tpu.memory_space<hbm>> -> memref<80x128xf32, #tpu.memory_space<hbm>>
      tpu.enqueue_dma source(%arg13 : memref<80x128xf32, #tpu.memory_space<vmem>>) target(%dma_start3A_337 : memref<80x128xf32, #tpu.memory_space<hbm>>) target_semaphore(%run_scoped3A_331 : memref<!tpu.dma_semaphore, #tpu.memory_space<semaphore_mem>>)
      %dma_wait3A_338 = arith.constant 0 : i32
      %dma_wait3A_339 = tpu.memref_slice %arg8[%arg0, %multiple_of3A_105, %dma_wait3A_338] : memref<2x10240x128xf32, #tpu.memory_space<hbm>> -> memref<1x80x128xf32, #tpu.memory_space<hbm>>
      %dma_wait3A_340 = tpu.memref_squeeze %dma_wait3A_339 : memref<1x80x128xf32, #tpu.memory_space<hbm>> -> memref<80x128xf32, #tpu.memory_space<hbm>>
      %dma_wait3A_341 = arith.constant 0 : i32
      %dma_wait3A_342 = tpu.memref_slice %arg8[%arg0, %multiple_of3A_105, %dma_wait3A_341] : memref<2x10240x128xf32, #tpu.memory_space<hbm>> -> memref<1x80x128xf32, #tpu.memory_space<hbm>>
      %dma_wait3A_343 = tpu.memref_squeeze %dma_wait3A_342 : memref<1x80x128xf32, #tpu.memory_space<hbm>> -> memref<80x128xf32, #tpu.memory_space<hbm>>
      tpu.wait_dma2 semaphore(%run_scoped3A_331 : memref<!tpu.dma_semaphore, #tpu.memory_space<semaphore_mem>>) src(%arg13 : memref<80x128xf32, #tpu.memory_space<vmem>>) dst(%dma_wait3A_343 : memref<80x128xf32, #tpu.memory_space<hbm>>)
      tpu.yield
    }) : () -> ()
    %dma_start3A_106 = arith.constant 5 : i32
    %dma_start3A_107 = arith.constant 0 : i32
    %dma_start3A_108 = tpu.memref_slice %arg12[%dma_start3A_106, %dma_start3A_107] : memref<8x80xi32, #tpu.memory_space<vmem>> -> memref<1x80xi32, #tpu.memory_space<vmem>>
    %dma_start3A_109 = tpu.memref_squeeze %dma_start3A_108 : memref<1x80xi32, #tpu.memory_space<vmem>> -> memref<80xi32, #tpu.memory_space<vmem>>
    %dma_start3A_110 = arith.constant 0 : i32
    %dma_start3A_111 = arith.constant 0 : i32
    %dma_start3A_112 = tpu.memref_slice %arg16[%dma_start3A_110, %dma_start3A_111] : memref<10240x128xf32, #tpu.memory_space<vmem_shared>> -> memref<10240x128xf32, #tpu.memory_space<vmem_shared>>
    tpu.enqueue_indirect_dma source(%dma_start3A_112 : memref<10240x128xf32, #tpu.memory_space<vmem_shared>>) target(%arg13 : memref<80x128xf32, #tpu.memory_space<vmem>>) offsets(%dma_start3A_109 : memref<80xi32, #tpu.memory_space<vmem>>) semaphore(%arg17 : memref<!tpu.dma_semaphore, #tpu.memory_space<semaphore_mem>>)
    %dma_wait3A_113 = arith.constant 5 : i32
    %dma_wait3A_114 = arith.constant 0 : i32
    %dma_wait3A_115 = tpu.memref_slice %arg12[%dma_wait3A_113, %dma_wait3A_114] : memref<8x80xi32, #tpu.memory_space<vmem>> -> memref<1x80xi32, #tpu.memory_space<vmem>>
    %dma_wait3A_116 = tpu.memref_squeeze %dma_wait3A_115 : memref<1x80xi32, #tpu.memory_space<vmem>> -> memref<80xi32, #tpu.memory_space<vmem>>
    %dma_wait3A_117 = arith.constant 0 : i32
    %dma_wait3A_118 = arith.constant 0 : i32
    %dma_wait3A_119 = tpu.memref_slice %arg16[%dma_wait3A_117, %dma_wait3A_118] : memref<10240x128xf32, #tpu.memory_space<vmem_shared>> -> memref<10240x128xf32, #tpu.memory_space<vmem_shared>>
    tpu.wait_indirect_dma semaphore(%arg17 : memref<!tpu.dma_semaphore, #tpu.memory_space<semaphore_mem>>) src(%dma_wait3A_119 : memref<10240x128xf32, #tpu.memory_space<vmem_shared>>) dst(%arg13 : memref<80x128xf32, #tpu.memory_space<vmem>>)
    %mul3A_120 = arith.constant 640 : i32
    %mul3A_121 = arith.muli %arg1, %mul3A_120 : i32
    %add3A_122 = arith.constant 400 : i32
    %add3A_123 = arith.addi %mul3A_121, %add3A_122 : i32
    %multiple_of3A_124 = tpu.assume_multiple %add3A_123, 8 : i32
    "tpu.region"() ({
      %run_scoped3A_331 = tpu.sem_alloc : memref<!tpu.dma_semaphore, #tpu.memory_space<semaphore_mem>>
      %dma_start3A_332 = arith.constant 0 : i32
      %dma_start3A_333 = tpu.memref_slice %arg8[%arg0, %multiple_of3A_124, %dma_start3A_332] : memref<2x10240x128xf32, #tpu.memory_space<hbm>> -> memref<1x80x128xf32, #tpu.memory_space<hbm>>
      %dma_start3A_334 = tpu.memref_squeeze %dma_start3A_333 : memref<1x80x128xf32, #tpu.memory_space<hbm>> -> memref<80x128xf32, #tpu.memory_space<hbm>>
      %dma_start3A_335 = arith.constant 0 : i32
      %dma_start3A_336 = tpu.memref_slice %arg8[%arg0, %multiple_of3A_124, %dma_start3A_335] : memref<2x10240x128xf32, #tpu.memory_space<hbm>> -> memref<1x80x128xf32, #tpu.memory_space<hbm>>
      %dma_start3A_337 = tpu.memref_squeeze %dma_start3A_336 : memref<1x80x128xf32, #tpu.memory_space<hbm>> -> memref<80x128xf32, #tpu.memory_space<hbm>>
      tpu.enqueue_dma source(%arg13 : memref<80x128xf32, #tpu.memory_space<vmem>>) target(%dma_start3A_337 : memref<80x128xf32, #tpu.memory_space<hbm>>) target_semaphore(%run_scoped3A_331 : memref<!tpu.dma_semaphore, #tpu.memory_space<semaphore_mem>>)
      %dma_wait3A_338 = arith.constant 0 : i32
      %dma_wait3A_339 = tpu.memref_slice %arg8[%arg0, %multiple_of3A_124, %dma_wait3A_338] : memref<2x10240x128xf32, #tpu.memory_space<hbm>> -> memref<1x80x128xf32, #tpu.memory_space<hbm>>
      %dma_wait3A_340 = tpu.memref_squeeze %dma_wait3A_339 : memref<1x80x128xf32, #tpu.memory_space<hbm>> -> memref<80x128xf32, #tpu.memory_space<hbm>>
      %dma_wait3A_341 = arith.constant 0 : i32
      %dma_wait3A_342 = tpu.memref_slice %arg8[%arg0, %multiple_of3A_124, %dma_wait3A_341] : memref<2x10240x128xf32, #tpu.memory_space<hbm>> -> memref<1x80x128xf32, #tpu.memory_space<hbm>>
      %dma_wait3A_343 = tpu.memref_squeeze %dma_wait3A_342 : memref<1x80x128xf32, #tpu.memory_space<hbm>> -> memref<80x128xf32, #tpu.memory_space<hbm>>
      tpu.wait_dma2 semaphore(%run_scoped3A_331 : memref<!tpu.dma_semaphore, #tpu.memory_space<semaphore_mem>>) src(%arg13 : memref<80x128xf32, #tpu.memory_space<vmem>>) dst(%dma_wait3A_343 : memref<80x128xf32, #tpu.memory_space<hbm>>)
      tpu.yield
    }) : () -> ()
    %dma_start3A_125 = arith.constant 6 : i32
    %dma_start3A_126 = arith.constant 0 : i32
    %dma_start3A_127 = tpu.memref_slice %arg12[%dma_start3A_125, %dma_start3A_126] : memref<8x80xi32, #tpu.memory_space<vmem>> -> memref<1x80xi32, #tpu.memory_space<vmem>>
    %dma_start3A_128 = tpu.memref_squeeze %dma_start3A_127 : memref<1x80xi32, #tpu.memory_space<vmem>> -> memref<80xi32, #tpu.memory_space<vmem>>
    %dma_start3A_129 = arith.constant 0 : i32
    %dma_start3A_130 = arith.constant 0 : i32
    %dma_start3A_131 = tpu.memref_slice %arg16[%dma_start3A_129, %dma_start3A_130] : memref<10240x128xf32, #tpu.memory_space<vmem_shared>> -> memref<10240x128xf32, #tpu.memory_space<vmem_shared>>
    tpu.enqueue_indirect_dma source(%dma_start3A_131 : memref<10240x128xf32, #tpu.memory_space<vmem_shared>>) target(%arg13 : memref<80x128xf32, #tpu.memory_space<vmem>>) offsets(%dma_start3A_128 : memref<80xi32, #tpu.memory_space<vmem>>) semaphore(%arg17 : memref<!tpu.dma_semaphore, #tpu.memory_space<semaphore_mem>>)
    %dma_wait3A_132 = arith.constant 6 : i32
    %dma_wait3A_133 = arith.constant 0 : i32
    %dma_wait3A_134 = tpu.memref_slice %arg12[%dma_wait3A_132, %dma_wait3A_133] : memref<8x80xi32, #tpu.memory_space<vmem>> -> memref<1x80xi32, #tpu.memory_space<vmem>>
    %dma_wait3A_135 = tpu.memref_squeeze %dma_wait3A_134 : memref<1x80xi32, #tpu.memory_space<vmem>> -> memref<80xi32, #tpu.memory_space<vmem>>
    %dma_wait3A_136 = arith.constant 0 : i32
    %dma_wait3A_137 = arith.constant 0 : i32
    %dma_wait3A_138 = tpu.memref_slice %arg16[%dma_wait3A_136, %dma_wait3A_137] : memref<10240x128xf32, #tpu.memory_space<vmem_shared>> -> memref<10240x128xf32, #tpu.memory_space<vmem_shared>>
    tpu.wait_indirect_dma semaphore(%arg17 : memref<!tpu.dma_semaphore, #tpu.memory_space<semaphore_mem>>) src(%dma_wait3A_138 : memref<10240x128xf32, #tpu.memory_space<vmem_shared>>) dst(%arg13 : memref<80x128xf32, #tpu.memory_space<vmem>>)
    %mul3A_139 = arith.constant 640 : i32
    %mul3A_140 = arith.muli %arg1, %mul3A_139 : i32
    %add3A_141 = arith.constant 480 : i32
    %add3A_142 = arith.addi %mul3A_140, %add3A_141 : i32
    %multiple_of3A_143 = tpu.assume_multiple %add3A_142, 8 : i32
    "tpu.region"() ({
      %run_scoped3A_331 = tpu.sem_alloc : memref<!tpu.dma_semaphore, #tpu.memory_space<semaphore_mem>>
      %dma_start3A_332 = arith.constant 0 : i32
      %dma_start3A_333 = tpu.memref_slice %arg8[%arg0, %multiple_of3A_143, %dma_start3A_332] : memref<2x10240x128xf32, #tpu.memory_space<hbm>> -> memref<1x80x128xf32, #tpu.memory_space<hbm>>
      %dma_start3A_334 = tpu.memref_squeeze %dma_start3A_333 : memref<1x80x128xf32, #tpu.memory_space<hbm>> -> memref<80x128xf32, #tpu.memory_space<hbm>>
      %dma_start3A_335 = arith.constant 0 : i32
      %dma_start3A_336 = tpu.memref_slice %arg8[%arg0, %multiple_of3A_143, %dma_start3A_335] : memref<2x10240x128xf32, #tpu.memory_space<hbm>> -> memref<1x80x128xf32, #tpu.memory_space<hbm>>
      %dma_start3A_337 = tpu.memref_squeeze %dma_start3A_336 : memref<1x80x128xf32, #tpu.memory_space<hbm>> -> memref<80x128xf32, #tpu.memory_space<hbm>>
      tpu.enqueue_dma source(%arg13 : memref<80x128xf32, #tpu.memory_space<vmem>>) target(%dma_start3A_337 : memref<80x128xf32, #tpu.memory_space<hbm>>) target_semaphore(%run_scoped3A_331 : memref<!tpu.dma_semaphore, #tpu.memory_space<semaphore_mem>>)
      %dma_wait3A_338 = arith.constant 0 : i32
      %dma_wait3A_339 = tpu.memref_slice %arg8[%arg0, %multiple_of3A_143, %dma_wait3A_338] : memref<2x10240x128xf32, #tpu.memory_space<hbm>> -> memref<1x80x128xf32, #tpu.memory_space<hbm>>
      %dma_wait3A_340 = tpu.memref_squeeze %dma_wait3A_339 : memref<1x80x128xf32, #tpu.memory_space<hbm>> -> memref<80x128xf32, #tpu.memory_space<hbm>>
      %dma_wait3A_341 = arith.constant 0 : i32
      %dma_wait3A_342 = tpu.memref_slice %arg8[%arg0, %multiple_of3A_143, %dma_wait3A_341] : memref<2x10240x128xf32, #tpu.memory_space<hbm>> -> memref<1x80x128xf32, #tpu.memory_space<hbm>>
      %dma_wait3A_343 = tpu.memref_squeeze %dma_wait3A_342 : memref<1x80x128xf32, #tpu.memory_space<hbm>> -> memref<80x128xf32, #tpu.memory_space<hbm>>
      tpu.wait_dma2 semaphore(%run_scoped3A_331 : memref<!tpu.dma_semaphore, #tpu.memory_space<semaphore_mem>>) src(%arg13 : memref<80x128xf32, #tpu.memory_space<vmem>>) dst(%dma_wait3A_343 : memref<80x128xf32, #tpu.memory_space<hbm>>)
      tpu.yield
    }) : () -> ()
    %dma_start3A_144 = arith.constant 7 : i32
    %dma_start3A_145 = arith.constant 0 : i32
    %dma_start3A_146 = tpu.memref_slice %arg12[%dma_start3A_144, %dma_start3A_145] : memref<8x80xi32, #tpu.memory_space<vmem>> -> memref<1x80xi32, #tpu.memory_space<vmem>>
    %dma_start3A_147 = tpu.memref_squeeze %dma_start3A_146 : memref<1x80xi32, #tpu.memory_space<vmem>> -> memref<80xi32, #tpu.memory_space<vmem>>
    %dma_start3A_148 = arith.constant 0 : i32
    %dma_start3A_149 = arith.constant 0 : i32
    %dma_start3A_150 = tpu.memref_slice %arg16[%dma_start3A_148, %dma_start3A_149] : memref<10240x128xf32, #tpu.memory_space<vmem_shared>> -> memref<10240x128xf32, #tpu.memory_space<vmem_shared>>
    tpu.enqueue_indirect_dma source(%dma_start3A_150 : memref<10240x128xf32, #tpu.memory_space<vmem_shared>>) target(%arg13 : memref<80x128xf32, #tpu.memory_space<vmem>>) offsets(%dma_start3A_147 : memref<80xi32, #tpu.memory_space<vmem>>) semaphore(%arg17 : memref<!tpu.dma_semaphore, #tpu.memory_space<semaphore_mem>>)
    %dma_wait3A_151 = arith.constant 7 : i32
    %dma_wait3A_152 = arith.constant 0 : i32
    %dma_wait3A_153 = tpu.memref_slice %arg12[%dma_wait3A_151, %dma_wait3A_152] : memref<8x80xi32, #tpu.memory_space<vmem>> -> memref<1x80xi32, #tpu.memory_space<vmem>>
    %dma_wait3A_154 = tpu.memref_squeeze %dma_wait3A_153 : memref<1x80xi32, #tpu.memory_space<vmem>> -> memref<80xi32, #tpu.memory_space<vmem>>
    %dma_wait3A_155 = arith.constant 0 : i32
    %dma_wait3A_156 = arith.constant 0 : i32
    %dma_wait3A_157 = tpu.memref_slice %arg16[%dma_wait3A_155, %dma_wait3A_156] : memref<10240x128xf32, #tpu.memory_space<vmem_shared>> -> memref<10240x128xf32, #tpu.memory_space<vmem_shared>>
    tpu.wait_indirect_dma semaphore(%arg17 : memref<!tpu.dma_semaphore, #tpu.memory_space<semaphore_mem>>) src(%dma_wait3A_157 : memref<10240x128xf32, #tpu.memory_space<vmem_shared>>) dst(%arg13 : memref<80x128xf32, #tpu.memory_space<vmem>>)
    %mul3A_158 = arith.constant 640 : i32
    %mul3A_159 = arith.muli %arg1, %mul3A_158 : i32
    %add3A_160 = arith.constant 560 : i32
    %add3A_161 = arith.addi %mul3A_159, %add3A_160 : i32
    %multiple_of3A_162 = tpu.assume_multiple %add3A_161, 8 : i32
    "tpu.region"() ({
      %run_scoped3A_331 = tpu.sem_alloc : memref<!tpu.dma_semaphore, #tpu.memory_space<semaphore_mem>>
      %dma_start3A_332 = arith.constant 0 : i32
      %dma_start3A_333 = tpu.memref_slice %arg8[%arg0, %multiple_of3A_162, %dma_start3A_332] : memref<2x10240x128xf32, #tpu.memory_space<hbm>> -> memref<1x80x128xf32, #tpu.memory_space<hbm>>
      %dma_start3A_334 = tpu.memref_squeeze %dma_start3A_333 : memref<1x80x128xf32, #tpu.memory_space<hbm>> -> memref<80x128xf32, #tpu.memory_space<hbm>>
      %dma_start3A_335 = arith.constant 0 : i32
      %dma_start3A_336 = tpu.memref_slice %arg8[%arg0, %multiple_of3A_162, %dma_start3A_335] : memref<2x10240x128xf32, #tpu.memory_space<hbm>> -> memref<1x80x128xf32, #tpu.memory_space<hbm>>
      %dma_start3A_337 = tpu.memref_squeeze %dma_start3A_336 : memref<1x80x128xf32, #tpu.memory_space<hbm>> -> memref<80x128xf32, #tpu.memory_space<hbm>>
      tpu.enqueue_dma source(%arg13 : memref<80x128xf32, #tpu.memory_space<vmem>>) target(%dma_start3A_337 : memref<80x128xf32, #tpu.memory_space<hbm>>) target_semaphore(%run_scoped3A_331 : memref<!tpu.dma_semaphore, #tpu.memory_space<semaphore_mem>>)
      %dma_wait3A_338 = arith.constant 0 : i32
      %dma_wait3A_339 = tpu.memref_slice %arg8[%arg0, %multiple_of3A_162, %dma_wait3A_338] : memref<2x10240x128xf32, #tpu.memory_space<hbm>> -> memref<1x80x128xf32, #tpu.memory_space<hbm>>
      %dma_wait3A_340 = tpu.memref_squeeze %dma_wait3A_339 : memref<1x80x128xf32, #tpu.memory_space<hbm>> -> memref<80x128xf32, #tpu.memory_space<hbm>>
      %dma_wait3A_341 = arith.constant 0 : i32
      %dma_wait3A_342 = tpu.memref_slice %arg8[%arg0, %multiple_of3A_162, %dma_wait3A_341] : memref<2x10240x128xf32, #tpu.memory_space<hbm>> -> memref<1x80x128xf32, #tpu.memory_space<hbm>>
      %dma_wait3A_343 = tpu.memref_squeeze %dma_wait3A_342 : memref<1x80x128xf32, #tpu.memory_space<hbm>> -> memref<80x128xf32, #tpu.memory_space<hbm>>
      tpu.wait_dma2 semaphore(%run_scoped3A_331 : memref<!tpu.dma_semaphore, #tpu.memory_space<semaphore_mem>>) src(%arg13 : memref<80x128xf32, #tpu.memory_space<vmem>>) dst(%dma_wait3A_343 : memref<80x128xf32, #tpu.memory_space<hbm>>)
      tpu.yield
    }) : () -> ()
    "tpu.region"() ({
      %run_scoped3A_331 = tpu.sem_alloc : memref<!tpu.dma_semaphore, #tpu.memory_space<semaphore_mem>>
      tpu.enqueue_dma source(%arg5 : memref<80x128xf32, #tpu.memory_space<hbm>>) target(%arg13 : memref<80x128xf32, #tpu.memory_space<vmem>>) target_semaphore(%run_scoped3A_331 : memref<!tpu.dma_semaphore, #tpu.memory_space<semaphore_mem>>)
      tpu.wait_dma2 semaphore(%run_scoped3A_331 : memref<!tpu.dma_semaphore, #tpu.memory_space<semaphore_mem>>) src(%arg5 : memref<80x128xf32, #tpu.memory_space<hbm>>) dst(%arg13 : memref<80x128xf32, #tpu.memory_space<vmem>>)
      tpu.yield
    }) : () -> ()
    "tpu.region"() ({
      %run_scoped3A_331 = tpu.sem_alloc : memref<!tpu.dma_semaphore, #tpu.memory_space<semaphore_mem>>
      tpu.enqueue_dma source(%arg6 : memref<80x128xf32, #tpu.memory_space<hbm>>) target(%arg14 : memref<80x128xf32, #tpu.memory_space<vmem>>) target_semaphore(%run_scoped3A_331 : memref<!tpu.dma_semaphore, #tpu.memory_space<semaphore_mem>>)
      tpu.wait_dma2 semaphore(%run_scoped3A_331 : memref<!tpu.dma_semaphore, #tpu.memory_space<semaphore_mem>>) src(%arg6 : memref<80x128xf32, #tpu.memory_space<hbm>>) dst(%arg14 : memref<80x128xf32, #tpu.memory_space<vmem>>)
      tpu.yield
    }) : () -> ()
    %run_scoped3A_163 = arith.constant 0 : i32
    "tpu.region"() ({
      %run_scoped3A_331 = tpu.sem_alloc : memref<!tpu.dma_semaphore, #tpu.memory_space<semaphore_mem>>
      %dma_start3A_332 = arith.constant 0 : i32
      %dma_start3A_333 = tpu.memref_slice %arg12[%run_scoped3A_163, %dma_start3A_332] : memref<8x80xi32, #tpu.memory_space<vmem>> -> memref<1x80xi32, #tpu.memory_space<vmem>>
      %dma_start3A_334 = tpu.memref_squeeze %dma_start3A_333 : memref<1x80xi32, #tpu.memory_space<vmem>> -> memref<80xi32, #tpu.memory_space<vmem>>
      %dma_start3A_335 = arith.constant 0 : i32
      %dma_start3A_336 = arith.constant 0 : i32
      %dma_start3A_337 = tpu.memref_slice %arg16[%dma_start3A_335, %dma_start3A_336] : memref<10240x128xf32, #tpu.memory_space<vmem_shared>> -> memref<10240x128xf32, #tpu.memory_space<vmem_shared>>
      tpu.enqueue_indirect_dma source(%arg13 : memref<80x128xf32, #tpu.memory_space<vmem>>) target(%dma_start3A_337 : memref<10240x128xf32, #tpu.memory_space<vmem_shared>>) offsets(%dma_start3A_334 : memref<80xi32, #tpu.memory_space<vmem>>) semaphore(%run_scoped3A_331 : memref<!tpu.dma_semaphore, #tpu.memory_space<semaphore_mem>>)
      %dma_wait3A_338 = arith.constant 0 : i32
      %dma_wait3A_339 = tpu.memref_slice %arg12[%run_scoped3A_163, %dma_wait3A_338] : memref<8x80xi32, #tpu.memory_space<vmem>> -> memref<1x80xi32, #tpu.memory_space<vmem>>
      %dma_wait3A_340 = tpu.memref_squeeze %dma_wait3A_339 : memref<1x80xi32, #tpu.memory_space<vmem>> -> memref<80xi32, #tpu.memory_space<vmem>>
      %dma_wait3A_341 = arith.constant 0 : i32
      %dma_wait3A_342 = arith.constant 0 : i32
      %dma_wait3A_343 = tpu.memref_slice %arg16[%dma_wait3A_341, %dma_wait3A_342] : memref<10240x128xf32, #tpu.memory_space<vmem_shared>> -> memref<10240x128xf32, #tpu.memory_space<vmem_shared>>
      tpu.wait_indirect_dma semaphore(%run_scoped3A_331 : memref<!tpu.dma_semaphore, #tpu.memory_space<semaphore_mem>>) src(%arg13 : memref<80x128xf32, #tpu.memory_space<vmem>>) dst(%dma_wait3A_343 : memref<10240x128xf32, #tpu.memory_space<vmem_shared>>)
      tpu.yield
    }) : () -> ()
    %run_scoped3A_164 = arith.constant 1 : i32
    "tpu.region"() ({
      %run_scoped3A_331 = tpu.sem_alloc : memref<!tpu.dma_semaphore, #tpu.memory_space<semaphore_mem>>
      %dma_start3A_332 = arith.constant 0 : i32
      %dma_start3A_333 = tpu.memref_slice %arg12[%run_scoped3A_164, %dma_start3A_332] : memref<8x80xi32, #tpu.memory_space<vmem>> -> memref<1x80xi32, #tpu.memory_space<vmem>>
      %dma_start3A_334 = tpu.memref_squeeze %dma_start3A_333 : memref<1x80xi32, #tpu.memory_space<vmem>> -> memref<80xi32, #tpu.memory_space<vmem>>
      %dma_start3A_335 = arith.constant 0 : i32
      %dma_start3A_336 = arith.constant 0 : i32
      %dma_start3A_337 = tpu.memref_slice %arg16[%dma_start3A_335, %dma_start3A_336] : memref<10240x128xf32, #tpu.memory_space<vmem_shared>> -> memref<10240x128xf32, #tpu.memory_space<vmem_shared>>
      tpu.enqueue_indirect_dma source(%arg13 : memref<80x128xf32, #tpu.memory_space<vmem>>) target(%dma_start3A_337 : memref<10240x128xf32, #tpu.memory_space<vmem_shared>>) offsets(%dma_start3A_334 : memref<80xi32, #tpu.memory_space<vmem>>) semaphore(%run_scoped3A_331 : memref<!tpu.dma_semaphore, #tpu.memory_space<semaphore_mem>>)
      %dma_wait3A_338 = arith.constant 0 : i32
      %dma_wait3A_339 = tpu.memref_slice %arg12[%run_scoped3A_164, %dma_wait3A_338] : memref<8x80xi32, #tpu.memory_space<vmem>> -> memref<1x80xi32, #tpu.memory_space<vmem>>
      %dma_wait3A_340 = tpu.memref_squeeze %dma_wait3A_339 : memref<1x80xi32, #tpu.memory_space<vmem>> -> memref<80xi32, #tpu.memory_space<vmem>>
      %dma_wait3A_341 = arith.constant 0 : i32
      %dma_wait3A_342 = arith.constant 0 : i32
      %dma_wait3A_343 = tpu.memref_slice %arg16[%dma_wait3A_341, %dma_wait3A_342] : memref<10240x128xf32, #tpu.memory_space<vmem_shared>> -> memref<10240x128xf32, #tpu.memory_space<vmem_shared>>
      tpu.wait_indirect_dma semaphore(%run_scoped3A_331 : memref<!tpu.dma_semaphore, #tpu.memory_space<semaphore_mem>>) src(%arg13 : memref<80x128xf32, #tpu.memory_space<vmem>>) dst(%dma_wait3A_343 : memref<10240x128xf32, #tpu.memory_space<vmem_shared>>)
      tpu.yield
    }) : () -> ()
    %run_scoped3A_165 = arith.constant 2 : i32
    "tpu.region"() ({
      %run_scoped3A_331 = tpu.sem_alloc : memref<!tpu.dma_semaphore, #tpu.memory_space<semaphore_mem>>
      %dma_start3A_332 = arith.constant 0 : i32
      %dma_start3A_333 = tpu.memref_slice %arg12[%run_scoped3A_165, %dma_start3A_332] : memref<8x80xi32, #tpu.memory_space<vmem>> -> memref<1x80xi32, #tpu.memory_space<vmem>>
      %dma_start3A_334 = tpu.memref_squeeze %dma_start3A_333 : memref<1x80xi32, #tpu.memory_space<vmem>> -> memref<80xi32, #tpu.memory_space<vmem>>
      %dma_start3A_335 = arith.constant 0 : i32
      %dma_start3A_336 = arith.constant 0 : i32
      %dma_start3A_337 = tpu.memref_slice %arg16[%dma_start3A_335, %dma_start3A_336] : memref<10240x128xf32, #tpu.memory_space<vmem_shared>> -> memref<10240x128xf32, #tpu.memory_space<vmem_shared>>
      tpu.enqueue_indirect_dma source(%arg13 : memref<80x128xf32, #tpu.memory_space<vmem>>) target(%dma_start3A_337 : memref<10240x128xf32, #tpu.memory_space<vmem_shared>>) offsets(%dma_start3A_334 : memref<80xi32, #tpu.memory_space<vmem>>) semaphore(%run_scoped3A_331 : memref<!tpu.dma_semaphore, #tpu.memory_space<semaphore_mem>>)
      %dma_wait3A_338 = arith.constant 0 : i32
      %dma_wait3A_339 = tpu.memref_slice %arg12[%run_scoped3A_165, %dma_wait3A_338] : memref<8x80xi32, #tpu.memory_space<vmem>> -> memref<1x80xi32, #tpu.memory_space<vmem>>
      %dma_wait3A_340 = tpu.memref_squeeze %dma_wait3A_339 : memref<1x80xi32, #tpu.memory_space<vmem>> -> memref<80xi32, #tpu.memory_space<vmem>>
      %dma_wait3A_341 = arith.constant 0 : i32
      %dma_wait3A_342 = arith.constant 0 : i32
      %dma_wait3A_343 = tpu.memref_slice %arg16[%dma_wait3A_341, %dma_wait3A_342] : memref<10240x128xf32, #tpu.memory_space<vmem_shared>> -> memref<10240x128xf32, #tpu.memory_space<vmem_shared>>
      tpu.wait_indirect_dma semaphore(%run_scoped3A_331 : memref<!tpu.dma_semaphore, #tpu.memory_space<semaphore_mem>>) src(%arg13 : memref<80x128xf32, #tpu.memory_space<vmem>>) dst(%dma_wait3A_343 : memref<10240x128xf32, #tpu.memory_space<vmem_shared>>)
      tpu.yield
    }) : () -> ()
    %run_scoped3A_166 = arith.constant 3 : i32
    "tpu.region"() ({
      %run_scoped3A_331 = tpu.sem_alloc : memref<!tpu.dma_semaphore, #tpu.memory_space<semaphore_mem>>
      %dma_start3A_332 = arith.constant 0 : i32
      %dma_start3A_333 = tpu.memref_slice %arg12[%run_scoped3A_166, %dma_start3A_332] : memref<8x80xi32, #tpu.memory_space<vmem>> -> memref<1x80xi32, #tpu.memory_space<vmem>>
      %dma_start3A_334 = tpu.memref_squeeze %dma_start3A_333 : memref<1x80xi32, #tpu.memory_space<vmem>> -> memref<80xi32, #tpu.memory_space<vmem>>
      %dma_start3A_335 = arith.constant 0 : i32
      %dma_start3A_336 = arith.constant 0 : i32
      %dma_start3A_337 = tpu.memref_slice %arg16[%dma_start3A_335, %dma_start3A_336] : memref<10240x128xf32, #tpu.memory_space<vmem_shared>> -> memref<10240x128xf32, #tpu.memory_space<vmem_shared>>
      tpu.enqueue_indirect_dma source(%arg13 : memref<80x128xf32, #tpu.memory_space<vmem>>) target(%dma_start3A_337 : memref<10240x128xf32, #tpu.memory_space<vmem_shared>>) offsets(%dma_start3A_334 : memref<80xi32, #tpu.memory_space<vmem>>) semaphore(%run_scoped3A_331 : memref<!tpu.dma_semaphore, #tpu.memory_space<semaphore_mem>>)
      %dma_wait3A_338 = arith.constant 0 : i32
      %dma_wait3A_339 = tpu.memref_slice %arg12[%run_scoped3A_166, %dma_wait3A_338] : memref<8x80xi32, #tpu.memory_space<vmem>> -> memref<1x80xi32, #tpu.memory_space<vmem>>
      %dma_wait3A_340 = tpu.memref_squeeze %dma_wait3A_339 : memref<1x80xi32, #tpu.memory_space<vmem>> -> memref<80xi32, #tpu.memory_space<vmem>>
      %dma_wait3A_341 = arith.constant 0 : i32
      %dma_wait3A_342 = arith.constant 0 : i32
      %dma_wait3A_343 = tpu.memref_slice %arg16[%dma_wait3A_341, %dma_wait3A_342] : memref<10240x128xf32, #tpu.memory_space<vmem_shared>> -> memref<10240x128xf32, #tpu.memory_space<vmem_shared>>
      tpu.wait_indirect_dma semaphore(%run_scoped3A_331 : memref<!tpu.dma_semaphore, #tpu.memory_space<semaphore_mem>>) src(%arg13 : memref<80x128xf32, #tpu.memory_space<vmem>>) dst(%dma_wait3A_343 : memref<10240x128xf32, #tpu.memory_space<vmem_shared>>)
      tpu.yield
    }) : () -> ()
    %run_scoped3A_167 = arith.constant 4 : i32
    "tpu.region"() ({
      %run_scoped3A_331 = tpu.sem_alloc : memref<!tpu.dma_semaphore, #tpu.memory_space<semaphore_mem>>
      %dma_start3A_332 = arith.constant 0 : i32
      %dma_start3A_333 = tpu.memref_slice %arg12[%run_scoped3A_167, %dma_start3A_332] : memref<8x80xi32, #tpu.memory_space<vmem>> -> memref<1x80xi32, #tpu.memory_space<vmem>>
      %dma_start3A_334 = tpu.memref_squeeze %dma_start3A_333 : memref<1x80xi32, #tpu.memory_space<vmem>> -> memref<80xi32, #tpu.memory_space<vmem>>
      %dma_start3A_335 = arith.constant 0 : i32
      %dma_start3A_336 = arith.constant 0 : i32
      %dma_start3A_337 = tpu.memref_slice %arg16[%dma_start3A_335, %dma_start3A_336] : memref<10240x128xf32, #tpu.memory_space<vmem_shared>> -> memref<10240x128xf32, #tpu.memory_space<vmem_shared>>
      tpu.enqueue_indirect_dma source(%arg13 : memref<80x128xf32, #tpu.memory_space<vmem>>) target(%dma_start3A_337 : memref<10240x128xf32, #tpu.memory_space<vmem_shared>>) offsets(%dma_start3A_334 : memref<80xi32, #tpu.memory_space<vmem>>) semaphore(%run_scoped3A_331 : memref<!tpu.dma_semaphore, #tpu.memory_space<semaphore_mem>>)
      %dma_wait3A_338 = arith.constant 0 : i32
      %dma_wait3A_339 = tpu.memref_slice %arg12[%run_scoped3A_167, %dma_wait3A_338] : memref<8x80xi32, #tpu.memory_space<vmem>> -> memref<1x80xi32, #tpu.memory_space<vmem>>
      %dma_wait3A_340 = tpu.memref_squeeze %dma_wait3A_339 : memref<1x80xi32, #tpu.memory_space<vmem>> -> memref<80xi32, #tpu.memory_space<vmem>>
      %dma_wait3A_341 = arith.constant 0 : i32
      %dma_wait3A_342 = arith.constant 0 : i32
      %dma_wait3A_343 = tpu.memref_slice %arg16[%dma_wait3A_341, %dma_wait3A_342] : memref<10240x128xf32, #tpu.memory_space<vmem_shared>> -> memref<10240x128xf32, #tpu.memory_space<vmem_shared>>
      tpu.wait_indirect_dma semaphore(%run_scoped3A_331 : memref<!tpu.dma_semaphore, #tpu.memory_space<semaphore_mem>>) src(%arg13 : memref<80x128xf32, #tpu.memory_space<vmem>>) dst(%dma_wait3A_343 : memref<10240x128xf32, #tpu.memory_space<vmem_shared>>)
      tpu.yield
    }) : () -> ()
    %run_scoped3A_168 = arith.constant 5 : i32
    "tpu.region"() ({
      %run_scoped3A_331 = tpu.sem_alloc : memref<!tpu.dma_semaphore, #tpu.memory_space<semaphore_mem>>
      %dma_start3A_332 = arith.constant 0 : i32
      %dma_start3A_333 = tpu.memref_slice %arg12[%run_scoped3A_168, %dma_start3A_332] : memref<8x80xi32, #tpu.memory_space<vmem>> -> memref<1x80xi32, #tpu.memory_space<vmem>>
      %dma_start3A_334 = tpu.memref_squeeze %dma_start3A_333 : memref<1x80xi32, #tpu.memory_space<vmem>> -> memref<80xi32, #tpu.memory_space<vmem>>
      %dma_start3A_335 = arith.constant 0 : i32
      %dma_start3A_336 = arith.constant 0 : i32
      %dma_start3A_337 = tpu.memref_slice %arg16[%dma_start3A_335, %dma_start3A_336] : memref<10240x128xf32, #tpu.memory_space<vmem_shared>> -> memref<10240x128xf32, #tpu.memory_space<vmem_shared>>
      tpu.enqueue_indirect_dma source(%arg13 : memref<80x128xf32, #tpu.memory_space<vmem>>) target(%dma_start3A_337 : memref<10240x128xf32, #tpu.memory_space<vmem_shared>>) offsets(%dma_start3A_334 : memref<80xi32, #tpu.memory_space<vmem>>) semaphore(%run_scoped3A_331 : memref<!tpu.dma_semaphore, #tpu.memory_space<semaphore_mem>>)
      %dma_wait3A_338 = arith.constant 0 : i32
      %dma_wait3A_339 = tpu.memref_slice %arg12[%run_scoped3A_168, %dma_wait3A_338] : memref<8x80xi32, #tpu.memory_space<vmem>> -> memref<1x80xi32, #tpu.memory_space<vmem>>
      %dma_wait3A_340 = tpu.memref_squeeze %dma_wait3A_339 : memref<1x80xi32, #tpu.memory_space<vmem>> -> memref<80xi32, #tpu.memory_space<vmem>>
      %dma_wait3A_341 = arith.constant 0 : i32
      %dma_wait3A_342 = arith.constant 0 : i32
      %dma_wait3A_343 = tpu.memref_slice %arg16[%dma_wait3A_341, %dma_wait3A_342] : memref<10240x128xf32, #tpu.memory_space<vmem_shared>> -> memref<10240x128xf32, #tpu.memory_space<vmem_shared>>
      tpu.wait_indirect_dma semaphore(%run_scoped3A_331 : memref<!tpu.dma_semaphore, #tpu.memory_space<semaphore_mem>>) src(%arg13 : memref<80x128xf32, #tpu.memory_space<vmem>>) dst(%dma_wait3A_343 : memref<10240x128xf32, #tpu.memory_space<vmem_shared>>)
      tpu.yield
    }) : () -> ()
    %run_scoped3A_169 = arith.constant 6 : i32
    "tpu.region"() ({
      %run_scoped3A_331 = tpu.sem_alloc : memref<!tpu.dma_semaphore, #tpu.memory_space<semaphore_mem>>
      %dma_start3A_332 = arith.constant 0 : i32
      %dma_start3A_333 = tpu.memref_slice %arg12[%run_scoped3A_169, %dma_start3A_332] : memref<8x80xi32, #tpu.memory_space<vmem>> -> memref<1x80xi32, #tpu.memory_space<vmem>>
      %dma_start3A_334 = tpu.memref_squeeze %dma_start3A_333 : memref<1x80xi32, #tpu.memory_space<vmem>> -> memref<80xi32, #tpu.memory_space<vmem>>
      %dma_start3A_335 = arith.constant 0 : i32
      %dma_start3A_336 = arith.constant 0 : i32
      %dma_start3A_337 = tpu.memref_slice %arg16[%dma_start3A_335, %dma_start3A_336] : memref<10240x128xf32, #tpu.memory_space<vmem_shared>> -> memref<10240x128xf32, #tpu.memory_space<vmem_shared>>
      tpu.enqueue_indirect_dma source(%arg13 : memref<80x128xf32, #tpu.memory_space<vmem>>) target(%dma_start3A_337 : memref<10240x128xf32, #tpu.memory_space<vmem_shared>>) offsets(%dma_start3A_334 : memref<80xi32, #tpu.memory_space<vmem>>) semaphore(%run_scoped3A_331 : memref<!tpu.dma_semaphore, #tpu.memory_space<semaphore_mem>>)
      %dma_wait3A_338 = arith.constant 0 : i32
      %dma_wait3A_339 = tpu.memref_slice %arg12[%run_scoped3A_169, %dma_wait3A_338] : memref<8x80xi32, #tpu.memory_space<vmem>> -> memref<1x80xi32, #tpu.memory_space<vmem>>
      %dma_wait3A_340 = tpu.memref_squeeze %dma_wait3A_339 : memref<1x80xi32, #tpu.memory_space<vmem>> -> memref<80xi32, #tpu.memory_space<vmem>>
      %dma_wait3A_341 = arith.constant 0 : i32
      %dma_wait3A_342 = arith.constant 0 : i32
      %dma_wait3A_343 = tpu.memref_slice %arg16[%dma_wait3A_341, %dma_wait3A_342] : memref<10240x128xf32, #tpu.memory_space<vmem_shared>> -> memref<10240x128xf32, #tpu.memory_space<vmem_shared>>
      tpu.wait_indirect_dma semaphore(%run_scoped3A_331 : memref<!tpu.dma_semaphore, #tpu.memory_space<semaphore_mem>>) src(%arg13 : memref<80x128xf32, #tpu.memory_space<vmem>>) dst(%dma_wait3A_343 : memref<10240x128xf32, #tpu.memory_space<vmem_shared>>)
      tpu.yield
    }) : () -> ()
    %run_scoped3A_170 = arith.constant 7 : i32
    "tpu.region"() ({
      %run_scoped3A_331 = tpu.sem_alloc : memref<!tpu.dma_semaphore, #tpu.memory_space<semaphore_mem>>
      %dma_start3A_332 = arith.constant 0 : i32
      %dma_start3A_333 = tpu.memref_slice %arg12[%run_scoped3A_170, %dma_start3A_332] : memref<8x80xi32, #tpu.memory_space<vmem>> -> memref<1x80xi32, #tpu.memory_space<vmem>>
      %dma_start3A_334 = tpu.memref_squeeze %dma_start3A_333 : memref<1x80xi32, #tpu.memory_space<vmem>> -> memref<80xi32, #tpu.memory_space<vmem>>
      %dma_start3A_335 = arith.constant 0 : i32
      %dma_start3A_336 = arith.constant 0 : i32
      %dma_start3A_337 = tpu.memref_slice %arg16[%dma_start3A_335, %dma_start3A_336] : memref<10240x128xf32, #tpu.memory_space<vmem_shared>> -> memref<10240x128xf32, #tpu.memory_space<vmem_shared>>
      tpu.enqueue_indirect_dma source(%arg13 : memref<80x128xf32, #tpu.memory_space<vmem>>) target(%dma_start3A_337 : memref<10240x128xf32, #tpu.memory_space<vmem_shared>>) offsets(%dma_start3A_334 : memref<80xi32, #tpu.memory_space<vmem>>) semaphore(%run_scoped3A_331 : memref<!tpu.dma_semaphore, #tpu.memory_space<semaphore_mem>>)
      %dma_wait3A_338 = arith.constant 0 : i32
      %dma_wait3A_339 = tpu.memref_slice %arg12[%run_scoped3A_170, %dma_wait3A_338] : memref<8x80xi32, #tpu.memory_space<vmem>> -> memref<1x80xi32, #tpu.memory_space<vmem>>
      %dma_wait3A_340 = tpu.memref_squeeze %dma_wait3A_339 : memref<1x80xi32, #tpu.memory_space<vmem>> -> memref<80xi32, #tpu.memory_space<vmem>>
      %dma_wait3A_341 = arith.constant 0 : i32
      %dma_wait3A_342 = arith.constant 0 : i32
      %dma_wait3A_343 = tpu.memref_slice %arg16[%dma_wait3A_341, %dma_wait3A_342] : memref<10240x128xf32, #tpu.memory_space<vmem_shared>> -> memref<10240x128xf32, #tpu.memory_space<vmem_shared>>
      tpu.wait_indirect_dma semaphore(%run_scoped3A_331 : memref<!tpu.dma_semaphore, #tpu.memory_space<semaphore_mem>>) src(%arg13 : memref<80x128xf32, #tpu.memory_space<vmem>>) dst(%dma_wait3A_343 : memref<10240x128xf32, #tpu.memory_space<vmem_shared>>)
      tpu.yield
    }) : () -> ()
    %barrier3A_171 = arith.constant 0 : index
    tpu.barrier barrier_id(%barrier3A_171)
    %scan3A_172 = arith.constant 0 : i32
    %scan3A_173 = arith.constant 0 : i32
    %scan3A_174 = arith.constant 5 : i32
    %scan3A_175 = arith.addi %scan3A_173, %scan3A_174 : i32
    %scan3A_176 = arith.constant 1 : i32
    scf.for %scan3A_331 = %scan3A_173 to %scan3A_175 step %scan3A_176  : i32 {
      "tpu.region"() ({
        %run_scoped3A_682 = tpu.sem_alloc : memref<!tpu.dma_semaphore, #tpu.memory_space<semaphore_mem>>
        %dma_start3A_683 = arith.constant 0 : i32
        %dma_start3A_684 = arith.constant 0 : i32
        %dma_start3A_685 = tpu.memref_slice %arg4[%add3A, %scan3A_331, %dma_start3A_683, %dma_start3A_684] : memref<32x5x25x80xi32, #tpu.memory_space<hbm>> -> memref<1x1x25x80xi32, #tpu.memory_space<hbm>>
        %dma_start3A_686 = tpu.memref_squeeze %dma_start3A_685 : memref<1x1x25x80xi32, #tpu.memory_space<hbm>> -> memref<25x80xi32, #tpu.memory_space<hbm>>
        %dma_start3A_687 = arith.constant 0 : i32
        %dma_start3A_688 = arith.constant 0 : i32
        %dma_start3A_689 = tpu.memref_slice %arg4[%add3A, %scan3A_331, %dma_start3A_687, %dma_start3A_688] : memref<32x5x25x80xi32, #tpu.memory_space<hbm>> -> memref<1x1x25x80xi32, #tpu.memory_space<hbm>>
        %dma_start3A_690 = tpu.memref_squeeze %dma_start3A_689 : memref<1x1x25x80xi32, #tpu.memory_space<hbm>> -> memref<25x80xi32, #tpu.memory_space<hbm>>
        tpu.enqueue_dma source(%dma_start3A_690 : memref<25x80xi32, #tpu.memory_space<hbm>>) target(%arg11 : memref<25x80xi32, #tpu.memory_space<vmem>>) target_semaphore(%run_scoped3A_682 : memref<!tpu.dma_semaphore, #tpu.memory_space<semaphore_mem>>)
        %dma_wait3A_691 = arith.constant 0 : i32
        %dma_wait3A_692 = arith.constant 0 : i32
        %dma_wait3A_693 = tpu.memref_slice %arg4[%add3A, %scan3A_331, %dma_wait3A_691, %dma_wait3A_692] : memref<32x5x25x80xi32, #tpu.memory_space<hbm>> -> memref<1x1x25x80xi32, #tpu.memory_space<hbm>>
        %dma_wait3A_694 = tpu.memref_squeeze %dma_wait3A_693 : memref<1x1x25x80xi32, #tpu.memory_space<hbm>> -> memref<25x80xi32, #tpu.memory_space<hbm>>
        %dma_wait3A_695 = arith.constant 0 : i32
        %dma_wait3A_696 = arith.constant 0 : i32
        %dma_wait3A_697 = tpu.memref_slice %arg4[%add3A, %scan3A_331, %dma_wait3A_695, %dma_wait3A_696] : memref<32x5x25x80xi32, #tpu.memory_space<hbm>> -> memref<1x1x25x80xi32, #tpu.memory_space<hbm>>
        %dma_wait3A_698 = tpu.memref_squeeze %dma_wait3A_697 : memref<1x1x25x80xi32, #tpu.memory_space<hbm>> -> memref<25x80xi32, #tpu.memory_space<hbm>>
        tpu.wait_dma2 semaphore(%run_scoped3A_682 : memref<!tpu.dma_semaphore, #tpu.memory_space<semaphore_mem>>) src(%dma_wait3A_698 : memref<25x80xi32, #tpu.memory_space<hbm>>) dst(%arg11 : memref<25x80xi32, #tpu.memory_space<vmem>>)
        tpu.yield
      }) : () -> ()
      %dma_start3A_332 = arith.constant 0 : i32
      %dma_start3A_333 = arith.constant 0 : i32
      %dma_start3A_334 = tpu.memref_slice %arg11[%dma_start3A_332, %dma_start3A_333] : memref<25x80xi32, #tpu.memory_space<vmem>> -> memref<1x80xi32, #tpu.memory_space<vmem>>
      %dma_start3A_335 = tpu.memref_squeeze %dma_start3A_334 : memref<1x80xi32, #tpu.memory_space<vmem>> -> memref<80xi32, #tpu.memory_space<vmem>>
      %dma_start3A_336 = arith.constant 0 : i32
      %dma_start3A_337 = arith.constant 0 : i32
      %dma_start3A_338 = tpu.memref_slice %arg16[%dma_start3A_336, %dma_start3A_337] : memref<10240x128xf32, #tpu.memory_space<vmem_shared>> -> memref<10240x128xf32, #tpu.memory_space<vmem_shared>>
      tpu.enqueue_indirect_dma source(%arg14 : memref<80x128xf32, #tpu.memory_space<vmem>>) target(%dma_start3A_338 : memref<10240x128xf32, #tpu.memory_space<vmem_shared>>) offsets(%dma_start3A_335 : memref<80xi32, #tpu.memory_space<vmem>>) semaphore(%arg20 : memref<!tpu.dma_semaphore, #tpu.memory_space<semaphore_mem>>) {add = true}
      %dma_start3A_339 = arith.constant 1 : i32
      %dma_start3A_340 = arith.constant 0 : i32
      %dma_start3A_341 = tpu.memref_slice %arg11[%dma_start3A_339, %dma_start3A_340] : memref<25x80xi32, #tpu.memory_space<vmem>> -> memref<1x80xi32, #tpu.memory_space<vmem>>
      %dma_start3A_342 = tpu.memref_squeeze %dma_start3A_341 : memref<1x80xi32, #tpu.memory_space<vmem>> -> memref<80xi32, #tpu.memory_space<vmem>>
      %dma_start3A_343 = arith.constant 0 : i32
      %dma_start3A_344 = arith.constant 0 : i32
      %dma_start3A_345 = tpu.memref_slice %arg16[%dma_start3A_343, %dma_start3A_344] : memref<10240x128xf32, #tpu.memory_space<vmem_shared>> -> memref<10240x128xf32, #tpu.memory_space<vmem_shared>>
      tpu.enqueue_indirect_dma source(%arg14 : memref<80x128xf32, #tpu.memory_space<vmem>>) target(%dma_start3A_345 : memref<10240x128xf32, #tpu.memory_space<vmem_shared>>) offsets(%dma_start3A_342 : memref<80xi32, #tpu.memory_space<vmem>>) semaphore(%arg20 : memref<!tpu.dma_semaphore, #tpu.memory_space<semaphore_mem>>) {add = true}
      %dma_start3A_346 = arith.constant 2 : i32
      %dma_start3A_347 = arith.constant 0 : i32
      %dma_start3A_348 = tpu.memref_slice %arg11[%dma_start3A_346, %dma_start3A_347] : memref<25x80xi32, #tpu.memory_space<vmem>> -> memref<1x80xi32, #tpu.memory_space<vmem>>
      %dma_start3A_349 = tpu.memref_squeeze %dma_start3A_348 : memref<1x80xi32, #tpu.memory_space<vmem>> -> memref<80xi32, #tpu.memory_space<vmem>>
      %dma_start3A_350 = arith.constant 0 : i32
      %dma_start3A_351 = arith.constant 0 : i32
      %dma_start3A_352 = tpu.memref_slice %arg16[%dma_start3A_350, %dma_start3A_351] : memref<10240x128xf32, #tpu.memory_space<vmem_shared>> -> memref<10240x128xf32, #tpu.memory_space<vmem_shared>>
      tpu.enqueue_indirect_dma source(%arg14 : memref<80x128xf32, #tpu.memory_space<vmem>>) target(%dma_start3A_352 : memref<10240x128xf32, #tpu.memory_space<vmem_shared>>) offsets(%dma_start3A_349 : memref<80xi32, #tpu.memory_space<vmem>>) semaphore(%arg20 : memref<!tpu.dma_semaphore, #tpu.memory_space<semaphore_mem>>) {add = true}
      %dma_start3A_353 = arith.constant 3 : i32
      %dma_start3A_354 = arith.constant 0 : i32
      %dma_start3A_355 = tpu.memref_slice %arg11[%dma_start3A_353, %dma_start3A_354] : memref<25x80xi32, #tpu.memory_space<vmem>> -> memref<1x80xi32, #tpu.memory_space<vmem>>
      %dma_start3A_356 = tpu.memref_squeeze %dma_start3A_355 : memref<1x80xi32, #tpu.memory_space<vmem>> -> memref<80xi32, #tpu.memory_space<vmem>>
      %dma_start3A_357 = arith.constant 0 : i32
      %dma_start3A_358 = arith.constant 0 : i32
      %dma_start3A_359 = tpu.memref_slice %arg16[%dma_start3A_357, %dma_start3A_358] : memref<10240x128xf32, #tpu.memory_space<vmem_shared>> -> memref<10240x128xf32, #tpu.memory_space<vmem_shared>>
      tpu.enqueue_indirect_dma source(%arg14 : memref<80x128xf32, #tpu.memory_space<vmem>>) target(%dma_start3A_359 : memref<10240x128xf32, #tpu.memory_space<vmem_shared>>) offsets(%dma_start3A_356 : memref<80xi32, #tpu.memory_space<vmem>>) semaphore(%arg20 : memref<!tpu.dma_semaphore, #tpu.memory_space<semaphore_mem>>) {add = true}
      %dma_start3A_360 = arith.constant 4 : i32
      %dma_start3A_361 = arith.constant 0 : i32
      %dma_start3A_362 = tpu.memref_slice %arg11[%dma_start3A_360, %dma_start3A_361] : memref<25x80xi32, #tpu.memory_space<vmem>> -> memref<1x80xi32, #tpu.memory_space<vmem>>
      %dma_start3A_363 = tpu.memref_squeeze %dma_start3A_362 : memref<1x80xi32, #tpu.memory_space<vmem>> -> memref<80xi32, #tpu.memory_space<vmem>>
      %dma_start3A_364 = arith.constant 0 : i32
      %dma_start3A_365 = arith.constant 0 : i32
      %dma_start3A_366 = tpu.memref_slice %arg16[%dma_start3A_364, %dma_start3A_365] : memref<10240x128xf32, #tpu.memory_space<vmem_shared>> -> memref<10240x128xf32, #tpu.memory_space<vmem_shared>>
      tpu.enqueue_indirect_dma source(%arg14 : memref<80x128xf32, #tpu.memory_space<vmem>>) target(%dma_start3A_366 : memref<10240x128xf32, #tpu.memory_space<vmem_shared>>) offsets(%dma_start3A_363 : memref<80xi32, #tpu.memory_space<vmem>>) semaphore(%arg20 : memref<!tpu.dma_semaphore, #tpu.memory_space<semaphore_mem>>) {add = true}
      %dma_start3A_367 = arith.constant 5 : i32
      %dma_start3A_368 = arith.constant 0 : i32
      %dma_start3A_369 = tpu.memref_slice %arg11[%dma_start3A_367, %dma_start3A_368] : memref<25x80xi32, #tpu.memory_space<vmem>> -> memref<1x80xi32, #tpu.memory_space<vmem>>
      %dma_start3A_370 = tpu.memref_squeeze %dma_start3A_369 : memref<1x80xi32, #tpu.memory_space<vmem>> -> memref<80xi32, #tpu.memory_space<vmem>>
      %dma_start3A_371 = arith.constant 0 : i32
      %dma_start3A_372 = arith.constant 0 : i32
      %dma_start3A_373 = tpu.memref_slice %arg16[%dma_start3A_371, %dma_start3A_372] : memref<10240x128xf32, #tpu.memory_space<vmem_shared>> -> memref<10240x128xf32, #tpu.memory_space<vmem_shared>>
      tpu.enqueue_indirect_dma source(%arg14 : memref<80x128xf32, #tpu.memory_space<vmem>>) target(%dma_start3A_373 : memref<10240x128xf32, #tpu.memory_space<vmem_shared>>) offsets(%dma_start3A_370 : memref<80xi32, #tpu.memory_space<vmem>>) semaphore(%arg20 : memref<!tpu.dma_semaphore, #tpu.memory_space<semaphore_mem>>) {add = true}
      %dma_start3A_374 = arith.constant 6 : i32
      %dma_start3A_375 = arith.constant 0 : i32
      %dma_start3A_376 = tpu.memref_slice %arg11[%dma_start3A_374, %dma_start3A_375] : memref<25x80xi32, #tpu.memory_space<vmem>> -> memref<1x80xi32, #tpu.memory_space<vmem>>
      %dma_start3A_377 = tpu.memref_squeeze %dma_start3A_376 : memref<1x80xi32, #tpu.memory_space<vmem>> -> memref<80xi32, #tpu.memory_space<vmem>>
      %dma_start3A_378 = arith.constant 0 : i32
      %dma_start3A_379 = arith.constant 0 : i32
      %dma_start3A_380 = tpu.memref_slice %arg16[%dma_start3A_378, %dma_start3A_379] : memref<10240x128xf32, #tpu.memory_space<vmem_shared>> -> memref<10240x128xf32, #tpu.memory_space<vmem_shared>>
      tpu.enqueue_indirect_dma source(%arg14 : memref<80x128xf32, #tpu.memory_space<vmem>>) target(%dma_start3A_380 : memref<10240x128xf32, #tpu.memory_space<vmem_shared>>) offsets(%dma_start3A_377 : memref<80xi32, #tpu.memory_space<vmem>>) semaphore(%arg20 : memref<!tpu.dma_semaphore, #tpu.memory_space<semaphore_mem>>) {add = true}
      %dma_start3A_381 = arith.constant 7 : i32
      %dma_start3A_382 = arith.constant 0 : i32
      %dma_start3A_383 = tpu.memref_slice %arg11[%dma_start3A_381, %dma_start3A_382] : memref<25x80xi32, #tpu.memory_space<vmem>> -> memref<1x80xi32, #tpu.memory_space<vmem>>
      %dma_start3A_384 = tpu.memref_squeeze %dma_start3A_383 : memref<1x80xi32, #tpu.memory_space<vmem>> -> memref<80xi32, #tpu.memory_space<vmem>>
      %dma_start3A_385 = arith.constant 0 : i32
      %dma_start3A_386 = arith.constant 0 : i32
      %dma_start3A_387 = tpu.memref_slice %arg16[%dma_start3A_385, %dma_start3A_386] : memref<10240x128xf32, #tpu.memory_space<vmem_shared>> -> memref<10240x128xf32, #tpu.memory_space<vmem_shared>>
      tpu.enqueue_indirect_dma source(%arg14 : memref<80x128xf32, #tpu.memory_space<vmem>>) target(%dma_start3A_387 : memref<10240x128xf32, #tpu.memory_space<vmem_shared>>) offsets(%dma_start3A_384 : memref<80xi32, #tpu.memory_space<vmem>>) semaphore(%arg20 : memref<!tpu.dma_semaphore, #tpu.memory_space<semaphore_mem>>) {add = true}
      %dma_start3A_388 = arith.constant 8 : i32
      %dma_start3A_389 = arith.constant 0 : i32
      %dma_start3A_390 = tpu.memref_slice %arg11[%dma_start3A_388, %dma_start3A_389] : memref<25x80xi32, #tpu.memory_space<vmem>> -> memref<1x80xi32, #tpu.memory_space<vmem>>
      %dma_start3A_391 = tpu.memref_squeeze %dma_start3A_390 : memref<1x80xi32, #tpu.memory_space<vmem>> -> memref<80xi32, #tpu.memory_space<vmem>>
      %dma_start3A_392 = arith.constant 0 : i32
      %dma_start3A_393 = arith.constant 0 : i32
      %dma_start3A_394 = tpu.memref_slice %arg16[%dma_start3A_392, %dma_start3A_393] : memref<10240x128xf32, #tpu.memory_space<vmem_shared>> -> memref<10240x128xf32, #tpu.memory_space<vmem_shared>>
      tpu.enqueue_indirect_dma source(%arg14 : memref<80x128xf32, #tpu.memory_space<vmem>>) target(%dma_start3A_394 : memref<10240x128xf32, #tpu.memory_space<vmem_shared>>) offsets(%dma_start3A_391 : memref<80xi32, #tpu.memory_space<vmem>>) semaphore(%arg20 : memref<!tpu.dma_semaphore, #tpu.memory_space<semaphore_mem>>) {add = true}
      %dma_start3A_395 = arith.constant 9 : i32
      %dma_start3A_396 = arith.constant 0 : i32
      %dma_start3A_397 = tpu.memref_slice %arg11[%dma_start3A_395, %dma_start3A_396] : memref<25x80xi32, #tpu.memory_space<vmem>> -> memref<1x80xi32, #tpu.memory_space<vmem>>
      %dma_start3A_398 = tpu.memref_squeeze %dma_start3A_397 : memref<1x80xi32, #tpu.memory_space<vmem>> -> memref<80xi32, #tpu.memory_space<vmem>>
      %dma_start3A_399 = arith.constant 0 : i32
      %dma_start3A_400 = arith.constant 0 : i32
      %dma_start3A_401 = tpu.memref_slice %arg16[%dma_start3A_399, %dma_start3A_400] : memref<10240x128xf32, #tpu.memory_space<vmem_shared>> -> memref<10240x128xf32, #tpu.memory_space<vmem_shared>>
      tpu.enqueue_indirect_dma source(%arg14 : memref<80x128xf32, #tpu.memory_space<vmem>>) target(%dma_start3A_401 : memref<10240x128xf32, #tpu.memory_space<vmem_shared>>) offsets(%dma_start3A_398 : memref<80xi32, #tpu.memory_space<vmem>>) semaphore(%arg20 : memref<!tpu.dma_semaphore, #tpu.memory_space<semaphore_mem>>) {add = true}
      %dma_start3A_402 = arith.constant 10 : i32
      %dma_start3A_403 = arith.constant 0 : i32
      %dma_start3A_404 = tpu.memref_slice %arg11[%dma_start3A_402, %dma_start3A_403] : memref<25x80xi32, #tpu.memory_space<vmem>> -> memref<1x80xi32, #tpu.memory_space<vmem>>
      %dma_start3A_405 = tpu.memref_squeeze %dma_start3A_404 : memref<1x80xi32, #tpu.memory_space<vmem>> -> memref<80xi32, #tpu.memory_space<vmem>>
      %dma_start3A_406 = arith.constant 0 : i32
      %dma_start3A_407 = arith.constant 0 : i32
      %dma_start3A_408 = tpu.memref_slice %arg16[%dma_start3A_406, %dma_start3A_407] : memref<10240x128xf32, #tpu.memory_space<vmem_shared>> -> memref<10240x128xf32, #tpu.memory_space<vmem_shared>>
      tpu.enqueue_indirect_dma source(%arg14 : memref<80x128xf32, #tpu.memory_space<vmem>>) target(%dma_start3A_408 : memref<10240x128xf32, #tpu.memory_space<vmem_shared>>) offsets(%dma_start3A_405 : memref<80xi32, #tpu.memory_space<vmem>>) semaphore(%arg20 : memref<!tpu.dma_semaphore, #tpu.memory_space<semaphore_mem>>) {add = true}
      %dma_start3A_409 = arith.constant 11 : i32
      %dma_start3A_410 = arith.constant 0 : i32
      %dma_start3A_411 = tpu.memref_slice %arg11[%dma_start3A_409, %dma_start3A_410] : memref<25x80xi32, #tpu.memory_space<vmem>> -> memref<1x80xi32, #tpu.memory_space<vmem>>
      %dma_start3A_412 = tpu.memref_squeeze %dma_start3A_411 : memref<1x80xi32, #tpu.memory_space<vmem>> -> memref<80xi32, #tpu.memory_space<vmem>>
      %dma_start3A_413 = arith.constant 0 : i32
      %dma_start3A_414 = arith.constant 0 : i32
      %dma_start3A_415 = tpu.memref_slice %arg16[%dma_start3A_413, %dma_start3A_414] : memref<10240x128xf32, #tpu.memory_space<vmem_shared>> -> memref<10240x128xf32, #tpu.memory_space<vmem_shared>>
      tpu.enqueue_indirect_dma source(%arg14 : memref<80x128xf32, #tpu.memory_space<vmem>>) target(%dma_start3A_415 : memref<10240x128xf32, #tpu.memory_space<vmem_shared>>) offsets(%dma_start3A_412 : memref<80xi32, #tpu.memory_space<vmem>>) semaphore(%arg20 : memref<!tpu.dma_semaphore, #tpu.memory_space<semaphore_mem>>) {add = true}
      %dma_start3A_416 = arith.constant 12 : i32
      %dma_start3A_417 = arith.constant 0 : i32
      %dma_start3A_418 = tpu.memref_slice %arg11[%dma_start3A_416, %dma_start3A_417] : memref<25x80xi32, #tpu.memory_space<vmem>> -> memref<1x80xi32, #tpu.memory_space<vmem>>
      %dma_start3A_419 = tpu.memref_squeeze %dma_start3A_418 : memref<1x80xi32, #tpu.memory_space<vmem>> -> memref<80xi32, #tpu.memory_space<vmem>>
      %dma_start3A_420 = arith.constant 0 : i32
      %dma_start3A_421 = arith.constant 0 : i32
      %dma_start3A_422 = tpu.memref_slice %arg16[%dma_start3A_420, %dma_start3A_421] : memref<10240x128xf32, #tpu.memory_space<vmem_shared>> -> memref<10240x128xf32, #tpu.memory_space<vmem_shared>>
      tpu.enqueue_indirect_dma source(%arg14 : memref<80x128xf32, #tpu.memory_space<vmem>>) target(%dma_start3A_422 : memref<10240x128xf32, #tpu.memory_space<vmem_shared>>) offsets(%dma_start3A_419 : memref<80xi32, #tpu.memory_space<vmem>>) semaphore(%arg20 : memref<!tpu.dma_semaphore, #tpu.memory_space<semaphore_mem>>) {add = true}
      %dma_start3A_423 = arith.constant 13 : i32
      %dma_start3A_424 = arith.constant 0 : i32
      %dma_start3A_425 = tpu.memref_slice %arg11[%dma_start3A_423, %dma_start3A_424] : memref<25x80xi32, #tpu.memory_space<vmem>> -> memref<1x80xi32, #tpu.memory_space<vmem>>
      %dma_start3A_426 = tpu.memref_squeeze %dma_start3A_425 : memref<1x80xi32, #tpu.memory_space<vmem>> -> memref<80xi32, #tpu.memory_space<vmem>>
      %dma_start3A_427 = arith.constant 0 : i32
      %dma_start3A_428 = arith.constant 0 : i32
      %dma_start3A_429 = tpu.memref_slice %arg16[%dma_start3A_427, %dma_start3A_428] : memref<10240x128xf32, #tpu.memory_space<vmem_shared>> -> memref<10240x128xf32, #tpu.memory_space<vmem_shared>>
      tpu.enqueue_indirect_dma source(%arg14 : memref<80x128xf32, #tpu.memory_space<vmem>>) target(%dma_start3A_429 : memref<10240x128xf32, #tpu.memory_space<vmem_shared>>) offsets(%dma_start3A_426 : memref<80xi32, #tpu.memory_space<vmem>>) semaphore(%arg20 : memref<!tpu.dma_semaphore, #tpu.memory_space<semaphore_mem>>) {add = true}
      %dma_start3A_430 = arith.constant 14 : i32
      %dma_start3A_431 = arith.constant 0 : i32
      %dma_start3A_432 = tpu.memref_slice %arg11[%dma_start3A_430, %dma_start3A_431] : memref<25x80xi32, #tpu.memory_space<vmem>> -> memref<1x80xi32, #tpu.memory_space<vmem>>
      %dma_start3A_433 = tpu.memref_squeeze %dma_start3A_432 : memref<1x80xi32, #tpu.memory_space<vmem>> -> memref<80xi32, #tpu.memory_space<vmem>>
      %dma_start3A_434 = arith.constant 0 : i32
      %dma_start3A_435 = arith.constant 0 : i32
      %dma_start3A_436 = tpu.memref_slice %arg16[%dma_start3A_434, %dma_start3A_435] : memref<10240x128xf32, #tpu.memory_space<vmem_shared>> -> memref<10240x128xf32, #tpu.memory_space<vmem_shared>>
      tpu.enqueue_indirect_dma source(%arg14 : memref<80x128xf32, #tpu.memory_space<vmem>>) target(%dma_start3A_436 : memref<10240x128xf32, #tpu.memory_space<vmem_shared>>) offsets(%dma_start3A_433 : memref<80xi32, #tpu.memory_space<vmem>>) semaphore(%arg20 : memref<!tpu.dma_semaphore, #tpu.memory_space<semaphore_mem>>) {add = true}
      %dma_start3A_437 = arith.constant 15 : i32
      %dma_start3A_438 = arith.constant 0 : i32
      %dma_start3A_439 = tpu.memref_slice %arg11[%dma_start3A_437, %dma_start3A_438] : memref<25x80xi32, #tpu.memory_space<vmem>> -> memref<1x80xi32, #tpu.memory_space<vmem>>
      %dma_start3A_440 = tpu.memref_squeeze %dma_start3A_439 : memref<1x80xi32, #tpu.memory_space<vmem>> -> memref<80xi32, #tpu.memory_space<vmem>>
      %dma_start3A_441 = arith.constant 0 : i32
      %dma_start3A_442 = arith.constant 0 : i32
      %dma_start3A_443 = tpu.memref_slice %arg16[%dma_start3A_441, %dma_start3A_442] : memref<10240x128xf32, #tpu.memory_space<vmem_shared>> -> memref<10240x128xf32, #tpu.memory_space<vmem_shared>>
      tpu.enqueue_indirect_dma source(%arg14 : memref<80x128xf32, #tpu.memory_space<vmem>>) target(%dma_start3A_443 : memref<10240x128xf32, #tpu.memory_space<vmem_shared>>) offsets(%dma_start3A_440 : memref<80xi32, #tpu.memory_space<vmem>>) semaphore(%arg20 : memref<!tpu.dma_semaphore, #tpu.memory_space<semaphore_mem>>) {add = true}
      %dma_start3A_444 = arith.constant 16 : i32
      %dma_start3A_445 = arith.constant 0 : i32
      %dma_start3A_446 = tpu.memref_slice %arg11[%dma_start3A_444, %dma_start3A_445] : memref<25x80xi32, #tpu.memory_space<vmem>> -> memref<1x80xi32, #tpu.memory_space<vmem>>
      %dma_start3A_447 = tpu.memref_squeeze %dma_start3A_446 : memref<1x80xi32, #tpu.memory_space<vmem>> -> memref<80xi32, #tpu.memory_space<vmem>>
      %dma_start3A_448 = arith.constant 0 : i32
      %dma_start3A_449 = arith.constant 0 : i32
      %dma_start3A_450 = tpu.memref_slice %arg16[%dma_start3A_448, %dma_start3A_449] : memref<10240x128xf32, #tpu.memory_space<vmem_shared>> -> memref<10240x128xf32, #tpu.memory_space<vmem_shared>>
      tpu.enqueue_indirect_dma source(%arg14 : memref<80x128xf32, #tpu.memory_space<vmem>>) target(%dma_start3A_450 : memref<10240x128xf32, #tpu.memory_space<vmem_shared>>) offsets(%dma_start3A_447 : memref<80xi32, #tpu.memory_space<vmem>>) semaphore(%arg20 : memref<!tpu.dma_semaphore, #tpu.memory_space<semaphore_mem>>) {add = true}
      %dma_start3A_451 = arith.constant 17 : i32
      %dma_start3A_452 = arith.constant 0 : i32
      %dma_start3A_453 = tpu.memref_slice %arg11[%dma_start3A_451, %dma_start3A_452] : memref<25x80xi32, #tpu.memory_space<vmem>> -> memref<1x80xi32, #tpu.memory_space<vmem>>
      %dma_start3A_454 = tpu.memref_squeeze %dma_start3A_453 : memref<1x80xi32, #tpu.memory_space<vmem>> -> memref<80xi32, #tpu.memory_space<vmem>>
      %dma_start3A_455 = arith.constant 0 : i32
      %dma_start3A_456 = arith.constant 0 : i32
      %dma_start3A_457 = tpu.memref_slice %arg16[%dma_start3A_455, %dma_start3A_456] : memref<10240x128xf32, #tpu.memory_space<vmem_shared>> -> memref<10240x128xf32, #tpu.memory_space<vmem_shared>>
      tpu.enqueue_indirect_dma source(%arg14 : memref<80x128xf32, #tpu.memory_space<vmem>>) target(%dma_start3A_457 : memref<10240x128xf32, #tpu.memory_space<vmem_shared>>) offsets(%dma_start3A_454 : memref<80xi32, #tpu.memory_space<vmem>>) semaphore(%arg20 : memref<!tpu.dma_semaphore, #tpu.memory_space<semaphore_mem>>) {add = true}
      %dma_start3A_458 = arith.constant 18 : i32
      %dma_start3A_459 = arith.constant 0 : i32
      %dma_start3A_460 = tpu.memref_slice %arg11[%dma_start3A_458, %dma_start3A_459] : memref<25x80xi32, #tpu.memory_space<vmem>> -> memref<1x80xi32, #tpu.memory_space<vmem>>
      %dma_start3A_461 = tpu.memref_squeeze %dma_start3A_460 : memref<1x80xi32, #tpu.memory_space<vmem>> -> memref<80xi32, #tpu.memory_space<vmem>>
      %dma_start3A_462 = arith.constant 0 : i32
      %dma_start3A_463 = arith.constant 0 : i32
      %dma_start3A_464 = tpu.memref_slice %arg16[%dma_start3A_462, %dma_start3A_463] : memref<10240x128xf32, #tpu.memory_space<vmem_shared>> -> memref<10240x128xf32, #tpu.memory_space<vmem_shared>>
      tpu.enqueue_indirect_dma source(%arg14 : memref<80x128xf32, #tpu.memory_space<vmem>>) target(%dma_start3A_464 : memref<10240x128xf32, #tpu.memory_space<vmem_shared>>) offsets(%dma_start3A_461 : memref<80xi32, #tpu.memory_space<vmem>>) semaphore(%arg20 : memref<!tpu.dma_semaphore, #tpu.memory_space<semaphore_mem>>) {add = true}
      %dma_start3A_465 = arith.constant 19 : i32
      %dma_start3A_466 = arith.constant 0 : i32
      %dma_start3A_467 = tpu.memref_slice %arg11[%dma_start3A_465, %dma_start3A_466] : memref<25x80xi32, #tpu.memory_space<vmem>> -> memref<1x80xi32, #tpu.memory_space<vmem>>
      %dma_start3A_468 = tpu.memref_squeeze %dma_start3A_467 : memref<1x80xi32, #tpu.memory_space<vmem>> -> memref<80xi32, #tpu.memory_space<vmem>>
      %dma_start3A_469 = arith.constant 0 : i32
      %dma_start3A_470 = arith.constant 0 : i32
      %dma_start3A_471 = tpu.memref_slice %arg16[%dma_start3A_469, %dma_start3A_470] : memref<10240x128xf32, #tpu.memory_space<vmem_shared>> -> memref<10240x128xf32, #tpu.memory_space<vmem_shared>>
      tpu.enqueue_indirect_dma source(%arg14 : memref<80x128xf32, #tpu.memory_space<vmem>>) target(%dma_start3A_471 : memref<10240x128xf32, #tpu.memory_space<vmem_shared>>) offsets(%dma_start3A_468 : memref<80xi32, #tpu.memory_space<vmem>>) semaphore(%arg20 : memref<!tpu.dma_semaphore, #tpu.memory_space<semaphore_mem>>) {add = true}
      %dma_start3A_472 = arith.constant 20 : i32
      %dma_start3A_473 = arith.constant 0 : i32
      %dma_start3A_474 = tpu.memref_slice %arg11[%dma_start3A_472, %dma_start3A_473] : memref<25x80xi32, #tpu.memory_space<vmem>> -> memref<1x80xi32, #tpu.memory_space<vmem>>
      %dma_start3A_475 = tpu.memref_squeeze %dma_start3A_474 : memref<1x80xi32, #tpu.memory_space<vmem>> -> memref<80xi32, #tpu.memory_space<vmem>>
      %dma_start3A_476 = arith.constant 0 : i32
      %dma_start3A_477 = arith.constant 0 : i32
      %dma_start3A_478 = tpu.memref_slice %arg16[%dma_start3A_476, %dma_start3A_477] : memref<10240x128xf32, #tpu.memory_space<vmem_shared>> -> memref<10240x128xf32, #tpu.memory_space<vmem_shared>>
      tpu.enqueue_indirect_dma source(%arg14 : memref<80x128xf32, #tpu.memory_space<vmem>>) target(%dma_start3A_478 : memref<10240x128xf32, #tpu.memory_space<vmem_shared>>) offsets(%dma_start3A_475 : memref<80xi32, #tpu.memory_space<vmem>>) semaphore(%arg20 : memref<!tpu.dma_semaphore, #tpu.memory_space<semaphore_mem>>) {add = true}
      %dma_start3A_479 = arith.constant 21 : i32
      %dma_start3A_480 = arith.constant 0 : i32
      %dma_start3A_481 = tpu.memref_slice %arg11[%dma_start3A_479, %dma_start3A_480] : memref<25x80xi32, #tpu.memory_space<vmem>> -> memref<1x80xi32, #tpu.memory_space<vmem>>
      %dma_start3A_482 = tpu.memref_squeeze %dma_start3A_481 : memref<1x80xi32, #tpu.memory_space<vmem>> -> memref<80xi32, #tpu.memory_space<vmem>>
      %dma_start3A_483 = arith.constant 0 : i32
      %dma_start3A_484 = arith.constant 0 : i32
      %dma_start3A_485 = tpu.memref_slice %arg16[%dma_start3A_483, %dma_start3A_484] : memref<10240x128xf32, #tpu.memory_space<vmem_shared>> -> memref<10240x128xf32, #tpu.memory_space<vmem_shared>>
      tpu.enqueue_indirect_dma source(%arg14 : memref<80x128xf32, #tpu.memory_space<vmem>>) target(%dma_start3A_485 : memref<10240x128xf32, #tpu.memory_space<vmem_shared>>) offsets(%dma_start3A_482 : memref<80xi32, #tpu.memory_space<vmem>>) semaphore(%arg20 : memref<!tpu.dma_semaphore, #tpu.memory_space<semaphore_mem>>) {add = true}
      %dma_start3A_486 = arith.constant 22 : i32
      %dma_start3A_487 = arith.constant 0 : i32
      %dma_start3A_488 = tpu.memref_slice %arg11[%dma_start3A_486, %dma_start3A_487] : memref<25x80xi32, #tpu.memory_space<vmem>> -> memref<1x80xi32, #tpu.memory_space<vmem>>
      %dma_start3A_489 = tpu.memref_squeeze %dma_start3A_488 : memref<1x80xi32, #tpu.memory_space<vmem>> -> memref<80xi32, #tpu.memory_space<vmem>>
      %dma_start3A_490 = arith.constant 0 : i32
      %dma_start3A_491 = arith.constant 0 : i32
      %dma_start3A_492 = tpu.memref_slice %arg16[%dma_start3A_490, %dma_start3A_491] : memref<10240x128xf32, #tpu.memory_space<vmem_shared>> -> memref<10240x128xf32, #tpu.memory_space<vmem_shared>>
      tpu.enqueue_indirect_dma source(%arg14 : memref<80x128xf32, #tpu.memory_space<vmem>>) target(%dma_start3A_492 : memref<10240x128xf32, #tpu.memory_space<vmem_shared>>) offsets(%dma_start3A_489 : memref<80xi32, #tpu.memory_space<vmem>>) semaphore(%arg20 : memref<!tpu.dma_semaphore, #tpu.memory_space<semaphore_mem>>) {add = true}
      %dma_start3A_493 = arith.constant 23 : i32
      %dma_start3A_494 = arith.constant 0 : i32
      %dma_start3A_495 = tpu.memref_slice %arg11[%dma_start3A_493, %dma_start3A_494] : memref<25x80xi32, #tpu.memory_space<vmem>> -> memref<1x80xi32, #tpu.memory_space<vmem>>
      %dma_start3A_496 = tpu.memref_squeeze %dma_start3A_495 : memref<1x80xi32, #tpu.memory_space<vmem>> -> memref<80xi32, #tpu.memory_space<vmem>>
      %dma_start3A_497 = arith.constant 0 : i32
      %dma_start3A_498 = arith.constant 0 : i32
      %dma_start3A_499 = tpu.memref_slice %arg16[%dma_start3A_497, %dma_start3A_498] : memref<10240x128xf32, #tpu.memory_space<vmem_shared>> -> memref<10240x128xf32, #tpu.memory_space<vmem_shared>>
      tpu.enqueue_indirect_dma source(%arg14 : memref<80x128xf32, #tpu.memory_space<vmem>>) target(%dma_start3A_499 : memref<10240x128xf32, #tpu.memory_space<vmem_shared>>) offsets(%dma_start3A_496 : memref<80xi32, #tpu.memory_space<vmem>>) semaphore(%arg20 : memref<!tpu.dma_semaphore, #tpu.memory_space<semaphore_mem>>) {add = true}
      %dma_start3A_500 = arith.constant 24 : i32
      %dma_start3A_501 = arith.constant 0 : i32
      %dma_start3A_502 = tpu.memref_slice %arg11[%dma_start3A_500, %dma_start3A_501] : memref<25x80xi32, #tpu.memory_space<vmem>> -> memref<1x80xi32, #tpu.memory_space<vmem>>
      %dma_start3A_503 = tpu.memref_squeeze %dma_start3A_502 : memref<1x80xi32, #tpu.memory_space<vmem>> -> memref<80xi32, #tpu.memory_space<vmem>>
      %dma_start3A_504 = arith.constant 0 : i32
      %dma_start3A_505 = arith.constant 0 : i32
      %dma_start3A_506 = tpu.memref_slice %arg16[%dma_start3A_504, %dma_start3A_505] : memref<10240x128xf32, #tpu.memory_space<vmem_shared>> -> memref<10240x128xf32, #tpu.memory_space<vmem_shared>>
      tpu.enqueue_indirect_dma source(%arg14 : memref<80x128xf32, #tpu.memory_space<vmem>>) target(%dma_start3A_506 : memref<10240x128xf32, #tpu.memory_space<vmem_shared>>) offsets(%dma_start3A_503 : memref<80xi32, #tpu.memory_space<vmem>>) semaphore(%arg20 : memref<!tpu.dma_semaphore, #tpu.memory_space<semaphore_mem>>) {add = true}
      %dma_wait3A_507 = arith.constant 0 : i32
      %dma_wait3A_508 = arith.constant 0 : i32
      %dma_wait3A_509 = tpu.memref_slice %arg11[%dma_wait3A_507, %dma_wait3A_508] : memref<25x80xi32, #tpu.memory_space<vmem>> -> memref<1x80xi32, #tpu.memory_space<vmem>>
      %dma_wait3A_510 = tpu.memref_squeeze %dma_wait3A_509 : memref<1x80xi32, #tpu.memory_space<vmem>> -> memref<80xi32, #tpu.memory_space<vmem>>
      %dma_wait3A_511 = arith.constant 0 : i32
      %dma_wait3A_512 = arith.constant 0 : i32
      %dma_wait3A_513 = tpu.memref_slice %arg16[%dma_wait3A_511, %dma_wait3A_512] : memref<10240x128xf32, #tpu.memory_space<vmem_shared>> -> memref<10240x128xf32, #tpu.memory_space<vmem_shared>>
      tpu.wait_indirect_dma semaphore(%arg20 : memref<!tpu.dma_semaphore, #tpu.memory_space<semaphore_mem>>) src(%arg14 : memref<80x128xf32, #tpu.memory_space<vmem>>) dst(%dma_wait3A_513 : memref<10240x128xf32, #tpu.memory_space<vmem_shared>>)
      %dma_wait3A_514 = arith.constant 1 : i32
      %dma_wait3A_515 = arith.constant 0 : i32
      %dma_wait3A_516 = tpu.memref_slice %arg11[%dma_wait3A_514, %dma_wait3A_515] : memref<25x80xi32, #tpu.memory_space<vmem>> -> memref<1x80xi32, #tpu.memory_space<vmem>>
      %dma_wait3A_517 = tpu.memref_squeeze %dma_wait3A_516 : memref<1x80xi32, #tpu.memory_space<vmem>> -> memref<80xi32, #tpu.memory_space<vmem>>
      %dma_wait3A_518 = arith.constant 0 : i32
      %dma_wait3A_519 = arith.constant 0 : i32
      %dma_wait3A_520 = tpu.memref_slice %arg16[%dma_wait3A_518, %dma_wait3A_519] : memref<10240x128xf32, #tpu.memory_space<vmem_shared>> -> memref<10240x128xf32, #tpu.memory_space<vmem_shared>>
      tpu.wait_indirect_dma semaphore(%arg20 : memref<!tpu.dma_semaphore, #tpu.memory_space<semaphore_mem>>) src(%arg14 : memref<80x128xf32, #tpu.memory_space<vmem>>) dst(%dma_wait3A_520 : memref<10240x128xf32, #tpu.memory_space<vmem_shared>>)
      %dma_wait3A_521 = arith.constant 2 : i32
      %dma_wait3A_522 = arith.constant 0 : i32
      %dma_wait3A_523 = tpu.memref_slice %arg11[%dma_wait3A_521, %dma_wait3A_522] : memref<25x80xi32, #tpu.memory_space<vmem>> -> memref<1x80xi32, #tpu.memory_space<vmem>>
      %dma_wait3A_524 = tpu.memref_squeeze %dma_wait3A_523 : memref<1x80xi32, #tpu.memory_space<vmem>> -> memref<80xi32, #tpu.memory_space<vmem>>
      %dma_wait3A_525 = arith.constant 0 : i32
      %dma_wait3A_526 = arith.constant 0 : i32
      %dma_wait3A_527 = tpu.memref_slice %arg16[%dma_wait3A_525, %dma_wait3A_526] : memref<10240x128xf32, #tpu.memory_space<vmem_shared>> -> memref<10240x128xf32, #tpu.memory_space<vmem_shared>>
      tpu.wait_indirect_dma semaphore(%arg20 : memref<!tpu.dma_semaphore, #tpu.memory_space<semaphore_mem>>) src(%arg14 : memref<80x128xf32, #tpu.memory_space<vmem>>) dst(%dma_wait3A_527 : memref<10240x128xf32, #tpu.memory_space<vmem_shared>>)
      %dma_wait3A_528 = arith.constant 3 : i32
      %dma_wait3A_529 = arith.constant 0 : i32
      %dma_wait3A_530 = tpu.memref_slice %arg11[%dma_wait3A_528, %dma_wait3A_529] : memref<25x80xi32, #tpu.memory_space<vmem>> -> memref<1x80xi32, #tpu.memory_space<vmem>>
      %dma_wait3A_531 = tpu.memref_squeeze %dma_wait3A_530 : memref<1x80xi32, #tpu.memory_space<vmem>> -> memref<80xi32, #tpu.memory_space<vmem>>
      %dma_wait3A_532 = arith.constant 0 : i32
      %dma_wait3A_533 = arith.constant 0 : i32
      %dma_wait3A_534 = tpu.memref_slice %arg16[%dma_wait3A_532, %dma_wait3A_533] : memref<10240x128xf32, #tpu.memory_space<vmem_shared>> -> memref<10240x128xf32, #tpu.memory_space<vmem_shared>>
      tpu.wait_indirect_dma semaphore(%arg20 : memref<!tpu.dma_semaphore, #tpu.memory_space<semaphore_mem>>) src(%arg14 : memref<80x128xf32, #tpu.memory_space<vmem>>) dst(%dma_wait3A_534 : memref<10240x128xf32, #tpu.memory_space<vmem_shared>>)
      %dma_wait3A_535 = arith.constant 4 : i32
      %dma_wait3A_536 = arith.constant 0 : i32
      %dma_wait3A_537 = tpu.memref_slice %arg11[%dma_wait3A_535, %dma_wait3A_536] : memref<25x80xi32, #tpu.memory_space<vmem>> -> memref<1x80xi32, #tpu.memory_space<vmem>>
      %dma_wait3A_538 = tpu.memref_squeeze %dma_wait3A_537 : memref<1x80xi32, #tpu.memory_space<vmem>> -> memref<80xi32, #tpu.memory_space<vmem>>
      %dma_wait3A_539 = arith.constant 0 : i32
      %dma_wait3A_540 = arith.constant 0 : i32
      %dma_wait3A_541 = tpu.memref_slice %arg16[%dma_wait3A_539, %dma_wait3A_540] : memref<10240x128xf32, #tpu.memory_space<vmem_shared>> -> memref<10240x128xf32, #tpu.memory_space<vmem_shared>>
      tpu.wait_indirect_dma semaphore(%arg20 : memref<!tpu.dma_semaphore, #tpu.memory_space<semaphore_mem>>) src(%arg14 : memref<80x128xf32, #tpu.memory_space<vmem>>) dst(%dma_wait3A_541 : memref<10240x128xf32, #tpu.memory_space<vmem_shared>>)
      %dma_wait3A_542 = arith.constant 5 : i32
      %dma_wait3A_543 = arith.constant 0 : i32
      %dma_wait3A_544 = tpu.memref_slice %arg11[%dma_wait3A_542, %dma_wait3A_543] : memref<25x80xi32, #tpu.memory_space<vmem>> -> memref<1x80xi32, #tpu.memory_space<vmem>>
      %dma_wait3A_545 = tpu.memref_squeeze %dma_wait3A_544 : memref<1x80xi32, #tpu.memory_space<vmem>> -> memref<80xi32, #tpu.memory_space<vmem>>
      %dma_wait3A_546 = arith.constant 0 : i32
      %dma_wait3A_547 = arith.constant 0 : i32
      %dma_wait3A_548 = tpu.memref_slice %arg16[%dma_wait3A_546, %dma_wait3A_547] : memref<10240x128xf32, #tpu.memory_space<vmem_shared>> -> memref<10240x128xf32, #tpu.memory_space<vmem_shared>>
      tpu.wait_indirect_dma semaphore(%arg20 : memref<!tpu.dma_semaphore, #tpu.memory_space<semaphore_mem>>) src(%arg14 : memref<80x128xf32, #tpu.memory_space<vmem>>) dst(%dma_wait3A_548 : memref<10240x128xf32, #tpu.memory_space<vmem_shared>>)
      %dma_wait3A_549 = arith.constant 6 : i32
      %dma_wait3A_550 = arith.constant 0 : i32
      %dma_wait3A_551 = tpu.memref_slice %arg11[%dma_wait3A_549, %dma_wait3A_550] : memref<25x80xi32, #tpu.memory_space<vmem>> -> memref<1x80xi32, #tpu.memory_space<vmem>>
      %dma_wait3A_552 = tpu.memref_squeeze %dma_wait3A_551 : memref<1x80xi32, #tpu.memory_space<vmem>> -> memref<80xi32, #tpu.memory_space<vmem>>
      %dma_wait3A_553 = arith.constant 0 : i32
      %dma_wait3A_554 = arith.constant 0 : i32
      %dma_wait3A_555 = tpu.memref_slice %arg16[%dma_wait3A_553, %dma_wait3A_554] : memref<10240x128xf32, #tpu.memory_space<vmem_shared>> -> memref<10240x128xf32, #tpu.memory_space<vmem_shared>>
      tpu.wait_indirect_dma semaphore(%arg20 : memref<!tpu.dma_semaphore, #tpu.memory_space<semaphore_mem>>) src(%arg14 : memref<80x128xf32, #tpu.memory_space<vmem>>) dst(%dma_wait3A_555 : memref<10240x128xf32, #tpu.memory_space<vmem_shared>>)
      %dma_wait3A_556 = arith.constant 7 : i32
      %dma_wait3A_557 = arith.constant 0 : i32
      %dma_wait3A_558 = tpu.memref_slice %arg11[%dma_wait3A_556, %dma_wait3A_557] : memref<25x80xi32, #tpu.memory_space<vmem>> -> memref<1x80xi32, #tpu.memory_space<vmem>>
      %dma_wait3A_559 = tpu.memref_squeeze %dma_wait3A_558 : memref<1x80xi32, #tpu.memory_space<vmem>> -> memref<80xi32, #tpu.memory_space<vmem>>
      %dma_wait3A_560 = arith.constant 0 : i32
      %dma_wait3A_561 = arith.constant 0 : i32
      %dma_wait3A_562 = tpu.memref_slice %arg16[%dma_wait3A_560, %dma_wait3A_561] : memref<10240x128xf32, #tpu.memory_space<vmem_shared>> -> memref<10240x128xf32, #tpu.memory_space<vmem_shared>>
      tpu.wait_indirect_dma semaphore(%arg20 : memref<!tpu.dma_semaphore, #tpu.memory_space<semaphore_mem>>) src(%arg14 : memref<80x128xf32, #tpu.memory_space<vmem>>) dst(%dma_wait3A_562 : memref<10240x128xf32, #tpu.memory_space<vmem_shared>>)
      %dma_wait3A_563 = arith.constant 8 : i32
      %dma_wait3A_564 = arith.constant 0 : i32
      %dma_wait3A_565 = tpu.memref_slice %arg11[%dma_wait3A_563, %dma_wait3A_564] : memref<25x80xi32, #tpu.memory_space<vmem>> -> memref<1x80xi32, #tpu.memory_space<vmem>>
      %dma_wait3A_566 = tpu.memref_squeeze %dma_wait3A_565 : memref<1x80xi32, #tpu.memory_space<vmem>> -> memref<80xi32, #tpu.memory_space<vmem>>
      %dma_wait3A_567 = arith.constant 0 : i32
      %dma_wait3A_568 = arith.constant 0 : i32
      %dma_wait3A_569 = tpu.memref_slice %arg16[%dma_wait3A_567, %dma_wait3A_568] : memref<10240x128xf32, #tpu.memory_space<vmem_shared>> -> memref<10240x128xf32, #tpu.memory_space<vmem_shared>>
      tpu.wait_indirect_dma semaphore(%arg20 : memref<!tpu.dma_semaphore, #tpu.memory_space<semaphore_mem>>) src(%arg14 : memref<80x128xf32, #tpu.memory_space<vmem>>) dst(%dma_wait3A_569 : memref<10240x128xf32, #tpu.memory_space<vmem_shared>>)
      %dma_wait3A_570 = arith.constant 9 : i32
      %dma_wait3A_571 = arith.constant 0 : i32
      %dma_wait3A_572 = tpu.memref_slice %arg11[%dma_wait3A_570, %dma_wait3A_571] : memref<25x80xi32, #tpu.memory_space<vmem>> -> memref<1x80xi32, #tpu.memory_space<vmem>>
      %dma_wait3A_573 = tpu.memref_squeeze %dma_wait3A_572 : memref<1x80xi32, #tpu.memory_space<vmem>> -> memref<80xi32, #tpu.memory_space<vmem>>
      %dma_wait3A_574 = arith.constant 0 : i32
      %dma_wait3A_575 = arith.constant 0 : i32
      %dma_wait3A_576 = tpu.memref_slice %arg16[%dma_wait3A_574, %dma_wait3A_575] : memref<10240x128xf32, #tpu.memory_space<vmem_shared>> -> memref<10240x128xf32, #tpu.memory_space<vmem_shared>>
      tpu.wait_indirect_dma semaphore(%arg20 : memref<!tpu.dma_semaphore, #tpu.memory_space<semaphore_mem>>) src(%arg14 : memref<80x128xf32, #tpu.memory_space<vmem>>) dst(%dma_wait3A_576 : memref<10240x128xf32, #tpu.memory_space<vmem_shared>>)
      %dma_wait3A_577 = arith.constant 10 : i32
      %dma_wait3A_578 = arith.constant 0 : i32
      %dma_wait3A_579 = tpu.memref_slice %arg11[%dma_wait3A_577, %dma_wait3A_578] : memref<25x80xi32, #tpu.memory_space<vmem>> -> memref<1x80xi32, #tpu.memory_space<vmem>>
      %dma_wait3A_580 = tpu.memref_squeeze %dma_wait3A_579 : memref<1x80xi32, #tpu.memory_space<vmem>> -> memref<80xi32, #tpu.memory_space<vmem>>
      %dma_wait3A_581 = arith.constant 0 : i32
      %dma_wait3A_582 = arith.constant 0 : i32
      %dma_wait3A_583 = tpu.memref_slice %arg16[%dma_wait3A_581, %dma_wait3A_582] : memref<10240x128xf32, #tpu.memory_space<vmem_shared>> -> memref<10240x128xf32, #tpu.memory_space<vmem_shared>>
      tpu.wait_indirect_dma semaphore(%arg20 : memref<!tpu.dma_semaphore, #tpu.memory_space<semaphore_mem>>) src(%arg14 : memref<80x128xf32, #tpu.memory_space<vmem>>) dst(%dma_wait3A_583 : memref<10240x128xf32, #tpu.memory_space<vmem_shared>>)
      %dma_wait3A_584 = arith.constant 11 : i32
      %dma_wait3A_585 = arith.constant 0 : i32
      %dma_wait3A_586 = tpu.memref_slice %arg11[%dma_wait3A_584, %dma_wait3A_585] : memref<25x80xi32, #tpu.memory_space<vmem>> -> memref<1x80xi32, #tpu.memory_space<vmem>>
      %dma_wait3A_587 = tpu.memref_squeeze %dma_wait3A_586 : memref<1x80xi32, #tpu.memory_space<vmem>> -> memref<80xi32, #tpu.memory_space<vmem>>
      %dma_wait3A_588 = arith.constant 0 : i32
      %dma_wait3A_589 = arith.constant 0 : i32
      %dma_wait3A_590 = tpu.memref_slice %arg16[%dma_wait3A_588, %dma_wait3A_589] : memref<10240x128xf32, #tpu.memory_space<vmem_shared>> -> memref<10240x128xf32, #tpu.memory_space<vmem_shared>>
      tpu.wait_indirect_dma semaphore(%arg20 : memref<!tpu.dma_semaphore, #tpu.memory_space<semaphore_mem>>) src(%arg14 : memref<80x128xf32, #tpu.memory_space<vmem>>) dst(%dma_wait3A_590 : memref<10240x128xf32, #tpu.memory_space<vmem_shared>>)
      %dma_wait3A_591 = arith.constant 12 : i32
      %dma_wait3A_592 = arith.constant 0 : i32
      %dma_wait3A_593 = tpu.memref_slice %arg11[%dma_wait3A_591, %dma_wait3A_592] : memref<25x80xi32, #tpu.memory_space<vmem>> -> memref<1x80xi32, #tpu.memory_space<vmem>>
      %dma_wait3A_594 = tpu.memref_squeeze %dma_wait3A_593 : memref<1x80xi32, #tpu.memory_space<vmem>> -> memref<80xi32, #tpu.memory_space<vmem>>
      %dma_wait3A_595 = arith.constant 0 : i32
      %dma_wait3A_596 = arith.constant 0 : i32
      %dma_wait3A_597 = tpu.memref_slice %arg16[%dma_wait3A_595, %dma_wait3A_596] : memref<10240x128xf32, #tpu.memory_space<vmem_shared>> -> memref<10240x128xf32, #tpu.memory_space<vmem_shared>>
      tpu.wait_indirect_dma semaphore(%arg20 : memref<!tpu.dma_semaphore, #tpu.memory_space<semaphore_mem>>) src(%arg14 : memref<80x128xf32, #tpu.memory_space<vmem>>) dst(%dma_wait3A_597 : memref<10240x128xf32, #tpu.memory_space<vmem_shared>>)
      %dma_wait3A_598 = arith.constant 13 : i32
      %dma_wait3A_599 = arith.constant 0 : i32
      %dma_wait3A_600 = tpu.memref_slice %arg11[%dma_wait3A_598, %dma_wait3A_599] : memref<25x80xi32, #tpu.memory_space<vmem>> -> memref<1x80xi32, #tpu.memory_space<vmem>>
      %dma_wait3A_601 = tpu.memref_squeeze %dma_wait3A_600 : memref<1x80xi32, #tpu.memory_space<vmem>> -> memref<80xi32, #tpu.memory_space<vmem>>
      %dma_wait3A_602 = arith.constant 0 : i32
      %dma_wait3A_603 = arith.constant 0 : i32
      %dma_wait3A_604 = tpu.memref_slice %arg16[%dma_wait3A_602, %dma_wait3A_603] : memref<10240x128xf32, #tpu.memory_space<vmem_shared>> -> memref<10240x128xf32, #tpu.memory_space<vmem_shared>>
      tpu.wait_indirect_dma semaphore(%arg20 : memref<!tpu.dma_semaphore, #tpu.memory_space<semaphore_mem>>) src(%arg14 : memref<80x128xf32, #tpu.memory_space<vmem>>) dst(%dma_wait3A_604 : memref<10240x128xf32, #tpu.memory_space<vmem_shared>>)
      %dma_wait3A_605 = arith.constant 14 : i32
      %dma_wait3A_606 = arith.constant 0 : i32
      %dma_wait3A_607 = tpu.memref_slice %arg11[%dma_wait3A_605, %dma_wait3A_606] : memref<25x80xi32, #tpu.memory_space<vmem>> -> memref<1x80xi32, #tpu.memory_space<vmem>>
      %dma_wait3A_608 = tpu.memref_squeeze %dma_wait3A_607 : memref<1x80xi32, #tpu.memory_space<vmem>> -> memref<80xi32, #tpu.memory_space<vmem>>
      %dma_wait3A_609 = arith.constant 0 : i32
      %dma_wait3A_610 = arith.constant 0 : i32
      %dma_wait3A_611 = tpu.memref_slice %arg16[%dma_wait3A_609, %dma_wait3A_610] : memref<10240x128xf32, #tpu.memory_space<vmem_shared>> -> memref<10240x128xf32, #tpu.memory_space<vmem_shared>>
      tpu.wait_indirect_dma semaphore(%arg20 : memref<!tpu.dma_semaphore, #tpu.memory_space<semaphore_mem>>) src(%arg14 : memref<80x128xf32, #tpu.memory_space<vmem>>) dst(%dma_wait3A_611 : memref<10240x128xf32, #tpu.memory_space<vmem_shared>>)
      %dma_wait3A_612 = arith.constant 15 : i32
      %dma_wait3A_613 = arith.constant 0 : i32
      %dma_wait3A_614 = tpu.memref_slice %arg11[%dma_wait3A_612, %dma_wait3A_613] : memref<25x80xi32, #tpu.memory_space<vmem>> -> memref<1x80xi32, #tpu.memory_space<vmem>>
      %dma_wait3A_615 = tpu.memref_squeeze %dma_wait3A_614 : memref<1x80xi32, #tpu.memory_space<vmem>> -> memref<80xi32, #tpu.memory_space<vmem>>
      %dma_wait3A_616 = arith.constant 0 : i32
      %dma_wait3A_617 = arith.constant 0 : i32
      %dma_wait3A_618 = tpu.memref_slice %arg16[%dma_wait3A_616, %dma_wait3A_617] : memref<10240x128xf32, #tpu.memory_space<vmem_shared>> -> memref<10240x128xf32, #tpu.memory_space<vmem_shared>>
      tpu.wait_indirect_dma semaphore(%arg20 : memref<!tpu.dma_semaphore, #tpu.memory_space<semaphore_mem>>) src(%arg14 : memref<80x128xf32, #tpu.memory_space<vmem>>) dst(%dma_wait3A_618 : memref<10240x128xf32, #tpu.memory_space<vmem_shared>>)
      %dma_wait3A_619 = arith.constant 16 : i32
      %dma_wait3A_620 = arith.constant 0 : i32
      %dma_wait3A_621 = tpu.memref_slice %arg11[%dma_wait3A_619, %dma_wait3A_620] : memref<25x80xi32, #tpu.memory_space<vmem>> -> memref<1x80xi32, #tpu.memory_space<vmem>>
      %dma_wait3A_622 = tpu.memref_squeeze %dma_wait3A_621 : memref<1x80xi32, #tpu.memory_space<vmem>> -> memref<80xi32, #tpu.memory_space<vmem>>
      %dma_wait3A_623 = arith.constant 0 : i32
      %dma_wait3A_624 = arith.constant 0 : i32
      %dma_wait3A_625 = tpu.memref_slice %arg16[%dma_wait3A_623, %dma_wait3A_624] : memref<10240x128xf32, #tpu.memory_space<vmem_shared>> -> memref<10240x128xf32, #tpu.memory_space<vmem_shared>>
      tpu.wait_indirect_dma semaphore(%arg20 : memref<!tpu.dma_semaphore, #tpu.memory_space<semaphore_mem>>) src(%arg14 : memref<80x128xf32, #tpu.memory_space<vmem>>) dst(%dma_wait3A_625 : memref<10240x128xf32, #tpu.memory_space<vmem_shared>>)
      %dma_wait3A_626 = arith.constant 17 : i32
      %dma_wait3A_627 = arith.constant 0 : i32
      %dma_wait3A_628 = tpu.memref_slice %arg11[%dma_wait3A_626, %dma_wait3A_627] : memref<25x80xi32, #tpu.memory_space<vmem>> -> memref<1x80xi32, #tpu.memory_space<vmem>>
      %dma_wait3A_629 = tpu.memref_squeeze %dma_wait3A_628 : memref<1x80xi32, #tpu.memory_space<vmem>> -> memref<80xi32, #tpu.memory_space<vmem>>
      %dma_wait3A_630 = arith.constant 0 : i32
      %dma_wait3A_631 = arith.constant 0 : i32
      %dma_wait3A_632 = tpu.memref_slice %arg16[%dma_wait3A_630, %dma_wait3A_631] : memref<10240x128xf32, #tpu.memory_space<vmem_shared>> -> memref<10240x128xf32, #tpu.memory_space<vmem_shared>>
      tpu.wait_indirect_dma semaphore(%arg20 : memref<!tpu.dma_semaphore, #tpu.memory_space<semaphore_mem>>) src(%arg14 : memref<80x128xf32, #tpu.memory_space<vmem>>) dst(%dma_wait3A_632 : memref<10240x128xf32, #tpu.memory_space<vmem_shared>>)
      %dma_wait3A_633 = arith.constant 18 : i32
      %dma_wait3A_634 = arith.constant 0 : i32
      %dma_wait3A_635 = tpu.memref_slice %arg11[%dma_wait3A_633, %dma_wait3A_634] : memref<25x80xi32, #tpu.memory_space<vmem>> -> memref<1x80xi32, #tpu.memory_space<vmem>>
      %dma_wait3A_636 = tpu.memref_squeeze %dma_wait3A_635 : memref<1x80xi32, #tpu.memory_space<vmem>> -> memref<80xi32, #tpu.memory_space<vmem>>
      %dma_wait3A_637 = arith.constant 0 : i32
      %dma_wait3A_638 = arith.constant 0 : i32
      %dma_wait3A_639 = tpu.memref_slice %arg16[%dma_wait3A_637, %dma_wait3A_638] : memref<10240x128xf32, #tpu.memory_space<vmem_shared>> -> memref<10240x128xf32, #tpu.memory_space<vmem_shared>>
      tpu.wait_indirect_dma semaphore(%arg20 : memref<!tpu.dma_semaphore, #tpu.memory_space<semaphore_mem>>) src(%arg14 : memref<80x128xf32, #tpu.memory_space<vmem>>) dst(%dma_wait3A_639 : memref<10240x128xf32, #tpu.memory_space<vmem_shared>>)
      %dma_wait3A_640 = arith.constant 19 : i32
      %dma_wait3A_641 = arith.constant 0 : i32
      %dma_wait3A_642 = tpu.memref_slice %arg11[%dma_wait3A_640, %dma_wait3A_641] : memref<25x80xi32, #tpu.memory_space<vmem>> -> memref<1x80xi32, #tpu.memory_space<vmem>>
      %dma_wait3A_643 = tpu.memref_squeeze %dma_wait3A_642 : memref<1x80xi32, #tpu.memory_space<vmem>> -> memref<80xi32, #tpu.memory_space<vmem>>
      %dma_wait3A_644 = arith.constant 0 : i32
      %dma_wait3A_645 = arith.constant 0 : i32
      %dma_wait3A_646 = tpu.memref_slice %arg16[%dma_wait3A_644, %dma_wait3A_645] : memref<10240x128xf32, #tpu.memory_space<vmem_shared>> -> memref<10240x128xf32, #tpu.memory_space<vmem_shared>>
      tpu.wait_indirect_dma semaphore(%arg20 : memref<!tpu.dma_semaphore, #tpu.memory_space<semaphore_mem>>) src(%arg14 : memref<80x128xf32, #tpu.memory_space<vmem>>) dst(%dma_wait3A_646 : memref<10240x128xf32, #tpu.memory_space<vmem_shared>>)
      %dma_wait3A_647 = arith.constant 20 : i32
      %dma_wait3A_648 = arith.constant 0 : i32
      %dma_wait3A_649 = tpu.memref_slice %arg11[%dma_wait3A_647, %dma_wait3A_648] : memref<25x80xi32, #tpu.memory_space<vmem>> -> memref<1x80xi32, #tpu.memory_space<vmem>>
      %dma_wait3A_650 = tpu.memref_squeeze %dma_wait3A_649 : memref<1x80xi32, #tpu.memory_space<vmem>> -> memref<80xi32, #tpu.memory_space<vmem>>
      %dma_wait3A_651 = arith.constant 0 : i32
      %dma_wait3A_652 = arith.constant 0 : i32
      %dma_wait3A_653 = tpu.memref_slice %arg16[%dma_wait3A_651, %dma_wait3A_652] : memref<10240x128xf32, #tpu.memory_space<vmem_shared>> -> memref<10240x128xf32, #tpu.memory_space<vmem_shared>>
      tpu.wait_indirect_dma semaphore(%arg20 : memref<!tpu.dma_semaphore, #tpu.memory_space<semaphore_mem>>) src(%arg14 : memref<80x128xf32, #tpu.memory_space<vmem>>) dst(%dma_wait3A_653 : memref<10240x128xf32, #tpu.memory_space<vmem_shared>>)
      %dma_wait3A_654 = arith.constant 21 : i32
      %dma_wait3A_655 = arith.constant 0 : i32
      %dma_wait3A_656 = tpu.memref_slice %arg11[%dma_wait3A_654, %dma_wait3A_655] : memref<25x80xi32, #tpu.memory_space<vmem>> -> memref<1x80xi32, #tpu.memory_space<vmem>>
      %dma_wait3A_657 = tpu.memref_squeeze %dma_wait3A_656 : memref<1x80xi32, #tpu.memory_space<vmem>> -> memref<80xi32, #tpu.memory_space<vmem>>
      %dma_wait3A_658 = arith.constant 0 : i32
      %dma_wait3A_659 = arith.constant 0 : i32
      %dma_wait3A_660 = tpu.memref_slice %arg16[%dma_wait3A_658, %dma_wait3A_659] : memref<10240x128xf32, #tpu.memory_space<vmem_shared>> -> memref<10240x128xf32, #tpu.memory_space<vmem_shared>>
      tpu.wait_indirect_dma semaphore(%arg20 : memref<!tpu.dma_semaphore, #tpu.memory_space<semaphore_mem>>) src(%arg14 : memref<80x128xf32, #tpu.memory_space<vmem>>) dst(%dma_wait3A_660 : memref<10240x128xf32, #tpu.memory_space<vmem_shared>>)
      %dma_wait3A_661 = arith.constant 22 : i32
      %dma_wait3A_662 = arith.constant 0 : i32
      %dma_wait3A_663 = tpu.memref_slice %arg11[%dma_wait3A_661, %dma_wait3A_662] : memref<25x80xi32, #tpu.memory_space<vmem>> -> memref<1x80xi32, #tpu.memory_space<vmem>>
      %dma_wait3A_664 = tpu.memref_squeeze %dma_wait3A_663 : memref<1x80xi32, #tpu.memory_space<vmem>> -> memref<80xi32, #tpu.memory_space<vmem>>
      %dma_wait3A_665 = arith.constant 0 : i32
      %dma_wait3A_666 = arith.constant 0 : i32
      %dma_wait3A_667 = tpu.memref_slice %arg16[%dma_wait3A_665, %dma_wait3A_666] : memref<10240x128xf32, #tpu.memory_space<vmem_shared>> -> memref<10240x128xf32, #tpu.memory_space<vmem_shared>>
      tpu.wait_indirect_dma semaphore(%arg20 : memref<!tpu.dma_semaphore, #tpu.memory_space<semaphore_mem>>) src(%arg14 : memref<80x128xf32, #tpu.memory_space<vmem>>) dst(%dma_wait3A_667 : memref<10240x128xf32, #tpu.memory_space<vmem_shared>>)
      %dma_wait3A_668 = arith.constant 23 : i32
      %dma_wait3A_669 = arith.constant 0 : i32
      %dma_wait3A_670 = tpu.memref_slice %arg11[%dma_wait3A_668, %dma_wait3A_669] : memref<25x80xi32, #tpu.memory_space<vmem>> -> memref<1x80xi32, #tpu.memory_space<vmem>>
      %dma_wait3A_671 = tpu.memref_squeeze %dma_wait3A_670 : memref<1x80xi32, #tpu.memory_space<vmem>> -> memref<80xi32, #tpu.memory_space<vmem>>
      %dma_wait3A_672 = arith.constant 0 : i32
      %dma_wait3A_673 = arith.constant 0 : i32
      %dma_wait3A_674 = tpu.memref_slice %arg16[%dma_wait3A_672, %dma_wait3A_673] : memref<10240x128xf32, #tpu.memory_space<vmem_shared>> -> memref<10240x128xf32, #tpu.memory_space<vmem_shared>>
      tpu.wait_indirect_dma semaphore(%arg20 : memref<!tpu.dma_semaphore, #tpu.memory_space<semaphore_mem>>) src(%arg14 : memref<80x128xf32, #tpu.memory_space<vmem>>) dst(%dma_wait3A_674 : memref<10240x128xf32, #tpu.memory_space<vmem_shared>>)
      %dma_wait3A_675 = arith.constant 24 : i32
      %dma_wait3A_676 = arith.constant 0 : i32
      %dma_wait3A_677 = tpu.memref_slice %arg11[%dma_wait3A_675, %dma_wait3A_676] : memref<25x80xi32, #tpu.memory_space<vmem>> -> memref<1x80xi32, #tpu.memory_space<vmem>>
      %dma_wait3A_678 = tpu.memref_squeeze %dma_wait3A_677 : memref<1x80xi32, #tpu.memory_space<vmem>> -> memref<80xi32, #tpu.memory_space<vmem>>
      %dma_wait3A_679 = arith.constant 0 : i32
      %dma_wait3A_680 = arith.constant 0 : i32
      %dma_wait3A_681 = tpu.memref_slice %arg16[%dma_wait3A_679, %dma_wait3A_680] : memref<10240x128xf32, #tpu.memory_space<vmem_shared>> -> memref<10240x128xf32, #tpu.memory_space<vmem_shared>>
      tpu.wait_indirect_dma semaphore(%arg20 : memref<!tpu.dma_semaphore, #tpu.memory_space<semaphore_mem>>) src(%arg14 : memref<80x128xf32, #tpu.memory_space<vmem>>) dst(%dma_wait3A_681 : memref<10240x128xf32, #tpu.memory_space<vmem_shared>>)
    }
    %scan3A_177 = arith.constant 5 : i32
    %barrier3A_178 = arith.constant 0 : index
    tpu.barrier barrier_id(%barrier3A_178)
    %dma_start3A_179 = arith.constant 0 : i32
    %dma_start3A_180 = arith.constant 0 : i32
    %dma_start3A_181 = tpu.memref_slice %arg12[%dma_start3A_179, %dma_start3A_180] : memref<8x80xi32, #tpu.memory_space<vmem>> -> memref<1x80xi32, #tpu.memory_space<vmem>>
    %dma_start3A_182 = tpu.memref_squeeze %dma_start3A_181 : memref<1x80xi32, #tpu.memory_space<vmem>> -> memref<80xi32, #tpu.memory_space<vmem>>
    %dma_start3A_183 = arith.constant 0 : i32
    %dma_start3A_184 = arith.constant 0 : i32
    %dma_start3A_185 = tpu.memref_slice %arg16[%dma_start3A_183, %dma_start3A_184] : memref<10240x128xf32, #tpu.memory_space<vmem_shared>> -> memref<10240x128xf32, #tpu.memory_space<vmem_shared>>
    tpu.enqueue_indirect_dma source(%dma_start3A_185 : memref<10240x128xf32, #tpu.memory_space<vmem_shared>>) target(%arg15 : memref<80x128xf32, #tpu.memory_space<vmem>>) offsets(%dma_start3A_182 : memref<80xi32, #tpu.memory_space<vmem>>) semaphore(%arg19 : memref<!tpu.dma_semaphore, #tpu.memory_space<semaphore_mem>>)
    %dma_wait3A_186 = arith.constant 0 : i32
    %dma_wait3A_187 = arith.constant 0 : i32
    %dma_wait3A_188 = tpu.memref_slice %arg12[%dma_wait3A_186, %dma_wait3A_187] : memref<8x80xi32, #tpu.memory_space<vmem>> -> memref<1x80xi32, #tpu.memory_space<vmem>>
    %dma_wait3A_189 = tpu.memref_squeeze %dma_wait3A_188 : memref<1x80xi32, #tpu.memory_space<vmem>> -> memref<80xi32, #tpu.memory_space<vmem>>
    %dma_wait3A_190 = arith.constant 0 : i32
    %dma_wait3A_191 = arith.constant 0 : i32
    %dma_wait3A_192 = tpu.memref_slice %arg16[%dma_wait3A_190, %dma_wait3A_191] : memref<10240x128xf32, #tpu.memory_space<vmem_shared>> -> memref<10240x128xf32, #tpu.memory_space<vmem_shared>>
    tpu.wait_indirect_dma semaphore(%arg19 : memref<!tpu.dma_semaphore, #tpu.memory_space<semaphore_mem>>) src(%dma_wait3A_192 : memref<10240x128xf32, #tpu.memory_space<vmem_shared>>) dst(%arg15 : memref<80x128xf32, #tpu.memory_space<vmem>>)
    %mul3A_193 = arith.constant 640 : i32
    %mul3A_194 = arith.muli %arg1, %mul3A_193 : i32
    %add3A_195 = arith.constant 0 : i32
    %add3A_196 = arith.addi %mul3A_194, %add3A_195 : i32
    %multiple_of3A_197 = tpu.assume_multiple %add3A_196, 8 : i32
    "tpu.region"() ({
      %run_scoped3A_331 = tpu.sem_alloc : memref<!tpu.dma_semaphore, #tpu.memory_space<semaphore_mem>>
      %dma_start3A_332 = arith.constant 0 : i32
      %dma_start3A_333 = tpu.memref_slice %arg9[%arg0, %multiple_of3A_197, %dma_start3A_332] : memref<2x10240x128xf32, #tpu.memory_space<hbm>> -> memref<1x80x128xf32, #tpu.memory_space<hbm>>
      %dma_start3A_334 = tpu.memref_squeeze %dma_start3A_333 : memref<1x80x128xf32, #tpu.memory_space<hbm>> -> memref<80x128xf32, #tpu.memory_space<hbm>>
      %dma_start3A_335 = arith.constant 0 : i32
      %dma_start3A_336 = tpu.memref_slice %arg9[%arg0, %multiple_of3A_197, %dma_start3A_335] : memref<2x10240x128xf32, #tpu.memory_space<hbm>> -> memref<1x80x128xf32, #tpu.memory_space<hbm>>
      %dma_start3A_337 = tpu.memref_squeeze %dma_start3A_336 : memref<1x80x128xf32, #tpu.memory_space<hbm>> -> memref<80x128xf32, #tpu.memory_space<hbm>>
      tpu.enqueue_dma source(%arg15 : memref<80x128xf32, #tpu.memory_space<vmem>>) target(%dma_start3A_337 : memref<80x128xf32, #tpu.memory_space<hbm>>) target_semaphore(%run_scoped3A_331 : memref<!tpu.dma_semaphore, #tpu.memory_space<semaphore_mem>>)
      %dma_wait3A_338 = arith.constant 0 : i32
      %dma_wait3A_339 = tpu.memref_slice %arg9[%arg0, %multiple_of3A_197, %dma_wait3A_338] : memref<2x10240x128xf32, #tpu.memory_space<hbm>> -> memref<1x80x128xf32, #tpu.memory_space<hbm>>
      %dma_wait3A_340 = tpu.memref_squeeze %dma_wait3A_339 : memref<1x80x128xf32, #tpu.memory_space<hbm>> -> memref<80x128xf32, #tpu.memory_space<hbm>>
      %dma_wait3A_341 = arith.constant 0 : i32
      %dma_wait3A_342 = tpu.memref_slice %arg9[%arg0, %multiple_of3A_197, %dma_wait3A_341] : memref<2x10240x128xf32, #tpu.memory_space<hbm>> -> memref<1x80x128xf32, #tpu.memory_space<hbm>>
      %dma_wait3A_343 = tpu.memref_squeeze %dma_wait3A_342 : memref<1x80x128xf32, #tpu.memory_space<hbm>> -> memref<80x128xf32, #tpu.memory_space<hbm>>
      tpu.wait_dma2 semaphore(%run_scoped3A_331 : memref<!tpu.dma_semaphore, #tpu.memory_space<semaphore_mem>>) src(%arg15 : memref<80x128xf32, #tpu.memory_space<vmem>>) dst(%dma_wait3A_343 : memref<80x128xf32, #tpu.memory_space<hbm>>)
      tpu.yield
    }) : () -> ()
    %dma_start3A_198 = arith.constant 1 : i32
    %dma_start3A_199 = arith.constant 0 : i32
    %dma_start3A_200 = tpu.memref_slice %arg12[%dma_start3A_198, %dma_start3A_199] : memref<8x80xi32, #tpu.memory_space<vmem>> -> memref<1x80xi32, #tpu.memory_space<vmem>>
    %dma_start3A_201 = tpu.memref_squeeze %dma_start3A_200 : memref<1x80xi32, #tpu.memory_space<vmem>> -> memref<80xi32, #tpu.memory_space<vmem>>
    %dma_start3A_202 = arith.constant 0 : i32
    %dma_start3A_203 = arith.constant 0 : i32
    %dma_start3A_204 = tpu.memref_slice %arg16[%dma_start3A_202, %dma_start3A_203] : memref<10240x128xf32, #tpu.memory_space<vmem_shared>> -> memref<10240x128xf32, #tpu.memory_space<vmem_shared>>
    tpu.enqueue_indirect_dma source(%dma_start3A_204 : memref<10240x128xf32, #tpu.memory_space<vmem_shared>>) target(%arg15 : memref<80x128xf32, #tpu.memory_space<vmem>>) offsets(%dma_start3A_201 : memref<80xi32, #tpu.memory_space<vmem>>) semaphore(%arg19 : memref<!tpu.dma_semaphore, #tpu.memory_space<semaphore_mem>>)
    %dma_wait3A_205 = arith.constant 1 : i32
    %dma_wait3A_206 = arith.constant 0 : i32
    %dma_wait3A_207 = tpu.memref_slice %arg12[%dma_wait3A_205, %dma_wait3A_206] : memref<8x80xi32, #tpu.memory_space<vmem>> -> memref<1x80xi32, #tpu.memory_space<vmem>>
    %dma_wait3A_208 = tpu.memref_squeeze %dma_wait3A_207 : memref<1x80xi32, #tpu.memory_space<vmem>> -> memref<80xi32, #tpu.memory_space<vmem>>
    %dma_wait3A_209 = arith.constant 0 : i32
    %dma_wait3A_210 = arith.constant 0 : i32
    %dma_wait3A_211 = tpu.memref_slice %arg16[%dma_wait3A_209, %dma_wait3A_210] : memref<10240x128xf32, #tpu.memory_space<vmem_shared>> -> memref<10240x128xf32, #tpu.memory_space<vmem_shared>>
    tpu.wait_indirect_dma semaphore(%arg19 : memref<!tpu.dma_semaphore, #tpu.memory_space<semaphore_mem>>) src(%dma_wait3A_211 : memref<10240x128xf32, #tpu.memory_space<vmem_shared>>) dst(%arg15 : memref<80x128xf32, #tpu.memory_space<vmem>>)
    %mul3A_212 = arith.constant 640 : i32
    %mul3A_213 = arith.muli %arg1, %mul3A_212 : i32
    %add3A_214 = arith.constant 80 : i32
    %add3A_215 = arith.addi %mul3A_213, %add3A_214 : i32
    %multiple_of3A_216 = tpu.assume_multiple %add3A_215, 8 : i32
    "tpu.region"() ({
      %run_scoped3A_331 = tpu.sem_alloc : memref<!tpu.dma_semaphore, #tpu.memory_space<semaphore_mem>>
      %dma_start3A_332 = arith.constant 0 : i32
      %dma_start3A_333 = tpu.memref_slice %arg9[%arg0, %multiple_of3A_216, %dma_start3A_332] : memref<2x10240x128xf32, #tpu.memory_space<hbm>> -> memref<1x80x128xf32, #tpu.memory_space<hbm>>
      %dma_start3A_334 = tpu.memref_squeeze %dma_start3A_333 : memref<1x80x128xf32, #tpu.memory_space<hbm>> -> memref<80x128xf32, #tpu.memory_space<hbm>>
      %dma_start3A_335 = arith.constant 0 : i32
      %dma_start3A_336 = tpu.memref_slice %arg9[%arg0, %multiple_of3A_216, %dma_start3A_335] : memref<2x10240x128xf32, #tpu.memory_space<hbm>> -> memref<1x80x128xf32, #tpu.memory_space<hbm>>
      %dma_start3A_337 = tpu.memref_squeeze %dma_start3A_336 : memref<1x80x128xf32, #tpu.memory_space<hbm>> -> memref<80x128xf32, #tpu.memory_space<hbm>>
      tpu.enqueue_dma source(%arg15 : memref<80x128xf32, #tpu.memory_space<vmem>>) target(%dma_start3A_337 : memref<80x128xf32, #tpu.memory_space<hbm>>) target_semaphore(%run_scoped3A_331 : memref<!tpu.dma_semaphore, #tpu.memory_space<semaphore_mem>>)
      %dma_wait3A_338 = arith.constant 0 : i32
      %dma_wait3A_339 = tpu.memref_slice %arg9[%arg0, %multiple_of3A_216, %dma_wait3A_338] : memref<2x10240x128xf32, #tpu.memory_space<hbm>> -> memref<1x80x128xf32, #tpu.memory_space<hbm>>
      %dma_wait3A_340 = tpu.memref_squeeze %dma_wait3A_339 : memref<1x80x128xf32, #tpu.memory_space<hbm>> -> memref<80x128xf32, #tpu.memory_space<hbm>>
      %dma_wait3A_341 = arith.constant 0 : i32
      %dma_wait3A_342 = tpu.memref_slice %arg9[%arg0, %multiple_of3A_216, %dma_wait3A_341] : memref<2x10240x128xf32, #tpu.memory_space<hbm>> -> memref<1x80x128xf32, #tpu.memory_space<hbm>>
      %dma_wait3A_343 = tpu.memref_squeeze %dma_wait3A_342 : memref<1x80x128xf32, #tpu.memory_space<hbm>> -> memref<80x128xf32, #tpu.memory_space<hbm>>
      tpu.wait_dma2 semaphore(%run_scoped3A_331 : memref<!tpu.dma_semaphore, #tpu.memory_space<semaphore_mem>>) src(%arg15 : memref<80x128xf32, #tpu.memory_space<vmem>>) dst(%dma_wait3A_343 : memref<80x128xf32, #tpu.memory_space<hbm>>)
      tpu.yield
    }) : () -> ()
    %dma_start3A_217 = arith.constant 2 : i32
    %dma_start3A_218 = arith.constant 0 : i32
    %dma_start3A_219 = tpu.memref_slice %arg12[%dma_start3A_217, %dma_start3A_218] : memref<8x80xi32, #tpu.memory_space<vmem>> -> memref<1x80xi32, #tpu.memory_space<vmem>>
    %dma_start3A_220 = tpu.memref_squeeze %dma_start3A_219 : memref<1x80xi32, #tpu.memory_space<vmem>> -> memref<80xi32, #tpu.memory_space<vmem>>
    %dma_start3A_221 = arith.constant 0 : i32
    %dma_start3A_222 = arith.constant 0 : i32
    %dma_start3A_223 = tpu.memref_slice %arg16[%dma_start3A_221, %dma_start3A_222] : memref<10240x128xf32, #tpu.memory_space<vmem_shared>> -> memref<10240x128xf32, #tpu.memory_space<vmem_shared>>
    tpu.enqueue_indirect_dma source(%dma_start3A_223 : memref<10240x128xf32, #tpu.memory_space<vmem_shared>>) target(%arg15 : memref<80x128xf32, #tpu.memory_space<vmem>>) offsets(%dma_start3A_220 : memref<80xi32, #tpu.memory_space<vmem>>) semaphore(%arg19 : memref<!tpu.dma_semaphore, #tpu.memory_space<semaphore_mem>>)
    %dma_wait3A_224 = arith.constant 2 : i32
    %dma_wait3A_225 = arith.constant 0 : i32
    %dma_wait3A_226 = tpu.memref_slice %arg12[%dma_wait3A_224, %dma_wait3A_225] : memref<8x80xi32, #tpu.memory_space<vmem>> -> memref<1x80xi32, #tpu.memory_space<vmem>>
    %dma_wait3A_227 = tpu.memref_squeeze %dma_wait3A_226 : memref<1x80xi32, #tpu.memory_space<vmem>> -> memref<80xi32, #tpu.memory_space<vmem>>
    %dma_wait3A_228 = arith.constant 0 : i32
    %dma_wait3A_229 = arith.constant 0 : i32
    %dma_wait3A_230 = tpu.memref_slice %arg16[%dma_wait3A_228, %dma_wait3A_229] : memref<10240x128xf32, #tpu.memory_space<vmem_shared>> -> memref<10240x128xf32, #tpu.memory_space<vmem_shared>>
    tpu.wait_indirect_dma semaphore(%arg19 : memref<!tpu.dma_semaphore, #tpu.memory_space<semaphore_mem>>) src(%dma_wait3A_230 : memref<10240x128xf32, #tpu.memory_space<vmem_shared>>) dst(%arg15 : memref<80x128xf32, #tpu.memory_space<vmem>>)
    %mul3A_231 = arith.constant 640 : i32
    %mul3A_232 = arith.muli %arg1, %mul3A_231 : i32
    %add3A_233 = arith.constant 160 : i32
    %add3A_234 = arith.addi %mul3A_232, %add3A_233 : i32
    %multiple_of3A_235 = tpu.assume_multiple %add3A_234, 8 : i32
    "tpu.region"() ({
      %run_scoped3A_331 = tpu.sem_alloc : memref<!tpu.dma_semaphore, #tpu.memory_space<semaphore_mem>>
      %dma_start3A_332 = arith.constant 0 : i32
      %dma_start3A_333 = tpu.memref_slice %arg9[%arg0, %multiple_of3A_235, %dma_start3A_332] : memref<2x10240x128xf32, #tpu.memory_space<hbm>> -> memref<1x80x128xf32, #tpu.memory_space<hbm>>
      %dma_start3A_334 = tpu.memref_squeeze %dma_start3A_333 : memref<1x80x128xf32, #tpu.memory_space<hbm>> -> memref<80x128xf32, #tpu.memory_space<hbm>>
      %dma_start3A_335 = arith.constant 0 : i32
      %dma_start3A_336 = tpu.memref_slice %arg9[%arg0, %multiple_of3A_235, %dma_start3A_335] : memref<2x10240x128xf32, #tpu.memory_space<hbm>> -> memref<1x80x128xf32, #tpu.memory_space<hbm>>
      %dma_start3A_337 = tpu.memref_squeeze %dma_start3A_336 : memref<1x80x128xf32, #tpu.memory_space<hbm>> -> memref<80x128xf32, #tpu.memory_space<hbm>>
      tpu.enqueue_dma source(%arg15 : memref<80x128xf32, #tpu.memory_space<vmem>>) target(%dma_start3A_337 : memref<80x128xf32, #tpu.memory_space<hbm>>) target_semaphore(%run_scoped3A_331 : memref<!tpu.dma_semaphore, #tpu.memory_space<semaphore_mem>>)
      %dma_wait3A_338 = arith.constant 0 : i32
      %dma_wait3A_339 = tpu.memref_slice %arg9[%arg0, %multiple_of3A_235, %dma_wait3A_338] : memref<2x10240x128xf32, #tpu.memory_space<hbm>> -> memref<1x80x128xf32, #tpu.memory_space<hbm>>
      %dma_wait3A_340 = tpu.memref_squeeze %dma_wait3A_339 : memref<1x80x128xf32, #tpu.memory_space<hbm>> -> memref<80x128xf32, #tpu.memory_space<hbm>>
      %dma_wait3A_341 = arith.constant 0 : i32
      %dma_wait3A_342 = tpu.memref_slice %arg9[%arg0, %multiple_of3A_235, %dma_wait3A_341] : memref<2x10240x128xf32, #tpu.memory_space<hbm>> -> memref<1x80x128xf32, #tpu.memory_space<hbm>>
      %dma_wait3A_343 = tpu.memref_squeeze %dma_wait3A_342 : memref<1x80x128xf32, #tpu.memory_space<hbm>> -> memref<80x128xf32, #tpu.memory_space<hbm>>
      tpu.wait_dma2 semaphore(%run_scoped3A_331 : memref<!tpu.dma_semaphore, #tpu.memory_space<semaphore_mem>>) src(%arg15 : memref<80x128xf32, #tpu.memory_space<vmem>>) dst(%dma_wait3A_343 : memref<80x128xf32, #tpu.memory_space<hbm>>)
      tpu.yield
    }) : () -> ()
    %dma_start3A_236 = arith.constant 3 : i32
    %dma_start3A_237 = arith.constant 0 : i32
    %dma_start3A_238 = tpu.memref_slice %arg12[%dma_start3A_236, %dma_start3A_237] : memref<8x80xi32, #tpu.memory_space<vmem>> -> memref<1x80xi32, #tpu.memory_space<vmem>>
    %dma_start3A_239 = tpu.memref_squeeze %dma_start3A_238 : memref<1x80xi32, #tpu.memory_space<vmem>> -> memref<80xi32, #tpu.memory_space<vmem>>
    %dma_start3A_240 = arith.constant 0 : i32
    %dma_start3A_241 = arith.constant 0 : i32
    %dma_start3A_242 = tpu.memref_slice %arg16[%dma_start3A_240, %dma_start3A_241] : memref<10240x128xf32, #tpu.memory_space<vmem_shared>> -> memref<10240x128xf32, #tpu.memory_space<vmem_shared>>
    tpu.enqueue_indirect_dma source(%dma_start3A_242 : memref<10240x128xf32, #tpu.memory_space<vmem_shared>>) target(%arg15 : memref<80x128xf32, #tpu.memory_space<vmem>>) offsets(%dma_start3A_239 : memref<80xi32, #tpu.memory_space<vmem>>) semaphore(%arg19 : memref<!tpu.dma_semaphore, #tpu.memory_space<semaphore_mem>>)
    %dma_wait3A_243 = arith.constant 3 : i32
    %dma_wait3A_244 = arith.constant 0 : i32
    %dma_wait3A_245 = tpu.memref_slice %arg12[%dma_wait3A_243, %dma_wait3A_244] : memref<8x80xi32, #tpu.memory_space<vmem>> -> memref<1x80xi32, #tpu.memory_space<vmem>>
    %dma_wait3A_246 = tpu.memref_squeeze %dma_wait3A_245 : memref<1x80xi32, #tpu.memory_space<vmem>> -> memref<80xi32, #tpu.memory_space<vmem>>
    %dma_wait3A_247 = arith.constant 0 : i32
    %dma_wait3A_248 = arith.constant 0 : i32
    %dma_wait3A_249 = tpu.memref_slice %arg16[%dma_wait3A_247, %dma_wait3A_248] : memref<10240x128xf32, #tpu.memory_space<vmem_shared>> -> memref<10240x128xf32, #tpu.memory_space<vmem_shared>>
    tpu.wait_indirect_dma semaphore(%arg19 : memref<!tpu.dma_semaphore, #tpu.memory_space<semaphore_mem>>) src(%dma_wait3A_249 : memref<10240x128xf32, #tpu.memory_space<vmem_shared>>) dst(%arg15 : memref<80x128xf32, #tpu.memory_space<vmem>>)
    %mul3A_250 = arith.constant 640 : i32
    %mul3A_251 = arith.muli %arg1, %mul3A_250 : i32
    %add3A_252 = arith.constant 240 : i32
    %add3A_253 = arith.addi %mul3A_251, %add3A_252 : i32
    %multiple_of3A_254 = tpu.assume_multiple %add3A_253, 8 : i32
    "tpu.region"() ({
      %run_scoped3A_331 = tpu.sem_alloc : memref<!tpu.dma_semaphore, #tpu.memory_space<semaphore_mem>>
      %dma_start3A_332 = arith.constant 0 : i32
      %dma_start3A_333 = tpu.memref_slice %arg9[%arg0, %multiple_of3A_254, %dma_start3A_332] : memref<2x10240x128xf32, #tpu.memory_space<hbm>> -> memref<1x80x128xf32, #tpu.memory_space<hbm>>
      %dma_start3A_334 = tpu.memref_squeeze %dma_start3A_333 : memref<1x80x128xf32, #tpu.memory_space<hbm>> -> memref<80x128xf32, #tpu.memory_space<hbm>>
      %dma_start3A_335 = arith.constant 0 : i32
      %dma_start3A_336 = tpu.memref_slice %arg9[%arg0, %multiple_of3A_254, %dma_start3A_335] : memref<2x10240x128xf32, #tpu.memory_space<hbm>> -> memref<1x80x128xf32, #tpu.memory_space<hbm>>
      %dma_start3A_337 = tpu.memref_squeeze %dma_start3A_336 : memref<1x80x128xf32, #tpu.memory_space<hbm>> -> memref<80x128xf32, #tpu.memory_space<hbm>>
      tpu.enqueue_dma source(%arg15 : memref<80x128xf32, #tpu.memory_space<vmem>>) target(%dma_start3A_337 : memref<80x128xf32, #tpu.memory_space<hbm>>) target_semaphore(%run_scoped3A_331 : memref<!tpu.dma_semaphore, #tpu.memory_space<semaphore_mem>>)
      %dma_wait3A_338 = arith.constant 0 : i32
      %dma_wait3A_339 = tpu.memref_slice %arg9[%arg0, %multiple_of3A_254, %dma_wait3A_338] : memref<2x10240x128xf32, #tpu.memory_space<hbm>> -> memref<1x80x128xf32, #tpu.memory_space<hbm>>
      %dma_wait3A_340 = tpu.memref_squeeze %dma_wait3A_339 : memref<1x80x128xf32, #tpu.memory_space<hbm>> -> memref<80x128xf32, #tpu.memory_space<hbm>>
      %dma_wait3A_341 = arith.constant 0 : i32
      %dma_wait3A_342 = tpu.memref_slice %arg9[%arg0, %multiple_of3A_254, %dma_wait3A_341] : memref<2x10240x128xf32, #tpu.memory_space<hbm>> -> memref<1x80x128xf32, #tpu.memory_space<hbm>>
      %dma_wait3A_343 = tpu.memref_squeeze %dma_wait3A_342 : memref<1x80x128xf32, #tpu.memory_space<hbm>> -> memref<80x128xf32, #tpu.memory_space<hbm>>
      tpu.wait_dma2 semaphore(%run_scoped3A_331 : memref<!tpu.dma_semaphore, #tpu.memory_space<semaphore_mem>>) src(%arg15 : memref<80x128xf32, #tpu.memory_space<vmem>>) dst(%dma_wait3A_343 : memref<80x128xf32, #tpu.memory_space<hbm>>)
      tpu.yield
    }) : () -> ()
    %dma_start3A_255 = arith.constant 4 : i32
    %dma_start3A_256 = arith.constant 0 : i32
    %dma_start3A_257 = tpu.memref_slice %arg12[%dma_start3A_255, %dma_start3A_256] : memref<8x80xi32, #tpu.memory_space<vmem>> -> memref<1x80xi32, #tpu.memory_space<vmem>>
    %dma_start3A_258 = tpu.memref_squeeze %dma_start3A_257 : memref<1x80xi32, #tpu.memory_space<vmem>> -> memref<80xi32, #tpu.memory_space<vmem>>
    %dma_start3A_259 = arith.constant 0 : i32
    %dma_start3A_260 = arith.constant 0 : i32
    %dma_start3A_261 = tpu.memref_slice %arg16[%dma_start3A_259, %dma_start3A_260] : memref<10240x128xf32, #tpu.memory_space<vmem_shared>> -> memref<10240x128xf32, #tpu.memory_space<vmem_shared>>
    tpu.enqueue_indirect_dma source(%dma_start3A_261 : memref<10240x128xf32, #tpu.memory_space<vmem_shared>>) target(%arg15 : memref<80x128xf32, #tpu.memory_space<vmem>>) offsets(%dma_start3A_258 : memref<80xi32, #tpu.memory_space<vmem>>) semaphore(%arg19 : memref<!tpu.dma_semaphore, #tpu.memory_space<semaphore_mem>>)
    %dma_wait3A_262 = arith.constant 4 : i32
    %dma_wait3A_263 = arith.constant 0 : i32
    %dma_wait3A_264 = tpu.memref_slice %arg12[%dma_wait3A_262, %dma_wait3A_263] : memref<8x80xi32, #tpu.memory_space<vmem>> -> memref<1x80xi32, #tpu.memory_space<vmem>>
    %dma_wait3A_265 = tpu.memref_squeeze %dma_wait3A_264 : memref<1x80xi32, #tpu.memory_space<vmem>> -> memref<80xi32, #tpu.memory_space<vmem>>
    %dma_wait3A_266 = arith.constant 0 : i32
    %dma_wait3A_267 = arith.constant 0 : i32
    %dma_wait3A_268 = tpu.memref_slice %arg16[%dma_wait3A_266, %dma_wait3A_267] : memref<10240x128xf32, #tpu.memory_space<vmem_shared>> -> memref<10240x128xf32, #tpu.memory_space<vmem_shared>>
    tpu.wait_indirect_dma semaphore(%arg19 : memref<!tpu.dma_semaphore, #tpu.memory_space<semaphore_mem>>) src(%dma_wait3A_268 : memref<10240x128xf32, #tpu.memory_space<vmem_shared>>) dst(%arg15 : memref<80x128xf32, #tpu.memory_space<vmem>>)
    %mul3A_269 = arith.constant 640 : i32
    %mul3A_270 = arith.muli %arg1, %mul3A_269 : i32
    %add3A_271 = arith.constant 320 : i32
    %add3A_272 = arith.addi %mul3A_270, %add3A_271 : i32
    %multiple_of3A_273 = tpu.assume_multiple %add3A_272, 8 : i32
    "tpu.region"() ({
      %run_scoped3A_331 = tpu.sem_alloc : memref<!tpu.dma_semaphore, #tpu.memory_space<semaphore_mem>>
      %dma_start3A_332 = arith.constant 0 : i32
      %dma_start3A_333 = tpu.memref_slice %arg9[%arg0, %multiple_of3A_273, %dma_start3A_332] : memref<2x10240x128xf32, #tpu.memory_space<hbm>> -> memref<1x80x128xf32, #tpu.memory_space<hbm>>
      %dma_start3A_334 = tpu.memref_squeeze %dma_start3A_333 : memref<1x80x128xf32, #tpu.memory_space<hbm>> -> memref<80x128xf32, #tpu.memory_space<hbm>>
      %dma_start3A_335 = arith.constant 0 : i32
      %dma_start3A_336 = tpu.memref_slice %arg9[%arg0, %multiple_of3A_273, %dma_start3A_335] : memref<2x10240x128xf32, #tpu.memory_space<hbm>> -> memref<1x80x128xf32, #tpu.memory_space<hbm>>
      %dma_start3A_337 = tpu.memref_squeeze %dma_start3A_336 : memref<1x80x128xf32, #tpu.memory_space<hbm>> -> memref<80x128xf32, #tpu.memory_space<hbm>>
      tpu.enqueue_dma source(%arg15 : memref<80x128xf32, #tpu.memory_space<vmem>>) target(%dma_start3A_337 : memref<80x128xf32, #tpu.memory_space<hbm>>) target_semaphore(%run_scoped3A_331 : memref<!tpu.dma_semaphore, #tpu.memory_space<semaphore_mem>>)
      %dma_wait3A_338 = arith.constant 0 : i32
      %dma_wait3A_339 = tpu.memref_slice %arg9[%arg0, %multiple_of3A_273, %dma_wait3A_338] : memref<2x10240x128xf32, #tpu.memory_space<hbm>> -> memref<1x80x128xf32, #tpu.memory_space<hbm>>
      %dma_wait3A_340 = tpu.memref_squeeze %dma_wait3A_339 : memref<1x80x128xf32, #tpu.memory_space<hbm>> -> memref<80x128xf32, #tpu.memory_space<hbm>>
      %dma_wait3A_341 = arith.constant 0 : i32
      %dma_wait3A_342 = tpu.memref_slice %arg9[%arg0, %multiple_of3A_273, %dma_wait3A_341] : memref<2x10240x128xf32, #tpu.memory_space<hbm>> -> memref<1x80x128xf32, #tpu.memory_space<hbm>>
      %dma_wait3A_343 = tpu.memref_squeeze %dma_wait3A_342 : memref<1x80x128xf32, #tpu.memory_space<hbm>> -> memref<80x128xf32, #tpu.memory_space<hbm>>
      tpu.wait_dma2 semaphore(%run_scoped3A_331 : memref<!tpu.dma_semaphore, #tpu.memory_space<semaphore_mem>>) src(%arg15 : memref<80x128xf32, #tpu.memory_space<vmem>>) dst(%dma_wait3A_343 : memref<80x128xf32, #tpu.memory_space<hbm>>)
      tpu.yield
    }) : () -> ()
    %dma_start3A_274 = arith.constant 5 : i32
    %dma_start3A_275 = arith.constant 0 : i32
    %dma_start3A_276 = tpu.memref_slice %arg12[%dma_start3A_274, %dma_start3A_275] : memref<8x80xi32, #tpu.memory_space<vmem>> -> memref<1x80xi32, #tpu.memory_space<vmem>>
    %dma_start3A_277 = tpu.memref_squeeze %dma_start3A_276 : memref<1x80xi32, #tpu.memory_space<vmem>> -> memref<80xi32, #tpu.memory_space<vmem>>
    %dma_start3A_278 = arith.constant 0 : i32
    %dma_start3A_279 = arith.constant 0 : i32
    %dma_start3A_280 = tpu.memref_slice %arg16[%dma_start3A_278, %dma_start3A_279] : memref<10240x128xf32, #tpu.memory_space<vmem_shared>> -> memref<10240x128xf32, #tpu.memory_space<vmem_shared>>
    tpu.enqueue_indirect_dma source(%dma_start3A_280 : memref<10240x128xf32, #tpu.memory_space<vmem_shared>>) target(%arg15 : memref<80x128xf32, #tpu.memory_space<vmem>>) offsets(%dma_start3A_277 : memref<80xi32, #tpu.memory_space<vmem>>) semaphore(%arg19 : memref<!tpu.dma_semaphore, #tpu.memory_space<semaphore_mem>>)
    %dma_wait3A_281 = arith.constant 5 : i32
    %dma_wait3A_282 = arith.constant 0 : i32
    %dma_wait3A_283 = tpu.memref_slice %arg12[%dma_wait3A_281, %dma_wait3A_282] : memref<8x80xi32, #tpu.memory_space<vmem>> -> memref<1x80xi32, #tpu.memory_space<vmem>>
    %dma_wait3A_284 = tpu.memref_squeeze %dma_wait3A_283 : memref<1x80xi32, #tpu.memory_space<vmem>> -> memref<80xi32, #tpu.memory_space<vmem>>
    %dma_wait3A_285 = arith.constant 0 : i32
    %dma_wait3A_286 = arith.constant 0 : i32
    %dma_wait3A_287 = tpu.memref_slice %arg16[%dma_wait3A_285, %dma_wait3A_286] : memref<10240x128xf32, #tpu.memory_space<vmem_shared>> -> memref<10240x128xf32, #tpu.memory_space<vmem_shared>>
    tpu.wait_indirect_dma semaphore(%arg19 : memref<!tpu.dma_semaphore, #tpu.memory_space<semaphore_mem>>) src(%dma_wait3A_287 : memref<10240x128xf32, #tpu.memory_space<vmem_shared>>) dst(%arg15 : memref<80x128xf32, #tpu.memory_space<vmem>>)
    %mul3A_288 = arith.constant 640 : i32
    %mul3A_289 = arith.muli %arg1, %mul3A_288 : i32
    %add3A_290 = arith.constant 400 : i32
    %add3A_291 = arith.addi %mul3A_289, %add3A_290 : i32
    %multiple_of3A_292 = tpu.assume_multiple %add3A_291, 8 : i32
    "tpu.region"() ({
      %run_scoped3A_331 = tpu.sem_alloc : memref<!tpu.dma_semaphore, #tpu.memory_space<semaphore_mem>>
      %dma_start3A_332 = arith.constant 0 : i32
      %dma_start3A_333 = tpu.memref_slice %arg9[%arg0, %multiple_of3A_292, %dma_start3A_332] : memref<2x10240x128xf32, #tpu.memory_space<hbm>> -> memref<1x80x128xf32, #tpu.memory_space<hbm>>
      %dma_start3A_334 = tpu.memref_squeeze %dma_start3A_333 : memref<1x80x128xf32, #tpu.memory_space<hbm>> -> memref<80x128xf32, #tpu.memory_space<hbm>>
      %dma_start3A_335 = arith.constant 0 : i32
      %dma_start3A_336 = tpu.memref_slice %arg9[%arg0, %multiple_of3A_292, %dma_start3A_335] : memref<2x10240x128xf32, #tpu.memory_space<hbm>> -> memref<1x80x128xf32, #tpu.memory_space<hbm>>
      %dma_start3A_337 = tpu.memref_squeeze %dma_start3A_336 : memref<1x80x128xf32, #tpu.memory_space<hbm>> -> memref<80x128xf32, #tpu.memory_space<hbm>>
      tpu.enqueue_dma source(%arg15 : memref<80x128xf32, #tpu.memory_space<vmem>>) target(%dma_start3A_337 : memref<80x128xf32, #tpu.memory_space<hbm>>) target_semaphore(%run_scoped3A_331 : memref<!tpu.dma_semaphore, #tpu.memory_space<semaphore_mem>>)
      %dma_wait3A_338 = arith.constant 0 : i32
      %dma_wait3A_339 = tpu.memref_slice %arg9[%arg0, %multiple_of3A_292, %dma_wait3A_338] : memref<2x10240x128xf32, #tpu.memory_space<hbm>> -> memref<1x80x128xf32, #tpu.memory_space<hbm>>
      %dma_wait3A_340 = tpu.memref_squeeze %dma_wait3A_339 : memref<1x80x128xf32, #tpu.memory_space<hbm>> -> memref<80x128xf32, #tpu.memory_space<hbm>>
      %dma_wait3A_341 = arith.constant 0 : i32
      %dma_wait3A_342 = tpu.memref_slice %arg9[%arg0, %multiple_of3A_292, %dma_wait3A_341] : memref<2x10240x128xf32, #tpu.memory_space<hbm>> -> memref<1x80x128xf32, #tpu.memory_space<hbm>>
      %dma_wait3A_343 = tpu.memref_squeeze %dma_wait3A_342 : memref<1x80x128xf32, #tpu.memory_space<hbm>> -> memref<80x128xf32, #tpu.memory_space<hbm>>
      tpu.wait_dma2 semaphore(%run_scoped3A_331 : memref<!tpu.dma_semaphore, #tpu.memory_space<semaphore_mem>>) src(%arg15 : memref<80x128xf32, #tpu.memory_space<vmem>>) dst(%dma_wait3A_343 : memref<80x128xf32, #tpu.memory_space<hbm>>)
      tpu.yield
    }) : () -> ()
    %dma_start3A_293 = arith.constant 6 : i32
    %dma_start3A_294 = arith.constant 0 : i32
    %dma_start3A_295 = tpu.memref_slice %arg12[%dma_start3A_293, %dma_start3A_294] : memref<8x80xi32, #tpu.memory_space<vmem>> -> memref<1x80xi32, #tpu.memory_space<vmem>>
    %dma_start3A_296 = tpu.memref_squeeze %dma_start3A_295 : memref<1x80xi32, #tpu.memory_space<vmem>> -> memref<80xi32, #tpu.memory_space<vmem>>
    %dma_start3A_297 = arith.constant 0 : i32
    %dma_start3A_298 = arith.constant 0 : i32
    %dma_start3A_299 = tpu.memref_slice %arg16[%dma_start3A_297, %dma_start3A_298] : memref<10240x128xf32, #tpu.memory_space<vmem_shared>> -> memref<10240x128xf32, #tpu.memory_space<vmem_shared>>
    tpu.enqueue_indirect_dma source(%dma_start3A_299 : memref<10240x128xf32, #tpu.memory_space<vmem_shared>>) target(%arg15 : memref<80x128xf32, #tpu.memory_space<vmem>>) offsets(%dma_start3A_296 : memref<80xi32, #tpu.memory_space<vmem>>) semaphore(%arg19 : memref<!tpu.dma_semaphore, #tpu.memory_space<semaphore_mem>>)
    %dma_wait3A_300 = arith.constant 6 : i32
    %dma_wait3A_301 = arith.constant 0 : i32
    %dma_wait3A_302 = tpu.memref_slice %arg12[%dma_wait3A_300, %dma_wait3A_301] : memref<8x80xi32, #tpu.memory_space<vmem>> -> memref<1x80xi32, #tpu.memory_space<vmem>>
    %dma_wait3A_303 = tpu.memref_squeeze %dma_wait3A_302 : memref<1x80xi32, #tpu.memory_space<vmem>> -> memref<80xi32, #tpu.memory_space<vmem>>
    %dma_wait3A_304 = arith.constant 0 : i32
    %dma_wait3A_305 = arith.constant 0 : i32
    %dma_wait3A_306 = tpu.memref_slice %arg16[%dma_wait3A_304, %dma_wait3A_305] : memref<10240x128xf32, #tpu.memory_space<vmem_shared>> -> memref<10240x128xf32, #tpu.memory_space<vmem_shared>>
    tpu.wait_indirect_dma semaphore(%arg19 : memref<!tpu.dma_semaphore, #tpu.memory_space<semaphore_mem>>) src(%dma_wait3A_306 : memref<10240x128xf32, #tpu.memory_space<vmem_shared>>) dst(%arg15 : memref<80x128xf32, #tpu.memory_space<vmem>>)
    %mul3A_307 = arith.constant 640 : i32
    %mul3A_308 = arith.muli %arg1, %mul3A_307 : i32
    %add3A_309 = arith.constant 480 : i32
    %add3A_310 = arith.addi %mul3A_308, %add3A_309 : i32
    %multiple_of3A_311 = tpu.assume_multiple %add3A_310, 8 : i32
    "tpu.region"() ({
      %run_scoped3A_331 = tpu.sem_alloc : memref<!tpu.dma_semaphore, #tpu.memory_space<semaphore_mem>>
      %dma_start3A_332 = arith.constant 0 : i32
      %dma_start3A_333 = tpu.memref_slice %arg9[%arg0, %multiple_of3A_311, %dma_start3A_332] : memref<2x10240x128xf32, #tpu.memory_space<hbm>> -> memref<1x80x128xf32, #tpu.memory_space<hbm>>
      %dma_start3A_334 = tpu.memref_squeeze %dma_start3A_333 : memref<1x80x128xf32, #tpu.memory_space<hbm>> -> memref<80x128xf32, #tpu.memory_space<hbm>>
      %dma_start3A_335 = arith.constant 0 : i32
      %dma_start3A_336 = tpu.memref_slice %arg9[%arg0, %multiple_of3A_311, %dma_start3A_335] : memref<2x10240x128xf32, #tpu.memory_space<hbm>> -> memref<1x80x128xf32, #tpu.memory_space<hbm>>
      %dma_start3A_337 = tpu.memref_squeeze %dma_start3A_336 : memref<1x80x128xf32, #tpu.memory_space<hbm>> -> memref<80x128xf32, #tpu.memory_space<hbm>>
      tpu.enqueue_dma source(%arg15 : memref<80x128xf32, #tpu.memory_space<vmem>>) target(%dma_start3A_337 : memref<80x128xf32, #tpu.memory_space<hbm>>) target_semaphore(%run_scoped3A_331 : memref<!tpu.dma_semaphore, #tpu.memory_space<semaphore_mem>>)
      %dma_wait3A_338 = arith.constant 0 : i32
      %dma_wait3A_339 = tpu.memref_slice %arg9[%arg0, %multiple_of3A_311, %dma_wait3A_338] : memref<2x10240x128xf32, #tpu.memory_space<hbm>> -> memref<1x80x128xf32, #tpu.memory_space<hbm>>
      %dma_wait3A_340 = tpu.memref_squeeze %dma_wait3A_339 : memref<1x80x128xf32, #tpu.memory_space<hbm>> -> memref<80x128xf32, #tpu.memory_space<hbm>>
      %dma_wait3A_341 = arith.constant 0 : i32
      %dma_wait3A_342 = tpu.memref_slice %arg9[%arg0, %multiple_of3A_311, %dma_wait3A_341] : memref<2x10240x128xf32, #tpu.memory_space<hbm>> -> memref<1x80x128xf32, #tpu.memory_space<hbm>>
      %dma_wait3A_343 = tpu.memref_squeeze %dma_wait3A_342 : memref<1x80x128xf32, #tpu.memory_space<hbm>> -> memref<80x128xf32, #tpu.memory_space<hbm>>
      tpu.wait_dma2 semaphore(%run_scoped3A_331 : memref<!tpu.dma_semaphore, #tpu.memory_space<semaphore_mem>>) src(%arg15 : memref<80x128xf32, #tpu.memory_space<vmem>>) dst(%dma_wait3A_343 : memref<80x128xf32, #tpu.memory_space<hbm>>)
      tpu.yield
    }) : () -> ()
    %dma_start3A_312 = arith.constant 7 : i32
    %dma_start3A_313 = arith.constant 0 : i32
    %dma_start3A_314 = tpu.memref_slice %arg12[%dma_start3A_312, %dma_start3A_313] : memref<8x80xi32, #tpu.memory_space<vmem>> -> memref<1x80xi32, #tpu.memory_space<vmem>>
    %dma_start3A_315 = tpu.memref_squeeze %dma_start3A_314 : memref<1x80xi32, #tpu.memory_space<vmem>> -> memref<80xi32, #tpu.memory_space<vmem>>
    %dma_start3A_316 = arith.constant 0 : i32
    %dma_start3A_317 = arith.constant 0 : i32
    %dma_start3A_318 = tpu.memref_slice %arg16[%dma_start3A_316, %dma_start3A_317] : memref<10240x128xf32, #tpu.memory_space<vmem_shared>> -> memref<10240x128xf32, #tpu.memory_space<vmem_shared>>
    tpu.enqueue_indirect_dma source(%dma_start3A_318 : memref<10240x128xf32, #tpu.memory_space<vmem_shared>>) target(%arg15 : memref<80x128xf32, #tpu.memory_space<vmem>>) offsets(%dma_start3A_315 : memref<80xi32, #tpu.memory_space<vmem>>) semaphore(%arg19 : memref<!tpu.dma_semaphore, #tpu.memory_space<semaphore_mem>>)
    %dma_wait3A_319 = arith.constant 7 : i32
    %dma_wait3A_320 = arith.constant 0 : i32
    %dma_wait3A_321 = tpu.memref_slice %arg12[%dma_wait3A_319, %dma_wait3A_320] : memref<8x80xi32, #tpu.memory_space<vmem>> -> memref<1x80xi32, #tpu.memory_space<vmem>>
    %dma_wait3A_322 = tpu.memref_squeeze %dma_wait3A_321 : memref<1x80xi32, #tpu.memory_space<vmem>> -> memref<80xi32, #tpu.memory_space<vmem>>
    %dma_wait3A_323 = arith.constant 0 : i32
    %dma_wait3A_324 = arith.constant 0 : i32
    %dma_wait3A_325 = tpu.memref_slice %arg16[%dma_wait3A_323, %dma_wait3A_324] : memref<10240x128xf32, #tpu.memory_space<vmem_shared>> -> memref<10240x128xf32, #tpu.memory_space<vmem_shared>>
    tpu.wait_indirect_dma semaphore(%arg19 : memref<!tpu.dma_semaphore, #tpu.memory_space<semaphore_mem>>) src(%dma_wait3A_325 : memref<10240x128xf32, #tpu.memory_space<vmem_shared>>) dst(%arg15 : memref<80x128xf32, #tpu.memory_space<vmem>>)
    %mul3A_326 = arith.constant 640 : i32
    %mul3A_327 = arith.muli %arg1, %mul3A_326 : i32
    %add3A_328 = arith.constant 560 : i32
    %add3A_329 = arith.addi %mul3A_327, %add3A_328 : i32
    %multiple_of3A_330 = tpu.assume_multiple %add3A_329, 8 : i32
    "tpu.region"() ({
      %run_scoped3A_331 = tpu.sem_alloc : memref<!tpu.dma_semaphore, #tpu.memory_space<semaphore_mem>>
      %dma_start3A_332 = arith.constant 0 : i32
      %dma_start3A_333 = tpu.memref_slice %arg9[%arg0, %multiple_of3A_330, %dma_start3A_332] : memref<2x10240x128xf32, #tpu.memory_space<hbm>> -> memref<1x80x128xf32, #tpu.memory_space<hbm>>
      %dma_start3A_334 = tpu.memref_squeeze %dma_start3A_333 : memref<1x80x128xf32, #tpu.memory_space<hbm>> -> memref<80x128xf32, #tpu.memory_space<hbm>>
      %dma_start3A_335 = arith.constant 0 : i32
      %dma_start3A_336 = tpu.memref_slice %arg9[%arg0, %multiple_of3A_330, %dma_start3A_335] : memref<2x10240x128xf32, #tpu.memory_space<hbm>> -> memref<1x80x128xf32, #tpu.memory_space<hbm>>
      %dma_start3A_337 = tpu.memref_squeeze %dma_start3A_336 : memref<1x80x128xf32, #tpu.memory_space<hbm>> -> memref<80x128xf32, #tpu.memory_space<hbm>>
      tpu.enqueue_dma source(%arg15 : memref<80x128xf32, #tpu.memory_space<vmem>>) target(%dma_start3A_337 : memref<80x128xf32, #tpu.memory_space<hbm>>) target_semaphore(%run_scoped3A_331 : memref<!tpu.dma_semaphore, #tpu.memory_space<semaphore_mem>>)
      %dma_wait3A_338 = arith.constant 0 : i32
      %dma_wait3A_339 = tpu.memref_slice %arg9[%arg0, %multiple_of3A_330, %dma_wait3A_338] : memref<2x10240x128xf32, #tpu.memory_space<hbm>> -> memref<1x80x128xf32, #tpu.memory_space<hbm>>
      %dma_wait3A_340 = tpu.memref_squeeze %dma_wait3A_339 : memref<1x80x128xf32, #tpu.memory_space<hbm>> -> memref<80x128xf32, #tpu.memory_space<hbm>>
      %dma_wait3A_341 = arith.constant 0 : i32
      %dma_wait3A_342 = tpu.memref_slice %arg9[%arg0, %multiple_of3A_330, %dma_wait3A_341] : memref<2x10240x128xf32, #tpu.memory_space<hbm>> -> memref<1x80x128xf32, #tpu.memory_space<hbm>>
      %dma_wait3A_343 = tpu.memref_squeeze %dma_wait3A_342 : memref<1x80x128xf32, #tpu.memory_space<hbm>> -> memref<80x128xf32, #tpu.memory_space<hbm>>
      tpu.wait_dma2 semaphore(%run_scoped3A_331 : memref<!tpu.dma_semaphore, #tpu.memory_space<semaphore_mem>>) src(%arg15 : memref<80x128xf32, #tpu.memory_space<vmem>>) dst(%dma_wait3A_343 : memref<80x128xf32, #tpu.memory_space<hbm>>)
      tpu.yield
    }) : () -> ()
    return
  }
}

module attributes {stable_mosaic.version = 14 : i64} {
  func.func @_linear_body(%arg0: i32, %arg1: memref<1x1000x128xf32, #tpu.memory_space<vmem>>, %arg2: memref<1x1000x128xf32, #tpu.memory_space<vmem>>, %arg3: memref<1x1000x128xf32, #tpu.memory_space<vmem>>, %arg4: memref<1x1000x128xf32, #tpu.memory_space<vmem>>, %arg5: memref<1000x128xf32, #tpu.memory_space<vmem>>, %arg6: memref<128x128xf32, #tpu.memory_space<vmem>>, %arg7: memref<128x128xf32, #tpu.memory_space<vmem>>, %arg8: memref<1x128xf32, #tpu.memory_space<vmem>>, %arg9: memref<1000x128xf32, #tpu.memory_space<vmem>>, %arg10: memref<2xf32, #tpu.memory_space<smem>>) attributes {dimension_semantics = [#tpu.dimension_semantics<arbitrary>], iteration_bounds = array<i64: 10>, scalar_prefetch = 0 : i64, scratch_operands = 0 : i64, tpu.core_type = #tpu.core_type<tc>, window_params = [{transform_indices = @transform_0, window_bounds = array<i64: 1, 1000, 128>}, {transform_indices = @transform_1, window_bounds = array<i64: 1, 1000, 128>}, {transform_indices = @transform_2, window_bounds = array<i64: 1, 1000, 128>}, {transform_indices = @transform_3, window_bounds = array<i64: 1, 1000, 128>}, {transform_indices = @transform_4, window_bounds = array<i64: 1000, 128>}, {pipeline_mode = #tpu.pipeline_mode<synchronous>, transform_indices = @transform_5, window_bounds = array<i64: 128, 128>}, {pipeline_mode = #tpu.pipeline_mode<synchronous>, transform_indices = @transform_6, window_bounds = array<i64: 128, 128>}, {pipeline_mode = #tpu.pipeline_mode<synchronous>, transform_indices = @transform_7, window_bounds = array<i64: 1, 128>}, {transform_indices = @transform_8, window_bounds = array<i64: 1000, 128>}, {transform_indices = @transform_9, window_bounds = array<i64: 2>}]} {
    %get3A = arith.constant 0 : index
    %get3A_0 = arith.constant 0 : index
    %get3A_1 = arith.constant 0 : index
    %get3A_2 = vector.load %arg3[%get3A, %get3A_0, %get3A_1] : memref<1x1000x128xf32, #tpu.memory_space<vmem>>, vector<1x1000x128xf32>
    %get3A_3 = vector.shape_cast %get3A_2 : vector<1x1000x128xf32> to vector<1000x128xf32>
    %slice3A = vector.extract_strided_slice %get3A_3 {offsets = [0, 0], sizes = [1000, 1], strides = [1, 1]} : vector<1000x128xf32> to vector<1000x1xf32>
    %get3A_4 = arith.constant 0 : index
    %get3A_5 = arith.constant 0 : index
    %get3A_6 = arith.constant 0 : index
    %get3A_7 = vector.load %arg4[%get3A_4, %get3A_5, %get3A_6] : memref<1x1000x128xf32, #tpu.memory_space<vmem>>, vector<1x1000x128xf32>
    %get3A_8 = vector.shape_cast %get3A_7 : vector<1x1000x128xf32> to vector<1000x128xf32>
    %slice3A_9 = vector.extract_strided_slice %get3A_8 {offsets = [0, 0], sizes = [1000, 1], strides = [1, 1]} : vector<1000x128xf32> to vector<1000x1xf32>
    %add3A = arith.addf %slice3A, %slice3A_9 : vector<1000x1xf32>
    %max3A = arith.constant 1.000000e+00 : f32
    %max3A_10 = vector.broadcast %max3A : f32 to vector<1000x1xf32>
    %max3A_11 = arith.maximumf %add3A, %max3A_10 : vector<1000x1xf32>
    %get3A_12 = arith.constant 0 : index
    %get3A_13 = arith.constant 0 : index
    %get3A_14 = arith.constant 0 : index
    %get3A_15 = vector.load %arg1[%get3A_12, %get3A_13, %get3A_14] : memref<1x1000x128xf32, #tpu.memory_space<vmem>>, vector<1x1000x128xf32>
    %get3A_16 = vector.shape_cast %get3A_15 : vector<1x1000x128xf32> to vector<1000x128xf32>
    %get3A_17 = arith.constant 0 : index
    %get3A_18 = arith.constant 0 : index
    %get3A_19 = arith.constant 0 : index
    %get3A_20 = vector.load %arg2[%get3A_17, %get3A_18, %get3A_19] : memref<1x1000x128xf32, #tpu.memory_space<vmem>>, vector<1x1000x128xf32>
    %get3A_21 = vector.shape_cast %get3A_20 : vector<1x1000x128xf32> to vector<1000x128xf32>
    %add3A_22 = arith.addf %get3A_16, %get3A_21 : vector<1000x128xf32>
    %div3A = vector.broadcast %max3A_11 : vector<1000x1xf32> to vector<1000x128xf32>
    %div3A_23 = arith.divf %add3A_22, %div3A : vector<1000x128xf32>
    %get3A_24 = arith.constant 0 : index
    %get3A_25 = arith.constant 0 : index
    %get3A_26 = vector.load %arg6[%get3A_24, %get3A_25] : memref<128x128xf32, #tpu.memory_space<vmem>>, vector<128x128xf32>
    %dot_general3A = arith.constant dense<0.000000e+00> : vector<1000x128xf32>
    %dot_general3A_27 = tpu.matmul %div3A_23, %get3A_26, %dot_general3A {dimension_numbers = #tpu.dot_dimension_numbers<[1], [1], [0], [0], [0, 0, 1, 0], [], []>, transpose_lhs_hint = false} : vector<1000x128xf32>, vector<128x128xf32>, vector<1000x128xf32> -> vector<1000x128xf32>
    %get3A_28 = arith.constant 0 : index
    %get3A_29 = arith.constant 0 : index
    %get3A_30 = vector.load %arg5[%get3A_28, %get3A_29] : memref<1000x128xf32, #tpu.memory_space<vmem>>, vector<1000x128xf32>
    %get3A_31 = arith.constant 0 : index
    %get3A_32 = arith.constant 0 : index
    %get3A_33 = vector.load %arg7[%get3A_31, %get3A_32] : memref<128x128xf32, #tpu.memory_space<vmem>>, vector<128x128xf32>
    %dot_general3A_34 = arith.constant dense<0.000000e+00> : vector<1000x128xf32>
    %dot_general3A_35 = tpu.matmul %get3A_30, %get3A_33, %dot_general3A_34 {dimension_numbers = #tpu.dot_dimension_numbers<[1], [1], [0], [0], [0, 0, 1, 0], [], []>, transpose_lhs_hint = false} : vector<1000x128xf32>, vector<128x128xf32>, vector<1000x128xf32> -> vector<1000x128xf32>
    %add3A_36 = arith.addf %dot_general3A_27, %dot_general3A_35 : vector<1000x128xf32>
    %get3A_37 = arith.constant 0 : index
    %get3A_38 = arith.constant 0 : index
    %get3A_39 = vector.load %arg8[%get3A_37, %get3A_38] : memref<1x128xf32, #tpu.memory_space<vmem>>, vector<1x128xf32>
    %add3A_40 = vector.broadcast %get3A_39 : vector<1x128xf32> to vector<1000x128xf32>
    %add3A_41 = arith.addf %add3A_36, %add3A_40 : vector<1000x128xf32>
    %swap3A = arith.constant 0 : index
    %swap3A_42 = arith.constant 0 : index
    %swap3A_43 = vector.load %arg9[%swap3A, %swap3A_42] : memref<1000x128xf32, #tpu.memory_space<vmem>>, vector<1000x128xf32>
    tpu.vector_store %arg9[%swap3A, %swap3A_42], %add3A_41 {strides = array<i32>} : memref<1000x128xf32, #tpu.memory_space<vmem>>, vector<1000x128xf32>,
    %eq3A = arith.constant 0 : i32
    %eq3A_44 = arith.cmpi eq, %arg0, %eq3A : i32
    %convert_element_type3A = arith.extui %eq3A_44 : i1 to i32
    %cond3A = arith.constant 0 : i32
    %cond3A_45 = arith.cmpi ne, %convert_element_type3A, %cond3A : i32
    scf.if %cond3A_45 {
      %swap3A_65 = arith.constant 0.000000e+00 : f32
      %swap3A_66 = arith.constant 0 : index
      %swap3A_67 = memref.load %arg10[%swap3A_66] : memref<2xf32, #tpu.memory_space<smem>>
      memref.store %swap3A_65, %arg10[%swap3A_66] : memref<2xf32, #tpu.memory_space<smem>>
      %swap3A_68 = arith.constant 0.000000e+00 : f32
      %swap3A_69 = arith.constant 1 : index
      %swap3A_70 = memref.load %arg10[%swap3A_69] : memref<2xf32, #tpu.memory_space<smem>>
      memref.store %swap3A_68, %arg10[%swap3A_69] : memref<2xf32, #tpu.memory_space<smem>>
    } else {
    }
    %get3A_46 = arith.constant 0 : index
    %get3A_47 = memref.load %arg10[%get3A_46] : memref<2xf32, #tpu.memory_space<smem>>
    %reduce_sum3A = vector.shape_cast %add3A_41 : vector<1000x128xf32> to vector<1x1000x128xf32>
    %reduce_sum3A_48 = arith.constant dense<0.000000e+00> : vector<1xf32>
    %reduce_sum3A_49 = vector.multi_reduction <add>, %reduce_sum3A, %reduce_sum3A_48 [1, 2] : vector<1x1000x128xf32> to vector<1xf32>
    %reduce_sum3A_50 = vector.shape_cast %reduce_sum3A_49 : vector<1xf32> to vector<1x1x1xf32>
    %reduce_sum3A_51 = vector.extract %reduce_sum3A_50[0, 0, 0] : f32 from vector<1x1x1xf32>
    %add3A_52 = arith.addf %get3A_47, %reduce_sum3A_51 : f32
    %swap3A_53 = arith.constant 0 : index
    %swap3A_54 = memref.load %arg10[%swap3A_53] : memref<2xf32, #tpu.memory_space<smem>>
    memref.store %add3A_52, %arg10[%swap3A_53] : memref<2xf32, #tpu.memory_space<smem>>
    %get3A_55 = arith.constant 1 : index
    %get3A_56 = memref.load %arg10[%get3A_55] : memref<2xf32, #tpu.memory_space<smem>>
    %mul3A = arith.mulf %add3A_41, %add3A_41 : vector<1000x128xf32>
    %reduce_sum3A_57 = vector.shape_cast %mul3A : vector<1000x128xf32> to vector<1x1000x128xf32>
    %reduce_sum3A_58 = arith.constant dense<0.000000e+00> : vector<1xf32>
    %reduce_sum3A_59 = vector.multi_reduction <add>, %reduce_sum3A_57, %reduce_sum3A_58 [1, 2] : vector<1x1000x128xf32> to vector<1xf32>
    %reduce_sum3A_60 = vector.shape_cast %reduce_sum3A_59 : vector<1xf32> to vector<1x1x1xf32>
    %reduce_sum3A_61 = vector.extract %reduce_sum3A_60[0, 0, 0] : f32 from vector<1x1x1xf32>
    %add3A_62 = arith.addf %get3A_56, %reduce_sum3A_61 : f32
    %swap3A_63 = arith.constant 1 : index
    %swap3A_64 = memref.load %arg10[%swap3A_63] : memref<2xf32, #tpu.memory_space<smem>>
    memref.store %add3A_62, %arg10[%swap3A_63] : memref<2xf32, #tpu.memory_space<smem>>
    return
  }
  func.func @transform_0(%arg0: i32) -> (i32, i32, i32) {
    %c0_i32 = arith.constant 0 : i32
    %c0_i32_0 = arith.constant 0 : i32
    %c0_i32_1 = arith.constant 0 : i32
    return %c0_i32, %arg0, %c0_i32_0 : i32, i32, i32
  }
  func.func @transform_1(%arg0: i32) -> (i32, i32, i32) {
    %c1_i32 = arith.constant 1 : i32
    %c0_i32 = arith.constant 0 : i32
    %c0_i32_0 = arith.constant 0 : i32
    return %c1_i32, %arg0, %c0_i32 : i32, i32, i32
  }
  func.func @transform_2(%arg0: i32) -> (i32, i32, i32) {
    %c0_i32 = arith.constant 0 : i32
    %c0_i32_0 = arith.constant 0 : i32
    %c0_i32_1 = arith.constant 0 : i32
    return %c0_i32, %arg0, %c0_i32_0 : i32, i32, i32
  }
  func.func @transform_3(%arg0: i32) -> (i32, i32, i32) {
    %c1_i32 = arith.constant 1 : i32
    %c0_i32 = arith.constant 0 : i32
    %c0_i32_0 = arith.constant 0 : i32
    return %c1_i32, %arg0, %c0_i32 : i32, i32, i32
  }
  func.func @transform_4(%arg0: i32) -> (i32, i32) {
    %c0_i32 = arith.constant 0 : i32
    %c0_i32_0 = arith.constant 0 : i32
    return %arg0, %c0_i32 : i32, i32
  }
  func.func @transform_5(%arg0: i32) -> (i32, i32) {
    %c0_i32 = arith.constant 0 : i32
    %c0_i32_0 = arith.constant 0 : i32
    %c0_i32_1 = arith.constant 0 : i32
    return %c0_i32, %c0_i32_0 : i32, i32
  }
  func.func @transform_6(%arg0: i32) -> (i32, i32) {
    %c0_i32 = arith.constant 0 : i32
    %c0_i32_0 = arith.constant 0 : i32
    %c0_i32_1 = arith.constant 0 : i32
    return %c0_i32, %c0_i32_0 : i32, i32
  }
  func.func @transform_7(%arg0: i32) -> (i32, i32) {
    %c0_i32 = arith.constant 0 : i32
    %c0_i32_0 = arith.constant 0 : i32
    %c0_i32_1 = arith.constant 0 : i32
    return %c0_i32, %c0_i32_0 : i32, i32
  }
  func.func @transform_8(%arg0: i32) -> (i32, i32) {
    %c0_i32 = arith.constant 0 : i32
    %c0_i32_0 = arith.constant 0 : i32
    return %arg0, %c0_i32 : i32, i32
  }
  func.func @transform_9(%arg0: i32) -> i32 {
    %c0_i32 = arith.constant 0 : i32
    %c0_i32_0 = arith.constant 0 : i32
    return %c0_i32 : i32
  }
}

module attributes {stable_mosaic.version = 14 : i64} {
  func.func @_norm_body(%arg0: i32, %arg1: memref<1000x128xf32, #tpu.memory_space<vmem>>, %arg2: memref<2xf32, #tpu.memory_space<smem>>, %arg3: memref<1x128xf32, #tpu.memory_space<vmem>>, %arg4: memref<1x128xf32, #tpu.memory_space<vmem>>, %arg5: memref<1000x128xf32, #tpu.memory_space<vmem>>) attributes {dimension_semantics = [#tpu.dimension_semantics<arbitrary>], iteration_bounds = array<i64: 10>, scalar_prefetch = 0 : i64, scratch_operands = 0 : i64, tpu.core_type = #tpu.core_type<tc>, window_params = [{transform_indices = @transform_0, window_bounds = array<i64: 1000, 128>}, {transform_indices = @transform_1, window_bounds = array<i64: 2>}, {pipeline_mode = #tpu.pipeline_mode<synchronous>, transform_indices = @transform_2, window_bounds = array<i64: 1, 128>}, {pipeline_mode = #tpu.pipeline_mode<synchronous>, transform_indices = @transform_3, window_bounds = array<i64: 1, 128>}, {transform_indices = @transform_4, window_bounds = array<i64: 1000, 128>}]} {
    %get3A = arith.constant 0 : index
    %get3A_0 = memref.load %arg2[%get3A] : memref<2xf32, #tpu.memory_space<smem>>
    %div3A = arith.constant 1.280000e+06 : f32
    %div3A_1 = arith.divf %get3A_0, %div3A : f32
    %get3A_2 = arith.constant 1 : index
    %get3A_3 = memref.load %arg2[%get3A_2] : memref<2xf32, #tpu.memory_space<smem>>
    %div3A_4 = arith.constant 1.280000e+06 : f32
    %div3A_5 = arith.divf %get3A_3, %div3A_4 : f32
    %mul3A = arith.mulf %div3A_1, %div3A_1 : f32
    %sub3A = arith.subf %div3A_5, %mul3A : f32
    %max3A = arith.constant 0.000000e+00 : f32
    %max3A_6 = arith.maximumf %sub3A, %max3A : f32
    %sqrt3A = math.sqrt %max3A_6 : f32
    %add3A = arith.constant 9.99999974E-6 : f32
    %add3A_7 = arith.addf %sqrt3A, %add3A : f32
    %div3A_8 = arith.constant 1.000000e+00 : f32
    %div3A_9 = arith.divf %div3A_8, %add3A_7 : f32
    %get3A_10 = arith.constant 0 : index
    %get3A_11 = arith.constant 0 : index
    %get3A_12 = vector.load %arg1[%get3A_10, %get3A_11] : memref<1000x128xf32, #tpu.memory_space<vmem>>, vector<1000x128xf32>
    %sub3A_13 = vector.broadcast %div3A_1 : f32 to vector<1000x128xf32>
    %sub3A_14 = arith.subf %get3A_12, %sub3A_13 : vector<1000x128xf32>
    %get3A_15 = arith.constant 0 : index
    %get3A_16 = arith.constant 0 : index
    %get3A_17 = vector.load %arg3[%get3A_15, %get3A_16] : memref<1x128xf32, #tpu.memory_space<vmem>>, vector<1x128xf32>
    %mul3A_18 = vector.broadcast %div3A_9 : f32 to vector<1x128xf32>
    %mul3A_19 = arith.mulf %mul3A_18, %get3A_17 : vector<1x128xf32>
    %mul3A_20 = vector.broadcast %mul3A_19 : vector<1x128xf32> to vector<1000x128xf32>
    %mul3A_21 = arith.mulf %sub3A_14, %mul3A_20 : vector<1000x128xf32>
    %get3A_22 = arith.constant 0 : index
    %get3A_23 = arith.constant 0 : index
    %get3A_24 = vector.load %arg4[%get3A_22, %get3A_23] : memref<1x128xf32, #tpu.memory_space<vmem>>, vector<1x128xf32>
    %add3A_25 = vector.broadcast %get3A_24 : vector<1x128xf32> to vector<1000x128xf32>
    %add3A_26 = arith.addf %mul3A_21, %add3A_25 : vector<1000x128xf32>
    %swap3A = arith.constant 0 : index
    %swap3A_27 = arith.constant 0 : index
    %swap3A_28 = vector.load %arg5[%swap3A, %swap3A_27] : memref<1000x128xf32, #tpu.memory_space<vmem>>, vector<1000x128xf32>
    tpu.vector_store %arg5[%swap3A, %swap3A_27], %add3A_26 {strides = array<i32>} : memref<1000x128xf32, #tpu.memory_space<vmem>>, vector<1000x128xf32>,
    return
  }
  func.func @transform_0(%arg0: i32) -> (i32, i32) {
    %c0_i32 = arith.constant 0 : i32
    %c0_i32_0 = arith.constant 0 : i32
    return %arg0, %c0_i32 : i32, i32
  }
  func.func @transform_1(%arg0: i32) -> i32 {
    %c0_i32 = arith.constant 0 : i32
    %c0_i32_0 = arith.constant 0 : i32
    return %c0_i32 : i32
  }
  func.func @transform_2(%arg0: i32) -> (i32, i32) {
    %c0_i32 = arith.constant 0 : i32
    %c0_i32_0 = arith.constant 0 : i32
    %c0_i32_1 = arith.constant 0 : i32
    return %c0_i32, %c0_i32_0 : i32, i32
  }
  func.func @transform_3(%arg0: i32) -> (i32, i32) {
    %c0_i32 = arith.constant 0 : i32
    %c0_i32_0 = arith.constant 0 : i32
    %c0_i32_1 = arith.constant 0 : i32
    return %c0_i32, %c0_i32_0 : i32, i32
  }
  func.func @transform_4(%arg0: i32) -> (i32, i32) {
    %c0_i32 = arith.constant 0 : i32
    %c0_i32_0 = arith.constant 0 : i32
    return %arg0, %c0_i32 : i32, i32
  }
}

</mosaic_0001>

<sc_bundles>
// kernel: kernel.5.cloned.1.call-start
scs
__scs_entry_jumppad:
0x0: {  	(pc) =	sbr.rel $0x88, $3  }
0x1: {  	(tag) =	ssettag $0x0;
	lr =	simm.s32 $0x1  }
0x2: {  	[smem:$0x3F9A] =	sst lr;
	_ =	strace $0xD0000000  }
0x3: {  	_ = 	snop  }
0x4: {  	_ = 	snop  }
0x5: {  	_ = 	snop  }
0x6: {  	_ = 	snop  }
0x7: {  	_ = 	snop  }
__scs_overlays_trampoline_lowered:
0x8: {  	[smem:$0x3FA9] =	sst s0  }
0x9: {  	[smem:$0x3FAA] =	sst s1  }
0xa: {  	[smem:$0x3FAB] =	sst s2  }
0xb: {  	[smem:$0x3FAC] =	sst s3  }
0xc: {  	[smem:$0x3FAD] =	sst s4  }
0xd: {  	[smem:$0x3FAE] =	sst s5  }
0xe: {  	[smem:$0x3FAF] =	sst s6  }
0xf: {  	[smem:$0x3FB0] =	sst s7  }
0x10: {  	[smem:$0x3FB1] =	sst s8  }
0x11: {  	[smem:$0x3FB2] =	sst s9;
	s0 =	simm.s32 @!p0 $0x0  }
0x12: {  	s1 =	sld [smem:$0x3F98];
	s0 =	simm.s32 @p0 $0x1  }
0x13: {  	[smem:$0x3FB3] =	sst s0;
	s0 =	simm.s32 @!p1 $0x0  }
0x14: {  	s2 =	sld [smem:$0x3F97];
	s0 =	simm.s32 @p1 $0x1  }
0x15: {  	[smem:$0x3FB4] =	sst s0;
	s0 =	simm.s32 @!p2 $0x0  }
0x16: {  	s3 =	sld [smem:$0x3FDB];
	s0 =	simm.s32 @p2 $0x1  }
0x17: {  	s4 =	simm.s32 $0x1BF5;
	[smem:$0x3FB6] =	sst s0  }
0x18: {  	s0 =	sld [smem:$0x3F99];
	_ =	swait.ge [sflag:s4], $0x0  }
0x19: {  	s7 =	sld [smem:$0x3F9A]  }
0x1a: {  	s8 =	sadd.s32 $0xFFFFE003, lr  }
0x1b: {  	s9 =	sadd.s32 $0xFFFFFEF7, lr;
	s5 =	simm.s32 $0xFFFFFFFF;
	p2 =	slt.u32 s8, $0xFFFFF086  }
0x1c: {  	p1 =	slt.u32 s9, $0xF7A;
	s5 =	simm.s32 @!p2 $0x0  }
0x1d: {  	s5 =	simm.s32 @p1 $0x1;
	p0 =	seq.s32 s7, s2  }
0x1e: {  	s7 =	smul.u32 @!p0 $0xF7A, s2;
	p2 =	seq.s32 @!p0 s5, $0x0  }
0x1f: {  	s9 =	smul.u32 $0xF7A, s1;
	s8 =	simm.s32 @!p0 $0x1BF5;
	p2 =	por !p2, p0  }
0x20: {  	[sflag:s8] =	ssyncset.s32 @!p0 $0xFFFFF086;
	s6 =	sadd.s32 @!p0 s3, s7;
	s7 =	simm.s32 @!p0 $0x108  }
0x21: {  	s3 =	sadd.s32 s3, s9;
	s6 =	sadd.s32 @!p0 $0x88, s6;
	s7 =	simm.s32 @p2 $0x1082  }
0x22: {  	[simem:s7], [sflag:s8] =	dma.local @!p0 [hbm:s6], $0xF7A  }
0x23: {  	s9 =	sor.u32 $0xD0000000, s2;
	s6 =	simm.s32 $0x108;
	_ =	swait.ge @!p0 [sflag:s8], $0x0  }
0x24: {  	s3 =	sadd.s32 $0x88, s3;
	s6 =	simm.s32 @!p1 $0x1082;
	[sflag:s4] =	ssyncset.s32 $0xFFFFF086  }
0x25: {  	[simem:s6], [sflag:s4] =	dma.local [hbm:s3], $0xF7A  }
0x26: {  	[smem:$0x3F9A] =	sst s1;
	(tag) =	ssettag s2;
	_ =	strace s9  }
0x27: {  	s1 =	sld [smem:$0x3FAA]  }
0x28: {  	s2 =	sld [smem:$0x3FAB]  }
0x29: {  	s4 =	sld [smem:$0x3FAD]  }
0x2a: {  	p0 =	seq.s32 s5, $0x0;
	s5 =	sld [smem:$0x3FAE]  }
0x2b: {  	s6 =	sld [smem:$0x3FAF]  }
0x2c: {  	s7 =	sld [smem:$0x3FB0]  }
0x2d: {  	s3 =	simm.s32 $0x108;
	s8 =	sld [smem:$0x3FB1]  }
0x2e: {  	s3 =	simm.s32 @!p0 $0x1082;
	s9 =	sld [smem:$0x3FB2]  }
0x2f: {  	lr =	sadd.s32 s0, s3;
	s0 =	sld [smem:$0x3FA9]  }
0x30: {  	s3 =	sld [smem:$0x3FAC]  }
0x31: {  	[smem:$0x3FB5] =	sst s10  }
0x32: {  	s10 =	sld [smem:$0x3FB3];
	_ =	sdelay $0x3  }
0x33: {  	p0 =	seq.s32 s10, $0x1;
	s10 =	sld [smem:$0x3FB5];
	_ =	sdelay $0x3  }
0x34: {  	[smem:$0x3FB5] =	sst s10  }
0x35: {  	s10 =	sld [smem:$0x3FB4];
	_ =	sdelay $0x3  }
0x36: {  	p1 =	seq.s32 s10, $0x1;
	s10 =	sld [smem:$0x3FB5];
	_ =	sdelay $0x3  }
0x37: {  	[smem:$0x3FB5] =	sst s10  }
0x38: {  	s10 =	sld [smem:$0x3FB6]  }
0x39: {  	_ = 	snop;
	(pc) =	sbr.ind lr, $3  }
0x3a: {  	_ = 	snop  }
0x3b: {  	_ = 	snop  }
0x3c: {  	p2 =	seq.s32 s10, $0x1;
	s10 =	sld [smem:$0x3FB5]  }
0x3d: {  	_ =	shalt  }
0x3e: {  	_ =	shalt  }
0x3f: {  	_ =	shalt  }
0x40: {  	_ =	shalt  }
0x41: {  	_ =	shalt  }
0x42: {  	_ =	shalt  }
0x43: {  	_ =	shalt  }
0x44: {  	_ =	shalt  }
0x45: {  	_ =	shalt  }
0x46: {  	_ =	shalt  }
0x47: {  	_ =	shalt  }
0x48: {  	_ =	shalt  }
0x49: {  	_ =	shalt  }
0x4a: {  	_ =	shalt  }
0x4b: {  	_ =	shalt  }
0x4c: {  	_ =	shalt  }
0x4d: {  	_ =	shalt  }
0x4e: {  	_ =	shalt  }
0x4f: {  	_ =	shalt  }
0x50: {  	_ =	shalt  }
0x51: {  	_ =	shalt  }
0x52: {  	_ =	shalt  }
0x53: {  	_ =	shalt  }
0x54: {  	_ =	shalt  }
0x55: {  	_ =	shalt  }
0x56: {  	_ =	shalt  }
0x57: {  	_ =	shalt  }
0x58: {  	_ =	shalt  }
0x59: {  	_ =	shalt  }
0x5a: {  	_ =	shalt  }
0x5b: {  	_ =	shalt  }
0x5c: {  	_ =	shalt  }
0x5d: {  	_ =	shalt  }
0x5e: {  	_ =	shalt  }
0x5f: {  	_ =	shalt  }
0x60: {  	_ =	shalt  }
0x61: {  	_ =	shalt  }
0x62: {  	_ =	shalt  }
0x63: {  	_ =	shalt  }
0x64: {  	_ =	shalt  }
0x65: {  	_ =	shalt  }
0x66: {  	_ =	shalt  }
0x67: {  	_ =	shalt  }
0x68: {  	_ =	shalt  }
0x69: {  	_ =	shalt  }
0x6a: {  	_ =	shalt  }
0x6b: {  	_ =	shalt  }
0x6c: {  	_ =	shalt  }
0x6d: {  	_ =	shalt  }
0x6e: {  	_ =	shalt  }
0x6f: {  	_ =	shalt  }
0x70: {  	_ =	shalt  }
0x71: {  	_ =	shalt  }
0x72: {  	_ =	shalt  }
0x73: {  	_ =	shalt  }
0x74: {  	_ =	shalt  }
0x75: {  	_ =	shalt  }
0x76: {  	_ =	shalt  }
0x77: {  	_ =	shalt  }
0x78: {  	_ =	shalt  }
0x79: {  	_ =	shalt  }
0x7a: {  	_ =	shalt  }
0x7b: {  	_ =	shalt  }
0x7c: {  	_ =	shalt  }
0x7d: {  	_ =	shalt  }
0x7e: {  	_ =	shalt  }
0x7f: {  	_ =	shalt  }
0x80: {  	_ =	shalt  }
0x81: {  	_ =	shalt  }
0x82: {  	_ =	shalt  }
0x83: {  	_ =	shalt  }
0x84: {  	_ =	shalt  }
0x85: {  	_ =	shalt  }
0x86: {  	_ =	shalt  }
0x87: {  	_ =	shalt  }
.Lfunc_end0:
.L_simem_size_0:
called_computation_lowered:
.L_overlay_start_0:
0x88: {  	s2 =	sld [smem:$0x3FD9]  }
0x89: {  	s3 =	sld [smem:$0x3FFE];
	_ =	sdelay $0x1  }
0x8a: {  	s1 =	srdreg.scid  }
0x8b: {  	s0 =	sand.u32 $0x1, s1  }
0x8c: {  	s17 =	sshll.u32 s0, $0xA;
	s2 =	sadd.s32 s3, s2  }
0x8d: {  	s2 =	sadd.s32 s2, s17  }
0x8e: {  	[smem:$0x3FC1] =	sst s2  }
0x8f: {  	_ = 	snop  }
0x90: {  	s2 =	sld [smem:$0x3FC9]  }
0x91: {  	s18 =	sld [smem:$0x3FD0];
	(tm) =	ssettm $0x1  }
0x92: {  	s4 =	sld [smem:$0x3FFB];
	_ =	sdelay $0x3  }
0x93: {  	_ =	strace s4  }
0x94: {  	s4 =	sld [smem:$0x3FFC];
	_ =	sdelay $0x3  }
0x95: {  	_ =	strace s4  }
0x96: {  	s4 =	sld [smem:$0x3FFD];
	_ =	sdelay $0x3  }
0x97: {  	_ =	strace s4  }
0x98: {  	_ =	strace $0x8FFFFFFF  }
0x99: {  	s19 =	sld [smem:$0x3FDB];
	_ =	sdelay $0x1  }
0x9a: {  	s5 =	simm.s32 $_scs_section_size  }
0x9b: {  	s6 =	simm.s32 $_size__tile_overlayer_lowered;
	s7 =	simm.s32 $_tile_overlayer_lowered  }
0x9c: {  	s22 =	simm.s32 $0x1BFF;
	s21 =	sshll.u32 s7, $0x1;
	s4 =	sadd.s32 s5, s19  }
0x9d: {  	s8 =	simm.s32 $0x0;
	s20 =	sshll.u32 s6, $0x1;
	s6 =	sadd.s32 s21, s4  }
0x9e: {  	[timem:s8], [sflag:s22] =	dma.local [hbm:s6], s20  }
0x9f: {  	_ =	swait.ge [sflag:s22], s20  }
0xa0: {  	s5 =	ssub.s32 $0x0, s20;
	[sflag:s22] =	ssyncset.done $0x0  }
0xa1: {  	[sflag:s22] =	ssyncadd.s32 s5;
	_ =	sdelay $0x1  }
0xa2: {  	s23 =	simm.s32 $0x1B8B  }
0xa3: {  	_ =	swait.ge [sflag:s23], $0x1  }
0xa4: {  	[sflag:s23] =	ssyncset.done $0x0  }
0xa5: {  	s25 =	simm.s32 $0x1B8E;
	s24 =	sld [smem:$0x3FFE];
	[sflag:s23] =	ssyncadd.s32 $0xFFFFFFFF  }
0xa6: {  	s26 =	simm.s32 $execute0_lowered;
	[smem:$0x3FD2] =	sst s25  }
0xa7: {  	s6 =	sshll.u32 s26, $0x1;
	_ =	strace $0x80000046;
	[dreg:$0x1] =	wrdreg $0xFFFFFFFF  }
0xa8: {  	s28 =	simm.s32 $_size_execute0_lowered;
	s4 =	sadd.s32 s4, s6;
	[dreg:$0x0] =	wrdreg $0x0  }
0xa9: {  	s6 =	sshll.u32 s28, $0x1;
	[dreg:$0x2] =	wrdreg s4  }
0xaa: {  	[dreg:$0x3] =	wrdreg s6  }
0xab: {  	[dreg:$0x4] =	wrdreg $0xC0  }
0xac: {  	_ =	task [dreg:s8], $0x5FFFF  }
0xad: {  	[dreg:$0x1] =	wrdreg $0xFFFFFFFF  }
0xae: {  	[dreg:$0x0] =	wrdreg $0x60  }
0xaf: {  	[dreg:$0x2] =	wrdreg s2  }
0xb0: {  	[dreg:$0x3] =	wrdreg s18  }
0xb1: {  	[dreg:$0x4] =	wrdreg s24  }
0xb2: {  	[dreg:$0x5] =	wrdreg $0x9C000  }
0xb3: {  	[dreg:$0x6] =	wrdreg $0x9  }
0xb4: {  	_ =	task.clear_ibuf [dreg:s8], $0x7FFFF;
	_ =	strace $0x90000046  }
0xb5: {  	s29 =	simm.s32 $0x9;
	_ =	strace $0x80000048  }
0xb6: {  	_ =	swait.ge [sflag:s29], $0x1  }
0xb7: {  	[sflag:s29] =	ssyncadd.s32 $0xFFFFFFFF  }
0xb8: {  	_ =	strace $0x90000048  }
0xb9: {  	_ =	sfence  }
0xba: {  	s30 =	sld [smem:$0x0];
	_ =	sdelay $0x2  }
0xbb: {  	s31 =	sshll.u32 s1, $0xD;
	s1 =	sshrl.u32 s1, $0x2  }
0xbc: {  	s3 =	sand.u32 $0x4000, s31;
	s1 =	sadd.s32 s1, s30  }
0xbd: {  	s0 =	sor.u32 s3, s0;
	s1 =	sshll.u32 s1, $0x11  }
0xbe: {  	s0 =	sor.u32 s1, s0  }
0xbf: {  	s0 =	sadd.s32 $0x8F2B, s0  }
0xc0: {  	[sflag:s0] =	ssyncadd.remote.s32 $0x1  }
0xc1: {  	_ =	sfence.sel $0xFFFF  }
0xc2: {  	[dreg:$0x0] =	wrdreg $0xFFFFFFFF;
	(pc) =	sbr.abs _section_cstart, $3  }
0xc3: {  	[dreg:$0x1] =	wrdreg $0xFFFFFFFF  }
0xc4: {  	_ =	task.clear_ibuf [dreg:s8], $0x2FFFF;
	_ =	strace $0x9FFFFFFF  }
0xc5: {  	(tm) =	ssettm $0x7FFFFFFF  }
tec
execute0_lowered:
.L_overlay_start_1:
0x0: {  	(tag) =	ssettag $0x1  }
0x1: {  	s1 =	rddreg [dreg:$0x0]  }
0x2: {  	s7 =	rddreg [dreg:$0x1]  }
0x3: {  	s0 =	rddreg [dreg:$0x2]  }
0x4: {  	s3 =	rddreg [dreg:$0x3];
	s4 =	simm.s32 $0x0  }
0x5: {  	s16 =	simm.s32 $0x80;
	[smem:$0x7FF] =	sst s4  }
0x6: {  	s18 =	simm.s32 $0x100;
	_ =	strace $0x80000047;
	[dreg:$0x6] =	wrdreg s16  }
0x7: {  	s20 =	simm.s32 $0x180;
	[dreg:$0x7] =	wrdreg s18  }
0x8: {  	s21 =	simm.s32 $0x200;
	[dreg:$0x8] =	wrdreg s20  }
0x9: {  	s2 =	srdreg.scid;
	s23 =	simm.s32 $0x280;
	[dreg:$0x9] =	wrdreg s21  }
0xa: {  	s17 =	stileid.u32;
	s24 =	simm.s32 $0x300;
	[dreg:$0xa] =	wrdreg s23  }
0xb: {  	s26 =	simm.s32 $0x380;
	s28 =	simm.s32 $0x7;
	[dreg:$0xb] =	wrdreg s24  }
0xc: {  	s29 =	simm.s32 $0x2400;
	s4 =	simm.s32 $0x400;
	[dreg:$0xc] =	wrdreg s26  }
0xd: {  	s30 =	simm.s32 $0x50;
	[dreg:$0xd] =	wrdreg s4;
	s16 =	simm.s32 $0x580  }
0xe: {  	s5 =	sand.u32 $0x1, s2;
	s18 =	simm.s32 $0x600;
	[dreg:$0x10] =	wrdreg s16  }
0xf: {  	s13 =	smul.u32 $0xA000, s17;
	s20 =	simm.s32 $0x700;
	[dreg:$0x11] =	wrdreg s18  }
0x10: {  	s11 =	sadd.s32 $0x16A00, s0;
	s21 =	simm.s32 $0x780;
	[dreg:$0x13] =	wrdreg s20  }
0x11: {  	s12 =	smul.u32 $0x14000, s17;
	s23 =	simm.s32 $0x880;
	[dreg:$0x14] =	wrdreg s21  }
0x12: {  	s6 =	smul.u32 $0x5000, s5;
	s24 =	simm.s32 $0x900;
	[dreg:$0x16] =	wrdreg s23  }
0x13: {  	s9 =	ssub.s32 $0x2, s5;
	s26 =	simm.s32 $0x980;
	[dreg:$0x17] =	wrdreg s24  }
0x14: {  	s10 =	smul.u32 $0x140000, s5;
	s14 =	sshrl.u32 s9, $0x1;
	[dreg:$0x18] =	wrdreg s26  }
0x15: {  	s21 =	simm.s32 $0xC00;
	s23 =	sadd.s32 $0x16400, s0;
	s2 =	sadd.s32 s6, s13  }
0x16: {  	s5 =	ssub.s32 s9, s14;
	s15 =	sadd.s32 s12, s10;
	[dreg:$0x1d] =	wrdreg s21  }
0x17: {  	s14 =	simm.s32 $0x480;
	[smem:$0x7FA] =	sst s23;
	s8 =	sshrl.u32 s2, $0x3  }
0x18: {  	[dreg:$0xe] =	wrdreg s14;
	s2 =	sadd.s32 s8, s0;
	s7 =	sadd.s32 s8, s7  }
0x19: {  	s8 =	sshrl.u32 s15, $0x3;
	s15 =	simm.s32 $0x500;
	[dreg:$0x5] =	wrdreg s7  }
0x1a: {  	s31 =	simm.s32 $0x1A80;
	s19 =	sadd.s32 s11, s8;
	[dreg:$0xf] =	wrdreg s15  }
0x1b: {  	s9 =	sor.u32 $0x500, s8;
	s26 =	sadd.s32 $0x1E00, s2;
	[dreg:$0x1f] =	wrdreg s19  }
0x1c: {  	s10 =	sadd.s32 $0xA00, s8;
	s22 =	sadd.s32 s11, s9;
	[dreg:$0x1e] =	wrdreg s26  }
0x1d: {  	s12 =	sadd.s32 $0xF00, s8;
	s25 =	sadd.s32 s11, s10;
	[smem:$0x7EB] =	sst s22  }
0x1e: {  	s6 =	sadd.s32 $0x66A00, s0;
	s13 =	sadd.s32 s11, s12;
	[smem:$0x7EC] =	sst s25  }
0x1f: {  	s21 =	simm.s32 $0x2300;
	s19 =	simm.s32 $0x680;
	[smem:$0x7ED] =	sst s13  }
0x20: {  	s23 =	simm.s32 $0x1980;
	s4 =	sadd.s32 s6, s10;
	[dreg:$0x12] =	wrdreg s19  }
0x21: {  	s7 =	simm.s32 $0x2280;
	s10 =	sadd.s32 s6, s12;
	[smem:$0x7F4] =	sst s4  }
0x22: {  	s2 =	simm.s32 $0x1B00;
	s22 =	simm.s32 $0x800;
	[smem:$0x7F5] =	sst s10  }
0x23: {  	s26 =	simm.s32 $0x1700;
	s25 =	sadd.s32 s6, s9;
	[dreg:$0x15] =	wrdreg s22  }
0x24: {  	s13 =	sadd.s32 $0x1400, s8;
	s9 =	simm.s32 $0xA00;
	[smem:$0x7F3] =	sst s25  }
0x25: {  	s19 =	simm.s32 $0xB80;
	s10 =	simm.s32 $0x4C00;
	[dreg:$0x19] =	wrdreg s9  }
0x26: {  	s4 =	simm.s32 $0x1C00;
	s14 =	sadd.s32 s11, s13;
	[dreg:$0x1c] =	wrdreg s19  }
0x27: {  	s12 =	sadd.s32 s6, s13;
	s13 =	simm.s32 $0xB00;
	[smem:$0x7EE] =	sst s14  }
0x28: {  	s22 =	sshll.u32 s17, $0x7;
	s25 =	smax.u32 s5, $0x1;
	[smem:$0x7F6] =	sst s12  }
0x29: {  	s17 =	simm.s32 $0x3;
	s19 =	simm.s32 $0x6;
	[dreg:$0x1b] =	wrdreg s13  }
0x2a: {  	s9 =	simm.s32 $0x0;
	s14 =	sadd.s32 $0x1900, s8;
	[smem:$0x7FD] =	sst s25  }
0x2b: {  	s12 =	simm.s32 $0x1;
	s13 =	simm.s32 $0x4;
	s15 =	sadd.s32 s11, s14  }
0x2c: {  	s18 =	sadd.s32 s6, s14;
	[smem:$0x7EF] =	sst s15;
	s15 =	sadd.s32 $0x1E00, s8  }
0x2d: {  	s14 =	simm.s32 $0x2;
	[smem:$0x7F7] =	sst s18;
	s16 =	sadd.s32 s11, s15  }
0x2e: {  	s18 =	simm.s32 $0x1800;
	s20 =	sadd.s32 s6, s15;
	[smem:$0x7F0] =	sst s16  }
0x2f: {  	s16 =	sadd.s32 $0x2300, s8;
	s8 =	sadd.s32 s6, s8;
	[smem:$0x7F8] =	sst s20  }
0x30: {  	s15 =	simm.s32 $0x1780;
	s11 =	sadd.s32 s11, s16;
	[smem:$0x7F2] =	sst s8  }
0x31: {  	s20 =	simm.s32 $0x1880;
	s6 =	sadd.s32 s6, s16;
	[smem:$0x7F1] =	sst s11  }
0x32: {  	s16 =	simm.s32 $0x5;
	s11 =	simm.s32 $0xA80;
	[smem:$0x7F9] =	sst s6  }
0x33: {  	s6 =	sadd.s32 s22, s0;
	s0 =	sadd.s32 $0x15E00, s0;
	[dreg:$0x1a] =	wrdreg s11  }
0x34: {  	s8 =	simm.s32 $0x1680;
	s22 =	simm.s32 $0x1900;
	[smem:$0x7FB] =	sst s0  }
0x35: {  	s24 =	sadd.s32 $0x1600, s6;
	s6 =	simm.s32 $0x2380;
	s11 =	simm.s32 $0x7400  }
0x36: {  	s0 =	simm.s32 $0x1B80;
	[smem:$0x7FC] =	sst s24;
	s24 =	simm.s32 $0x1A00  }
.LBB2_1:
0x37: {  	s5 =	sld [smem:$0x7FC];
	_ =	sdelay $0x1  }
0x38: {  	[smem:$0x7EA] =	sst s9;
	s25 =	simm.s32 $0x0;
	s9 =	simm.s32 $0x2000  }
0x39: {  	[tilespmem:s9], [sflag:$0x7] =	stream.linear.gather [hbm4b:s5+s25], $0x400, $0x38;
	[tilespmem:$0x1DC00] =	vst v63  }
0x3a: {  	_ =	swait.ge [sflag:s28], $0x400  }
0x3b: {  	s5 =	sld [smem:$0x7FA]  }
0x3c: {  	[sflag:s28] =	ssyncset.done $0x0  }
0x3d: {  	[sflag:s28] =	ssyncadd.s32 $0xFFFFFC00  }
0x3e: {  	[tilespmem:s29], [sflag:$0x7] =	stream.linear.gather [hbm4b:s5+s25], $0x2800, $0x38;
	[tilespmem:$0x1DC00] =	vst v63  }
0x3f: {  	_ =	swait.ge [sflag:s28], $0x2800  }
0x40: {  	[sflag:s28] =	ssyncset.done $0x0  }
0x41: {  	[sflag:s28] =	ssyncadd.s32 $0xFFFFD800  }
0x42: {  	[spmem:s3] =	stream.indirect.scatter [tilespmem:s29], [sflag:$0x7], $0x80, s9, s30, $0xb8;
	[tilespmem:$0x1DC00] =	vst v63  }
0x43: {  	_ =	swait.ge [sflag:s28], $0x2800  }
0x44: {  	[sflag:s28] =	ssyncset.done $0x0  }
0x45: {  	s9 =	simm.s32 $0x2080;
	[sflag:s28] =	ssyncadd.s32 $0xFFFFD800  }
0x46: {  	[spmem:s3] =	stream.indirect.scatter [tilespmem:s29], [sflag:$0x7], $0x80, s9, s30, $0xb8;
	[tilespmem:$0x1DC00] =	vst v63  }
0x47: {  	_ =	swait.ge [sflag:s28], $0x2800  }
0x48: {  	[sflag:s28] =	ssyncset.done $0x0  }
0x49: {  	s9 =	simm.s32 $0x2100;
	[sflag:s28] =	ssyncadd.s32 $0xFFFFD800  }
0x4a: {  	[spmem:s3] =	stream.indirect.scatter [tilespmem:s29], [sflag:$0x7], $0x80, s9, s30, $0xb8;
	[tilespmem:$0x1DC00] =	vst v63  }
0x4b: {  	_ =	swait.ge [sflag:s28], $0x2800  }
0x4c: {  	[sflag:s28] =	ssyncset.done $0x0  }
0x4d: {  	s9 =	simm.s32 $0x2180;
	[sflag:s28] =	ssyncadd.s32 $0xFFFFD800  }
0x4e: {  	[spmem:s3] =	stream.indirect.scatter [tilespmem:s29], [sflag:$0x7], $0x80, s9, s30, $0xb8;
	[tilespmem:$0x1DC00] =	vst v63  }
0x4f: {  	_ =	swait.ge [sflag:s28], $0x2800  }
0x50: {  	[sflag:s28] =	ssyncset.done $0x0  }
0x51: {  	s9 =	simm.s32 $0x2200;
	[sflag:s28] =	ssyncadd.s32 $0xFFFFD800  }
0x52: {  	[spmem:s3] =	stream.indirect.scatter [tilespmem:s29], [sflag:$0x7], $0x80, s9, s30, $0xb8;
	[tilespmem:$0x1DC00] =	vst v63  }
0x53: {  	_ =	swait.ge [sflag:s28], $0x2800  }
0x54: {  	[sflag:s28] =	ssyncset.done $0x0  }
0x55: {  	[sflag:s28] =	ssyncadd.s32 $0xFFFFD800  }
0x56: {  	[spmem:s3] =	stream.indirect.scatter [tilespmem:s29], [sflag:$0x7], $0x80, s7, s30, $0xb8;
	[tilespmem:$0x1DC00] =	vst v63  }
0x57: {  	_ =	swait.ge [sflag:s28], $0x2800  }
0x58: {  	[sflag:s28] =	ssyncset.done $0x0  }
0x59: {  	[sflag:s28] =	ssyncadd.s32 $0xFFFFD800  }
0x5a: {  	[spmem:s3] =	stream.indirect.scatter [tilespmem:s29], [sflag:$0x7], $0x80, s21, s30, $0xb8;
	[tilespmem:$0x1DC00] =	vst v63  }
0x5b: {  	_ =	swait.ge [sflag:s28], $0x2800  }
0x5c: {  	[sflag:s28] =	ssyncset.done $0x0  }
0x5d: {  	[sflag:s28] =	ssyncadd.s32 $0xFFFFD800  }
0x5e: {  	[spmem:s3] =	stream.indirect.scatter [tilespmem:s29], [sflag:$0x7], $0x80, s6, s30, $0xb8;
	[tilespmem:$0x1DC00] =	vst v63  }
0x5f: {  	_ =	swait.ge [sflag:s28], $0x2800  }
0x60: {  	[sflag:s28] =	ssyncset.done $0x0  }
0x61: {  	[sflag:s28] =	ssyncadd.s32 $0xFFFFD800  }
0x62: {  	[bflag:$0x0] =	sbarrier.arrive $0xFFFF  }
0x63: {  	s6 =	rddreg [dreg:$0x5]  }
0x64: {  	s5 =	sadd.s32 $0x0, s6  }
0x65: {  	[tilespmem:s25], [sflag:$0x7] =	stream.linear.gather [hbm4b:s5+s25], $0xC80, $0x38;
	[tilespmem:$0x1DC00] =	vst v63  }
0x66: {  	_ =	swait.ge [sflag:s28], $0xC80  }
0x67: {  	[sflag:s28] =	ssyncset.done $0x0;
	s7 =	rddreg [dreg:$0x1e]  }
0x68: {  	s9 =	simm.s32 $0x1000;
	[sflag:s28] =	ssyncadd.s32 $0xFFFFF380;
	s5 =	sadd.s32 $0x0, s7  }
0x69: {  	[tilespmem:s9], [sflag:$0x7] =	stream.linear.gather [hbm4b:s5+s25], $0xC80, $0x38;
	[tilespmem:$0x1DC00] =	vst v63  }
0x6a: {  	_ =	swait.ge [sflag:s28], $0xC80  }
0x6b: {  	[sflag:s28] =	ssyncset.done $0x0  }
0x6c: {  	[sflag:s28] =	ssyncadd.s32 $0xFFFFF380  }
0x6d: {  	[tilespmem:s29], [sflag:$0x1] =	stream.indirect.gather [hbm4b:s1+s30], $0x80, s25, s30, $0xb8;
	[tilespmem:$0x1DC00] =	vst v63  }
0x6e: {  	s21 =	rddreg [dreg:$0x6]  }
0x6f: {  	[tilespmem:s10], [sflag:$0x2] =	stream.indirect.gather [hbm4b:s1+s30], $0x80, s21, s30, $0xb8;
	[tilespmem:$0x1DC00] =	vst v63  }
0x70: {  	s25 =	rddreg [dreg:$0x7]  }
0x71: {  	[tilespmem:s11], [sflag:$0x3] =	stream.indirect.gather [hbm4b:s1+s30], $0x80, s25, s30, $0xb8;
	[tilespmem:$0x1DC00] =	vst v63  }
0x72: {  	_ =	swait.ge [sflag:s12], $0x2800  }
0x73: {  	[sflag:s12] =	ssyncset.done $0x0  }
0x74: {  	[sflag:s12] =	ssyncadd.s32 $0xFFFFD800  }
0x75: {  	[spmem:s3] =	stream.indirect.scatter.add.f32 [tilespmem:s29], [sflag:$0x4], $0x80, s9, s30, $0xb8;
	[tilespmem:$0x1DC00] =	vst v63  }
0x76: {  	_ =	swait.ge [sflag:s13], $0x2800  }
0x77: {  	[sflag:s13] =	ssyncset.done $0x0  }
0x78: {  	s7 =	rddreg [dreg:$0x8];
	[sflag:s13] =	ssyncadd.s32 $0xFFFFD800  }
0x79: {  	[tilespmem:s29], [sflag:$0x1] =	stream.indirect.gather [hbm4b:s1+s30], $0x80, s7, s30, $0xb8;
	[tilespmem:$0x1DC00] =	vst v63  }
0x7a: {  	_ =	swait.ge [sflag:s14], $0x2800  }
0x7b: {  	[sflag:s14] =	ssyncset.done $0x0  }
0x7c: {  	s9 =	simm.s32 $0x1080;
	[sflag:s14] =	ssyncadd.s32 $0xFFFFD800  }
0x7d: {  	[spmem:s3] =	stream.indirect.scatter.add.f32 [tilespmem:s10], [sflag:$0x5], $0x80, s9, s30, $0xb8;
	[tilespmem:$0x1DC00] =	vst v63  }
0x7e: {  	_ =	swait.ge [sflag:s16], $0x2800  }
0x7f: {  	[sflag:s16] =	ssyncset.done $0x0  }
0x80: {  	s21 =	rddreg [dreg:$0x9];
	[sflag:s16] =	ssyncadd.s32 $0xFFFFD800  }
0x81: {  	[tilespmem:s10], [sflag:$0x2] =	stream.indirect.gather [hbm4b:s1+s30], $0x80, s21, s30, $0xb8;
	[tilespmem:$0x1DC00] =	vst v63  }
0x82: {  	_ =	swait.ge [sflag:s17], $0x2800  }
0x83: {  	[sflag:s17] =	ssyncset.done $0x0  }
0x84: {  	s25 =	simm.s32 $0x1100;
	[sflag:s17] =	ssyncadd.s32 $0xFFFFD800  }
0x85: {  	[spmem:s3] =	stream.indirect.scatter.add.f32 [tilespmem:s11], [sflag:$0x6], $0x80, s25, s30, $0xb8;
	[tilespmem:$0x1DC00] =	vst v63  }
0x86: {  	_ =	swait.ge [sflag:s19], $0x2800  }
0x87: {  	[sflag:s19] =	ssyncset.done $0x0  }
0x88: {  	s6 =	rddreg [dreg:$0xa];
	[sflag:s19] =	ssyncadd.s32 $0xFFFFD800  }
0x89: {  	[tilespmem:s11], [sflag:$0x3] =	stream.indirect.gather [hbm4b:s1+s30], $0x80, s6, s30, $0xb8;
	[tilespmem:$0x1DC00] =	vst v63  }
0x8a: {  	_ =	swait.ge [sflag:s12], $0x2800  }
0x8b: {  	[sflag:s12] =	ssyncset.done $0x0  }
0x8c: {  	s7 =	simm.s32 $0x1180;
	[sflag:s12] =	ssyncadd.s32 $0xFFFFD800  }
0x8d: {  	[spmem:s3] =	stream.indirect.scatter.add.f32 [tilespmem:s29], [sflag:$0x4], $0x80, s7, s30, $0xb8;
	[tilespmem:$0x1DC00] =	vst v63  }
0x8e: {  	_ =	swait.ge [sflag:s13], $0x2800  }
0x8f: {  	[sflag:s13] =	ssyncset.done $0x0  }
0x90: {  	s9 =	rddreg [dreg:$0xb];
	[sflag:s13] =	ssyncadd.s32 $0xFFFFD800  }
0x91: {  	[tilespmem:s29], [sflag:$0x1] =	stream.indirect.gather [hbm4b:s1+s30], $0x80, s9, s30, $0xb8;
	[tilespmem:$0x1DC00] =	vst v63  }
0x92: {  	_ =	swait.ge [sflag:s14], $0x2800  }
0x93: {  	[sflag:s14] =	ssyncset.done $0x0  }
0x94: {  	s21 =	simm.s32 $0x1200;
	[sflag:s14] =	ssyncadd.s32 $0xFFFFD800  }
0x95: {  	[spmem:s3] =	stream.indirect.scatter.add.f32 [tilespmem:s10], [sflag:$0x5], $0x80, s21, s30, $0xb8;
	[tilespmem:$0x1DC00] =	vst v63  }
0x96: {  	_ =	swait.ge [sflag:s16], $0x2800  }
0x97: {  	[sflag:s16] =	ssyncset.done $0x0  }
0x98: {  	s25 =	rddreg [dreg:$0xc];
	[sflag:s16] =	ssyncadd.s32 $0xFFFFD800  }
0x99: {  	[tilespmem:s10], [sflag:$0x2] =	stream.indirect.gather [hbm4b:s1+s30], $0x80, s25, s30, $0xb8;
	[tilespmem:$0x1DC00] =	vst v63  }
0x9a: {  	_ =	swait.ge [sflag:s17], $0x2800  }
0x9b: {  	[sflag:s17] =	ssyncset.done $0x0  }
0x9c: {  	s6 =	simm.s32 $0x1280;
	[sflag:s17] =	ssyncadd.s32 $0xFFFFD800  }
0x9d: {  	[spmem:s3] =	stream.indirect.scatter.add.f32 [tilespmem:s11], [sflag:$0x6], $0x80, s6, s30, $0xb8;
	[tilespmem:$0x1DC00] =	vst v63  }
0x9e: {  	_ =	swait.ge [sflag:s19], $0x2800  }
0x9f: {  	[sflag:s19] =	ssyncset.done $0x0  }
0xa0: {  	s7 =	rddreg [dreg:$0xd];
	[sflag:s19] =	ssyncadd.s32 $0xFFFFD800  }
0xa1: {  	[tilespmem:s11], [sflag:$0x3] =	stream.indirect.gather [hbm4b:s1+s30], $0x80, s7, s30, $0xb8;
	[tilespmem:$0x1DC00] =	vst v63  }
0xa2: {  	_ =	swait.ge [sflag:s12], $0x2800  }
0xa3: {  	[sflag:s12] =	ssyncset.done $0x0  }
0xa4: {  	s9 =	simm.s32 $0x1300;
	[sflag:s12] =	ssyncadd.s32 $0xFFFFD800  }
0xa5: {  	[spmem:s3] =	stream.indirect.scatter.add.f32 [tilespmem:s29], [sflag:$0x4], $0x80, s9, s30, $0xb8;
	[tilespmem:$0x1DC00] =	vst v63  }
0xa6: {  	_ =	swait.ge [sflag:s13], $0x2800  }
0xa7: {  	[sflag:s13] =	ssyncset.done $0x0  }
0xa8: {  	s21 =	rddreg [dreg:$0xe];
	[sflag:s13] =	ssyncadd.s32 $0xFFFFD800  }
0xa9: {  	[tilespmem:s29], [sflag:$0x1] =	stream.indirect.gather [hbm4b:s1+s30], $0x80, s21, s30, $0xb8;
	[tilespmem:$0x1DC00] =	vst v63  }
0xaa: {  	_ =	swait.ge [sflag:s14], $0x2800  }
0xab: {  	[sflag:s14] =	ssyncset.done $0x0  }
0xac: {  	s25 =	simm.s32 $0x1380;
	[sflag:s14] =	ssyncadd.s32 $0xFFFFD800  }
0xad: {  	[spmem:s3] =	stream.indirect.scatter.add.f32 [tilespmem:s10], [sflag:$0x5], $0x80, s25, s30, $0xb8;
	[tilespmem:$0x1DC00] =	vst v63  }
0xae: {  	_ =	swait.ge [sflag:s16], $0x2800  }
0xaf: {  	[sflag:s16] =	ssyncset.done $0x0  }
0xb0: {  	s6 =	rddreg [dreg:$0xf];
	[sflag:s16] =	ssyncadd.s32 $0xFFFFD800  }
0xb1: {  	[tilespmem:s10], [sflag:$0x2] =	stream.indirect.gather [hbm4b:s1+s30], $0x80, s6, s30, $0xb8;
	[tilespmem:$0x1DC00] =	vst v63  }
0xb2: {  	_ =	swait.ge [sflag:s17], $0x2800  }
0xb3: {  	[sflag:s17] =	ssyncset.done $0x0  }
0xb4: {  	s7 =	simm.s32 $0x1400;
	[sflag:s17] =	ssyncadd.s32 $0xFFFFD800  }
0xb5: {  	[spmem:s3] =	stream.indirect.scatter.add.f32 [tilespmem:s11], [sflag:$0x6], $0x80, s7, s30, $0xb8;
	[tilespmem:$0x1DC00] =	vst v63  }
0xb6: {  	_ =	swait.ge [sflag:s19], $0x2800  }
0xb7: {  	[sflag:s19] =	ssyncset.done $0x0  }
0xb8: {  	s9 =	rddreg [dreg:$0x10];
	[sflag:s19] =	ssyncadd.s32 $0xFFFFD800  }
0xb9: {  	[tilespmem:s11], [sflag:$0x3] =	stream.indirect.gather [hbm4b:s1+s30], $0x80, s9, s30, $0xb8;
	[tilespmem:$0x1DC00] =	vst v63  }
0xba: {  	_ =	swait.ge [sflag:s12], $0x2800  }
0xbb: {  	[sflag:s12] =	ssyncset.done $0x0  }
0xbc: {  	s21 =	simm.s32 $0x1480;
	[sflag:s12] =	ssyncadd.s32 $0xFFFFD800  }
0xbd: {  	[spmem:s3] =	stream.indirect.scatter.add.f32 [tilespmem:s29], [sflag:$0x4], $0x80, s21, s30, $0xb8;
	[tilespmem:$0x1DC00] =	vst v63  }
0xbe: {  	_ =	swait.ge [sflag:s13], $0x2800  }
0xbf: {  	[sflag:s13] =	ssyncset.done $0x0  }
0xc0: {  	s25 =	rddreg [dreg:$0x11];
	[sflag:s13] =	ssyncadd.s32 $0xFFFFD800  }
0xc1: {  	[tilespmem:s29], [sflag:$0x1] =	stream.indirect.gather [hbm4b:s1+s30], $0x80, s25, s30, $0xb8;
	[tilespmem:$0x1DC00] =	vst v63  }
0xc2: {  	_ =	swait.ge [sflag:s14], $0x2800  }
0xc3: {  	[sflag:s14] =	ssyncset.done $0x0  }
0xc4: {  	s6 =	simm.s32 $0x1500;
	[sflag:s14] =	ssyncadd.s32 $0xFFFFD800  }
0xc5: {  	[spmem:s3] =	stream.indirect.scatter.add.f32 [tilespmem:s10], [sflag:$0x5], $0x80, s6, s30, $0xb8;
	[tilespmem:$0x1DC00] =	vst v63  }
0xc6: {  	_ =	swait.ge [sflag:s16], $0x2800  }
0xc7: {  	[sflag:s16] =	ssyncset.done $0x0  }
0xc8: {  	s7 =	rddreg [dreg:$0x12];
	[sflag:s16] =	ssyncadd.s32 $0xFFFFD800  }
0xc9: {  	[tilespmem:s10], [sflag:$0x2] =	stream.indirect.gather [hbm4b:s1+s30], $0x80, s7, s30, $0xb8;
	[tilespmem:$0x1DC00] =	vst v63  }
0xca: {  	_ =	swait.ge [sflag:s17], $0x2800  }
0xcb: {  	[sflag:s17] =	ssyncset.done $0x0  }
0xcc: {  	s9 =	simm.s32 $0x1580;
	[sflag:s17] =	ssyncadd.s32 $0xFFFFD800  }
0xcd: {  	[spmem:s3] =	stream.indirect.scatter.add.f32 [tilespmem:s11], [sflag:$0x6], $0x80, s9, s30, $0xb8;
	[tilespmem:$0x1DC00] =	vst v63  }
0xce: {  	_ =	swait.ge [sflag:s19], $0x2800  }
0xcf: {  	[sflag:s19] =	ssyncset.done $0x0  }
0xd0: {  	s21 =	rddreg [dreg:$0x13];
	[sflag:s19] =	ssyncadd.s32 $0xFFFFD800  }
0xd1: {  	[tilespmem:s11], [sflag:$0x3] =	stream.indirect.gather [hbm4b:s1+s30], $0x80, s21, s30, $0xb8;
	[tilespmem:$0x1DC00] =	vst v63  }
0xd2: {  	_ =	swait.ge [sflag:s12], $0x2800  }
0xd3: {  	[sflag:s12] =	ssyncset.done $0x0  }
0xd4: {  	s25 =	simm.s32 $0x1600;
	[sflag:s12] =	ssyncadd.s32 $0xFFFFD800  }
0xd5: {  	[spmem:s3] =	stream.indirect.scatter.add.f32 [tilespmem:s29], [sflag:$0x4], $0x80, s25, s30, $0xb8;
	[tilespmem:$0x1DC00] =	vst v63  }
0xd6: {  	_ =	swait.ge [sflag:s13], $0x2800  }
0xd7: {  	[sflag:s13] =	ssyncset.done $0x0  }
0xd8: {  	s6 =	rddreg [dreg:$0x14];
	[sflag:s13] =	ssyncadd.s32 $0xFFFFD800  }
0xd9: {  	[tilespmem:s29], [sflag:$0x1] =	stream.indirect.gather [hbm4b:s1+s30], $0x80, s6, s30, $0xb8;
	[tilespmem:$0x1DC00] =	vst v63  }
0xda: {  	_ =	swait.ge [sflag:s14], $0x2800  }
0xdb: {  	[sflag:s14] =	ssyncset.done $0x0  }
0xdc: {  	[sflag:s14] =	ssyncadd.s32 $0xFFFFD800  }
0xdd: {  	[spmem:s3] =	stream.indirect.scatter.add.f32 [tilespmem:s10], [sflag:$0x5], $0x80, s8, s30, $0xb8;
	[tilespmem:$0x1DC00] =	vst v63  }
0xde: {  	_ =	swait.ge [sflag:s16], $0x2800  }
0xdf: {  	[sflag:s16] =	ssyncset.done $0x0  }
0xe0: {  	s7 =	rddreg [dreg:$0x15];
	[sflag:s16] =	ssyncadd.s32 $0xFFFFD800  }
0xe1: {  	[tilespmem:s10], [sflag:$0x2] =	stream.indirect.gather [hbm4b:s1+s30], $0x80, s7, s30, $0xb8;
	[tilespmem:$0x1DC00] =	vst v63  }
0xe2: {  	_ =	swait.ge [sflag:s17], $0x2800  }
0xe3: {  	[sflag:s17] =	ssyncset.done $0x0  }
0xe4: {  	[sflag:s17] =	ssyncadd.s32 $0xFFFFD800  }
0xe5: {  	[spmem:s3] =	stream.indirect.scatter.add.f32 [tilespmem:s11], [sflag:$0x6], $0x80, s26, s30, $0xb8;
	[tilespmem:$0x1DC00] =	vst v63  }
0xe6: {  	_ =	swait.ge [sflag:s19], $0x2800  }
0xe7: {  	[sflag:s19] =	ssyncset.done $0x0  }
0xe8: {  	s9 =	rddreg [dreg:$0x16];
	[sflag:s19] =	ssyncadd.s32 $0xFFFFD800  }
0xe9: {  	[tilespmem:s11], [sflag:$0x3] =	stream.indirect.gather [hbm4b:s1+s30], $0x80, s9, s30, $0xb8;
	[tilespmem:$0x1DC00] =	vst v63  }
0xea: {  	_ =	swait.ge [sflag:s12], $0x2800  }
0xeb: {  	[sflag:s12] =	ssyncset.done $0x0  }
0xec: {  	[sflag:s12] =	ssyncadd.s32 $0xFFFFD800  }
0xed: {  	[spmem:s3] =	stream.indirect.scatter.add.f32 [tilespmem:s29], [sflag:$0x4], $0x80, s15, s30, $0xb8;
	[tilespmem:$0x1DC00] =	vst v63  }
0xee: {  	_ =	swait.ge [sflag:s13], $0x2800  }
0xef: {  	[sflag:s13] =	ssyncset.done $0x0  }
0xf0: {  	s21 =	rddreg [dreg:$0x17];
	[sflag:s13] =	ssyncadd.s32 $0xFFFFD800  }
0xf1: {  	[tilespmem:s29], [sflag:$0x1] =	stream.indirect.gather [hbm4b:s1+s30], $0x80, s21, s30, $0xb8;
	[tilespmem:$0x1DC00] =	vst v63  }
0xf2: {  	_ =	swait.ge [sflag:s14], $0x2800  }
0xf3: {  	[sflag:s14] =	ssyncset.done $0x0  }
0xf4: {  	[sflag:s14] =	ssyncadd.s32 $0xFFFFD800  }
0xf5: {  	[spmem:s3] =	stream.indirect.scatter.add.f32 [tilespmem:s10], [sflag:$0x5], $0x80, s18, s30, $0xb8;
	[tilespmem:$0x1DC00] =	vst v63  }
0xf6: {  	_ =	swait.ge [sflag:s16], $0x2800  }
0xf7: {  	[sflag:s16] =	ssyncset.done $0x0  }
0xf8: {  	s25 =	rddreg [dreg:$0x18];
	[sflag:s16] =	ssyncadd.s32 $0xFFFFD800  }
0xf9: {  	[tilespmem:s10], [sflag:$0x2] =	stream.indirect.gather [hbm4b:s1+s30], $0x80, s25, s30, $0xb8;
	[tilespmem:$0x1DC00] =	vst v63  }
0xfa: {  	_ =	swait.ge [sflag:s17], $0x2800  }
0xfb: {  	[sflag:s17] =	ssyncset.done $0x0  }
0xfc: {  	[sflag:s17] =	ssyncadd.s32 $0xFFFFD800  }
0xfd: {  	[spmem:s3] =	stream.indirect.scatter.add.f32 [tilespmem:s11], [sflag:$0x6], $0x80, s20, s30, $0xb8;
	[tilespmem:$0x1DC00] =	vst v63  }
0xfe: {  	_ =	swait.ge [sflag:s19], $0x2800  }
0xff: {  	[sflag:s19] =	ssyncset.done $0x0  }
0x100: {  	s6 =	rddreg [dreg:$0x19];
	[sflag:s19] =	ssyncadd.s32 $0xFFFFD800  }
0x101: {  	[tilespmem:s11], [sflag:$0x3] =	stream.indirect.gather [hbm4b:s1+s30], $0x80, s6, s30, $0xb8;
	[tilespmem:$0x1DC00] =	vst v63  }
0x102: {  	_ =	swait.ge [sflag:s12], $0x2800  }
0x103: {  	[sflag:s12] =	ssyncset.done $0x0  }
0x104: {  	[sflag:s12] =	ssyncadd.s32 $0xFFFFD800  }
0x105: {  	[spmem:s3] =	stream.indirect.scatter.add.f32 [tilespmem:s29], [sflag:$0x4], $0x80, s22, s30, $0xb8;
	[tilespmem:$0x1DC00] =	vst v63  }
0x106: {  	_ =	swait.ge [sflag:s13], $0x2800  }
0x107: {  	[sflag:s13] =	ssyncset.done $0x0  }
0x108: {  	s7 =	rddreg [dreg:$0x1a];
	[sflag:s13] =	ssyncadd.s32 $0xFFFFD800  }
0x109: {  	[tilespmem:s29], [sflag:$0x1] =	stream.indirect.gather [hbm4b:s1+s30], $0x80, s7, s30, $0xb8;
	[tilespmem:$0x1DC00] =	vst v63  }
0x10a: {  	_ =	swait.ge [sflag:s14], $0x2800  }
0x10b: {  	[sflag:s14] =	ssyncset.done $0x0  }
0x10c: {  	[sflag:s14] =	ssyncadd.s32 $0xFFFFD800  }
0x10d: {  	[spmem:s3] =	stream.indirect.scatter.add.f32 [tilespmem:s10], [sflag:$0x5], $0x80, s23, s30, $0xb8;
	[tilespmem:$0x1DC00] =	vst v63  }
0x10e: {  	_ =	swait.ge [sflag:s16], $0x2800  }
0x10f: {  	[sflag:s16] =	ssyncset.done $0x0  }
0x110: {  	s9 =	rddreg [dreg:$0x1b];
	[sflag:s16] =	ssyncadd.s32 $0xFFFFD800  }
0x111: {  	[tilespmem:s10], [sflag:$0x2] =	stream.indirect.gather [hbm4b:s1+s30], $0x80, s9, s30, $0xb8;
	[tilespmem:$0x1DC00] =	vst v63  }
0x112: {  	_ =	swait.ge [sflag:s17], $0x2800  }
0x113: {  	[sflag:s17] =	ssyncset.done $0x0  }
0x114: {  	[sflag:s17] =	ssyncadd.s32 $0xFFFFD800  }
0x115: {  	[spmem:s3] =	stream.indirect.scatter.add.f32 [tilespmem:s11], [sflag:$0x6], $0x80, s24, s30, $0xb8;
	[tilespmem:$0x1DC00] =	vst v63  }
0x116: {  	_ =	swait.ge [sflag:s19], $0x2800  }
0x117: {  	[sflag:s19] =	ssyncset.done $0x0  }
0x118: {  	s21 =	rddreg [dreg:$0x1c];
	[sflag:s19] =	ssyncadd.s32 $0xFFFFD800  }
0x119: {  	[tilespmem:s11], [sflag:$0x3] =	stream.indirect.gather [hbm4b:s1+s30], $0x80, s21, s30, $0xb8;
	[tilespmem:$0x1DC00] =	vst v63  }
0x11a: {  	_ =	swait.ge [sflag:s12], $0x2800  }
0x11b: {  	[sflag:s12] =	ssyncset.done $0x0  }
0x11c: {  	[sflag:s12] =	ssyncadd.s32 $0xFFFFD800  }
0x11d: {  	[spmem:s3] =	stream.indirect.scatter.add.f32 [tilespmem:s29], [sflag:$0x4], $0x80, s31, s30, $0xb8;
	[tilespmem:$0x1DC00] =	vst v63  }
0x11e: {  	_ =	swait.ge [sflag:s13], $0x2800  }
0x11f: {  	[sflag:s13] =	ssyncset.done $0x0  }
0x120: {  	s25 =	rddreg [dreg:$0x1d];
	[sflag:s13] =	ssyncadd.s32 $0xFFFFD800  }
0x121: {  	[tilespmem:s29], [sflag:$0x1] =	stream.indirect.gather [hbm4b:s1+s30], $0x80, s25, s30, $0xb8;
	[tilespmem:$0x1DC00] =	vst v63  }
0x122: {  	_ =	swait.ge [sflag:s14], $0x2800  }
0x123: {  	[sflag:s14] =	ssyncset.done $0x0  }
0x124: {  	[sflag:s14] =	ssyncadd.s32 $0xFFFFD800  }
0x125: {  	[spmem:s3] =	stream.indirect.scatter.add.f32 [tilespmem:s10], [sflag:$0x5], $0x80, s2, s30, $0xb8;
	[tilespmem:$0x1DC00] =	vst v63  }
0x126: {  	_ =	swait.ge [sflag:s16], $0x2800  }
0x127: {  	[sflag:s16] =	ssyncset.done $0x0  }
0x128: {  	[sflag:s16] =	ssyncadd.s32 $0xFFFFD800  }
0x129: {  	_ =	swait.ge [sflag:s17], $0x2800  }
0x12a: {  	[sflag:s17] =	ssyncset.done $0x0  }
0x12b: {  	[sflag:s17] =	ssyncadd.s32 $0xFFFFD800  }
0x12c: {  	[spmem:s3] =	stream.indirect.scatter.add.f32 [tilespmem:s11], [sflag:$0x6], $0x80, s0, s30, $0xb8;
	[tilespmem:$0x1DC00] =	vst v63  }
0x12d: {  	_ =	swait.ge [sflag:s19], $0x2800  }
0x12e: {  	[sflag:s19] =	ssyncset.done $0x0  }
0x12f: {  	[sflag:s19] =	ssyncadd.s32 $0xFFFFD800  }
0x130: {  	_ =	swait.ge [sflag:s12], $0x2800  }
0x131: {  	[sflag:s12] =	ssyncset.done $0x0  }
0x132: {  	[sflag:s12] =	ssyncadd.s32 $0xFFFFD800  }
0x133: {  	[spmem:s3] =	stream.indirect.scatter.add.f32 [tilespmem:s29], [sflag:$0x4], $0x80, s4, s30, $0xb8;
	[tilespmem:$0x1DC00] =	vst v63  }
0x134: {  	s5 =	simm.s32 $0x200;
	_ =	swait.ge [sflag:s13], $0x2800  }
0x135: {  	s21 =	simm.s32 $0x400;
	s6 =	rddreg [dreg:$0x5];
	[sflag:s13] =	ssyncset.done $0x0  }
.LBB2_2:
0x136: {  	[sflag:s13] =	ssyncadd.s32 $0xFFFFD800;
	s6 =	sadd.s32 s5, s6;
	s25 =	simm.s32 $0x0  }
0x137: {  	[tilespmem:s25], [sflag:$0x7] =	stream.linear.gather [hbm4b:s6+s25], $0xC80, $0x38;
	[tilespmem:$0x1DC00] =	vst v63  }
0x138: {  	_ =	swait.ge [sflag:s28], $0xC80  }
0x139: {  	[sflag:s28] =	ssyncset.done $0x0;
	s9 =	rddreg [dreg:$0x1e]  }
0x13a: {  	[sflag:s28] =	ssyncadd.s32 $0xFFFFF380;
	s6 =	sadd.s32 s5, s9;
	s9 =	simm.s32 $0x1000  }
0x13b: {  	[tilespmem:s9], [sflag:$0x7] =	stream.linear.gather [hbm4b:s6+s25], $0xC80, $0x38;
	[tilespmem:$0x1DC00] =	vst v63  }
0x13c: {  	_ =	swait.ge [sflag:s28], $0xC80  }
0x13d: {  	[sflag:s28] =	ssyncset.done $0x0  }
0x13e: {  	s7 =	smov.u32 s21;
	[sflag:s28] =	ssyncadd.s32 $0xFFFFF380  }
0x13f: {  	[tilespmem:s29], [sflag:$0x1] =	stream.indirect.gather [hbm4b:s1+s30], $0x80, s25, s30, $0xb8;
	[tilespmem:$0x1DC00] =	vst v63  }
0x140: {  	s5 =	smov.u32 s7;
	s7 =	rddreg [dreg:$0x6]  }
0x141: {  	[tilespmem:s10], [sflag:$0x2] =	stream.indirect.gather [hbm4b:s1+s30], $0x80, s7, s30, $0xb8;
	[tilespmem:$0x1DC00] =	vst v63  }
0x142: {  	s25 =	rddreg [dreg:$0x7]  }
0x143: {  	[tilespmem:s11], [sflag:$0x3] =	stream.indirect.gather [hbm4b:s1+s30], $0x80, s25, s30, $0xb8;
	[tilespmem:$0x1DC00] =	vst v63  }
0x144: {  	_ =	swait.ge [sflag:s12], $0x2800  }
0x145: {  	[sflag:s12] =	ssyncset.done $0x0  }
0x146: {  	[sflag:s12] =	ssyncadd.s32 $0xFFFFD800  }
0x147: {  	[spmem:s3] =	stream.indirect.scatter.add.f32 [tilespmem:s29], [sflag:$0x4], $0x80, s9, s30, $0xb8;
	[tilespmem:$0x1DC00] =	vst v63  }
0x148: {  	_ =	swait.ge [sflag:s13], $0x2800  }
0x149: {  	[sflag:s13] =	ssyncset.done $0x0  }
0x14a: {  	s25 =	rddreg [dreg:$0x8];
	[sflag:s13] =	ssyncadd.s32 $0xFFFFD800  }
0x14b: {  	[tilespmem:s29], [sflag:$0x1] =	stream.indirect.gather [hbm4b:s1+s30], $0x80, s25, s30, $0xb8;
	[tilespmem:$0x1DC00] =	vst v63  }
0x14c: {  	_ =	swait.ge [sflag:s14], $0x2800  }
0x14d: {  	[sflag:s14] =	ssyncset.done $0x0  }
0x14e: {  	s7 =	simm.s32 $0x1080;
	[sflag:s14] =	ssyncadd.s32 $0xFFFFD800  }
0x14f: {  	[spmem:s3] =	stream.indirect.scatter.add.f32 [tilespmem:s10], [sflag:$0x5], $0x80, s7, s30, $0xb8;
	[tilespmem:$0x1DC00] =	vst v63  }
0x150: {  	_ =	swait.ge [sflag:s16], $0x2800  }
0x151: {  	[sflag:s16] =	ssyncset.done $0x0  }
0x152: {  	s9 =	rddreg [dreg:$0x9];
	[sflag:s16] =	ssyncadd.s32 $0xFFFFD800  }
0x153: {  	[tilespmem:s10], [sflag:$0x2] =	stream.indirect.gather [hbm4b:s1+s30], $0x80, s9, s30, $0xb8;
	[tilespmem:$0x1DC00] =	vst v63  }
0x154: {  	_ =	swait.ge [sflag:s17], $0x2800  }
0x155: {  	[sflag:s17] =	ssyncset.done $0x0  }
0x156: {  	s25 =	simm.s32 $0x1100;
	[sflag:s17] =	ssyncadd.s32 $0xFFFFD800  }
0x157: {  	[spmem:s3] =	stream.indirect.scatter.add.f32 [tilespmem:s11], [sflag:$0x6], $0x80, s25, s30, $0xb8;
	[tilespmem:$0x1DC00] =	vst v63  }
0x158: {  	_ =	swait.ge [sflag:s19], $0x2800  }
0x159: {  	[sflag:s19] =	ssyncset.done $0x0  }
0x15a: {  	s7 =	rddreg [dreg:$0xa];
	[sflag:s19] =	ssyncadd.s32 $0xFFFFD800  }
0x15b: {  	[tilespmem:s11], [sflag:$0x3] =	stream.indirect.gather [hbm4b:s1+s30], $0x80, s7, s30, $0xb8;
	[tilespmem:$0x1DC00] =	vst v63  }
0x15c: {  	_ =	swait.ge [sflag:s12], $0x2800  }
0x15d: {  	[sflag:s12] =	ssyncset.done $0x0  }
0x15e: {  	s9 =	simm.s32 $0x1180;
	[sflag:s12] =	ssyncadd.s32 $0xFFFFD800  }
0x15f: {  	[spmem:s3] =	stream.indirect.scatter.add.f32 [tilespmem:s29], [sflag:$0x4], $0x80, s9, s30, $0xb8;
	[tilespmem:$0x1DC00] =	vst v63  }
0x160: {  	_ =	swait.ge [sflag:s13], $0x2800  }
0x161: {  	[sflag:s13] =	ssyncset.done $0x0  }
0x162: {  	s25 =	rddreg [dreg:$0xb];
	[sflag:s13] =	ssyncadd.s32 $0xFFFFD800  }
0x163: {  	[tilespmem:s29], [sflag:$0x1] =	stream.indirect.gather [hbm4b:s1+s30], $0x80, s25, s30, $0xb8;
	[tilespmem:$0x1DC00] =	vst v63  }
0x164: {  	_ =	swait.ge [sflag:s14], $0x2800  }
0x165: {  	[sflag:s14] =	ssyncset.done $0x0  }
0x166: {  	s7 =	simm.s32 $0x1200;
	[sflag:s14] =	ssyncadd.s32 $0xFFFFD800  }
0x167: {  	[spmem:s3] =	stream.indirect.scatter.add.f32 [tilespmem:s10], [sflag:$0x5], $0x80, s7, s30, $0xb8;
	[tilespmem:$0x1DC00] =	vst v63  }
0x168: {  	_ =	swait.ge [sflag:s16], $0x2800  }
0x169: {  	[sflag:s16] =	ssyncset.done $0x0  }
0x16a: {  	s9 =	rddreg [dreg:$0xc];
	[sflag:s16] =	ssyncadd.s32 $0xFFFFD800  }
0x16b: {  	[tilespmem:s10], [sflag:$0x2] =	stream.indirect.gather [hbm4b:s1+s30], $0x80, s9, s30, $0xb8;
	[tilespmem:$0x1DC00] =	vst v63  }
0x16c: {  	_ =	swait.ge [sflag:s17], $0x2800  }
0x16d: {  	[sflag:s17] =	ssyncset.done $0x0  }
0x16e: {  	s25 =	simm.s32 $0x1280;
	[sflag:s17] =	ssyncadd.s32 $0xFFFFD800  }
0x16f: {  	[spmem:s3] =	stream.indirect.scatter.add.f32 [tilespmem:s11], [sflag:$0x6], $0x80, s25, s30, $0xb8;
	[tilespmem:$0x1DC00] =	vst v63  }
0x170: {  	_ =	swait.ge [sflag:s19], $0x2800  }
0x171: {  	[sflag:s19] =	ssyncset.done $0x0  }
0x172: {  	s7 =	rddreg [dreg:$0xd];
	[sflag:s19] =	ssyncadd.s32 $0xFFFFD800  }
0x173: {  	[tilespmem:s11], [sflag:$0x3] =	stream.indirect.gather [hbm4b:s1+s30], $0x80, s7, s30, $0xb8;
	[tilespmem:$0x1DC00] =	vst v63  }
0x174: {  	_ =	swait.ge [sflag:s12], $0x2800  }
0x175: {  	[sflag:s12] =	ssyncset.done $0x0  }
0x176: {  	s9 =	simm.s32 $0x1300;
	[sflag:s12] =	ssyncadd.s32 $0xFFFFD800  }
0x177: {  	[spmem:s3] =	stream.indirect.scatter.add.f32 [tilespmem:s29], [sflag:$0x4], $0x80, s9, s30, $0xb8;
	[tilespmem:$0x1DC00] =	vst v63  }
0x178: {  	_ =	swait.ge [sflag:s13], $0x2800  }
0x179: {  	[sflag:s13] =	ssyncset.done $0x0  }
0x17a: {  	s25 =	rddreg [dreg:$0xe];
	[sflag:s13] =	ssyncadd.s32 $0xFFFFD800  }
0x17b: {  	[tilespmem:s29], [sflag:$0x1] =	stream.indirect.gather [hbm4b:s1+s30], $0x80, s25, s30, $0xb8;
	[tilespmem:$0x1DC00] =	vst v63  }
0x17c: {  	_ =	swait.ge [sflag:s14], $0x2800  }
0x17d: {  	[sflag:s14] =	ssyncset.done $0x0  }
0x17e: {  	s7 =	simm.s32 $0x1380;
	[sflag:s14] =	ssyncadd.s32 $0xFFFFD800  }
0x17f: {  	[spmem:s3] =	stream.indirect.scatter.add.f32 [tilespmem:s10], [sflag:$0x5], $0x80, s7, s30, $0xb8;
	[tilespmem:$0x1DC00] =	vst v63  }
0x180: {  	_ =	swait.ge [sflag:s16], $0x2800  }
0x181: {  	[sflag:s16] =	ssyncset.done $0x0  }
0x182: {  	s9 =	rddreg [dreg:$0xf];
	[sflag:s16] =	ssyncadd.s32 $0xFFFFD800  }
0x183: {  	[tilespmem:s10], [sflag:$0x2] =	stream.indirect.gather [hbm4b:s1+s30], $0x80, s9, s30, $0xb8;
	[tilespmem:$0x1DC00] =	vst v63  }
0x184: {  	_ =	swait.ge [sflag:s17], $0x2800  }
0x185: {  	[sflag:s17] =	ssyncset.done $0x0  }
0x186: {  	s25 =	simm.s32 $0x1400;
	[sflag:s17] =	ssyncadd.s32 $0xFFFFD800  }
0x187: {  	[spmem:s3] =	stream.indirect.scatter.add.f32 [tilespmem:s11], [sflag:$0x6], $0x80, s25, s30, $0xb8;
	[tilespmem:$0x1DC00] =	vst v63  }
0x188: {  	_ =	swait.ge [sflag:s19], $0x2800  }
0x189: {  	[sflag:s19] =	ssyncset.done $0x0  }
0x18a: {  	s7 =	rddreg [dreg:$0x10];
	[sflag:s19] =	ssyncadd.s32 $0xFFFFD800  }
0x18b: {  	[tilespmem:s11], [sflag:$0x3] =	stream.indirect.gather [hbm4b:s1+s30], $0x80, s7, s30, $0xb8;
	[tilespmem:$0x1DC00] =	vst v63  }
0x18c: {  	_ =	swait.ge [sflag:s12], $0x2800  }
0x18d: {  	[sflag:s12] =	ssyncset.done $0x0  }
0x18e: {  	s9 =	simm.s32 $0x1480;
	[sflag:s12] =	ssyncadd.s32 $0xFFFFD800  }
0x18f: {  	[spmem:s3] =	stream.indirect.scatter.add.f32 [tilespmem:s29], [sflag:$0x4], $0x80, s9, s30, $0xb8;
	[tilespmem:$0x1DC00] =	vst v63  }
0x190: {  	_ =	swait.ge [sflag:s13], $0x2800  }
0x191: {  	[sflag:s13] =	ssyncset.done $0x0  }
0x192: {  	s25 =	rddreg [dreg:$0x11];
	[sflag:s13] =	ssyncadd.s32 $0xFFFFD800  }
0x193: {  	[tilespmem:s29], [sflag:$0x1] =	stream.indirect.gather [hbm4b:s1+s30], $0x80, s25, s30, $0xb8;
	[tilespmem:$0x1DC00] =	vst v63  }
0x194: {  	_ =	swait.ge [sflag:s14], $0x2800  }
0x195: {  	[sflag:s14] =	ssyncset.done $0x0  }
0x196: {  	s7 =	simm.s32 $0x1500;
	[sflag:s14] =	ssyncadd.s32 $0xFFFFD800  }
0x197: {  	[spmem:s3] =	stream.indirect.scatter.add.f32 [tilespmem:s10], [sflag:$0x5], $0x80, s7, s30, $0xb8;
	[tilespmem:$0x1DC00] =	vst v63  }
0x198: {  	_ =	swait.ge [sflag:s16], $0x2800  }
0x199: {  	[sflag:s16] =	ssyncset.done $0x0  }
0x19a: {  	s9 =	rddreg [dreg:$0x12];
	[sflag:s16] =	ssyncadd.s32 $0xFFFFD800  }
0x19b: {  	[tilespmem:s10], [sflag:$0x2] =	stream.indirect.gather [hbm4b:s1+s30], $0x80, s9, s30, $0xb8;
	[tilespmem:$0x1DC00] =	vst v63  }
0x19c: {  	_ =	swait.ge [sflag:s17], $0x2800  }
0x19d: {  	[sflag:s17] =	ssyncset.done $0x0  }
0x19e: {  	s25 =	simm.s32 $0x1580;
	[sflag:s17] =	ssyncadd.s32 $0xFFFFD800  }
0x19f: {  	[spmem:s3] =	stream.indirect.scatter.add.f32 [tilespmem:s11], [sflag:$0x6], $0x80, s25, s30, $0xb8;
	[tilespmem:$0x1DC00] =	vst v63  }
0x1a0: {  	_ =	swait.ge [sflag:s19], $0x2800  }
0x1a1: {  	[sflag:s19] =	ssyncset.done $0x0  }
0x1a2: {  	s7 =	rddreg [dreg:$0x13];
	[sflag:s19] =	ssyncadd.s32 $0xFFFFD800  }
0x1a3: {  	[tilespmem:s11], [sflag:$0x3] =	stream.indirect.gather [hbm4b:s1+s30], $0x80, s7, s30, $0xb8;
	[tilespmem:$0x1DC00] =	vst v63  }
0x1a4: {  	_ =	swait.ge [sflag:s12], $0x2800  }
0x1a5: {  	[sflag:s12] =	ssyncset.done $0x0  }
0x1a6: {  	s9 =	simm.s32 $0x1600;
	[sflag:s12] =	ssyncadd.s32 $0xFFFFD800  }
0x1a7: {  	[spmem:s3] =	stream.indirect.scatter.add.f32 [tilespmem:s29], [sflag:$0x4], $0x80, s9, s30, $0xb8;
	[tilespmem:$0x1DC00] =	vst v63  }
0x1a8: {  	_ =	swait.ge [sflag:s13], $0x2800  }
0x1a9: {  	[sflag:s13] =	ssyncset.done $0x0  }
0x1aa: {  	s25 =	rddreg [dreg:$0x14];
	[sflag:s13] =	ssyncadd.s32 $0xFFFFD800  }
0x1ab: {  	[tilespmem:s29], [sflag:$0x1] =	stream.indirect.gather [hbm4b:s1+s30], $0x80, s25, s30, $0xb8;
	[tilespmem:$0x1DC00] =	vst v63  }
0x1ac: {  	_ =	swait.ge [sflag:s14], $0x2800  }
0x1ad: {  	[sflag:s14] =	ssyncset.done $0x0  }
0x1ae: {  	[sflag:s14] =	ssyncadd.s32 $0xFFFFD800  }
0x1af: {  	[spmem:s3] =	stream.indirect.scatter.add.f32 [tilespmem:s10], [sflag:$0x5], $0x80, s8, s30, $0xb8;
	[tilespmem:$0x1DC00] =	vst v63  }
0x1b0: {  	_ =	swait.ge [sflag:s16], $0x2800  }
0x1b1: {  	[sflag:s16] =	ssyncset.done $0x0  }
0x1b2: {  	s7 =	rddreg [dreg:$0x15];
	[sflag:s16] =	ssyncadd.s32 $0xFFFFD800  }
0x1b3: {  	[tilespmem:s10], [sflag:$0x2] =	stream.indirect.gather [hbm4b:s1+s30], $0x80, s7, s30, $0xb8;
	[tilespmem:$0x1DC00] =	vst v63  }
0x1b4: {  	_ =	swait.ge [sflag:s17], $0x2800  }
0x1b5: {  	[sflag:s17] =	ssyncset.done $0x0  }
0x1b6: {  	[sflag:s17] =	ssyncadd.s32 $0xFFFFD800  }
0x1b7: {  	[spmem:s3] =	stream.indirect.scatter.add.f32 [tilespmem:s11], [sflag:$0x6], $0x80, s26, s30, $0xb8;
	[tilespmem:$0x1DC00] =	vst v63  }
0x1b8: {  	_ =	swait.ge [sflag:s19], $0x2800  }
0x1b9: {  	[sflag:s19] =	ssyncset.done $0x0  }
0x1ba: {  	s9 =	rddreg [dreg:$0x16];
	[sflag:s19] =	ssyncadd.s32 $0xFFFFD800  }
0x1bb: {  	[tilespmem:s11], [sflag:$0x3] =	stream.indirect.gather [hbm4b:s1+s30], $0x80, s9, s30, $0xb8;
	[tilespmem:$0x1DC00] =	vst v63  }
0x1bc: {  	_ =	swait.ge [sflag:s12], $0x2800  }
0x1bd: {  	[sflag:s12] =	ssyncset.done $0x0  }
0x1be: {  	[sflag:s12] =	ssyncadd.s32 $0xFFFFD800  }
0x1bf: {  	[spmem:s3] =	stream.indirect.scatter.add.f32 [tilespmem:s29], [sflag:$0x4], $0x80, s15, s30, $0xb8;
	[tilespmem:$0x1DC00] =	vst v63  }
0x1c0: {  	_ =	swait.ge [sflag:s13], $0x2800  }
0x1c1: {  	[sflag:s13] =	ssyncset.done $0x0  }
0x1c2: {  	s25 =	rddreg [dreg:$0x17];
	[sflag:s13] =	ssyncadd.s32 $0xFFFFD800  }
0x1c3: {  	[tilespmem:s29], [sflag:$0x1] =	stream.indirect.gather [hbm4b:s1+s30], $0x80, s25, s30, $0xb8;
	[tilespmem:$0x1DC00] =	vst v63  }
0x1c4: {  	_ =	swait.ge [sflag:s14], $0x2800  }
0x1c5: {  	[sflag:s14] =	ssyncset.done $0x0  }
0x1c6: {  	[sflag:s14] =	ssyncadd.s32 $0xFFFFD800  }
0x1c7: {  	[spmem:s3] =	stream.indirect.scatter.add.f32 [tilespmem:s10], [sflag:$0x5], $0x80, s18, s30, $0xb8;
	[tilespmem:$0x1DC00] =	vst v63  }
0x1c8: {  	_ =	swait.ge [sflag:s16], $0x2800  }
0x1c9: {  	[sflag:s16] =	ssyncset.done $0x0  }
0x1ca: {  	s7 =	rddreg [dreg:$0x18];
	[sflag:s16] =	ssyncadd.s32 $0xFFFFD800  }
0x1cb: {  	[tilespmem:s10], [sflag:$0x2] =	stream.indirect.gather [hbm4b:s1+s30], $0x80, s7, s30, $0xb8;
	[tilespmem:$0x1DC00] =	vst v63  }
0x1cc: {  	_ =	swait.ge [sflag:s17], $0x2800  }
0x1cd: {  	[sflag:s17] =	ssyncset.done $0x0  }
0x1ce: {  	[sflag:s17] =	ssyncadd.s32 $0xFFFFD800  }
0x1cf: {  	[spmem:s3] =	stream.indirect.scatter.add.f32 [tilespmem:s11], [sflag:$0x6], $0x80, s20, s30, $0xb8;
	[tilespmem:$0x1DC00] =	vst v63  }
0x1d0: {  	_ =	swait.ge [sflag:s19], $0x2800  }
0x1d1: {  	[sflag:s19] =	ssyncset.done $0x0  }
0x1d2: {  	s9 =	rddreg [dreg:$0x19];
	[sflag:s19] =	ssyncadd.s32 $0xFFFFD800  }
0x1d3: {  	[tilespmem:s11], [sflag:$0x3] =	stream.indirect.gather [hbm4b:s1+s30], $0x80, s9, s30, $0xb8;
	[tilespmem:$0x1DC00] =	vst v63  }
0x1d4: {  	_ =	swait.ge [sflag:s12], $0x2800  }
0x1d5: {  	[sflag:s12] =	ssyncset.done $0x0  }
0x1d6: {  	[sflag:s12] =	ssyncadd.s32 $0xFFFFD800  }
0x1d7: {  	[spmem:s3] =	stream.indirect.scatter.add.f32 [tilespmem:s29], [sflag:$0x4], $0x80, s22, s30, $0xb8;
	[tilespmem:$0x1DC00] =	vst v63  }
0x1d8: {  	_ =	swait.ge [sflag:s13], $0x2800  }
0x1d9: {  	[sflag:s13] =	ssyncset.done $0x0  }
0x1da: {  	s25 =	rddreg [dreg:$0x1a];
	[sflag:s13] =	ssyncadd.s32 $0xFFFFD800  }
0x1db: {  	[tilespmem:s29], [sflag:$0x1] =	stream.indirect.gather [hbm4b:s1+s30], $0x80, s25, s30, $0xb8;
	[tilespmem:$0x1DC00] =	vst v63  }
0x1dc: {  	_ =	swait.ge [sflag:s14], $0x2800  }
0x1dd: {  	[sflag:s14] =	ssyncset.done $0x0  }
0x1de: {  	[sflag:s14] =	ssyncadd.s32 $0xFFFFD800  }
0x1df: {  	[spmem:s3] =	stream.indirect.scatter.add.f32 [tilespmem:s10], [sflag:$0x5], $0x80, s23, s30, $0xb8;
	[tilespmem:$0x1DC00] =	vst v63  }
0x1e0: {  	_ =	swait.ge [sflag:s16], $0x2800  }
0x1e1: {  	[sflag:s16] =	ssyncset.done $0x0  }
0x1e2: {  	s7 =	rddreg [dreg:$0x1b];
	[sflag:s16] =	ssyncadd.s32 $0xFFFFD800  }
0x1e3: {  	[tilespmem:s10], [sflag:$0x2] =	stream.indirect.gather [hbm4b:s1+s30], $0x80, s7, s30, $0xb8;
	[tilespmem:$0x1DC00] =	vst v63  }
0x1e4: {  	_ =	swait.ge [sflag:s17], $0x2800  }
0x1e5: {  	[sflag:s17] =	ssyncset.done $0x0  }
0x1e6: {  	[sflag:s17] =	ssyncadd.s32 $0xFFFFD800  }
0x1e7: {  	[spmem:s3] =	stream.indirect.scatter.add.f32 [tilespmem:s11], [sflag:$0x6], $0x80, s24, s30, $0xb8;
	[tilespmem:$0x1DC00] =	vst v63  }
0x1e8: {  	_ =	swait.ge [sflag:s19], $0x2800  }
0x1e9: {  	[sflag:s19] =	ssyncset.done $0x0  }
0x1ea: {  	s9 =	rddreg [dreg:$0x1c];
	[sflag:s19] =	ssyncadd.s32 $0xFFFFD800  }
0x1eb: {  	[tilespmem:s11], [sflag:$0x3] =	stream.indirect.gather [hbm4b:s1+s30], $0x80, s9, s30, $0xb8;
	[tilespmem:$0x1DC00] =	vst v63  }
0x1ec: {  	_ =	swait.ge [sflag:s12], $0x2800  }
0x1ed: {  	[sflag:s12] =	ssyncset.done $0x0  }
0x1ee: {  	[sflag:s12] =	ssyncadd.s32 $0xFFFFD800  }
0x1ef: {  	[spmem:s3] =	stream.indirect.scatter.add.f32 [tilespmem:s29], [sflag:$0x4], $0x80, s31, s30, $0xb8;
	[tilespmem:$0x1DC00] =	vst v63  }
0x1f0: {  	_ =	swait.ge [sflag:s13], $0x2800  }
0x1f1: {  	[sflag:s13] =	ssyncset.done $0x0  }
0x1f2: {  	s25 =	rddreg [dreg:$0x1d];
	[sflag:s13] =	ssyncadd.s32 $0xFFFFD800  }
0x1f3: {  	[tilespmem:s29], [sflag:$0x1] =	stream.indirect.gather [hbm4b:s1+s30], $0x80, s25, s30, $0xb8;
	[tilespmem:$0x1DC00] =	vst v63  }
0x1f4: {  	_ =	swait.ge [sflag:s14], $0x2800  }
0x1f5: {  	[sflag:s14] =	ssyncset.done $0x0  }
0x1f6: {  	[sflag:s14] =	ssyncadd.s32 $0xFFFFD800  }
0x1f7: {  	[spmem:s3] =	stream.indirect.scatter.add.f32 [tilespmem:s10], [sflag:$0x5], $0x80, s2, s30, $0xb8;
	[tilespmem:$0x1DC00] =	vst v63  }
0x1f8: {  	_ =	swait.ge [sflag:s16], $0x2800  }
0x1f9: {  	[sflag:s16] =	ssyncset.done $0x0  }
0x1fa: {  	[sflag:s16] =	ssyncadd.s32 $0xFFFFD800  }
0x1fb: {  	_ =	swait.ge [sflag:s17], $0x2800  }
0x1fc: {  	[sflag:s17] =	ssyncset.done $0x0  }
0x1fd: {  	[sflag:s17] =	ssyncadd.s32 $0xFFFFD800  }
0x1fe: {  	[spmem:s3] =	stream.indirect.scatter.add.f32 [tilespmem:s11], [sflag:$0x6], $0x80, s0, s30, $0xb8;
	[tilespmem:$0x1DC00] =	vst v63  }
0x1ff: {  	_ =	swait.ge [sflag:s19], $0x2800  }
0x200: {  	[sflag:s19] =	ssyncset.done $0x0  }
0x201: {  	[sflag:s19] =	ssyncadd.s32 $0xFFFFD800  }
0x202: {  	p0 =	sne.s32 s21, $0x800;
	_ =	swait.ge [sflag:s12], $0x2800  }
.Ltmp0:
0x203: {  	[sflag:s12] =	ssyncset.done $0x0;
	(pc) =	sbr.rel @p0 .LBB2_2-.Ltmp0, $4  }
0x204: {  	[sflag:s12] =	ssyncadd.s32 $0xFFFFD800  }
0x205: {  	[spmem:s3] =	stream.indirect.scatter.add.f32 [tilespmem:s29], [sflag:$0x4], $0x80, s4, s30, $0xb8;
	[tilespmem:$0x1DC00] =	vst v63  }
0x206: {  	_ =	swait.ge [sflag:s13], $0x2800  }
0x207: {  	s21 =	sadd.s32 $0x200, s21;
	s6 =	rddreg [dreg:$0x5];
	[sflag:s13] =	ssyncset.done $0x0  }
0x208: {  	[sflag:s13] =	ssyncadd.s32 $0xFFFFD800;
	s6 =	sadd.s32 s5, s6;
	s20 =	simm.s32 $0x0  }
0x209: {  	[tilespmem:s20], [sflag:$0x7] =	stream.linear.gather [hbm4b:s6+s20], $0xC80, $0x38;
	[tilespmem:$0x1DC00] =	vst v63  }
0x20a: {  	_ =	swait.ge [sflag:s28], $0xC80  }
0x20b: {  	[sflag:s28] =	ssyncset.done $0x0;
	s15 =	rddreg [dreg:$0x1e]  }
0x20c: {  	s18 =	simm.s32 $0x1000;
	[sflag:s28] =	ssyncadd.s32 $0xFFFFF380;
	s21 =	sadd.s32 s5, s15  }
0x20d: {  	[tilespmem:s18], [sflag:$0x7] =	stream.linear.gather [hbm4b:s21+s20], $0xC80, $0x38;
	[tilespmem:$0x1DC00] =	vst v63  }
0x20e: {  	_ =	swait.ge [sflag:s28], $0xC80  }
0x20f: {  	[sflag:s28] =	ssyncset.done $0x0  }
0x210: {  	[sflag:s28] =	ssyncadd.s32 $0xFFFFF380  }
0x211: {  	[tilespmem:s29], [sflag:$0x1] =	stream.indirect.gather [hbm4b:s1+s30], $0x80, s20, s30, $0xb8;
	[tilespmem:$0x1DC00] =	vst v63  }
0x212: {  	s22 =	rddreg [dreg:$0x6]  }
0x213: {  	[tilespmem:s10], [sflag:$0x2] =	stream.indirect.gather [hbm4b:s1+s30], $0x80, s22, s30, $0xb8;
	[tilespmem:$0x1DC00] =	vst v63  }
0x214: {  	s23 =	rddreg [dreg:$0x7]  }
0x215: {  	[tilespmem:s11], [sflag:$0x3] =	stream.indirect.gather [hbm4b:s1+s30], $0x80, s23, s30, $0xb8;
	[tilespmem:$0x1DC00] =	vst v63  }
0x216: {  	_ =	swait.ge [sflag:s12], $0x2800  }
0x217: {  	[sflag:s12] =	ssyncset.done $0x0  }
0x218: {  	[sflag:s12] =	ssyncadd.s32 $0xFFFFD800  }
0x219: {  	[spmem:s3] =	stream.indirect.scatter.add.f32 [tilespmem:s29], [sflag:$0x4], $0x80, s18, s30, $0xb8;
	[tilespmem:$0x1DC00] =	vst v63  }
0x21a: {  	_ =	swait.ge [sflag:s13], $0x2800  }
0x21b: {  	[sflag:s13] =	ssyncset.done $0x0  }
0x21c: {  	s24 =	rddreg [dreg:$0x8];
	[sflag:s13] =	ssyncadd.s32 $0xFFFFD800  }
0x21d: {  	[tilespmem:s29], [sflag:$0x1] =	stream.indirect.gather [hbm4b:s1+s30], $0x80, s24, s30, $0xb8;
	[tilespmem:$0x1DC00] =	vst v63  }
0x21e: {  	_ =	swait.ge [sflag:s14], $0x2800  }
0x21f: {  	[sflag:s14] =	ssyncset.done $0x0  }
0x220: {  	s0 =	simm.s32 $0x1080;
	[sflag:s14] =	ssyncadd.s32 $0xFFFFD800  }
0x221: {  	[spmem:s3] =	stream.indirect.scatter.add.f32 [tilespmem:s10], [sflag:$0x5], $0x80, s0, s30, $0xb8;
	[tilespmem:$0x1DC00] =	vst v63  }
0x222: {  	_ =	swait.ge [sflag:s16], $0x2800  }
0x223: {  	[sflag:s16] =	ssyncset.done $0x0  }
0x224: {  	s25 =	rddreg [dreg:$0x9];
	[sflag:s16] =	ssyncadd.s32 $0xFFFFD800  }
0x225: {  	[tilespmem:s10], [sflag:$0x2] =	stream.indirect.gather [hbm4b:s1+s30], $0x80, s25, s30, $0xb8;
	[tilespmem:$0x1DC00] =	vst v63  }
0x226: {  	_ =	swait.ge [sflag:s17], $0x2800  }
0x227: {  	[sflag:s17] =	ssyncset.done $0x0  }
0x228: {  	s26 =	simm.s32 $0x1100;
	[sflag:s17] =	ssyncadd.s32 $0xFFFFD800  }
0x229: {  	[spmem:s3] =	stream.indirect.scatter.add.f32 [tilespmem:s11], [sflag:$0x6], $0x80, s26, s30, $0xb8;
	[tilespmem:$0x1DC00] =	vst v63  }
0x22a: {  	_ =	swait.ge [sflag:s19], $0x2800  }
0x22b: {  	[sflag:s19] =	ssyncset.done $0x0  }
0x22c: {  	s0 =	rddreg [dreg:$0xa];
	[sflag:s19] =	ssyncadd.s32 $0xFFFFD800  }
0x22d: {  	[tilespmem:s11], [sflag:$0x3] =	stream.indirect.gather [hbm4b:s1+s30], $0x80, s0, s30, $0xb8;
	[tilespmem:$0x1DC00] =	vst v63  }
0x22e: {  	_ =	swait.ge [sflag:s12], $0x2800  }
0x22f: {  	[sflag:s12] =	ssyncset.done $0x0  }
0x230: {  	s2 =	simm.s32 $0x1180;
	[sflag:s12] =	ssyncadd.s32 $0xFFFFD800  }
0x231: {  	[spmem:s3] =	stream.indirect.scatter.add.f32 [tilespmem:s29], [sflag:$0x4], $0x80, s2, s30, $0xb8;
	[tilespmem:$0x1DC00] =	vst v63  }
0x232: {  	_ =	swait.ge [sflag:s13], $0x2800  }
0x233: {  	[sflag:s13] =	ssyncset.done $0x0  }
0x234: {  	s4 =	rddreg [dreg:$0xb];
	[sflag:s13] =	ssyncadd.s32 $0xFFFFD800  }
0x235: {  	[tilespmem:s29], [sflag:$0x1] =	stream.indirect.gather [hbm4b:s1+s30], $0x80, s4, s30, $0xb8;
	[tilespmem:$0x1DC00] =	vst v63  }
0x236: {  	_ =	swait.ge [sflag:s14], $0x2800  }
0x237: {  	[sflag:s14] =	ssyncset.done $0x0  }
0x238: {  	s5 =	simm.s32 $0x1200;
	[sflag:s14] =	ssyncadd.s32 $0xFFFFD800  }
0x239: {  	[spmem:s3] =	stream.indirect.scatter.add.f32 [tilespmem:s10], [sflag:$0x5], $0x80, s5, s30, $0xb8;
	[tilespmem:$0x1DC00] =	vst v63  }
0x23a: {  	_ =	swait.ge [sflag:s16], $0x2800  }
0x23b: {  	[sflag:s16] =	ssyncset.done $0x0  }
0x23c: {  	s6 =	rddreg [dreg:$0xc];
	[sflag:s16] =	ssyncadd.s32 $0xFFFFD800  }
0x23d: {  	[tilespmem:s10], [sflag:$0x2] =	stream.indirect.gather [hbm4b:s1+s30], $0x80, s6, s30, $0xb8;
	[tilespmem:$0x1DC00] =	vst v63  }
0x23e: {  	_ =	swait.ge [sflag:s17], $0x2800  }
0x23f: {  	[sflag:s17] =	ssyncset.done $0x0  }
0x240: {  	s7 =	simm.s32 $0x1280;
	[sflag:s17] =	ssyncadd.s32 $0xFFFFD800  }
0x241: {  	[spmem:s3] =	stream.indirect.scatter.add.f32 [tilespmem:s11], [sflag:$0x6], $0x80, s7, s30, $0xb8;
	[tilespmem:$0x1DC00] =	vst v63  }
0x242: {  	_ =	swait.ge [sflag:s19], $0x2800  }
0x243: {  	[sflag:s19] =	ssyncset.done $0x0  }
0x244: {  	s8 =	rddreg [dreg:$0xd];
	[sflag:s19] =	ssyncadd.s32 $0xFFFFD800  }
0x245: {  	[tilespmem:s11], [sflag:$0x3] =	stream.indirect.gather [hbm4b:s1+s30], $0x80, s8, s30, $0xb8;
	[tilespmem:$0x1DC00] =	vst v63  }
0x246: {  	_ =	swait.ge [sflag:s12], $0x2800  }
0x247: {  	[sflag:s12] =	ssyncset.done $0x0  }
0x248: {  	s9 =	simm.s32 $0x1300;
	[sflag:s12] =	ssyncadd.s32 $0xFFFFD800  }
0x249: {  	[spmem:s3] =	stream.indirect.scatter.add.f32 [tilespmem:s29], [sflag:$0x4], $0x80, s9, s30, $0xb8;
	[tilespmem:$0x1DC00] =	vst v63  }
0x24a: {  	_ =	swait.ge [sflag:s13], $0x2800  }
0x24b: {  	[sflag:s13] =	ssyncset.done $0x0  }
0x24c: {  	s21 =	rddreg [dreg:$0xe];
	[sflag:s13] =	ssyncadd.s32 $0xFFFFD800  }
0x24d: {  	[tilespmem:s29], [sflag:$0x1] =	stream.indirect.gather [hbm4b:s1+s30], $0x80, s21, s30, $0xb8;
	[tilespmem:$0x1DC00] =	vst v63  }
0x24e: {  	_ =	swait.ge [sflag:s14], $0x2800  }
0x24f: {  	[sflag:s14] =	ssyncset.done $0x0  }
0x250: {  	s22 =	simm.s32 $0x1380;
	[sflag:s14] =	ssyncadd.s32 $0xFFFFD800  }
0x251: {  	[spmem:s3] =	stream.indirect.scatter.add.f32 [tilespmem:s10], [sflag:$0x5], $0x80, s22, s30, $0xb8;
	[tilespmem:$0x1DC00] =	vst v63  }
0x252: {  	_ =	swait.ge [sflag:s16], $0x2800  }
0x253: {  	[sflag:s16] =	ssyncset.done $0x0  }
0x254: {  	s23 =	rddreg [dreg:$0xf];
	[sflag:s16] =	ssyncadd.s32 $0xFFFFD800  }
0x255: {  	[tilespmem:s10], [sflag:$0x2] =	stream.indirect.gather [hbm4b:s1+s30], $0x80, s23, s30, $0xb8;
	[tilespmem:$0x1DC00] =	vst v63  }
0x256: {  	_ =	swait.ge [sflag:s17], $0x2800  }
0x257: {  	[sflag:s17] =	ssyncset.done $0x0  }
0x258: {  	s24 =	simm.s32 $0x1400;
	[sflag:s17] =	ssyncadd.s32 $0xFFFFD800  }
0x259: {  	[spmem:s3] =	stream.indirect.scatter.add.f32 [tilespmem:s11], [sflag:$0x6], $0x80, s24, s30, $0xb8;
	[tilespmem:$0x1DC00] =	vst v63  }
0x25a: {  	_ =	swait.ge [sflag:s19], $0x2800  }
0x25b: {  	[sflag:s19] =	ssyncset.done $0x0  }
0x25c: {  	s25 =	rddreg [dreg:$0x10];
	[sflag:s19] =	ssyncadd.s32 $0xFFFFD800  }
0x25d: {  	[tilespmem:s11], [sflag:$0x3] =	stream.indirect.gather [hbm4b:s1+s30], $0x80, s25, s30, $0xb8;
	[tilespmem:$0x1DC00] =	vst v63  }
0x25e: {  	_ =	swait.ge [sflag:s12], $0x2800  }
0x25f: {  	[sflag:s12] =	ssyncset.done $0x0  }
0x260: {  	s26 =	simm.s32 $0x1480;
	[sflag:s12] =	ssyncadd.s32 $0xFFFFD800  }
0x261: {  	[spmem:s3] =	stream.indirect.scatter.add.f32 [tilespmem:s29], [sflag:$0x4], $0x80, s26, s30, $0xb8;
	[tilespmem:$0x1DC00] =	vst v63  }
0x262: {  	_ =	swait.ge [sflag:s13], $0x2800  }
0x263: {  	[sflag:s13] =	ssyncset.done $0x0  }
0x264: {  	s0 =	rddreg [dreg:$0x11];
	[sflag:s13] =	ssyncadd.s32 $0xFFFFD800  }
0x265: {  	[tilespmem:s29], [sflag:$0x1] =	stream.indirect.gather [hbm4b:s1+s30], $0x80, s0, s30, $0xb8;
	[tilespmem:$0x1DC00] =	vst v63  }
0x266: {  	_ =	swait.ge [sflag:s14], $0x2800  }
0x267: {  	[sflag:s14] =	ssyncset.done $0x0  }
0x268: {  	s2 =	simm.s32 $0x1500;
	[sflag:s14] =	ssyncadd.s32 $0xFFFFD800  }
0x269: {  	[spmem:s3] =	stream.indirect.scatter.add.f32 [tilespmem:s10], [sflag:$0x5], $0x80, s2, s30, $0xb8;
	[tilespmem:$0x1DC00] =	vst v63  }
0x26a: {  	_ =	swait.ge [sflag:s16], $0x2800  }
0x26b: {  	[sflag:s16] =	ssyncset.done $0x0  }
0x26c: {  	s4 =	rddreg [dreg:$0x12];
	[sflag:s16] =	ssyncadd.s32 $0xFFFFD800  }
0x26d: {  	[tilespmem:s10], [sflag:$0x2] =	stream.indirect.gather [hbm4b:s1+s30], $0x80, s4, s30, $0xb8;
	[tilespmem:$0x1DC00] =	vst v63  }
0x26e: {  	_ =	swait.ge [sflag:s17], $0x2800  }
0x26f: {  	[sflag:s17] =	ssyncset.done $0x0  }
0x270: {  	s5 =	simm.s32 $0x1580;
	[sflag:s17] =	ssyncadd.s32 $0xFFFFD800  }
0x271: {  	[spmem:s3] =	stream.indirect.scatter.add.f32 [tilespmem:s11], [sflag:$0x6], $0x80, s5, s30, $0xb8;
	[tilespmem:$0x1DC00] =	vst v63  }
0x272: {  	_ =	swait.ge [sflag:s19], $0x2800  }
0x273: {  	[sflag:s19] =	ssyncset.done $0x0  }
0x274: {  	s6 =	rddreg [dreg:$0x13];
	[sflag:s19] =	ssyncadd.s32 $0xFFFFD800  }
0x275: {  	[tilespmem:s11], [sflag:$0x3] =	stream.indirect.gather [hbm4b:s1+s30], $0x80, s6, s30, $0xb8;
	[tilespmem:$0x1DC00] =	vst v63  }
0x276: {  	_ =	swait.ge [sflag:s12], $0x2800  }
0x277: {  	[sflag:s12] =	ssyncset.done $0x0  }
0x278: {  	s7 =	simm.s32 $0x1600;
	[sflag:s12] =	ssyncadd.s32 $0xFFFFD800  }
0x279: {  	[spmem:s3] =	stream.indirect.scatter.add.f32 [tilespmem:s29], [sflag:$0x4], $0x80, s7, s30, $0xb8;
	[tilespmem:$0x1DC00] =	vst v63  }
0x27a: {  	_ =	swait.ge [sflag:s13], $0x2800  }
0x27b: {  	[sflag:s13] =	ssyncset.done $0x0  }
0x27c: {  	s8 =	rddreg [dreg:$0x14];
	[sflag:s13] =	ssyncadd.s32 $0xFFFFD800  }
0x27d: {  	[tilespmem:s29], [sflag:$0x1] =	stream.indirect.gather [hbm4b:s1+s30], $0x80, s8, s30, $0xb8;
	[tilespmem:$0x1DC00] =	vst v63  }
0x27e: {  	_ =	swait.ge [sflag:s14], $0x2800  }
0x27f: {  	[sflag:s14] =	ssyncset.done $0x0  }
0x280: {  	s26 =	simm.s32 $0x1680;
	[sflag:s14] =	ssyncadd.s32 $0xFFFFD800  }
0x281: {  	[spmem:s3] =	stream.indirect.scatter.add.f32 [tilespmem:s10], [sflag:$0x5], $0x80, s26, s30, $0xb8;
	[tilespmem:$0x1DC00] =	vst v63  }
0x282: {  	_ =	swait.ge [sflag:s16], $0x2800  }
0x283: {  	[sflag:s16] =	ssyncset.done $0x0  }
0x284: {  	s9 =	rddreg [dreg:$0x15];
	[sflag:s16] =	ssyncadd.s32 $0xFFFFD800  }
0x285: {  	[tilespmem:s10], [sflag:$0x2] =	stream.indirect.gather [hbm4b:s1+s30], $0x80, s9, s30, $0xb8;
	[tilespmem:$0x1DC00] =	vst v63  }
0x286: {  	_ =	swait.ge [sflag:s17], $0x2800  }
0x287: {  	[sflag:s17] =	ssyncset.done $0x0  }
0x288: {  	s21 =	simm.s32 $0x1700;
	[sflag:s17] =	ssyncadd.s32 $0xFFFFD800  }
0x289: {  	[spmem:s3] =	stream.indirect.scatter.add.f32 [tilespmem:s11], [sflag:$0x6], $0x80, s21, s30, $0xb8;
	[tilespmem:$0x1DC00] =	vst v63  }
0x28a: {  	_ =	swait.ge [sflag:s19], $0x2800  }
0x28b: {  	[sflag:s19] =	ssyncset.done $0x0  }
0x28c: {  	s22 =	rddreg [dreg:$0x16];
	[sflag:s19] =	ssyncadd.s32 $0xFFFFD800  }
0x28d: {  	[tilespmem:s11], [sflag:$0x3] =	stream.indirect.gather [hbm4b:s1+s30], $0x80, s22, s30, $0xb8;
	[tilespmem:$0x1DC00] =	vst v63  }
0x28e: {  	_ =	swait.ge [sflag:s12], $0x2800  }
0x28f: {  	[sflag:s12] =	ssyncset.done $0x0  }
0x290: {  	s23 =	simm.s32 $0x1780;
	[sflag:s12] =	ssyncadd.s32 $0xFFFFD800  }
0x291: {  	[spmem:s3] =	stream.indirect.scatter.add.f32 [tilespmem:s29], [sflag:$0x4], $0x80, s23, s30, $0xb8;
	[tilespmem:$0x1DC00] =	vst v63  }
0x292: {  	_ =	swait.ge [sflag:s13], $0x2800  }
0x293: {  	[sflag:s13] =	ssyncset.done $0x0  }
0x294: {  	s24 =	rddreg [dreg:$0x17];
	[sflag:s13] =	ssyncadd.s32 $0xFFFFD800  }
0x295: {  	[tilespmem:s29], [sflag:$0x1] =	stream.indirect.gather [hbm4b:s1+s30], $0x80, s24, s30, $0xb8;
	[tilespmem:$0x1DC00] =	vst v63  }
0x296: {  	_ =	swait.ge [sflag:s14], $0x2800  }
0x297: {  	[sflag:s14] =	ssyncset.done $0x0  }
0x298: {  	s25 =	simm.s32 $0x1800;
	[sflag:s14] =	ssyncadd.s32 $0xFFFFD800  }
0x299: {  	[spmem:s3] =	stream.indirect.scatter.add.f32 [tilespmem:s10], [sflag:$0x5], $0x80, s25, s30, $0xb8;
	[tilespmem:$0x1DC00] =	vst v63  }
0x29a: {  	_ =	swait.ge [sflag:s16], $0x2800  }
0x29b: {  	[sflag:s16] =	ssyncset.done $0x0  }
0x29c: {  	s0 =	rddreg [dreg:$0x18];
	[sflag:s16] =	ssyncadd.s32 $0xFFFFD800  }
0x29d: {  	[tilespmem:s10], [sflag:$0x2] =	stream.indirect.gather [hbm4b:s1+s30], $0x80, s0, s30, $0xb8;
	[tilespmem:$0x1DC00] =	vst v63  }
0x29e: {  	_ =	swait.ge [sflag:s17], $0x2800  }
0x29f: {  	[sflag:s17] =	ssyncset.done $0x0  }
0x2a0: {  	s22 =	simm.s32 $0x1880;
	[sflag:s17] =	ssyncadd.s32 $0xFFFFD800  }
0x2a1: {  	[spmem:s3] =	stream.indirect.scatter.add.f32 [tilespmem:s11], [sflag:$0x6], $0x80, s22, s30, $0xb8;
	[tilespmem:$0x1DC00] =	vst v63  }
0x2a2: {  	_ =	swait.ge [sflag:s19], $0x2800  }
0x2a3: {  	[sflag:s19] =	ssyncset.done $0x0  }
0x2a4: {  	s2 =	rddreg [dreg:$0x19];
	[sflag:s19] =	ssyncadd.s32 $0xFFFFD800  }
0x2a5: {  	[tilespmem:s11], [sflag:$0x3] =	stream.indirect.gather [hbm4b:s1+s30], $0x80, s2, s30, $0xb8;
	[tilespmem:$0x1DC00] =	vst v63  }
0x2a6: {  	_ =	swait.ge [sflag:s12], $0x2800  }
0x2a7: {  	[sflag:s12] =	ssyncset.done $0x0  }
0x2a8: {  	s23 =	simm.s32 $0x1900;
	[sflag:s12] =	ssyncadd.s32 $0xFFFFD800  }
0x2a9: {  	[spmem:s3] =	stream.indirect.scatter.add.f32 [tilespmem:s29], [sflag:$0x4], $0x80, s23, s30, $0xb8;
	[tilespmem:$0x1DC00] =	vst v63  }
0x2aa: {  	_ =	swait.ge [sflag:s13], $0x2800  }
0x2ab: {  	[sflag:s13] =	ssyncset.done $0x0  }
0x2ac: {  	s4 =	rddreg [dreg:$0x1a];
	[sflag:s13] =	ssyncadd.s32 $0xFFFFD800  }
0x2ad: {  	[tilespmem:s29], [sflag:$0x1] =	stream.indirect.gather [hbm4b:s1+s30], $0x80, s4, s30, $0xb8;
	[tilespmem:$0x1DC00] =	vst v63  }
0x2ae: {  	_ =	swait.ge [sflag:s14], $0x2800  }
0x2af: {  	[sflag:s14] =	ssyncset.done $0x0  }
0x2b0: {  	s24 =	simm.s32 $0x1980;
	[sflag:s14] =	ssyncadd.s32 $0xFFFFD800  }
0x2b1: {  	[spmem:s3] =	stream.indirect.scatter.add.f32 [tilespmem:s10], [sflag:$0x5], $0x80, s24, s30, $0xb8;
	[tilespmem:$0x1DC00] =	vst v63  }
0x2b2: {  	_ =	swait.ge [sflag:s16], $0x2800  }
0x2b3: {  	[sflag:s16] =	ssyncset.done $0x0  }
0x2b4: {  	s6 =	rddreg [dreg:$0x1b];
	[sflag:s16] =	ssyncadd.s32 $0xFFFFD800  }
0x2b5: {  	[tilespmem:s10], [sflag:$0x2] =	stream.indirect.gather [hbm4b:s1+s30], $0x80, s6, s30, $0xb8;
	[tilespmem:$0x1DC00] =	vst v63  }
0x2b6: {  	_ =	swait.ge [sflag:s17], $0x2800  }
0x2b7: {  	[sflag:s17] =	ssyncset.done $0x0  }
0x2b8: {  	s31 =	simm.s32 $0x1A00;
	[sflag:s17] =	ssyncadd.s32 $0xFFFFD800  }
0x2b9: {  	[spmem:s3] =	stream.indirect.scatter.add.f32 [tilespmem:s11], [sflag:$0x6], $0x80, s31, s30, $0xb8;
	[tilespmem:$0x1DC00] =	vst v63  }
0x2ba: {  	_ =	swait.ge [sflag:s19], $0x2800  }
0x2bb: {  	[sflag:s19] =	ssyncset.done $0x0  }
0x2bc: {  	s7 =	rddreg [dreg:$0x1c];
	[sflag:s19] =	ssyncadd.s32 $0xFFFFD800  }
0x2bd: {  	[tilespmem:s11], [sflag:$0x3] =	stream.indirect.gather [hbm4b:s1+s30], $0x80, s7, s30, $0xb8;
	[tilespmem:$0x1DC00] =	vst v63  }
0x2be: {  	_ =	swait.ge [sflag:s12], $0x2800  }
0x2bf: {  	[sflag:s12] =	ssyncset.done $0x0  }
0x2c0: {  	s8 =	simm.s32 $0x1A80;
	[sflag:s12] =	ssyncadd.s32 $0xFFFFD800  }
0x2c1: {  	[spmem:s3] =	stream.indirect.scatter.add.f32 [tilespmem:s29], [sflag:$0x4], $0x80, s8, s30, $0xb8;
	[tilespmem:$0x1DC00] =	vst v63  }
0x2c2: {  	_ =	swait.ge [sflag:s13], $0x2800  }
0x2c3: {  	[sflag:s13] =	ssyncset.done $0x0  }
0x2c4: {  	s9 =	rddreg [dreg:$0x1d];
	[sflag:s13] =	ssyncadd.s32 $0xFFFFD800  }
0x2c5: {  	[tilespmem:s29], [sflag:$0x1] =	stream.indirect.gather [hbm4b:s1+s30], $0x80, s9, s30, $0xb8;
	[tilespmem:$0x1DC00] =	vst v63  }
0x2c6: {  	_ =	swait.ge [sflag:s14], $0x2800  }
0x2c7: {  	[sflag:s14] =	ssyncset.done $0x0  }
0x2c8: {  	s21 =	simm.s32 $0x1B00;
	[sflag:s14] =	ssyncadd.s32 $0xFFFFD800  }
0x2c9: {  	[spmem:s3] =	stream.indirect.scatter.add.f32 [tilespmem:s10], [sflag:$0x5], $0x80, s21, s30, $0xb8;
	[tilespmem:$0x1DC00] =	vst v63  }
0x2ca: {  	_ =	swait.ge [sflag:s16], $0x2800  }
0x2cb: {  	[sflag:s16] =	ssyncset.done $0x0  }
0x2cc: {  	[sflag:s16] =	ssyncadd.s32 $0xFFFFD800  }
0x2cd: {  	_ =	swait.ge [sflag:s17], $0x2800  }
0x2ce: {  	[sflag:s17] =	ssyncset.done $0x0  }
0x2cf: {  	s25 =	simm.s32 $0x1B80;
	[sflag:s17] =	ssyncadd.s32 $0xFFFFD800  }
0x2d0: {  	[spmem:s3] =	stream.indirect.scatter.add.f32 [tilespmem:s11], [sflag:$0x6], $0x80, s25, s30, $0xb8;
	[tilespmem:$0x1DC00] =	vst v63  }
0x2d1: {  	_ =	swait.ge [sflag:s19], $0x2800  }
0x2d2: {  	[sflag:s19] =	ssyncset.done $0x0  }
0x2d3: {  	[sflag:s19] =	ssyncadd.s32 $0xFFFFD800  }
0x2d4: {  	_ =	swait.ge [sflag:s12], $0x2800  }
0x2d5: {  	[sflag:s12] =	ssyncset.done $0x0  }
0x2d6: {  	s2 =	simm.s32 $0x1C00;
	[sflag:s12] =	ssyncadd.s32 $0xFFFFD800  }
0x2d7: {  	[spmem:s3] =	stream.indirect.scatter.add.f32 [tilespmem:s29], [sflag:$0x4], $0x80, s2, s30, $0xb8;
	[tilespmem:$0x1DC00] =	vst v63  }
0x2d8: {  	_ =	swait.ge [sflag:s13], $0x2800  }
0x2d9: {  	[sflag:s13] =	ssyncset.done $0x0  }
0x2da: {  	[sflag:s13] =	ssyncadd.s32 $0xFFFFD800  }
0x2db: {  	s25 =	simm.s32 $0x2000;
	[bflag:$0x0] =	sbarrier.arrive $0xFFFF  }
0x2dc: {  	[tilespmem:s29], [sflag:$0x1] =	stream.indirect.gather [spmem:s3], $0x80, s25, s30, $0xb8;
	[tilespmem:$0x1DC00] =	vst v63  }
0x2dd: {  	_ =	swait.ge [sflag:s12], $0x2800  }
0x2de: {  	[sflag:s12] =	ssyncset.done $0x0  }
0x2df: {  	s5 =	simm.s32 $0x0;
	s4 =	rddreg [dreg:$0x1f];
	[sflag:s12] =	ssyncadd.s32 $0xFFFFD800  }
0x2e0: {  	[hbm4b:s4+s5] =	stream.linear.scatter [tilespmem:s29], [sflag:$0x7], $0x2800, $0x38;
	[tilespmem:$0x1DC00] =	vst v63  }
0x2e1: {  	_ =	swait.ge [sflag:s28], $0x2800  }
0x2e2: {  	[sflag:s28] =	ssyncset.done $0x0  }
0x2e3: {  	s7 =	simm.s32 $0x2080;
	[sflag:s28] =	ssyncadd.s32 $0xFFFFD800  }
0x2e4: {  	[tilespmem:s29], [sflag:$0x1] =	stream.indirect.gather [spmem:s3], $0x80, s7, s30, $0xb8;
	[tilespmem:$0x1DC00] =	vst v63  }
0x2e5: {  	_ =	swait.ge [sflag:s12], $0x2800  }
0x2e6: {  	s8 =	sld [smem:$0x7EB]  }
0x2e7: {  	[sflag:s12] =	ssyncset.done $0x0  }
0x2e8: {  	[sflag:s12] =	ssyncadd.s32 $0xFFFFD800  }
0x2e9: {  	[hbm4b:s8+s5] =	stream.linear.scatter [tilespmem:s29], [sflag:$0x7], $0x2800, $0x38;
	[tilespmem:$0x1DC00] =	vst v63  }
0x2ea: {  	_ =	swait.ge [sflag:s28], $0x2800  }
0x2eb: {  	[sflag:s28] =	ssyncset.done $0x0  }
0x2ec: {  	s21 =	simm.s32 $0x2100;
	[sflag:s28] =	ssyncadd.s32 $0xFFFFD800  }
0x2ed: {  	[tilespmem:s29], [sflag:$0x1] =	stream.indirect.gather [spmem:s3], $0x80, s21, s30, $0xb8;
	[tilespmem:$0x1DC00] =	vst v63  }
0x2ee: {  	_ =	swait.ge [sflag:s12], $0x2800  }
0x2ef: {  	s2 =	sld [smem:$0x7EC]  }
0x2f0: {  	[sflag:s12] =	ssyncset.done $0x0  }
0x2f1: {  	[sflag:s12] =	ssyncadd.s32 $0xFFFFD800  }
0x2f2: {  	[hbm4b:s2+s5] =	stream.linear.scatter [tilespmem:s29], [sflag:$0x7], $0x2800, $0x38;
	[tilespmem:$0x1DC00] =	vst v63  }
0x2f3: {  	_ =	swait.ge [sflag:s28], $0x2800  }
0x2f4: {  	[sflag:s28] =	ssyncset.done $0x0  }
0x2f5: {  	s4 =	simm.s32 $0x2180;
	[sflag:s28] =	ssyncadd.s32 $0xFFFFD800  }
0x2f6: {  	[tilespmem:s29], [sflag:$0x1] =	stream.indirect.gather [spmem:s3], $0x80, s4, s30, $0xb8;
	[tilespmem:$0x1DC00] =	vst v63  }
0x2f7: {  	_ =	swait.ge [sflag:s12], $0x2800  }
0x2f8: {  	s7 =	sld [smem:$0x7ED]  }
0x2f9: {  	[sflag:s12] =	ssyncset.done $0x0  }
0x2fa: {  	[sflag:s12] =	ssyncadd.s32 $0xFFFFD800  }
0x2fb: {  	[hbm4b:s7+s5] =	stream.linear.scatter [tilespmem:s29], [sflag:$0x7], $0x2800, $0x38;
	[tilespmem:$0x1DC00] =	vst v63  }
0x2fc: {  	_ =	swait.ge [sflag:s28], $0x2800  }
0x2fd: {  	[sflag:s28] =	ssyncset.done $0x0  }
0x2fe: {  	s21 =	simm.s32 $0x2200;
	[sflag:s28] =	ssyncadd.s32 $0xFFFFD800  }
0x2ff: {  	[tilespmem:s29], [sflag:$0x1] =	stream.indirect.gather [spmem:s3], $0x80, s21, s30, $0xb8;
	[tilespmem:$0x1DC00] =	vst v63  }
0x300: {  	_ =	swait.ge [sflag:s12], $0x2800  }
0x301: {  	s0 =	sld [smem:$0x7EE]  }
0x302: {  	[sflag:s12] =	ssyncset.done $0x0  }
0x303: {  	[sflag:s12] =	ssyncadd.s32 $0xFFFFD800  }
0x304: {  	[hbm4b:s0+s5] =	stream.linear.scatter [tilespmem:s29], [sflag:$0x7], $0x2800, $0x38;
	[tilespmem:$0x1DC00] =	vst v63  }
0x305: {  	_ =	swait.ge [sflag:s28], $0x2800  }
0x306: {  	[sflag:s28] =	ssyncset.done $0x0  }
0x307: {  	s7 =	simm.s32 $0x2280;
	[sflag:s28] =	ssyncadd.s32 $0xFFFFD800  }
0x308: {  	[tilespmem:s29], [sflag:$0x1] =	stream.indirect.gather [spmem:s3], $0x80, s7, s30, $0xb8;
	[tilespmem:$0x1DC00] =	vst v63  }
0x309: {  	_ =	swait.ge [sflag:s12], $0x2800  }
0x30a: {  	s21 =	sld [smem:$0x7EF]  }
0x30b: {  	[sflag:s12] =	ssyncset.done $0x0  }
0x30c: {  	[sflag:s12] =	ssyncadd.s32 $0xFFFFD800  }
0x30d: {  	[hbm4b:s21+s5] =	stream.linear.scatter [tilespmem:s29], [sflag:$0x7], $0x2800, $0x38;
	[tilespmem:$0x1DC00] =	vst v63  }
0x30e: {  	_ =	swait.ge [sflag:s28], $0x2800  }
0x30f: {  	[sflag:s28] =	ssyncset.done $0x0  }
0x310: {  	s21 =	simm.s32 $0x2300;
	[sflag:s28] =	ssyncadd.s32 $0xFFFFD800  }
0x311: {  	[tilespmem:s29], [sflag:$0x1] =	stream.indirect.gather [spmem:s3], $0x80, s21, s30, $0xb8;
	[tilespmem:$0x1DC00] =	vst v63  }
0x312: {  	_ =	swait.ge [sflag:s12], $0x2800  }
0x313: {  	s7 =	sld [smem:$0x7F0]  }
0x314: {  	[sflag:s12] =	ssyncset.done $0x0  }
0x315: {  	[sflag:s12] =	ssyncadd.s32 $0xFFFFD800  }
0x316: {  	[hbm4b:s7+s5] =	stream.linear.scatter [tilespmem:s29], [sflag:$0x7], $0x2800, $0x38;
	[tilespmem:$0x1DC00] =	vst v63  }
0x317: {  	_ =	swait.ge [sflag:s28], $0x2800  }
0x318: {  	[sflag:s28] =	ssyncset.done $0x0  }
0x319: {  	s7 =	simm.s32 $0x2380;
	[sflag:s28] =	ssyncadd.s32 $0xFFFFD800  }
0x31a: {  	[tilespmem:s29], [sflag:$0x1] =	stream.indirect.gather [spmem:s3], $0x80, s7, s30, $0xb8;
	[tilespmem:$0x1DC00] =	vst v63  }
0x31b: {  	_ =	swait.ge [sflag:s12], $0x2800  }
0x31c: {  	s6 =	sld [smem:$0x7F1]  }
0x31d: {  	[sflag:s12] =	ssyncset.done $0x0  }
0x31e: {  	[sflag:s12] =	ssyncadd.s32 $0xFFFFD800  }
0x31f: {  	[hbm4b:s6+s5] =	stream.linear.scatter [tilespmem:s29], [sflag:$0x7], $0x2800, $0x38;
	[tilespmem:$0x1DC00] =	vst v63  }
0x320: {  	_ =	swait.ge [sflag:s28], $0x2800  }
0x321: {  	s6 =	sld [smem:$0x7FA]  }
0x322: {  	[sflag:s28] =	ssyncset.done $0x0  }
0x323: {  	[sflag:s28] =	ssyncadd.s32 $0xFFFFD800  }
0x324: {  	[tilespmem:s29], [sflag:$0x7] =	stream.linear.gather [hbm4b:s6+s5], $0x2800, $0x38;
	[tilespmem:$0x1DC00] =	vst v63  }
0x325: {  	_ =	swait.ge [sflag:s28], $0x2800  }
0x326: {  	s6 =	sld [smem:$0x7FB]  }
0x327: {  	[sflag:s28] =	ssyncset.done $0x0  }
0x328: {  	[sflag:s28] =	ssyncadd.s32 $0xFFFFD800  }
0x329: {  	[tilespmem:s10], [sflag:$0x7] =	stream.linear.gather [hbm4b:s6+s5], $0x2800, $0x38;
	[tilespmem:$0x1DC00] =	vst v63  }
0x32a: {  	_ =	swait.ge [sflag:s28], $0x2800  }
0x32b: {  	[sflag:s28] =	ssyncset.done $0x0  }
0x32c: {  	[sflag:s28] =	ssyncadd.s32 $0xFFFFD800  }
0x32d: {  	[spmem:s3] =	stream.indirect.scatter [tilespmem:s29], [sflag:$0x7], $0x80, s25, s30, $0xb8;
	[tilespmem:$0x1DC00] =	vst v63  }
0x32e: {  	_ =	swait.ge [sflag:s28], $0x2800  }
0x32f: {  	[sflag:s28] =	ssyncset.done $0x0  }
0x330: {  	s9 =	simm.s32 $0x2080;
	[sflag:s28] =	ssyncadd.s32 $0xFFFFD800  }
0x331: {  	[spmem:s3] =	stream.indirect.scatter [tilespmem:s29], [sflag:$0x7], $0x80, s9, s30, $0xb8;
	[tilespmem:$0x1DC00] =	vst v63  }
0x332: {  	_ =	swait.ge [sflag:s28], $0x2800  }
0x333: {  	[sflag:s28] =	ssyncset.done $0x0  }
0x334: {  	s8 =	simm.s32 $0x2100;
	[sflag:s28] =	ssyncadd.s32 $0xFFFFD800  }
0x335: {  	[spmem:s3] =	stream.indirect.scatter [tilespmem:s29], [sflag:$0x7], $0x80, s8, s30, $0xb8;
	[tilespmem:$0x1DC00] =	vst v63  }
0x336: {  	_ =	swait.ge [sflag:s28], $0x2800  }
0x337: {  	[sflag:s28] =	ssyncset.done $0x0  }
0x338: {  	s4 =	simm.s32 $0x2180;
	[sflag:s28] =	ssyncadd.s32 $0xFFFFD800  }
0x339: {  	[spmem:s3] =	stream.indirect.scatter [tilespmem:s29], [sflag:$0x7], $0x80, s4, s30, $0xb8;
	[tilespmem:$0x1DC00] =	vst v63  }
0x33a: {  	_ =	swait.ge [sflag:s28], $0x2800  }
0x33b: {  	[sflag:s28] =	ssyncset.done $0x0  }
0x33c: {  	s2 =	simm.s32 $0x2200;
	[sflag:s28] =	ssyncadd.s32 $0xFFFFD800  }
0x33d: {  	[spmem:s3] =	stream.indirect.scatter [tilespmem:s29], [sflag:$0x7], $0x80, s2, s30, $0xb8;
	[tilespmem:$0x1DC00] =	vst v63  }
0x33e: {  	_ =	swait.ge [sflag:s28], $0x2800  }
0x33f: {  	[sflag:s28] =	ssyncset.done $0x0  }
0x340: {  	s0 =	simm.s32 $0x2280;
	[sflag:s28] =	ssyncadd.s32 $0xFFFFD800  }
0x341: {  	[spmem:s3] =	stream.indirect.scatter [tilespmem:s29], [sflag:$0x7], $0x80, s0, s30, $0xb8;
	[tilespmem:$0x1DC00] =	vst v63  }
0x342: {  	_ =	swait.ge [sflag:s28], $0x2800  }
0x343: {  	[sflag:s28] =	ssyncset.done $0x0  }
0x344: {  	[sflag:s28] =	ssyncadd.s32 $0xFFFFD800  }
0x345: {  	[spmem:s3] =	stream.indirect.scatter [tilespmem:s29], [sflag:$0x7], $0x80, s21, s30, $0xb8;
	[tilespmem:$0x1DC00] =	vst v63  }
0x346: {  	_ =	swait.ge [sflag:s28], $0x2800  }
0x347: {  	[sflag:s28] =	ssyncset.done $0x0  }
0x348: {  	[sflag:s28] =	ssyncadd.s32 $0xFFFFD800  }
0x349: {  	[spmem:s3] =	stream.indirect.scatter [tilespmem:s29], [sflag:$0x7], $0x80, s7, s30, $0xb8;
	[tilespmem:$0x1DC00] =	vst v63  }
0x34a: {  	_ =	swait.ge [sflag:s28], $0x2800  }
0x34b: {  	[sflag:s28] =	ssyncset.done $0x0  }
0x34c: {  	[sflag:s28] =	ssyncadd.s32 $0xFFFFD800  }
0x34d: {  	s15 =	sadd.s32 $0x0, s15;
	[bflag:$0x0] =	sbarrier.arrive $0xFFFF  }
0x34e: {  	[tilespmem:s18], [sflag:$0x7] =	stream.linear.gather [hbm4b:s15+s20], $0xC80, $0x38;
	[tilespmem:$0x1DC00] =	vst v63  }
0x34f: {  	_ =	swait.ge [sflag:s28], $0xC80  }
0x350: {  	[sflag:s28] =	ssyncset.done $0x0  }
0x351: {  	[sflag:s28] =	ssyncadd.s32 $0xFFFFF380  }
0x352: {  	[spmem:s3] =	stream.indirect.scatter.add.f32 [tilespmem:s10], [sflag:$0x4], $0x80, s18, s30, $0xb8;
	[tilespmem:$0x1DC00] =	vst v63  }
0x353: {  	s21 =	simm.s32 $0x1080  }
0x354: {  	[spmem:s3] =	stream.indirect.scatter.add.f32 [tilespmem:s10], [sflag:$0x4], $0x80, s21, s30, $0xb8;
	[tilespmem:$0x1DC00] =	vst v63  }
0x355: {  	s0 =	simm.s32 $0x1100  }
0x356: {  	[spmem:s3] =	stream.indirect.scatter.add.f32 [tilespmem:s10], [sflag:$0x4], $0x80, s0, s30, $0xb8;
	[tilespmem:$0x1DC00] =	vst v63  }
0x357: {  	s4 =	simm.s32 $0x1180  }
0x358: {  	[spmem:s3] =	stream.indirect.scatter.add.f32 [tilespmem:s10], [sflag:$0x4], $0x80, s4, s30, $0xb8;
	[tilespmem:$0x1DC00] =	vst v63  }
0x359: {  	s5 =	simm.s32 $0x1200  }
0x35a: {  	[spmem:s3] =	stream.indirect.scatter.add.f32 [tilespmem:s10], [sflag:$0x4], $0x80, s5, s30, $0xb8;
	[tilespmem:$0x1DC00] =	vst v63  }
0x35b: {  	s6 =	simm.s32 $0x1280  }
0x35c: {  	[spmem:s3] =	stream.indirect.scatter.add.f32 [tilespmem:s10], [sflag:$0x4], $0x80, s6, s30, $0xb8;
	[tilespmem:$0x1DC00] =	vst v63  }
0x35d: {  	s7 =	simm.s32 $0x1300  }
0x35e: {  	[spmem:s3] =	stream.indirect.scatter.add.f32 [tilespmem:s10], [sflag:$0x4], $0x80, s7, s30, $0xb8;
	[tilespmem:$0x1DC00] =	vst v63  }
0x35f: {  	s8 =	simm.s32 $0x1380  }
0x360: {  	[spmem:s3] =	stream.indirect.scatter.add.f32 [tilespmem:s10], [sflag:$0x4], $0x80, s8, s30, $0xb8;
	[tilespmem:$0x1DC00] =	vst v63  }
0x361: {  	s9 =	simm.s32 $0x1400  }
0x362: {  	[spmem:s3] =	stream.indirect.scatter.add.f32 [tilespmem:s10], [sflag:$0x4], $0x80, s9, s30, $0xb8;
	[tilespmem:$0x1DC00] =	vst v63  }
0x363: {  	s15 =	simm.s32 $0x1480  }
0x364: {  	[spmem:s3] =	stream.indirect.scatter.add.f32 [tilespmem:s10], [sflag:$0x4], $0x80, s15, s30, $0xb8;
	[tilespmem:$0x1DC00] =	vst v63  }
0x365: {  	s18 =	simm.s32 $0x1500  }
0x366: {  	[spmem:s3] =	stream.indirect.scatter.add.f32 [tilespmem:s10], [sflag:$0x4], $0x80, s18, s30, $0xb8;
	[tilespmem:$0x1DC00] =	vst v63  }
0x367: {  	s20 =	simm.s32 $0x1580  }
0x368: {  	[spmem:s3] =	stream.indirect.scatter.add.f32 [tilespmem:s10], [sflag:$0x4], $0x80, s20, s30, $0xb8;
	[tilespmem:$0x1DC00] =	vst v63  }
0x369: {  	s21 =	simm.s32 $0x1600  }
0x36a: {  	[spmem:s3] =	stream.indirect.scatter.add.f32 [tilespmem:s10], [sflag:$0x4], $0x80, s21, s30, $0xb8;
	[tilespmem:$0x1DC00] =	vst v63  }
0x36b: {  	_ = 	snop  }
0x36c: {  	[spmem:s3] =	stream.indirect.scatter.add.f32 [tilespmem:s10], [sflag:$0x4], $0x80, s26, s30, $0xb8;
	[tilespmem:$0x1DC00] =	vst v63  }
0x36d: {  	s0 =	simm.s32 $0x1700  }
0x36e: {  	[spmem:s3] =	stream.indirect.scatter.add.f32 [tilespmem:s10], [sflag:$0x4], $0x80, s0, s30, $0xb8;
	[tilespmem:$0x1DC00] =	vst v63  }
0x36f: {  	s4 =	simm.s32 $0x1780  }
0x370: {  	[spmem:s3] =	stream.indirect.scatter.add.f32 [tilespmem:s10], [sflag:$0x4], $0x80, s4, s30, $0xb8;
	[tilespmem:$0x1DC00] =	vst v63  }
0x371: {  	s5 =	simm.s32 $0x1800  }
0x372: {  	[spmem:s3] =	stream.indirect.scatter.add.f32 [tilespmem:s10], [sflag:$0x4], $0x80, s5, s30, $0xb8;
	[tilespmem:$0x1DC00] =	vst v63  }
0x373: {  	_ = 	snop  }
0x374: {  	[spmem:s3] =	stream.indirect.scatter.add.f32 [tilespmem:s10], [sflag:$0x4], $0x80, s22, s30, $0xb8;
	[tilespmem:$0x1DC00] =	vst v63  }
0x375: {  	_ = 	snop  }
0x376: {  	[spmem:s3] =	stream.indirect.scatter.add.f32 [tilespmem:s10], [sflag:$0x4], $0x80, s23, s30, $0xb8;
	[tilespmem:$0x1DC00] =	vst v63  }
0x377: {  	_ = 	snop  }
0x378: {  	[spmem:s3] =	stream.indirect.scatter.add.f32 [tilespmem:s10], [sflag:$0x4], $0x80, s24, s30, $0xb8;
	[tilespmem:$0x1DC00] =	vst v63  }
0x379: {  	_ = 	snop  }
0x37a: {  	[spmem:s3] =	stream.indirect.scatter.add.f32 [tilespmem:s10], [sflag:$0x4], $0x80, s31, s30, $0xb8;
	[tilespmem:$0x1DC00] =	vst v63  }
0x37b: {  	s6 =	simm.s32 $0x1A80  }
0x37c: {  	[spmem:s3] =	stream.indirect.scatter.add.f32 [tilespmem:s10], [sflag:$0x4], $0x80, s6, s30, $0xb8;
	[tilespmem:$0x1DC00] =	vst v63  }
0x37d: {  	s7 =	simm.s32 $0x1B00  }
0x37e: {  	[spmem:s3] =	stream.indirect.scatter.add.f32 [tilespmem:s10], [sflag:$0x4], $0x80, s7, s30, $0xb8;
	[tilespmem:$0x1DC00] =	vst v63  }
0x37f: {  	s9 =	simm.s32 $0x1B80  }
0x380: {  	[spmem:s3] =	stream.indirect.scatter.add.f32 [tilespmem:s10], [sflag:$0x4], $0x80, s9, s30, $0xb8;
	[tilespmem:$0x1DC00] =	vst v63  }
0x381: {  	s21 =	simm.s32 $0x1C00  }
0x382: {  	[spmem:s3] =	stream.indirect.scatter.add.f32 [tilespmem:s10], [sflag:$0x4], $0x80, s21, s30, $0xb8;
	[tilespmem:$0x1DC00] =	vst v63  }
0x383: {  	_ =	swait.ge [sflag:s13], $0x2800  }
0x384: {  	[sflag:s13] =	ssyncset.done $0x0  }
0x385: {  	[sflag:s13] =	ssyncadd.s32 $0xFFFFD800  }
0x386: {  	_ =	swait.ge [sflag:s13], $0x2800  }
0x387: {  	[sflag:s13] =	ssyncset.done $0x0  }
0x388: {  	[sflag:s13] =	ssyncadd.s32 $0xFFFFD800  }
0x389: {  	_ =	swait.ge [sflag:s13], $0x2800  }
0x38a: {  	[sflag:s13] =	ssyncset.done $0x0  }
0x38b: {  	[sflag:s13] =	ssyncadd.s32 $0xFFFFD800  }
0x38c: {  	_ =	swait.ge [sflag:s13], $0x2800  }
0x38d: {  	[sflag:s13] =	ssyncset.done $0x0  }
0x38e: {  	[sflag:s13] =	ssyncadd.s32 $0xFFFFD800  }
0x38f: {  	_ =	swait.ge [sflag:s13], $0x2800  }
0x390: {  	[sflag:s13] =	ssyncset.done $0x0  }
0x391: {  	[sflag:s13] =	ssyncadd.s32 $0xFFFFD800  }
0x392: {  	_ =	swait.ge [sflag:s13], $0x2800  }
0x393: {  	[sflag:s13] =	ssyncset.done $0x0  }
0x394: {  	[sflag:s13] =	ssyncadd.s32 $0xFFFFD800  }
0x395: {  	_ =	swait.ge [sflag:s13], $0x2800  }
0x396: {  	[sflag:s13] =	ssyncset.done $0x0  }
0x397: {  	[sflag:s13] =	ssyncadd.s32 $0xFFFFD800  }
0x398: {  	_ =	swait.ge [sflag:s13], $0x2800  }
0x399: {  	[sflag:s13] =	ssyncset.done $0x0  }
0x39a: {  	[sflag:s13] =	ssyncadd.s32 $0xFFFFD800  }
0x39b: {  	_ =	swait.ge [sflag:s13], $0x2800  }
0x39c: {  	[sflag:s13] =	ssyncset.done $0x0  }
0x39d: {  	[sflag:s13] =	ssyncadd.s32 $0xFFFFD800  }
0x39e: {  	_ =	swait.ge [sflag:s13], $0x2800  }
0x39f: {  	[sflag:s13] =	ssyncset.done $0x0  }
0x3a0: {  	[sflag:s13] =	ssyncadd.s32 $0xFFFFD800  }
0x3a1: {  	_ =	swait.ge [sflag:s13], $0x2800  }
0x3a2: {  	[sflag:s13] =	ssyncset.done $0x0  }
0x3a3: {  	[sflag:s13] =	ssyncadd.s32 $0xFFFFD800  }
0x3a4: {  	_ =	swait.ge [sflag:s13], $0x2800  }
0x3a5: {  	[sflag:s13] =	ssyncset.done $0x0  }
0x3a6: {  	[sflag:s13] =	ssyncadd.s32 $0xFFFFD800  }
0x3a7: {  	_ =	swait.ge [sflag:s13], $0x2800  }
0x3a8: {  	[sflag:s13] =	ssyncset.done $0x0  }
0x3a9: {  	[sflag:s13] =	ssyncadd.s32 $0xFFFFD800  }
0x3aa: {  	_ =	swait.ge [sflag:s13], $0x2800  }
0x3ab: {  	[sflag:s13] =	ssyncset.done $0x0  }
0x3ac: {  	[sflag:s13] =	ssyncadd.s32 $0xFFFFD800  }
0x3ad: {  	_ =	swait.ge [sflag:s13], $0x2800  }
0x3ae: {  	[sflag:s13] =	ssyncset.done $0x0  }
0x3af: {  	[sflag:s13] =	ssyncadd.s32 $0xFFFFD800  }
0x3b0: {  	_ =	swait.ge [sflag:s13], $0x2800  }
0x3b1: {  	[sflag:s13] =	ssyncset.done $0x0  }
0x3b2: {  	[sflag:s13] =	ssyncadd.s32 $0xFFFFD800  }
0x3b3: {  	_ =	swait.ge [sflag:s13], $0x2800  }
0x3b4: {  	[sflag:s13] =	ssyncset.done $0x0  }
0x3b5: {  	[sflag:s13] =	ssyncadd.s32 $0xFFFFD800  }
0x3b6: {  	_ =	swait.ge [sflag:s13], $0x2800  }
0x3b7: {  	[sflag:s13] =	ssyncset.done $0x0  }
0x3b8: {  	[sflag:s13] =	ssyncadd.s32 $0xFFFFD800  }
0x3b9: {  	_ =	swait.ge [sflag:s13], $0x2800  }
0x3ba: {  	[sflag:s13] =	ssyncset.done $0x0  }
0x3bb: {  	[sflag:s13] =	ssyncadd.s32 $0xFFFFD800  }
0x3bc: {  	_ =	swait.ge [sflag:s13], $0x2800  }
0x3bd: {  	[sflag:s13] =	ssyncset.done $0x0  }
0x3be: {  	[sflag:s13] =	ssyncadd.s32 $0xFFFFD800  }
0x3bf: {  	_ =	swait.ge [sflag:s13], $0x2800  }
0x3c0: {  	[sflag:s13] =	ssyncset.done $0x0  }
0x3c1: {  	[sflag:s13] =	ssyncadd.s32 $0xFFFFD800  }
0x3c2: {  	_ =	swait.ge [sflag:s13], $0x2800  }
0x3c3: {  	[sflag:s13] =	ssyncset.done $0x0  }
0x3c4: {  	[sflag:s13] =	ssyncadd.s32 $0xFFFFD800  }
0x3c5: {  	s25 =	simm.s32 $0x0;
	_ =	swait.ge [sflag:s13], $0x2800  }
0x3c6: {  	s2 =	simm.s32 $0x1B00;
	s8 =	simm.s32 $0x1680;
	[sflag:s13] =	ssyncset.done $0x0  }
0x3c7: {  	s15 =	simm.s32 $0x1780;
	s18 =	simm.s32 $0x1800;
	[sflag:s13] =	ssyncadd.s32 $0xFFFFD800  }
0x3c8: {  	s20 =	simm.s32 $0x1880;
	s26 =	simm.s32 $0x1700;
	_ =	swait.ge [sflag:s13], $0x2800  }
0x3c9: {  	s0 =	simm.s32 $0x1B80;
	s4 =	simm.s32 $0x1C00;
	[sflag:s13] =	ssyncset.done $0x0  }
0x3ca: {  	s5 =	simm.s32 $0x200;
	s22 =	simm.s32 $0x1900;
	[sflag:s13] =	ssyncadd.s32 $0xFFFFD800  }
0x3cb: {  	s23 =	simm.s32 $0x1980;
	s24 =	simm.s32 $0x1A00;
	_ =	swait.ge [sflag:s13], $0x2800  }
0x3cc: {  	s31 =	simm.s32 $0x1A80;
	s6 =	simm.s32 $0x400;
	[sflag:s13] =	ssyncset.done $0x0  }
.LBB2_4:
0x3cd: {  	s7 =	rddreg [dreg:$0x1e]  }
0x3ce: {  	[sflag:s13] =	ssyncadd.s32 $0xFFFFD800;
	s9 =	simm.s32 $0x1000;
	s7 =	sadd.s32 s5, s7  }
0x3cf: {  	[tilespmem:s9], [sflag:$0x7] =	stream.linear.gather [hbm4b:s7+s25], $0xC80, $0x38;
	[tilespmem:$0x1DC00] =	vst v63  }
0x3d0: {  	_ =	swait.ge [sflag:s28], $0xC80  }
0x3d1: {  	[sflag:s28] =	ssyncset.done $0x0  }
0x3d2: {  	[sflag:s28] =	ssyncadd.s32 $0xFFFFF380  }
0x3d3: {  	[spmem:s3] =	stream.indirect.scatter.add.f32 [tilespmem:s10], [sflag:$0x4], $0x80, s9, s30, $0xb8;
	[tilespmem:$0x1DC00] =	vst v63  }
0x3d4: {  	s7 =	simm.s32 $0x1080  }
0x3d5: {  	[spmem:s3] =	stream.indirect.scatter.add.f32 [tilespmem:s10], [sflag:$0x4], $0x80, s7, s30, $0xb8;
	[tilespmem:$0x1DC00] =	vst v63  }
0x3d6: {  	s9 =	simm.s32 $0x1100  }
0x3d7: {  	[spmem:s3] =	stream.indirect.scatter.add.f32 [tilespmem:s10], [sflag:$0x4], $0x80, s9, s30, $0xb8;
	[tilespmem:$0x1DC00] =	vst v63  }
0x3d8: {  	s7 =	simm.s32 $0x1180  }
0x3d9: {  	[spmem:s3] =	stream.indirect.scatter.add.f32 [tilespmem:s10], [sflag:$0x4], $0x80, s7, s30, $0xb8;
	[tilespmem:$0x1DC00] =	vst v63  }
0x3da: {  	s9 =	simm.s32 $0x1200  }
0x3db: {  	[spmem:s3] =	stream.indirect.scatter.add.f32 [tilespmem:s10], [sflag:$0x4], $0x80, s9, s30, $0xb8;
	[tilespmem:$0x1DC00] =	vst v63  }
0x3dc: {  	s7 =	simm.s32 $0x1280  }
0x3dd: {  	[spmem:s3] =	stream.indirect.scatter.add.f32 [tilespmem:s10], [sflag:$0x4], $0x80, s7, s30, $0xb8;
	[tilespmem:$0x1DC00] =	vst v63  }
0x3de: {  	s9 =	simm.s32 $0x1300  }
0x3df: {  	[spmem:s3] =	stream.indirect.scatter.add.f32 [tilespmem:s10], [sflag:$0x4], $0x80, s9, s30, $0xb8;
	[tilespmem:$0x1DC00] =	vst v63  }
0x3e0: {  	s7 =	simm.s32 $0x1380  }
0x3e1: {  	[spmem:s3] =	stream.indirect.scatter.add.f32 [tilespmem:s10], [sflag:$0x4], $0x80, s7, s30, $0xb8;
	[tilespmem:$0x1DC00] =	vst v63  }
0x3e2: {  	s9 =	simm.s32 $0x1400  }
0x3e3: {  	[spmem:s3] =	stream.indirect.scatter.add.f32 [tilespmem:s10], [sflag:$0x4], $0x80, s9, s30, $0xb8;
	[tilespmem:$0x1DC00] =	vst v63  }
0x3e4: {  	s7 =	simm.s32 $0x1480  }
0x3e5: {  	[spmem:s3] =	stream.indirect.scatter.add.f32 [tilespmem:s10], [sflag:$0x4], $0x80, s7, s30, $0xb8;
	[tilespmem:$0x1DC00] =	vst v63  }
0x3e6: {  	s9 =	simm.s32 $0x1500  }
0x3e7: {  	[spmem:s3] =	stream.indirect.scatter.add.f32 [tilespmem:s10], [sflag:$0x4], $0x80, s9, s30, $0xb8;
	[tilespmem:$0x1DC00] =	vst v63  }
0x3e8: {  	s7 =	simm.s32 $0x1580  }
0x3e9: {  	[spmem:s3] =	stream.indirect.scatter.add.f32 [tilespmem:s10], [sflag:$0x4], $0x80, s7, s30, $0xb8;
	[tilespmem:$0x1DC00] =	vst v63  }
0x3ea: {  	s9 =	simm.s32 $0x1600  }
0x3eb: {  	[spmem:s3] =	stream.indirect.scatter.add.f32 [tilespmem:s10], [sflag:$0x4], $0x80, s9, s30, $0xb8;
	[tilespmem:$0x1DC00] =	vst v63  }
0x3ec: {  	_ = 	snop  }
0x3ed: {  	[spmem:s3] =	stream.indirect.scatter.add.f32 [tilespmem:s10], [sflag:$0x4], $0x80, s8, s30, $0xb8;
	[tilespmem:$0x1DC00] =	vst v63  }
0x3ee: {  	_ = 	snop  }
0x3ef: {  	[spmem:s3] =	stream.indirect.scatter.add.f32 [tilespmem:s10], [sflag:$0x4], $0x80, s26, s30, $0xb8;
	[tilespmem:$0x1DC00] =	vst v63  }
0x3f0: {  	_ = 	snop  }
0x3f1: {  	[spmem:s3] =	stream.indirect.scatter.add.f32 [tilespmem:s10], [sflag:$0x4], $0x80, s15, s30, $0xb8;
	[tilespmem:$0x1DC00] =	vst v63  }
0x3f2: {  	_ = 	snop  }
0x3f3: {  	[spmem:s3] =	stream.indirect.scatter.add.f32 [tilespmem:s10], [sflag:$0x4], $0x80, s18, s30, $0xb8;
	[tilespmem:$0x1DC00] =	vst v63  }
0x3f4: {  	_ = 	snop  }
0x3f5: {  	[spmem:s3] =	stream.indirect.scatter.add.f32 [tilespmem:s10], [sflag:$0x4], $0x80, s20, s30, $0xb8;
	[tilespmem:$0x1DC00] =	vst v63  }
0x3f6: {  	_ = 	snop  }
0x3f7: {  	[spmem:s3] =	stream.indirect.scatter.add.f32 [tilespmem:s10], [sflag:$0x4], $0x80, s22, s30, $0xb8;
	[tilespmem:$0x1DC00] =	vst v63  }
0x3f8: {  	_ = 	snop  }
0x3f9: {  	[spmem:s3] =	stream.indirect.scatter.add.f32 [tilespmem:s10], [sflag:$0x4], $0x80, s23, s30, $0xb8;
	[tilespmem:$0x1DC00] =	vst v63  }
0x3fa: {  	_ = 	snop  }
0x3fb: {  	[spmem:s3] =	stream.indirect.scatter.add.f32 [tilespmem:s10], [sflag:$0x4], $0x80, s24, s30, $0xb8;
	[tilespmem:$0x1DC00] =	vst v63  }
0x3fc: {  	_ = 	snop  }
0x3fd: {  	[spmem:s3] =	stream.indirect.scatter.add.f32 [tilespmem:s10], [sflag:$0x4], $0x80, s31, s30, $0xb8;
	[tilespmem:$0x1DC00] =	vst v63  }
0x3fe: {  	_ = 	snop  }
0x3ff: {  	[spmem:s3] =	stream.indirect.scatter.add.f32 [tilespmem:s10], [sflag:$0x4], $0x80, s2, s30, $0xb8;
	[tilespmem:$0x1DC00] =	vst v63  }
0x400: {  	_ = 	snop  }
0x401: {  	[spmem:s3] =	stream.indirect.scatter.add.f32 [tilespmem:s10], [sflag:$0x4], $0x80, s0, s30, $0xb8;
	[tilespmem:$0x1DC00] =	vst v63  }
0x402: {  	_ = 	snop  }
0x403: {  	[spmem:s3] =	stream.indirect.scatter.add.f32 [tilespmem:s10], [sflag:$0x4], $0x80, s4, s30, $0xb8;
	[tilespmem:$0x1DC00] =	vst v63  }
0x404: {  	_ =	swait.ge [sflag:s13], $0x2800  }
0x405: {  	[sflag:s13] =	ssyncset.done $0x0  }
0x406: {  	[sflag:s13] =	ssyncadd.s32 $0xFFFFD800  }
0x407: {  	_ =	swait.ge [sflag:s13], $0x2800  }
0x408: {  	[sflag:s13] =	ssyncset.done $0x0  }
0x409: {  	[sflag:s13] =	ssyncadd.s32 $0xFFFFD800  }
0x40a: {  	_ =	swait.ge [sflag:s13], $0x2800  }
0x40b: {  	[sflag:s13] =	ssyncset.done $0x0  }
0x40c: {  	[sflag:s13] =	ssyncadd.s32 $0xFFFFD800  }
0x40d: {  	_ =	swait.ge [sflag:s13], $0x2800  }
0x40e: {  	[sflag:s13] =	ssyncset.done $0x0  }
0x40f: {  	[sflag:s13] =	ssyncadd.s32 $0xFFFFD800  }
0x410: {  	_ =	swait.ge [sflag:s13], $0x2800  }
0x411: {  	[sflag:s13] =	ssyncset.done $0x0  }
0x412: {  	[sflag:s13] =	ssyncadd.s32 $0xFFFFD800  }
0x413: {  	_ =	swait.ge [sflag:s13], $0x2800  }
0x414: {  	[sflag:s13] =	ssyncset.done $0x0  }
0x415: {  	[sflag:s13] =	ssyncadd.s32 $0xFFFFD800  }
0x416: {  	_ =	swait.ge [sflag:s13], $0x2800  }
0x417: {  	[sflag:s13] =	ssyncset.done $0x0  }
0x418: {  	[sflag:s13] =	ssyncadd.s32 $0xFFFFD800  }
0x419: {  	_ =	swait.ge [sflag:s13], $0x2800  }
0x41a: {  	[sflag:s13] =	ssyncset.done $0x0  }
0x41b: {  	[sflag:s13] =	ssyncadd.s32 $0xFFFFD800  }
0x41c: {  	_ =	swait.ge [sflag:s13], $0x2800  }
0x41d: {  	[sflag:s13] =	ssyncset.done $0x0  }
0x41e: {  	[sflag:s13] =	ssyncadd.s32 $0xFFFFD800  }
0x41f: {  	_ =	swait.ge [sflag:s13], $0x2800  }
0x420: {  	[sflag:s13] =	ssyncset.done $0x0  }
0x421: {  	[sflag:s13] =	ssyncadd.s32 $0xFFFFD800  }
0x422: {  	_ =	swait.ge [sflag:s13], $0x2800  }
0x423: {  	[sflag:s13] =	ssyncset.done $0x0  }
0x424: {  	[sflag:s13] =	ssyncadd.s32 $0xFFFFD800  }
0x425: {  	_ =	swait.ge [sflag:s13], $0x2800  }
0x426: {  	[sflag:s13] =	ssyncset.done $0x0  }
0x427: {  	[sflag:s13] =	ssyncadd.s32 $0xFFFFD800  }
0x428: {  	_ =	swait.ge [sflag:s13], $0x2800  }
0x429: {  	[sflag:s13] =	ssyncset.done $0x0  }
0x42a: {  	[sflag:s13] =	ssyncadd.s32 $0xFFFFD800  }
0x42b: {  	_ =	swait.ge [sflag:s13], $0x2800  }
0x42c: {  	[sflag:s13] =	ssyncset.done $0x0  }
0x42d: {  	[sflag:s13] =	ssyncadd.s32 $0xFFFFD800  }
0x42e: {  	_ =	swait.ge [sflag:s13], $0x2800  }
0x42f: {  	[sflag:s13] =	ssyncset.done $0x0  }
0x430: {  	[sflag:s13] =	ssyncadd.s32 $0xFFFFD800  }
0x431: {  	_ =	swait.ge [sflag:s13], $0x2800  }
0x432: {  	[sflag:s13] =	ssyncset.done $0x0  }
0x433: {  	[sflag:s13] =	ssyncadd.s32 $0xFFFFD800  }
0x434: {  	_ =	swait.ge [sflag:s13], $0x2800  }
0x435: {  	[sflag:s13] =	ssyncset.done $0x0  }
0x436: {  	[sflag:s13] =	ssyncadd.s32 $0xFFFFD800  }
0x437: {  	_ =	swait.ge [sflag:s13], $0x2800  }
0x438: {  	[sflag:s13] =	ssyncset.done $0x0  }
0x439: {  	[sflag:s13] =	ssyncadd.s32 $0xFFFFD800  }
0x43a: {  	_ =	swait.ge [sflag:s13], $0x2800  }
0x43b: {  	[sflag:s13] =	ssyncset.done $0x0  }
0x43c: {  	[sflag:s13] =	ssyncadd.s32 $0xFFFFD800  }
0x43d: {  	_ =	swait.ge [sflag:s13], $0x2800  }
0x43e: {  	[sflag:s13] =	ssyncset.done $0x0  }
0x43f: {  	[sflag:s13] =	ssyncadd.s32 $0xFFFFD800  }
0x440: {  	_ =	swait.ge [sflag:s13], $0x2800  }
0x441: {  	[sflag:s13] =	ssyncset.done $0x0  }
0x442: {  	[sflag:s13] =	ssyncadd.s32 $0xFFFFD800  }
0x443: {  	_ =	swait.ge [sflag:s13], $0x2800  }
0x444: {  	[sflag:s13] =	ssyncset.done $0x0  }
0x445: {  	[sflag:s13] =	ssyncadd.s32 $0xFFFFD800  }
0x446: {  	_ =	swait.ge [sflag:s13], $0x2800  }
0x447: {  	[sflag:s13] =	ssyncset.done $0x0  }
0x448: {  	p0 =	sne.s32 s6, $0x800;
	[sflag:s13] =	ssyncadd.s32 $0xFFFFD800  }
.Ltmp1:
0x449: {  	_ =	swait.ge [sflag:s13], $0x2800;
	(pc) =	sbr.rel @p0 .LBB2_4-.Ltmp1, $4  }
0x44a: {  	[sflag:s13] =	ssyncset.done $0x0  }
0x44b: {  	[sflag:s13] =	ssyncadd.s32 $0xFFFFD800  }
0x44c: {  	s21 =	sadd.s32 $0x200, s6;
	_ =	swait.ge [sflag:s13], $0x2800  }
0x44d: {  	s5 =	smov.u32 s6;
	s6 =	smov.u32 s21;
	[sflag:s13] =	ssyncset.done $0x0  }
0x44e: {  	s6 =	rddreg [dreg:$0x1e];
	[sflag:s13] =	ssyncadd.s32 $0xFFFFD800  }
0x44f: {  	s25 =	simm.s32 $0x0;
	s21 =	simm.s32 $0x1000;
	s5 =	sadd.s32 s5, s6  }
0x450: {  	[tilespmem:s21], [sflag:$0x7] =	stream.linear.gather [hbm4b:s5+s25], $0xC80, $0x38;
	[tilespmem:$0x1DC00] =	vst v63  }
0x451: {  	_ =	swait.ge [sflag:s28], $0xC80  }
0x452: {  	[sflag:s28] =	ssyncset.done $0x0  }
0x453: {  	[sflag:s28] =	ssyncadd.s32 $0xFFFFF380  }
0x454: {  	[spmem:s3] =	stream.indirect.scatter.add.f32 [tilespmem:s10], [sflag:$0x4], $0x80, s21, s30, $0xb8;
	[tilespmem:$0x1DC00] =	vst v63  }
0x455: {  	s7 =	simm.s32 $0x1080  }
0x456: {  	[spmem:s3] =	stream.indirect.scatter.add.f32 [tilespmem:s10], [sflag:$0x4], $0x80, s7, s30, $0xb8;
	[tilespmem:$0x1DC00] =	vst v63  }
0x457: {  	s9 =	simm.s32 $0x1100  }
0x458: {  	[spmem:s3] =	stream.indirect.scatter.add.f32 [tilespmem:s10], [sflag:$0x4], $0x80, s9, s30, $0xb8;
	[tilespmem:$0x1DC00] =	vst v63  }
0x459: {  	s21 =	simm.s32 $0x1180  }
0x45a: {  	[spmem:s3] =	stream.indirect.scatter.add.f32 [tilespmem:s10], [sflag:$0x4], $0x80, s21, s30, $0xb8;
	[tilespmem:$0x1DC00] =	vst v63  }
0x45b: {  	s6 =	simm.s32 $0x1200  }
0x45c: {  	[spmem:s3] =	stream.indirect.scatter.add.f32 [tilespmem:s10], [sflag:$0x4], $0x80, s6, s30, $0xb8;
	[tilespmem:$0x1DC00] =	vst v63  }
0x45d: {  	s7 =	simm.s32 $0x1280  }
0x45e: {  	[spmem:s3] =	stream.indirect.scatter.add.f32 [tilespmem:s10], [sflag:$0x4], $0x80, s7, s30, $0xb8;
	[tilespmem:$0x1DC00] =	vst v63  }
0x45f: {  	s9 =	simm.s32 $0x1300  }
0x460: {  	[spmem:s3] =	stream.indirect.scatter.add.f32 [tilespmem:s10], [sflag:$0x4], $0x80, s9, s30, $0xb8;
	[tilespmem:$0x1DC00] =	vst v63  }
0x461: {  	s21 =	simm.s32 $0x1380  }
0x462: {  	[spmem:s3] =	stream.indirect.scatter.add.f32 [tilespmem:s10], [sflag:$0x4], $0x80, s21, s30, $0xb8;
	[tilespmem:$0x1DC00] =	vst v63  }
0x463: {  	s6 =	simm.s32 $0x1400  }
0x464: {  	[spmem:s3] =	stream.indirect.scatter.add.f32 [tilespmem:s10], [sflag:$0x4], $0x80, s6, s30, $0xb8;
	[tilespmem:$0x1DC00] =	vst v63  }
0x465: {  	s7 =	simm.s32 $0x1480  }
0x466: {  	[spmem:s3] =	stream.indirect.scatter.add.f32 [tilespmem:s10], [sflag:$0x4], $0x80, s7, s30, $0xb8;
	[tilespmem:$0x1DC00] =	vst v63  }
0x467: {  	s9 =	simm.s32 $0x1500  }
0x468: {  	[spmem:s3] =	stream.indirect.scatter.add.f32 [tilespmem:s10], [sflag:$0x4], $0x80, s9, s30, $0xb8;
	[tilespmem:$0x1DC00] =	vst v63  }
0x469: {  	s21 =	simm.s32 $0x1580  }
0x46a: {  	[spmem:s3] =	stream.indirect.scatter.add.f32 [tilespmem:s10], [sflag:$0x4], $0x80, s21, s30, $0xb8;
	[tilespmem:$0x1DC00] =	vst v63  }
0x46b: {  	s6 =	simm.s32 $0x1600  }
0x46c: {  	[spmem:s3] =	stream.indirect.scatter.add.f32 [tilespmem:s10], [sflag:$0x4], $0x80, s6, s30, $0xb8;
	[tilespmem:$0x1DC00] =	vst v63  }
0x46d: {  	_ = 	snop  }
0x46e: {  	[spmem:s3] =	stream.indirect.scatter.add.f32 [tilespmem:s10], [sflag:$0x4], $0x80, s8, s30, $0xb8;
	[tilespmem:$0x1DC00] =	vst v63  }
0x46f: {  	_ = 	snop  }
0x470: {  	[spmem:s3] =	stream.indirect.scatter.add.f32 [tilespmem:s10], [sflag:$0x4], $0x80, s26, s30, $0xb8;
	[tilespmem:$0x1DC00] =	vst v63  }
0x471: {  	_ = 	snop  }
0x472: {  	[spmem:s3] =	stream.indirect.scatter.add.f32 [tilespmem:s10], [sflag:$0x4], $0x80, s15, s30, $0xb8;
	[tilespmem:$0x1DC00] =	vst v63  }
0x473: {  	_ = 	snop  }
0x474: {  	[spmem:s3] =	stream.indirect.scatter.add.f32 [tilespmem:s10], [sflag:$0x4], $0x80, s18, s30, $0xb8;
	[tilespmem:$0x1DC00] =	vst v63  }
0x475: {  	_ = 	snop  }
0x476: {  	[spmem:s3] =	stream.indirect.scatter.add.f32 [tilespmem:s10], [sflag:$0x4], $0x80, s20, s30, $0xb8;
	[tilespmem:$0x1DC00] =	vst v63  }
0x477: {  	_ = 	snop  }
0x478: {  	[spmem:s3] =	stream.indirect.scatter.add.f32 [tilespmem:s10], [sflag:$0x4], $0x80, s22, s30, $0xb8;
	[tilespmem:$0x1DC00] =	vst v63  }
0x479: {  	_ = 	snop  }
0x47a: {  	[spmem:s3] =	stream.indirect.scatter.add.f32 [tilespmem:s10], [sflag:$0x4], $0x80, s23, s30, $0xb8;
	[tilespmem:$0x1DC00] =	vst v63  }
0x47b: {  	_ = 	snop  }
0x47c: {  	[spmem:s3] =	stream.indirect.scatter.add.f32 [tilespmem:s10], [sflag:$0x4], $0x80, s24, s30, $0xb8;
	[tilespmem:$0x1DC00] =	vst v63  }
0x47d: {  	_ = 	snop  }
0x47e: {  	[spmem:s3] =	stream.indirect.scatter.add.f32 [tilespmem:s10], [sflag:$0x4], $0x80, s31, s30, $0xb8;
	[tilespmem:$0x1DC00] =	vst v63  }
0x47f: {  	_ = 	snop  }
0x480: {  	[spmem:s3] =	stream.indirect.scatter.add.f32 [tilespmem:s10], [sflag:$0x4], $0x80, s2, s30, $0xb8;
	[tilespmem:$0x1DC00] =	vst v63  }
0x481: {  	_ = 	snop  }
0x482: {  	[spmem:s3] =	stream.indirect.scatter.add.f32 [tilespmem:s10], [sflag:$0x4], $0x80, s0, s30, $0xb8;
	[tilespmem:$0x1DC00] =	vst v63  }
0x483: {  	_ = 	snop  }
0x484: {  	[spmem:s3] =	stream.indirect.scatter.add.f32 [tilespmem:s10], [sflag:$0x4], $0x80, s4, s30, $0xb8;
	[tilespmem:$0x1DC00] =	vst v63  }
0x485: {  	_ =	swait.ge [sflag:s13], $0x2800  }
0x486: {  	[sflag:s13] =	ssyncset.done $0x0  }
0x487: {  	[sflag:s13] =	ssyncadd.s32 $0xFFFFD800  }
0x488: {  	_ =	swait.ge [sflag:s13], $0x2800  }
0x489: {  	[sflag:s13] =	ssyncset.done $0x0  }
0x48a: {  	[sflag:s13] =	ssyncadd.s32 $0xFFFFD800  }
0x48b: {  	_ =	swait.ge [sflag:s13], $0x2800  }
0x48c: {  	[sflag:s13] =	ssyncset.done $0x0  }
0x48d: {  	[sflag:s13] =	ssyncadd.s32 $0xFFFFD800  }
0x48e: {  	_ =	swait.ge [sflag:s13], $0x2800  }
0x48f: {  	[sflag:s13] =	ssyncset.done $0x0  }
0x490: {  	[sflag:s13] =	ssyncadd.s32 $0xFFFFD800  }
0x491: {  	_ =	swait.ge [sflag:s13], $0x2800  }
0x492: {  	[sflag:s13] =	ssyncset.done $0x0  }
0x493: {  	[sflag:s13] =	ssyncadd.s32 $0xFFFFD800  }
0x494: {  	_ =	swait.ge [sflag:s13], $0x2800  }
0x495: {  	[sflag:s13] =	ssyncset.done $0x0  }
0x496: {  	[sflag:s13] =	ssyncadd.s32 $0xFFFFD800  }
0x497: {  	_ =	swait.ge [sflag:s13], $0x2800  }
0x498: {  	[sflag:s13] =	ssyncset.done $0x0  }
0x499: {  	[sflag:s13] =	ssyncadd.s32 $0xFFFFD800  }
0x49a: {  	_ =	swait.ge [sflag:s13], $0x2800  }
0x49b: {  	[sflag:s13] =	ssyncset.done $0x0  }
0x49c: {  	[sflag:s13] =	ssyncadd.s32 $0xFFFFD800  }
0x49d: {  	_ =	swait.ge [sflag:s13], $0x2800  }
0x49e: {  	[sflag:s13] =	ssyncset.done $0x0  }
0x49f: {  	[sflag:s13] =	ssyncadd.s32 $0xFFFFD800  }
0x4a0: {  	_ =	swait.ge [sflag:s13], $0x2800  }
0x4a1: {  	[sflag:s13] =	ssyncset.done $0x0  }
0x4a2: {  	[sflag:s13] =	ssyncadd.s32 $0xFFFFD800  }
0x4a3: {  	_ =	swait.ge [sflag:s13], $0x2800  }
0x4a4: {  	[sflag:s13] =	ssyncset.done $0x0  }
0x4a5: {  	[sflag:s13] =	ssyncadd.s32 $0xFFFFD800  }
0x4a6: {  	_ =	swait.ge [sflag:s13], $0x2800  }
0x4a7: {  	[sflag:s13] =	ssyncset.done $0x0  }
0x4a8: {  	[sflag:s13] =	ssyncadd.s32 $0xFFFFD800  }
0x4a9: {  	_ =	swait.ge [sflag:s13], $0x2800  }
0x4aa: {  	[sflag:s13] =	ssyncset.done $0x0  }
0x4ab: {  	[sflag:s13] =	ssyncadd.s32 $0xFFFFD800  }
0x4ac: {  	_ =	swait.ge [sflag:s13], $0x2800  }
0x4ad: {  	[sflag:s13] =	ssyncset.done $0x0  }
0x4ae: {  	[sflag:s13] =	ssyncadd.s32 $0xFFFFD800  }
0x4af: {  	_ =	swait.ge [sflag:s13], $0x2800  }
0x4b0: {  	[sflag:s13] =	ssyncset.done $0x0  }
0x4b1: {  	[sflag:s13] =	ssyncadd.s32 $0xFFFFD800  }
0x4b2: {  	_ =	swait.ge [sflag:s13], $0x2800  }
0x4b3: {  	[sflag:s13] =	ssyncset.done $0x0  }
0x4b4: {  	[sflag:s13] =	ssyncadd.s32 $0xFFFFD800  }
0x4b5: {  	_ =	swait.ge [sflag:s13], $0x2800  }
0x4b6: {  	[sflag:s13] =	ssyncset.done $0x0  }
0x4b7: {  	[sflag:s13] =	ssyncadd.s32 $0xFFFFD800  }
0x4b8: {  	_ =	swait.ge [sflag:s13], $0x2800  }
0x4b9: {  	[sflag:s13] =	ssyncset.done $0x0  }
0x4ba: {  	[sflag:s13] =	ssyncadd.s32 $0xFFFFD800  }
0x4bb: {  	_ =	swait.ge [sflag:s13], $0x2800  }
0x4bc: {  	[sflag:s13] =	ssyncset.done $0x0  }
0x4bd: {  	[sflag:s13] =	ssyncadd.s32 $0xFFFFD800  }
0x4be: {  	_ =	swait.ge [sflag:s13], $0x2800  }
0x4bf: {  	[sflag:s13] =	ssyncset.done $0x0  }
0x4c0: {  	[sflag:s13] =	ssyncadd.s32 $0xFFFFD800  }
0x4c1: {  	_ =	swait.ge [sflag:s13], $0x2800  }
0x4c2: {  	[sflag:s13] =	ssyncset.done $0x0  }
0x4c3: {  	[sflag:s13] =	ssyncadd.s32 $0xFFFFD800  }
0x4c4: {  	_ =	swait.ge [sflag:s13], $0x2800  }
0x4c5: {  	[sflag:s13] =	ssyncset.done $0x0  }
0x4c6: {  	[sflag:s13] =	ssyncadd.s32 $0xFFFFD800  }
0x4c7: {  	_ =	swait.ge [sflag:s13], $0x2800  }
0x4c8: {  	[sflag:s13] =	ssyncset.done $0x0  }
0x4c9: {  	[sflag:s13] =	ssyncadd.s32 $0xFFFFD800  }
0x4ca: {  	_ =	swait.ge [sflag:s13], $0x2800  }
0x4cb: {  	[sflag:s13] =	ssyncset.done $0x0  }
0x4cc: {  	[sflag:s13] =	ssyncadd.s32 $0xFFFFD800  }
0x4cd: {  	_ =	swait.ge [sflag:s13], $0x2800  }
0x4ce: {  	[sflag:s13] =	ssyncset.done $0x0  }
0x4cf: {  	[sflag:s13] =	ssyncadd.s32 $0xFFFFD800  }
0x4d0: {  	s7 =	simm.s32 $0x2000;
	[bflag:$0x0] =	sbarrier.arrive $0xFFFF  }
0x4d1: {  	[tilespmem:s11], [sflag:$0x3] =	stream.indirect.gather [spmem:s3], $0x80, s7, s30, $0xb8;
	[tilespmem:$0x1DC00] =	vst v63  }
0x4d2: {  	_ =	swait.ge [sflag:s17], $0x2800  }
0x4d3: {  	s9 =	sld [smem:$0x7F2]  }
0x4d4: {  	[sflag:s17] =	ssyncset.done $0x0  }
0x4d5: {  	[sflag:s17] =	ssyncadd.s32 $0xFFFFD800  }
0x4d6: {  	[hbm4b:s9+s25] =	stream.linear.scatter [tilespmem:s11], [sflag:$0x7], $0x2800, $0x38;
	[tilespmem:$0x1DC00] =	vst v63  }
0x4d7: {  	_ =	swait.ge [sflag:s28], $0x2800  }
0x4d8: {  	[sflag:s28] =	ssyncset.done $0x0  }
0x4d9: {  	s21 =	simm.s32 $0x2080;
	[sflag:s28] =	ssyncadd.s32 $0xFFFFD800  }
0x4da: {  	[tilespmem:s11], [sflag:$0x3] =	stream.indirect.gather [spmem:s3], $0x80, s21, s30, $0xb8;
	[tilespmem:$0x1DC00] =	vst v63  }
0x4db: {  	_ =	swait.ge [sflag:s17], $0x2800  }
0x4dc: {  	s6 =	sld [smem:$0x7F3]  }
0x4dd: {  	[sflag:s17] =	ssyncset.done $0x0  }
0x4de: {  	[sflag:s17] =	ssyncadd.s32 $0xFFFFD800  }
0x4df: {  	[hbm4b:s6+s25] =	stream.linear.scatter [tilespmem:s11], [sflag:$0x7], $0x2800, $0x38;
	[tilespmem:$0x1DC00] =	vst v63  }
0x4e0: {  	_ =	swait.ge [sflag:s28], $0x2800  }
0x4e1: {  	[sflag:s28] =	ssyncset.done $0x0  }
0x4e2: {  	s7 =	simm.s32 $0x2100;
	[sflag:s28] =	ssyncadd.s32 $0xFFFFD800  }
0x4e3: {  	[tilespmem:s11], [sflag:$0x3] =	stream.indirect.gather [spmem:s3], $0x80, s7, s30, $0xb8;
	[tilespmem:$0x1DC00] =	vst v63  }
0x4e4: {  	_ =	swait.ge [sflag:s17], $0x2800  }
0x4e5: {  	s9 =	sld [smem:$0x7F4]  }
0x4e6: {  	[sflag:s17] =	ssyncset.done $0x0  }
0x4e7: {  	[sflag:s17] =	ssyncadd.s32 $0xFFFFD800  }
0x4e8: {  	[hbm4b:s9+s25] =	stream.linear.scatter [tilespmem:s11], [sflag:$0x7], $0x2800, $0x38;
	[tilespmem:$0x1DC00] =	vst v63  }
0x4e9: {  	_ =	swait.ge [sflag:s28], $0x2800  }
0x4ea: {  	[sflag:s28] =	ssyncset.done $0x0  }
0x4eb: {  	s21 =	simm.s32 $0x2180;
	[sflag:s28] =	ssyncadd.s32 $0xFFFFD800  }
0x4ec: {  	[tilespmem:s11], [sflag:$0x3] =	stream.indirect.gather [spmem:s3], $0x80, s21, s30, $0xb8;
	[tilespmem:$0x1DC00] =	vst v63  }
0x4ed: {  	_ =	swait.ge [sflag:s17], $0x2800  }
0x4ee: {  	s6 =	sld [smem:$0x7F5]  }
0x4ef: {  	[sflag:s17] =	ssyncset.done $0x0  }
0x4f0: {  	[sflag:s17] =	ssyncadd.s32 $0xFFFFD800  }
0x4f1: {  	[hbm4b:s6+s25] =	stream.linear.scatter [tilespmem:s11], [sflag:$0x7], $0x2800, $0x38;
	[tilespmem:$0x1DC00] =	vst v63  }
0x4f2: {  	_ =	swait.ge [sflag:s28], $0x2800  }
0x4f3: {  	[sflag:s28] =	ssyncset.done $0x0  }
0x4f4: {  	s7 =	simm.s32 $0x2200;
	[sflag:s28] =	ssyncadd.s32 $0xFFFFD800  }
0x4f5: {  	[tilespmem:s11], [sflag:$0x3] =	stream.indirect.gather [spmem:s3], $0x80, s7, s30, $0xb8;
	[tilespmem:$0x1DC00] =	vst v63  }
0x4f6: {  	_ =	swait.ge [sflag:s17], $0x2800  }
0x4f7: {  	s9 =	sld [smem:$0x7F6]  }
0x4f8: {  	[sflag:s17] =	ssyncset.done $0x0  }
0x4f9: {  	[sflag:s17] =	ssyncadd.s32 $0xFFFFD800  }
0x4fa: {  	[hbm4b:s9+s25] =	stream.linear.scatter [tilespmem:s11], [sflag:$0x7], $0x2800, $0x38;
	[tilespmem:$0x1DC00] =	vst v63  }
0x4fb: {  	_ =	swait.ge [sflag:s28], $0x2800  }
0x4fc: {  	[sflag:s28] =	ssyncset.done $0x0  }
0x4fd: {  	s7 =	simm.s32 $0x2280;
	[sflag:s28] =	ssyncadd.s32 $0xFFFFD800  }
0x4fe: {  	[tilespmem:s11], [sflag:$0x3] =	stream.indirect.gather [spmem:s3], $0x80, s7, s30, $0xb8;
	[tilespmem:$0x1DC00] =	vst v63  }
0x4ff: {  	_ =	swait.ge [sflag:s17], $0x2800  }
0x500: {  	s21 =	sld [smem:$0x7F7]  }
0x501: {  	[sflag:s17] =	ssyncset.done $0x0  }
0x502: {  	[sflag:s17] =	ssyncadd.s32 $0xFFFFD800  }
0x503: {  	[hbm4b:s21+s25] =	stream.linear.scatter [tilespmem:s11], [sflag:$0x7], $0x2800, $0x38;
	[tilespmem:$0x1DC00] =	vst v63  }
0x504: {  	_ =	swait.ge [sflag:s28], $0x2800  }
0x505: {  	[sflag:s28] =	ssyncset.done $0x0  }
0x506: {  	s21 =	simm.s32 $0x2300;
	[sflag:s28] =	ssyncadd.s32 $0xFFFFD800  }
0x507: {  	[tilespmem:s11], [sflag:$0x3] =	stream.indirect.gather [spmem:s3], $0x80, s21, s30, $0xb8;
	[tilespmem:$0x1DC00] =	vst v63  }
0x508: {  	_ =	swait.ge [sflag:s17], $0x2800  }
0x509: {  	s6 =	sld [smem:$0x7F8]  }
0x50a: {  	[sflag:s17] =	ssyncset.done $0x0  }
0x50b: {  	[sflag:s17] =	ssyncadd.s32 $0xFFFFD800  }
0x50c: {  	[hbm4b:s6+s25] =	stream.linear.scatter [tilespmem:s11], [sflag:$0x7], $0x2800, $0x38;
	[tilespmem:$0x1DC00] =	vst v63  }
0x50d: {  	_ =	swait.ge [sflag:s28], $0x2800  }
0x50e: {  	[sflag:s28] =	ssyncset.done $0x0  }
0x50f: {  	s6 =	simm.s32 $0x2380;
	[sflag:s28] =	ssyncadd.s32 $0xFFFFD800  }
0x510: {  	[tilespmem:s11], [sflag:$0x3] =	stream.indirect.gather [spmem:s3], $0x80, s6, s30, $0xb8;
	[tilespmem:$0x1DC00] =	vst v63  }
0x511: {  	_ =	swait.ge [sflag:s17], $0x2800  }
0x512: {  	s9 =	sld [smem:$0x7F9]  }
0x513: {  	[sflag:s17] =	ssyncset.done $0x0  }
0x514: {  	[sflag:s17] =	ssyncadd.s32 $0xFFFFD800  }
0x515: {  	[hbm4b:s9+s25] =	stream.linear.scatter [tilespmem:s11], [sflag:$0x7], $0x2800, $0x38;
	[tilespmem:$0x1DC00] =	vst v63  }
0x516: {  	_ =	swait.ge [sflag:s28], $0x2800  }
0x517: {  	s9 =	sld [smem:$0x7EA]  }
0x518: {  	s25 =	sld [smem:$0x7FD];
	_ =	sdelay $0x1  }
0x519: {  	s9 =	sadd.s32 $0x1, s9  }
0x51a: {  	p0 =	sne.s32 s9, s25  }
.Ltmp2:
0x51b: {  	_ = 	snop;
	(pc) =	sbr.rel @p0 .LBB2_1-.Ltmp2, $3  }
0x51c: {  	_ =	sdelay $0x1  }
0x51d: {  	[sflag:s28] =	ssyncset.done $0x0  }
0x51e: {  	[sflag:s28] =	ssyncadd.s32 $0xFFFFD800  }
0x51f: {  	_ =	sfence.sel $0x180000  }
0x520: {  	[bflag:$0x0] =	sbarrier.arrive $0xFFFF  }
0x521: {  	_ =	strace $0x90000047  }
0x522: {  	s0 =	stileid.u32;
	[bflag:$0x2] =	sbarrier.arrive $0xFFFF  }
0x523: {  	p0 =	sne.s32 s0, $0x0;
	s0 =	rddreg [dreg:$0x4]  }
0x524: {  	s0 =	sadd.s32 @!p0 $0x100000, s0  }
0x525: {  	[sflag:s0] =	ssyncadd.tile.s32 @!p0 $0x1;
	_ =	shalt  }
.Lfunc_end2:
_tile_overlayer_lowered:
.L_overlay_start_2:
0x526: {  	(tag) =	ssettag $0x2  }
0x527: {  	s0 =	rddreg [dreg:$0x0];
	s2 =	stileid.u32  }
0x528: {  	s1 =	rddreg [dreg:$0x1];
	p0 =	sne.s32 s2, $0x0  }
0x529: {  	s3 =	rddreg [dreg:$0x2];
	[bflag:$0x3] =	sbarrier.arrive $0xFFFF;
	s2 =	simm.s32 @!p0 $0x1C07  }
0x52a: {  	[timem:s3], [sflag:s2] =	dma.local @!p0 [hbm:s0], s1  }
0x52b: {  	s0 =	simm.s32 @!p0 $0x7  }
0x52c: {  	_ =	swait.ge @!p0 [sflag:s0], s1  }
0x52d: {  	s1 =	ssub.s32 @!p0 $0x0, s1;
	[sflag:s0] =	ssyncset.done @!p0 $0x0  }
0x52e: {  	[sflag:s0] =	ssyncadd.s32 @!p0 s1  }
0x52f: {  	[bflag:$0x3] =	sbarrier.arrive $0xFFFF  }
0x530: {  	_ =	shalt  }

</sc_bundles>
